<compile_context>
chip_gen: v7x
topology: tpu7x:2x2x1
jax: 0.10.2.dev20260603
libtpu: 0.0.44.dev20260713+nightly
codegen_flags: <defaults>
</compile_context>

<pallas_src>
import functools

import jax
import jax.numpy as jnp
from jax import lax
from jax.experimental import pallas as pl
from jax.experimental.pallas import tpu as pltpu
from jax.experimental.pallas import tpu_sc as plsc

N_NODES = 10000
N_EDGES = 320000
NUM_GRAPHS = 64
DIN = 16
HID = 128

NC, NS = 2, 16
NW = NC * NS
NPAD = 10240
ROWS_PER_TILE = NPAD // NS
CHUNK = 128
NCH = 80
NCHH = 16
EPW = NCH * CHUNK
E_PAD = NW * EPW
DUMMY = NPAD - 1

_mesh = plsc.VectorSubcoreMesh(core_axis_name="c", subcore_axis_name="s")


def _zero_fill(ref, nrows, ncols):
    zeros16 = jnp.zeros((16,), jnp.float32)

    def body(r, _):
        for c in range(ncols // 16):
            ref[r, c * 16:(c + 1) * 16] = zeros16
        return 0

    lax.fori_loop(0, nrows, body, 0)


def _sc_deg(dstp):
    def body(dst_hbm, out_hbm, idx_v, ones_v, zer_v, shared):
        cid = lax.axis_index("c")
        sid = lax.axis_index("s")
        wid = cid * NS + sid
        for c in range(CHUNK // 16):
            ones_v[c * 16:(c + 1) * 16] = jnp.full((16,), 1.0, jnp.float32)
            for r in range(ROWS_PER_TILE // CHUNK):
                zer_v[r * CHUNK + c * 16:r * CHUNK + (c + 1) * 16] = (
                    jnp.zeros((16,), jnp.float32))
        pltpu.sync_copy(zer_v, shared.at[pl.ds(sid * ROWS_PER_TILE, ROWS_PER_TILE)])
        plsc.subcore_barrier()
        pltpu.sync_copy(dst_hbm.at[wid], idx_v)

        def step(j, _):
            pltpu.sync_copy(ones_v, shared.at[idx_v.at[j]], add=True)
            return 0

        lax.fori_loop(0, NCH, step, 0)
        plsc.subcore_barrier()
        pltpu.sync_copy(
            shared.at[pl.ds(sid * ROWS_PER_TILE, ROWS_PER_TILE)],
            out_hbm.at[cid, pl.ds(sid * ROWS_PER_TILE, ROWS_PER_TILE)])

    return pl.kernel(
        body,
        out_type=jax.ShapeDtypeStruct((NC, NPAD), jnp.float32),
        mesh=_mesh,
        scratch_types=[
            pltpu.VMEM((NCH, CHUNK), jnp.int32),
            pltpu.VMEM((CHUNK,), jnp.float32),
            pltpu.VMEM((ROWS_PER_TILE,), jnp.float32),
            pltpu.VMEM_SHARED((NPAD,), jnp.float32),
        ],
    )(dstp)


def _sc_agg(table, srcp, dstp, D, untiled):
    def body(tab_hbm, src_hbm, dst_hbm, out_hbm, sidx, didx, rows, rows1,
             shared, sem0, sem1):
        cid = lax.axis_index("c")
        sid = lax.axis_index("s")
        wid = cid * NS + sid
        _zero_fill(rows, CHUNK, D)
        for r in range(ROWS_PER_TILE // CHUNK):
            pltpu.sync_copy(
                rows, shared.at[pl.ds(sid * ROWS_PER_TILE + r * CHUNK, CHUNK)])
        plsc.subcore_barrier()

        def step(g, _):
            pltpu.async_copy(tab_hbm.at[sidx.at[2 * g + 1]], rows1, sem1)
            pltpu.make_async_copy(tab_hbm.at[sidx.at[2 * g]], rows, sem0).wait()
            pltpu.sync_copy(rows, shared.at[didx.at[2 * g]], add=True)
            nxt = jnp.minimum(2 * g + 2, NCHH - 1)
            pltpu.async_copy(tab_hbm.at[sidx.at[nxt]], rows, sem0)
            pltpu.make_async_copy(
                tab_hbm.at[sidx.at[2 * g + 1]], rows1, sem1).wait()
            pltpu.sync_copy(rows1, shared.at[didx.at[2 * g + 1]], add=True)
            return 0

        for half in range(NCH // NCHH):
            pltpu.sync_copy(src_hbm.at[wid, pl.ds(half * NCHH, NCHH)], sidx)
            pltpu.sync_copy(dst_hbm.at[wid, pl.ds(half * NCHH, NCHH)], didx)
            pltpu.async_copy(tab_hbm.at[sidx.at[0]], rows, sem0)
            lax.fori_loop(0, NCHH // 2, step, 0)
            pltpu.make_async_copy(tab_hbm.at[sidx.at[NCHH - 1]], rows, sem0).wait()
        plsc.subcore_barrier()
        pltpu.sync_copy(
            shared.at[pl.ds(sid * ROWS_PER_TILE, ROWS_PER_TILE)],
            out_hbm.at[cid, pl.ds(sid * ROWS_PER_TILE, ROWS_PER_TILE)])

    return pl.kernel(
        body,
        out_type=jax.ShapeDtypeStruct((NC, NPAD, D), jnp.float32),
        mesh=_mesh,
        compiler_params=(pltpu.CompilerParams(use_tc_tiling_on_sc=False)
                         if untiled else None),
        scratch_types=[
            pltpu.VMEM((NCHH, CHUNK), jnp.int32),
            pltpu.VMEM((NCHH, CHUNK), jnp.int32),
            pltpu.VMEM((CHUNK, D), jnp.float32),
            pltpu.VMEM((CHUNK, D), jnp.float32),
            pltpu.VMEM_SHARED((NPAD, D), jnp.float32),
            pltpu.SemaphoreType.DMA,
            pltpu.SemaphoreType.DMA,
        ],
    )(table, srcp, dstp)


def _tc_prep_body(degp_ref, x_ref, w1_ref, z1_ref, dinv_ref):
    deg = degp_ref[0, :] + degp_ref[1, :] + 1.0
    dinv = 1.0 / jnp.sqrt(deg)
    dinv_ref[...] = dinv
    xw = jnp.dot(x_ref[...], w1_ref[...], preferred_element_type=jnp.float32)
    z1_ref[...] = xw * dinv[:, None]


def _tc_prep(degp, x_pad, W1p):
    return pl.pallas_call(
        _tc_prep_body,
        out_shape=(jax.ShapeDtypeStruct((NPAD, HID), jnp.float32),
                   jax.ShapeDtypeStruct((NPAD,), jnp.float32)),
    )(degp, x_pad, W1p)


def _tc_mid_body(s1p_ref, z1_ref, dinv_ref, b1_ref, w2_ref, z2_ref):
    t = s1p_ref[0] + s1p_ref[1] + z1_ref[...]
    dinv = dinv_ref[...]
    h1 = jnp.maximum(dinv[:, None] * t + b1_ref[...][None, :], 0.0)
    z2 = dinv[:, None] * jnp.dot(h1, w2_ref[...],
                                 preferred_element_type=jnp.float32)
    z2_ref[...] = z2


def _tc_mid(s1p, z1, dinv, b1, W2):
    blk = 2048
    grid = NPAD // blk
    return pl.pallas_call(
        _tc_mid_body,
        grid=(grid,),
        in_specs=[
            pl.BlockSpec((NC, blk, HID), lambda i: (0, i, 0)),
            pl.BlockSpec((blk, HID), lambda i: (i, 0)),
            pl.BlockSpec((blk,), lambda i: (i,)),
            pl.BlockSpec((HID,), lambda i: (0,)),
            pl.BlockSpec((HID, HID), lambda i: (0, 0)),
        ],
        out_specs=pl.BlockSpec((blk, HID), lambda i: (i, 0)),
        out_shape=jax.ShapeDtypeStruct((NPAD, HID), jnp.float32),
    )(s1p, z1, dinv, b1, W2)


GPAD = 128


def _tc_final_body(s2p_ref, z2_ref, dinv_ref, b2_ref, wlin_ref, blin_ref,
                   bat_ref, out_ref, sum_ref, cnt_ref):
    i = pl.program_id(0)
    t = s2p_ref[0] + s2p_ref[1] + z2_ref[...]
    h2 = jnp.maximum(dinv_ref[...][:, None] * t + b2_ref[...][None, :], 0.0)
    nblk = h2.shape[0]
    gids = lax.broadcasted_iota(jnp.int32, (NUM_GRAPHS, nblk), 0).astype(jnp.float32)
    match = (bat_ref[...][None, :] == gids).astype(jnp.float32)
    sums = jnp.dot(match, h2, preferred_element_type=jnp.float32,
                   precision=lax.Precision.HIGHEST)
    cnts = jnp.sum(match, axis=1)

    @pl.when(i == 0)
    def _():
        sum_ref[...] = sums
        cnt_ref[...] = cnts

    @pl.when(i > 0)
    def _():
        sum_ref[...] = sum_ref[...] + sums
        cnt_ref[...] = cnt_ref[...] + cnts

    @pl.when(i == pl.num_programs(0) - 1)
    def _():
        g = sum_ref[...] / jnp.maximum(cnt_ref[...], 1.0)[:, None]
        out_ref[...] = jnp.dot(
            g, wlin_ref[...], preferred_element_type=jnp.float32)[:, 0] + blin_ref[0]


def _tc_final(s2p, z2, dinv, b2, Wlin, blin, batf):
    blk = 2048
    grid = NPAD // blk
    return pl.pallas_call(
        _tc_final_body,
        grid=(grid,),
        in_specs=[
            pl.BlockSpec((NC, blk, HID), lambda i: (0, i, 0)),
            pl.BlockSpec((blk, HID), lambda i: (i, 0)),
            pl.BlockSpec((blk,), lambda i: (i,)),
            pl.BlockSpec((HID,), lambda i: (0,)),
            pl.BlockSpec((HID, 1), lambda i: (0, 0)),
            pl.BlockSpec((1,), lambda i: (0,)),
            pl.BlockSpec((blk,), lambda i: (i,)),
        ],
        out_specs=pl.BlockSpec((NUM_GRAPHS,), lambda i: (0,)),
        out_shape=jax.ShapeDtypeStruct((NUM_GRAPHS,), jnp.float32),
        scratch_shapes=[pltpu.VMEM((NUM_GRAPHS, HID), jnp.float32),
                        pltpu.VMEM((NUM_GRAPHS,), jnp.float32)],
    )(s2p, z2, dinv, b2, Wlin, blin, batf)


def kernel(x, edge_index, batch, W1, b1, W2, b2, Wlin, blin):
    src = edge_index[0].astype(jnp.int32)
    dst = edge_index[1].astype(jnp.int32)
    epad = N_NODES + jnp.arange(E_PAD - N_EDGES, dtype=jnp.int32) % (NPAD - N_NODES)
    srcp = jnp.concatenate([src, epad]).reshape(NW, NCH, CHUNK)
    dstp = jnp.concatenate([dst, epad]).reshape(NW, NCH, CHUNK)
    batf = jnp.concatenate([
        batch.astype(jnp.float32),
        jnp.full((NPAD - N_NODES,), float(NUM_GRAPHS), jnp.float32)])
    x_pad = jnp.zeros((NPAD, DIN), jnp.float32).at[:N_NODES, :x.shape[1]].set(x)
    W1p = jnp.zeros((DIN, HID), jnp.float32).at[:W1.shape[0]].set(W1)

    degp = _sc_deg(dstp)
    z1, dinv = _tc_prep(degp, x_pad, W1p)
    s1p = _sc_agg(z1, srcp, dstp, D=HID, untiled=False)
    z2 = _tc_mid(s1p, z1, dinv, b1, W2)
    s2p = _sc_agg(z2, srcp, dstp, D=HID, untiled=False)
    return _tc_final(s2p, z2, dinv, b2, Wlin, blin, batf)

# --- scband reference (transcript-rebuilt; emitter-appended) ---
"""Pipeline reference for scband-age-gcn-65163243815012 (READ-ONLY COPY).

The authoritative reference and input builder live on the scoring server;
editing this copy changes nothing except your own understanding.
"""

import jax, jax.numpy as jnp
import numpy as np

N_NODES = 10000
N_EDGES = 320000
HIDDEN = 128
IN_DIM = 5
NUM_GRAPHS = 64


def setup_inputs(seed: int = 0) -> dict:
    key = jax.random.key(seed)
    ks = jax.random.split(key, 10)
    x = jax.random.normal(ks[0], (N_NODES, IN_DIM), dtype=jnp.float32)
    edge_index = jax.random.randint(ks[1], (2, N_EDGES), 0, N_NODES, dtype=jnp.int64)
    batch = jnp.sort(jax.random.randint(ks[2], (N_NODES,), 0, NUM_GRAPHS, dtype=jnp.int64))
    # parameters (glorot-ish init)
    W1 = jax.random.normal(ks[3], (IN_DIM, HIDDEN), dtype=jnp.float32) * (1.0 / np.sqrt(IN_DIM))
    b1 = jnp.zeros((HIDDEN,), dtype=jnp.float32)
    W2 = jax.random.normal(ks[4], (HIDDEN, HIDDEN), dtype=jnp.float32) * (1.0 / np.sqrt(HIDDEN))
    b2 = jnp.zeros((HIDDEN,), dtype=jnp.float32)
    Wlin = jax.random.normal(ks[5], (HIDDEN, 1), dtype=jnp.float32) * (1.0 / np.sqrt(HIDDEN))
    blin = jnp.zeros((1,), dtype=jnp.float32)
    return {"x": x, "edge_index": edge_index, "batch": batch,
            "W1": W1, "b1": b1, "W2": W2, "b2": b2, "Wlin": Wlin, "blin": blin}


def _gcn_conv(x, edge_index, W, b, num_nodes):
    # PyG GCNConv: add self-loops, symmetric normalization D^-1/2 (A+I) D^-1/2 (X W) + b
    src = edge_index[0]
    dst = edge_index[1]
    loop = jnp.arange(num_nodes, dtype=src.dtype)
    src = jnp.concatenate([src, loop])
    dst = jnp.concatenate([dst, loop])
    ones = jnp.ones_like(dst, dtype=x.dtype)
    deg = jax.ops.segment_sum(ones, dst, num_segments=num_nodes)
    deg_inv_sqrt = jnp.where(deg > 0, deg ** -0.5, 0.0)
    norm = deg_inv_sqrt[src] * deg_inv_sqrt[dst]
    xw = x @ W
    msgs = xw[src] * norm[:, None]
    out = jax.ops.segment_sum(msgs, dst, num_segments=num_nodes)
    return out + b


def _global_mean_pool(x, batch, num_graphs):
    sums = jax.ops.segment_sum(x, batch, num_segments=num_graphs)
    counts = jax.ops.segment_sum(jnp.ones((x.shape[0],), dtype=x.dtype), batch, num_segments=num_graphs)
    counts = jnp.maximum(counts, 1.0)
    return sums / counts[:, None]


def reference(x, edge_index, batch, W1, b1, W2, b2, Wlin, blin):
    num_nodes = x.shape[0]
    h = jax.nn.relu(_gcn_conv(x, edge_index, W1, b1, num_nodes))
    h = jax.nn.relu(_gcn_conv(h, edge_index, W2, b2, num_nodes))
    g = _global_mean_pool(h, batch, NUM_GRAPHS)
    out = g @ Wlin + blin
    return jnp.squeeze(out, axis=-1)

if __name__ == "__main__":
    import jax
    _d = setup_inputs()
    print(jax.jit(kernel)(*tuple(_d.values())))

</pallas_src>

<mosaic_0001>
#map = affine_map<(d0, d1) -> (0, 0)>
#map1 = affine_map<(d0, d1) -> (0, 0, 0)>
module attributes {stable_mosaic.version = 14 : i64} {
  func.func @body(%arg0: i32, %arg1: i32, %arg2: memref<10240x128xf32, #tpu.memory_space<hbm>>, %arg3: memref<32x80x128xi32, #tpu.memory_space<hbm>>, %arg4: memref<32x80x128xi32, #tpu.memory_space<hbm>>, %arg5: memref<2x10240x128xf32, #tpu.memory_space<hbm>>, %arg6: memref<16x128xi32, #tpu.memory_space<vmem>>, %arg7: memref<16x128xi32, #tpu.memory_space<vmem>>, %arg8: memref<128x128xf32, #tpu.memory_space<vmem>>, %arg9: memref<128x128xf32, #tpu.memory_space<vmem>>, %arg10: memref<10240x128xf32, #tpu.memory_space<vmem_shared>>, %arg11: memref<!tpu.dma_semaphore, #tpu.memory_space<semaphore_mem>>, %arg12: memref<!tpu.dma_semaphore, #tpu.memory_space<semaphore_mem>>) attributes {dimension_semantics = [#tpu.dimension_semantics<core_parallel>, #tpu.dimension_semantics<subcore_parallel>], iteration_bounds = array<i64: 2, 16>, scalar_prefetch = 0 : i64, scratch_operands = 7 : i64, tpu.core_type = #tpu.core_type<sc_vector_subcore>, window_params = [{transform_indices = #map}, {transform_indices = #map1}, {transform_indices = #map1}, {transform_indices = #map1}]} {
    %mul3A = arith.constant 16 : i32
    %mul3A_0 = arith.muli %arg0, %mul3A : i32
    %add3A = arith.addi %mul3A_0, %arg1 : i32
    %broadcast_in_dim3A = arith.constant 0.000000e+00 : f32
    %broadcast_in_dim3A_1 = vector.broadcast %broadcast_in_dim3A : f32 to vector<16xf32>
    %scan3A = arith.constant 0 : i32
    %scan3A_2 = arith.constant 0 : i32
    %scan3A_3 = arith.constant 128 : i32
    %scan3A_4 = arith.addi %scan3A_2, %scan3A_3 : i32
    %scan3A_5 = arith.constant 1 : i32
    %scan3A_6 = scf.for %scan3A_136 = %scan3A_2 to %scan3A_4 step %scan3A_5 iter_args(%scan3A_137 = %scan3A) -> (i32)  : i32 {
      %swap3A = arith.index_cast %scan3A_136 : i32 to index
      %swap3A_138 = arith.constant 0 : index
      %swap3A_139 = tpu.vector_load %arg8[%swap3A, %swap3A_138] {strides = array<i32>} : memref<128x128xf32, #tpu.memory_space<vmem>>, vector<1x16xf32>,
      %swap3A_140 = vector.shape_cast %swap3A_139 : vector<1x16xf32> to vector<16xf32>
      %swap3A_141 = vector.shape_cast %broadcast_in_dim3A_1 : vector<16xf32> to vector<1x16xf32>
      tpu.vector_store %arg8[%swap3A, %swap3A_138], %swap3A_141 {strides = array<i32>} : memref<128x128xf32, #tpu.memory_space<vmem>>, vector<1x16xf32>,
      %swap3A_142 = arith.index_cast %scan3A_136 : i32 to index
      %swap3A_143 = arith.constant 16 : index
      %swap3A_144 = tpu.vector_load %arg8[%swap3A_142, %swap3A_143] {strides = array<i32>} : memref<128x128xf32, #tpu.memory_space<vmem>>, vector<1x16xf32>,
      %swap3A_145 = vector.shape_cast %swap3A_144 : vector<1x16xf32> to vector<16xf32>
      %swap3A_146 = vector.shape_cast %broadcast_in_dim3A_1 : vector<16xf32> to vector<1x16xf32>
      tpu.vector_store %arg8[%swap3A_142, %swap3A_143], %swap3A_146 {strides = array<i32>} : memref<128x128xf32, #tpu.memory_space<vmem>>, vector<1x16xf32>,
      %swap3A_147 = arith.index_cast %scan3A_136 : i32 to index
      %swap3A_148 = arith.constant 32 : index
      %swap3A_149 = tpu.vector_load %arg8[%swap3A_147, %swap3A_148] {strides = array<i32>} : memref<128x128xf32, #tpu.memory_space<vmem>>, vector<1x16xf32>,
      %swap3A_150 = vector.shape_cast %swap3A_149 : vector<1x16xf32> to vector<16xf32>
      %swap3A_151 = vector.shape_cast %broadcast_in_dim3A_1 : vector<16xf32> to vector<1x16xf32>
      tpu.vector_store %arg8[%swap3A_147, %swap3A_148], %swap3A_151 {strides = array<i32>} : memref<128x128xf32, #tpu.memory_space<vmem>>, vector<1x16xf32>,
      %swap3A_152 = arith.index_cast %scan3A_136 : i32 to index
      %swap3A_153 = arith.constant 48 : index
      %swap3A_154 = tpu.vector_load %arg8[%swap3A_152, %swap3A_153] {strides = array<i32>} : memref<128x128xf32, #tpu.memory_space<vmem>>, vector<1x16xf32>,
      %swap3A_155 = vector.shape_cast %swap3A_154 : vector<1x16xf32> to vector<16xf32>
      %swap3A_156 = vector.shape_cast %broadcast_in_dim3A_1 : vector<16xf32> to vector<1x16xf32>
      tpu.vector_store %arg8[%swap3A_152, %swap3A_153], %swap3A_156 {strides = array<i32>} : memref<128x128xf32, #tpu.memory_space<vmem>>, vector<1x16xf32>,
      %swap3A_157 = arith.index_cast %scan3A_136 : i32 to index
      %swap3A_158 = arith.constant 64 : index
      %swap3A_159 = tpu.vector_load %arg8[%swap3A_157, %swap3A_158] {strides = array<i32>} : memref<128x128xf32, #tpu.memory_space<vmem>>, vector<1x16xf32>,
      %swap3A_160 = vector.shape_cast %swap3A_159 : vector<1x16xf32> to vector<16xf32>
      %swap3A_161 = vector.shape_cast %broadcast_in_dim3A_1 : vector<16xf32> to vector<1x16xf32>
      tpu.vector_store %arg8[%swap3A_157, %swap3A_158], %swap3A_161 {strides = array<i32>} : memref<128x128xf32, #tpu.memory_space<vmem>>, vector<1x16xf32>,
      %swap3A_162 = arith.index_cast %scan3A_136 : i32 to index
      %swap3A_163 = arith.constant 80 : index
      %swap3A_164 = tpu.vector_load %arg8[%swap3A_162, %swap3A_163] {strides = array<i32>} : memref<128x128xf32, #tpu.memory_space<vmem>>, vector<1x16xf32>,
      %swap3A_165 = vector.shape_cast %swap3A_164 : vector<1x16xf32> to vector<16xf32>
      %swap3A_166 = vector.shape_cast %broadcast_in_dim3A_1 : vector<16xf32> to vector<1x16xf32>
      tpu.vector_store %arg8[%swap3A_162, %swap3A_163], %swap3A_166 {strides = array<i32>} : memref<128x128xf32, #tpu.memory_space<vmem>>, vector<1x16xf32>,
      %swap3A_167 = arith.index_cast %scan3A_136 : i32 to index
      %swap3A_168 = arith.constant 96 : index
      %swap3A_169 = tpu.vector_load %arg8[%swap3A_167, %swap3A_168] {strides = array<i32>} : memref<128x128xf32, #tpu.memory_space<vmem>>, vector<1x16xf32>,
      %swap3A_170 = vector.shape_cast %swap3A_169 : vector<1x16xf32> to vector<16xf32>
      %swap3A_171 = vector.shape_cast %broadcast_in_dim3A_1 : vector<16xf32> to vector<1x16xf32>
      tpu.vector_store %arg8[%swap3A_167, %swap3A_168], %swap3A_171 {strides = array<i32>} : memref<128x128xf32, #tpu.memory_space<vmem>>, vector<1x16xf32>,
      %swap3A_172 = arith.index_cast %scan3A_136 : i32 to index
      %swap3A_173 = arith.constant 112 : index
      %swap3A_174 = tpu.vector_load %arg8[%swap3A_172, %swap3A_173] {strides = array<i32>} : memref<128x128xf32, #tpu.memory_space<vmem>>, vector<1x16xf32>,
      %swap3A_175 = vector.shape_cast %swap3A_174 : vector<1x16xf32> to vector<16xf32>
      %swap3A_176 = vector.shape_cast %broadcast_in_dim3A_1 : vector<16xf32> to vector<1x16xf32>
      tpu.vector_store %arg8[%swap3A_172, %swap3A_173], %swap3A_176 {strides = array<i32>} : memref<128x128xf32, #tpu.memory_space<vmem>>, vector<1x16xf32>,
      %scan3A_177 = arith.constant 0 : i32
      scf.yield %scan3A_177 : i32
    }
    %scan3A_7 = arith.constant 128 : i32
    %mul3A_8 = arith.constant 640 : i32
    %mul3A_9 = arith.muli %arg1, %mul3A_8 : i32
    %add3A_10 = arith.constant 0 : i32
    %add3A_11 = arith.addi %mul3A_9, %add3A_10 : i32
    "tpu.region"() ({
      %run_scoped3A = tpu.sem_alloc : memref<!tpu.dma_semaphore, #tpu.memory_space<semaphore_mem>>
      %dma_start3A_136 = arith.constant 0 : i32
      %dma_start3A_137 = tpu.memref_slice %arg10[%add3A_11, %dma_start3A_136] : memref<10240x128xf32, #tpu.memory_space<vmem_shared>> -> memref<128x128xf32, #tpu.memory_space<vmem_shared>>
      %dma_start3A_138 = arith.constant 0 : i32
      %dma_start3A_139 = tpu.memref_slice %arg10[%add3A_11, %dma_start3A_138] : memref<10240x128xf32, #tpu.memory_space<vmem_shared>> -> memref<128x128xf32, #tpu.memory_space<vmem_shared>>
      tpu.enqueue_dma source(%arg8 : memref<128x128xf32, #tpu.memory_space<vmem>>) target(%dma_start3A_139 : memref<128x128xf32, #tpu.memory_space<vmem_shared>>) target_semaphore(%run_scoped3A : memref<!tpu.dma_semaphore, #tpu.memory_space<semaphore_mem>>)
      %dma_wait3A_140 = arith.constant 0 : i32
      %dma_wait3A_141 = tpu.memref_slice %arg10[%add3A_11, %dma_wait3A_140] : memref<10240x128xf32, #tpu.memory_space<vmem_shared>> -> memref<128x128xf32, #tpu.memory_space<vmem_shared>>
      %dma_wait3A_142 = arith.constant 0 : i32
      %dma_wait3A_143 = tpu.memref_slice %arg10[%add3A_11, %dma_wait3A_142] : memref<10240x128xf32, #tpu.memory_space<vmem_shared>> -> memref<128x128xf32, #tpu.memory_space<vmem_shared>>
      tpu.wait_dma2 semaphore(%run_scoped3A : memref<!tpu.dma_semaphore, #tpu.memory_space<semaphore_mem>>) src(%arg8 : memref<128x128xf32, #tpu.memory_space<vmem>>) dst(%dma_wait3A_143 : memref<128x128xf32, #tpu.memory_space<vmem_shared>>)
      tpu.yield
    }) : () -> ()
    %mul3A_12 = arith.constant 640 : i32
    %mul3A_13 = arith.muli %arg1, %mul3A_12 : i32
    %add3A_14 = arith.constant 128 : i32
    %add3A_15 = arith.addi %mul3A_13, %add3A_14 : i32
    "tpu.region"() ({
      %run_scoped3A = tpu.sem_alloc : memref<!tpu.dma_semaphore, #tpu.memory_space<semaphore_mem>>
      %dma_start3A_136 = arith.constant 0 : i32
      %dma_start3A_137 = tpu.memref_slice %arg10[%add3A_15, %dma_start3A_136] : memref<10240x128xf32, #tpu.memory_space<vmem_shared>> -> memref<128x128xf32, #tpu.memory_space<vmem_shared>>
      %dma_start3A_138 = arith.constant 0 : i32
      %dma_start3A_139 = tpu.memref_slice %arg10[%add3A_15, %dma_start3A_138] : memref<10240x128xf32, #tpu.memory_space<vmem_shared>> -> memref<128x128xf32, #tpu.memory_space<vmem_shared>>
      tpu.enqueue_dma source(%arg8 : memref<128x128xf32, #tpu.memory_space<vmem>>) target(%dma_start3A_139 : memref<128x128xf32, #tpu.memory_space<vmem_shared>>) target_semaphore(%run_scoped3A : memref<!tpu.dma_semaphore, #tpu.memory_space<semaphore_mem>>)
      %dma_wait3A_140 = arith.constant 0 : i32
      %dma_wait3A_141 = tpu.memref_slice %arg10[%add3A_15, %dma_wait3A_140] : memref<10240x128xf32, #tpu.memory_space<vmem_shared>> -> memref<128x128xf32, #tpu.memory_space<vmem_shared>>
      %dma_wait3A_142 = arith.constant 0 : i32
      %dma_wait3A_143 = tpu.memref_slice %arg10[%add3A_15, %dma_wait3A_142] : memref<10240x128xf32, #tpu.memory_space<vmem_shared>> -> memref<128x128xf32, #tpu.memory_space<vmem_shared>>
      tpu.wait_dma2 semaphore(%run_scoped3A : memref<!tpu.dma_semaphore, #tpu.memory_space<semaphore_mem>>) src(%arg8 : memref<128x128xf32, #tpu.memory_space<vmem>>) dst(%dma_wait3A_143 : memref<128x128xf32, #tpu.memory_space<vmem_shared>>)
      tpu.yield
    }) : () -> ()
    %mul3A_16 = arith.constant 640 : i32
    %mul3A_17 = arith.muli %arg1, %mul3A_16 : i32
    %add3A_18 = arith.constant 256 : i32
    %add3A_19 = arith.addi %mul3A_17, %add3A_18 : i32
    "tpu.region"() ({
      %run_scoped3A = tpu.sem_alloc : memref<!tpu.dma_semaphore, #tpu.memory_space<semaphore_mem>>
      %dma_start3A_136 = arith.constant 0 : i32
      %dma_start3A_137 = tpu.memref_slice %arg10[%add3A_19, %dma_start3A_136] : memref<10240x128xf32, #tpu.memory_space<vmem_shared>> -> memref<128x128xf32, #tpu.memory_space<vmem_shared>>
      %dma_start3A_138 = arith.constant 0 : i32
      %dma_start3A_139 = tpu.memref_slice %arg10[%add3A_19, %dma_start3A_138] : memref<10240x128xf32, #tpu.memory_space<vmem_shared>> -> memref<128x128xf32, #tpu.memory_space<vmem_shared>>
      tpu.enqueue_dma source(%arg8 : memref<128x128xf32, #tpu.memory_space<vmem>>) target(%dma_start3A_139 : memref<128x128xf32, #tpu.memory_space<vmem_shared>>) target_semaphore(%run_scoped3A : memref<!tpu.dma_semaphore, #tpu.memory_space<semaphore_mem>>)
      %dma_wait3A_140 = arith.constant 0 : i32
      %dma_wait3A_141 = tpu.memref_slice %arg10[%add3A_19, %dma_wait3A_140] : memref<10240x128xf32, #tpu.memory_space<vmem_shared>> -> memref<128x128xf32, #tpu.memory_space<vmem_shared>>
      %dma_wait3A_142 = arith.constant 0 : i32
      %dma_wait3A_143 = tpu.memref_slice %arg10[%add3A_19, %dma_wait3A_142] : memref<10240x128xf32, #tpu.memory_space<vmem_shared>> -> memref<128x128xf32, #tpu.memory_space<vmem_shared>>
      tpu.wait_dma2 semaphore(%run_scoped3A : memref<!tpu.dma_semaphore, #tpu.memory_space<semaphore_mem>>) src(%arg8 : memref<128x128xf32, #tpu.memory_space<vmem>>) dst(%dma_wait3A_143 : memref<128x128xf32, #tpu.memory_space<vmem_shared>>)
      tpu.yield
    }) : () -> ()
    %mul3A_20 = arith.constant 640 : i32
    %mul3A_21 = arith.muli %arg1, %mul3A_20 : i32
    %add3A_22 = arith.constant 384 : i32
    %add3A_23 = arith.addi %mul3A_21, %add3A_22 : i32
    "tpu.region"() ({
      %run_scoped3A = tpu.sem_alloc : memref<!tpu.dma_semaphore, #tpu.memory_space<semaphore_mem>>
      %dma_start3A_136 = arith.constant 0 : i32
      %dma_start3A_137 = tpu.memref_slice %arg10[%add3A_23, %dma_start3A_136] : memref<10240x128xf32, #tpu.memory_space<vmem_shared>> -> memref<128x128xf32, #tpu.memory_space<vmem_shared>>
      %dma_start3A_138 = arith.constant 0 : i32
      %dma_start3A_139 = tpu.memref_slice %arg10[%add3A_23, %dma_start3A_138] : memref<10240x128xf32, #tpu.memory_space<vmem_shared>> -> memref<128x128xf32, #tpu.memory_space<vmem_shared>>
      tpu.enqueue_dma source(%arg8 : memref<128x128xf32, #tpu.memory_space<vmem>>) target(%dma_start3A_139 : memref<128x128xf32, #tpu.memory_space<vmem_shared>>) target_semaphore(%run_scoped3A : memref<!tpu.dma_semaphore, #tpu.memory_space<semaphore_mem>>)
      %dma_wait3A_140 = arith.constant 0 : i32
      %dma_wait3A_141 = tpu.memref_slice %arg10[%add3A_23, %dma_wait3A_140] : memref<10240x128xf32, #tpu.memory_space<vmem_shared>> -> memref<128x128xf32, #tpu.memory_space<vmem_shared>>
      %dma_wait3A_142 = arith.constant 0 : i32
      %dma_wait3A_143 = tpu.memref_slice %arg10[%add3A_23, %dma_wait3A_142] : memref<10240x128xf32, #tpu.memory_space<vmem_shared>> -> memref<128x128xf32, #tpu.memory_space<vmem_shared>>
      tpu.wait_dma2 semaphore(%run_scoped3A : memref<!tpu.dma_semaphore, #tpu.memory_space<semaphore_mem>>) src(%arg8 : memref<128x128xf32, #tpu.memory_space<vmem>>) dst(%dma_wait3A_143 : memref<128x128xf32, #tpu.memory_space<vmem_shared>>)
      tpu.yield
    }) : () -> ()
    %mul3A_24 = arith.constant 640 : i32
    %mul3A_25 = arith.muli %arg1, %mul3A_24 : i32
    %add3A_26 = arith.constant 512 : i32
    %add3A_27 = arith.addi %mul3A_25, %add3A_26 : i32
    "tpu.region"() ({
      %run_scoped3A = tpu.sem_alloc : memref<!tpu.dma_semaphore, #tpu.memory_space<semaphore_mem>>
      %dma_start3A_136 = arith.constant 0 : i32
      %dma_start3A_137 = tpu.memref_slice %arg10[%add3A_27, %dma_start3A_136] : memref<10240x128xf32, #tpu.memory_space<vmem_shared>> -> memref<128x128xf32, #tpu.memory_space<vmem_shared>>
      %dma_start3A_138 = arith.constant 0 : i32
      %dma_start3A_139 = tpu.memref_slice %arg10[%add3A_27, %dma_start3A_138] : memref<10240x128xf32, #tpu.memory_space<vmem_shared>> -> memref<128x128xf32, #tpu.memory_space<vmem_shared>>
      tpu.enqueue_dma source(%arg8 : memref<128x128xf32, #tpu.memory_space<vmem>>) target(%dma_start3A_139 : memref<128x128xf32, #tpu.memory_space<vmem_shared>>) target_semaphore(%run_scoped3A : memref<!tpu.dma_semaphore, #tpu.memory_space<semaphore_mem>>)
      %dma_wait3A_140 = arith.constant 0 : i32
      %dma_wait3A_141 = tpu.memref_slice %arg10[%add3A_27, %dma_wait3A_140] : memref<10240x128xf32, #tpu.memory_space<vmem_shared>> -> memref<128x128xf32, #tpu.memory_space<vmem_shared>>
      %dma_wait3A_142 = arith.constant 0 : i32
      %dma_wait3A_143 = tpu.memref_slice %arg10[%add3A_27, %dma_wait3A_142] : memref<10240x128xf32, #tpu.memory_space<vmem_shared>> -> memref<128x128xf32, #tpu.memory_space<vmem_shared>>
      tpu.wait_dma2 semaphore(%run_scoped3A : memref<!tpu.dma_semaphore, #tpu.memory_space<semaphore_mem>>) src(%arg8 : memref<128x128xf32, #tpu.memory_space<vmem>>) dst(%dma_wait3A_143 : memref<128x128xf32, #tpu.memory_space<vmem_shared>>)
      tpu.yield
    }) : () -> ()
    %barrier3A = arith.constant 0 : index
    tpu.barrier barrier_id(%barrier3A)
    "tpu.region"() ({
      %run_scoped3A = tpu.sem_alloc : memref<!tpu.dma_semaphore, #tpu.memory_space<semaphore_mem>>
      %dma_start3A_136 = arith.constant 0 : i32
      %dma_start3A_137 = arith.constant 0 : i32
      %dma_start3A_138 = tpu.memref_slice %arg3[%add3A, %dma_start3A_136, %dma_start3A_137] : memref<32x80x128xi32, #tpu.memory_space<hbm>> -> memref<1x16x128xi32, #tpu.memory_space<hbm>>
      %dma_start3A_139 = tpu.memref_squeeze %dma_start3A_138 : memref<1x16x128xi32, #tpu.memory_space<hbm>> -> memref<16x128xi32, #tpu.memory_space<hbm>>
      %dma_start3A_140 = arith.constant 0 : i32
      %dma_start3A_141 = arith.constant 0 : i32
      %dma_start3A_142 = tpu.memref_slice %arg3[%add3A, %dma_start3A_140, %dma_start3A_141] : memref<32x80x128xi32, #tpu.memory_space<hbm>> -> memref<1x16x128xi32, #tpu.memory_space<hbm>>
      %dma_start3A_143 = tpu.memref_squeeze %dma_start3A_142 : memref<1x16x128xi32, #tpu.memory_space<hbm>> -> memref<16x128xi32, #tpu.memory_space<hbm>>
      tpu.enqueue_dma source(%dma_start3A_143 : memref<16x128xi32, #tpu.memory_space<hbm>>) target(%arg6 : memref<16x128xi32, #tpu.memory_space<vmem>>) target_semaphore(%run_scoped3A : memref<!tpu.dma_semaphore, #tpu.memory_space<semaphore_mem>>)
      %dma_wait3A_144 = arith.constant 0 : i32
      %dma_wait3A_145 = arith.constant 0 : i32
      %dma_wait3A_146 = tpu.memref_slice %arg3[%add3A, %dma_wait3A_144, %dma_wait3A_145] : memref<32x80x128xi32, #tpu.memory_space<hbm>> -> memref<1x16x128xi32, #tpu.memory_space<hbm>>
      %dma_wait3A_147 = tpu.memref_squeeze %dma_wait3A_146 : memref<1x16x128xi32, #tpu.memory_space<hbm>> -> memref<16x128xi32, #tpu.memory_space<hbm>>
      %dma_wait3A_148 = arith.constant 0 : i32
      %dma_wait3A_149 = arith.constant 0 : i32
      %dma_wait3A_150 = tpu.memref_slice %arg3[%add3A, %dma_wait3A_148, %dma_wait3A_149] : memref<32x80x128xi32, #tpu.memory_space<hbm>> -> memref<1x16x128xi32, #tpu.memory_space<hbm>>
      %dma_wait3A_151 = tpu.memref_squeeze %dma_wait3A_150 : memref<1x16x128xi32, #tpu.memory_space<hbm>> -> memref<16x128xi32, #tpu.memory_space<hbm>>
      tpu.wait_dma2 semaphore(%run_scoped3A : memref<!tpu.dma_semaphore, #tpu.memory_space<semaphore_mem>>) src(%dma_wait3A_151 : memref<16x128xi32, #tpu.memory_space<hbm>>) dst(%arg6 : memref<16x128xi32, #tpu.memory_space<vmem>>)
      tpu.yield
    }) : () -> ()
    "tpu.region"() ({
      %run_scoped3A = tpu.sem_alloc : memref<!tpu.dma_semaphore, #tpu.memory_space<semaphore_mem>>
      %dma_start3A_136 = arith.constant 0 : i32
      %dma_start3A_137 = arith.constant 0 : i32
      %dma_start3A_138 = tpu.memref_slice %arg4[%add3A, %dma_start3A_136, %dma_start3A_137] : memref<32x80x128xi32, #tpu.memory_space<hbm>> -> memref<1x16x128xi32, #tpu.memory_space<hbm>>
      %dma_start3A_139 = tpu.memref_squeeze %dma_start3A_138 : memref<1x16x128xi32, #tpu.memory_space<hbm>> -> memref<16x128xi32, #tpu.memory_space<hbm>>
      %dma_start3A_140 = arith.constant 0 : i32
      %dma_start3A_141 = arith.constant 0 : i32
      %dma_start3A_142 = tpu.memref_slice %arg4[%add3A, %dma_start3A_140, %dma_start3A_141] : memref<32x80x128xi32, #tpu.memory_space<hbm>> -> memref<1x16x128xi32, #tpu.memory_space<hbm>>
      %dma_start3A_143 = tpu.memref_squeeze %dma_start3A_142 : memref<1x16x128xi32, #tpu.memory_space<hbm>> -> memref<16x128xi32, #tpu.memory_space<hbm>>
      tpu.enqueue_dma source(%dma_start3A_143 : memref<16x128xi32, #tpu.memory_space<hbm>>) target(%arg7 : memref<16x128xi32, #tpu.memory_space<vmem>>) target_semaphore(%run_scoped3A : memref<!tpu.dma_semaphore, #tpu.memory_space<semaphore_mem>>)
      %dma_wait3A_144 = arith.constant 0 : i32
      %dma_wait3A_145 = arith.constant 0 : i32
      %dma_wait3A_146 = tpu.memref_slice %arg4[%add3A, %dma_wait3A_144, %dma_wait3A_145] : memref<32x80x128xi32, #tpu.memory_space<hbm>> -> memref<1x16x128xi32, #tpu.memory_space<hbm>>
      %dma_wait3A_147 = tpu.memref_squeeze %dma_wait3A_146 : memref<1x16x128xi32, #tpu.memory_space<hbm>> -> memref<16x128xi32, #tpu.memory_space<hbm>>
      %dma_wait3A_148 = arith.constant 0 : i32
      %dma_wait3A_149 = arith.constant 0 : i32
      %dma_wait3A_150 = tpu.memref_slice %arg4[%add3A, %dma_wait3A_148, %dma_wait3A_149] : memref<32x80x128xi32, #tpu.memory_space<hbm>> -> memref<1x16x128xi32, #tpu.memory_space<hbm>>
      %dma_wait3A_151 = tpu.memref_squeeze %dma_wait3A_150 : memref<1x16x128xi32, #tpu.memory_space<hbm>> -> memref<16x128xi32, #tpu.memory_space<hbm>>
      tpu.wait_dma2 semaphore(%run_scoped3A : memref<!tpu.dma_semaphore, #tpu.memory_space<semaphore_mem>>) src(%dma_wait3A_151 : memref<16x128xi32, #tpu.memory_space<hbm>>) dst(%arg7 : memref<16x128xi32, #tpu.memory_space<vmem>>)
      tpu.yield
    }) : () -> ()
    %dma_start3A = arith.constant 0 : i32
    %dma_start3A_28 = arith.constant 0 : i32
    %dma_start3A_29 = tpu.memref_slice %arg6[%dma_start3A, %dma_start3A_28] : memref<16x128xi32, #tpu.memory_space<vmem>> -> memref<1x128xi32, #tpu.memory_space<vmem>>
    %dma_start3A_30 = tpu.memref_squeeze %dma_start3A_29 : memref<1x128xi32, #tpu.memory_space<vmem>> -> memref<128xi32, #tpu.memory_space<vmem>>
    %dma_start3A_31 = arith.constant 0 : i32
    %dma_start3A_32 = arith.constant 0 : i32
    %dma_start3A_33 = tpu.memref_slice %arg2[%dma_start3A_31, %dma_start3A_32] : memref<10240x128xf32, #tpu.memory_space<hbm>> -> memref<10240x128xf32, #tpu.memory_space<hbm>>
    tpu.enqueue_indirect_dma source(%dma_start3A_33 : memref<10240x128xf32, #tpu.memory_space<hbm>>) target(%arg8 : memref<128x128xf32, #tpu.memory_space<vmem>>) offsets(%dma_start3A_30 : memref<128xi32, #tpu.memory_space<vmem>>) semaphore(%arg11 : memref<!tpu.dma_semaphore, #tpu.memory_space<semaphore_mem>>)
    %scan3A_34 = arith.constant 0 : i32
    %scan3A_35 = arith.constant 0 : i32
    %scan3A_36 = arith.constant 8 : i32
    %scan3A_37 = arith.addi %scan3A_35, %scan3A_36 : i32
    %scan3A_38 = arith.constant 1 : i32
    %scan3A_39 = scf.for %scan3A_136 = %scan3A_35 to %scan3A_37 step %scan3A_38 iter_args(%scan3A_137 = %scan3A_34) -> (i32)  : i32 {
      %mul3A_138 = arith.constant 2 : i32
      %mul3A_139 = arith.muli %mul3A_138, %scan3A_136 : i32
      %add3A_140 = arith.constant 1 : i32
      %add3A_141 = arith.addi %mul3A_139, %add3A_140 : i32
      %dma_start3A_142 = arith.constant 0 : i32
      %dma_start3A_143 = tpu.memref_slice %arg6[%add3A_141, %dma_start3A_142] : memref<16x128xi32, #tpu.memory_space<vmem>> -> memref<1x128xi32, #tpu.memory_space<vmem>>
      %dma_start3A_144 = tpu.memref_squeeze %dma_start3A_143 : memref<1x128xi32, #tpu.memory_space<vmem>> -> memref<128xi32, #tpu.memory_space<vmem>>
      %dma_start3A_145 = arith.constant 0 : i32
      %dma_start3A_146 = arith.constant 0 : i32
      %dma_start3A_147 = tpu.memref_slice %arg2[%dma_start3A_145, %dma_start3A_146] : memref<10240x128xf32, #tpu.memory_space<hbm>> -> memref<10240x128xf32, #tpu.memory_space<hbm>>
      tpu.enqueue_indirect_dma source(%dma_start3A_147 : memref<10240x128xf32, #tpu.memory_space<hbm>>) target(%arg9 : memref<128x128xf32, #tpu.memory_space<vmem>>) offsets(%dma_start3A_144 : memref<128xi32, #tpu.memory_space<vmem>>) semaphore(%arg12 : memref<!tpu.dma_semaphore, #tpu.memory_space<semaphore_mem>>)
      %mul3A_148 = arith.constant 2 : i32
      %mul3A_149 = arith.muli %mul3A_148, %scan3A_136 : i32
      %dma_wait3A_150 = arith.constant 0 : i32
      %dma_wait3A_151 = tpu.memref_slice %arg6[%mul3A_149, %dma_wait3A_150] : memref<16x128xi32, #tpu.memory_space<vmem>> -> memref<1x128xi32, #tpu.memory_space<vmem>>
      %dma_wait3A_152 = tpu.memref_squeeze %dma_wait3A_151 : memref<1x128xi32, #tpu.memory_space<vmem>> -> memref<128xi32, #tpu.memory_space<vmem>>
      %dma_wait3A_153 = arith.constant 0 : i32
      %dma_wait3A_154 = arith.constant 0 : i32
      %dma_wait3A_155 = tpu.memref_slice %arg2[%dma_wait3A_153, %dma_wait3A_154] : memref<10240x128xf32, #tpu.memory_space<hbm>> -> memref<10240x128xf32, #tpu.memory_space<hbm>>
      tpu.wait_indirect_dma semaphore(%arg11 : memref<!tpu.dma_semaphore, #tpu.memory_space<semaphore_mem>>) src(%dma_wait3A_155 : memref<10240x128xf32, #tpu.memory_space<hbm>>) dst(%arg8 : memref<128x128xf32, #tpu.memory_space<vmem>>)
      %mul3A_156 = arith.constant 2 : i32
      %mul3A_157 = arith.muli %mul3A_156, %scan3A_136 : i32
      "tpu.region"() ({
        %run_scoped3A = tpu.sem_alloc : memref<!tpu.dma_semaphore, #tpu.memory_space<semaphore_mem>>
        %dma_start3A_184 = arith.constant 0 : i32
        %dma_start3A_185 = tpu.memref_slice %arg7[%mul3A_157, %dma_start3A_184] : memref<16x128xi32, #tpu.memory_space<vmem>> -> memref<1x128xi32, #tpu.memory_space<vmem>>
        %dma_start3A_186 = tpu.memref_squeeze %dma_start3A_185 : memref<1x128xi32, #tpu.memory_space<vmem>> -> memref<128xi32, #tpu.memory_space<vmem>>
        %dma_start3A_187 = arith.constant 0 : i32
        %dma_start3A_188 = arith.constant 0 : i32
        %dma_start3A_189 = tpu.memref_slice %arg10[%dma_start3A_187, %dma_start3A_188] : memref<10240x128xf32, #tpu.memory_space<vmem_shared>> -> memref<10240x128xf32, #tpu.memory_space<vmem_shared>>
        tpu.enqueue_indirect_dma source(%arg8 : memref<128x128xf32, #tpu.memory_space<vmem>>) target(%dma_start3A_189 : memref<10240x128xf32, #tpu.memory_space<vmem_shared>>) offsets(%dma_start3A_186 : memref<128xi32, #tpu.memory_space<vmem>>) semaphore(%run_scoped3A : memref<!tpu.dma_semaphore, #tpu.memory_space<semaphore_mem>>) {add = true}
        %dma_wait3A_190 = arith.constant 0 : i32
        %dma_wait3A_191 = tpu.memref_slice %arg7[%mul3A_157, %dma_wait3A_190] : memref<16x128xi32, #tpu.memory_space<vmem>> -> memref<1x128xi32, #tpu.memory_space<vmem>>
        %dma_wait3A_192 = tpu.memref_squeeze %dma_wait3A_191 : memref<1x128xi32, #tpu.memory_space<vmem>> -> memref<128xi32, #tpu.memory_space<vmem>>
        %dma_wait3A_193 = arith.constant 0 : i32
        %dma_wait3A_194 = arith.constant 0 : i32
        %dma_wait3A_195 = tpu.memref_slice %arg10[%dma_wait3A_193, %dma_wait3A_194] : memref<10240x128xf32, #tpu.memory_space<vmem_shared>> -> memref<10240x128xf32, #tpu.memory_space<vmem_shared>>
        tpu.wait_indirect_dma semaphore(%run_scoped3A : memref<!tpu.dma_semaphore, #tpu.memory_space<semaphore_mem>>) src(%arg8 : memref<128x128xf32, #tpu.memory_space<vmem>>) dst(%dma_wait3A_195 : memref<10240x128xf32, #tpu.memory_space<vmem_shared>>)
        tpu.yield
      }) : () -> ()
      %mul3A_158 = arith.constant 2 : i32
      %mul3A_159 = arith.muli %mul3A_158, %scan3A_136 : i32
      %add3A_160 = arith.constant 2 : i32
      %add3A_161 = arith.addi %mul3A_159, %add3A_160 : i32
      %min3A = arith.constant 15 : i32
      %min3A_162 = arith.minsi %add3A_161, %min3A : i32
      %dma_start3A_163 = arith.constant 0 : i32
      %dma_start3A_164 = tpu.memref_slice %arg6[%min3A_162, %dma_start3A_163] : memref<16x128xi32, #tpu.memory_space<vmem>> -> memref<1x128xi32, #tpu.memory_space<vmem>>
      %dma_start3A_165 = tpu.memref_squeeze %dma_start3A_164 : memref<1x128xi32, #tpu.memory_space<vmem>> -> memref<128xi32, #tpu.memory_space<vmem>>
      %dma_start3A_166 = arith.constant 0 : i32
      %dma_start3A_167 = arith.constant 0 : i32
      %dma_start3A_168 = tpu.memref_slice %arg2[%dma_start3A_166, %dma_start3A_167] : memref<10240x128xf32, #tpu.memory_space<hbm>> -> memref<10240x128xf32, #tpu.memory_space<hbm>>
      tpu.enqueue_indirect_dma source(%dma_start3A_168 : memref<10240x128xf32, #tpu.memory_space<hbm>>) target(%arg8 : memref<128x128xf32, #tpu.memory_space<vmem>>) offsets(%dma_start3A_165 : memref<128xi32, #tpu.memory_space<vmem>>) semaphore(%arg11 : memref<!tpu.dma_semaphore, #tpu.memory_space<semaphore_mem>>)
      %mul3A_169 = arith.constant 2 : i32
      %mul3A_170 = arith.muli %mul3A_169, %scan3A_136 : i32
      %add3A_171 = arith.constant 1 : i32
      %add3A_172 = arith.addi %mul3A_170, %add3A_171 : i32
      %dma_wait3A_173 = arith.constant 0 : i32
      %dma_wait3A_174 = tpu.memref_slice %arg6[%add3A_172, %dma_wait3A_173] : memref<16x128xi32, #tpu.memory_space<vmem>> -> memref<1x128xi32, #tpu.memory_space<vmem>>
      %dma_wait3A_175 = tpu.memref_squeeze %dma_wait3A_174 : memref<1x128xi32, #tpu.memory_space<vmem>> -> memref<128xi32, #tpu.memory_space<vmem>>
      %dma_wait3A_176 = arith.constant 0 : i32
      %dma_wait3A_177 = arith.constant 0 : i32
      %dma_wait3A_178 = tpu.memref_slice %arg2[%dma_wait3A_176, %dma_wait3A_177] : memref<10240x128xf32, #tpu.memory_space<hbm>> -> memref<10240x128xf32, #tpu.memory_space<hbm>>
      tpu.wait_indirect_dma semaphore(%arg12 : memref<!tpu.dma_semaphore, #tpu.memory_space<semaphore_mem>>) src(%dma_wait3A_178 : memref<10240x128xf32, #tpu.memory_space<hbm>>) dst(%arg9 : memref<128x128xf32, #tpu.memory_space<vmem>>)
      %mul3A_179 = arith.constant 2 : i32
      %mul3A_180 = arith.muli %mul3A_179, %scan3A_136 : i32
      %add3A_181 = arith.constant 1 : i32
      %add3A_182 = arith.addi %mul3A_180, %add3A_181 : i32
      "tpu.region"() ({
        %run_scoped3A = tpu.sem_alloc : memref<!tpu.dma_semaphore, #tpu.memory_space<semaphore_mem>>
        %dma_start3A_184 = arith.constant 0 : i32
        %dma_start3A_185 = tpu.memref_slice %arg7[%add3A_182, %dma_start3A_184] : memref<16x128xi32, #tpu.memory_space<vmem>> -> memref<1x128xi32, #tpu.memory_space<vmem>>
        %dma_start3A_186 = tpu.memref_squeeze %dma_start3A_185 : memref<1x128xi32, #tpu.memory_space<vmem>> -> memref<128xi32, #tpu.memory_space<vmem>>
        %dma_start3A_187 = arith.constant 0 : i32
        %dma_start3A_188 = arith.constant 0 : i32
        %dma_start3A_189 = tpu.memref_slice %arg10[%dma_start3A_187, %dma_start3A_188] : memref<10240x128xf32, #tpu.memory_space<vmem_shared>> -> memref<10240x128xf32, #tpu.memory_space<vmem_shared>>
        tpu.enqueue_indirect_dma source(%arg9 : memref<128x128xf32, #tpu.memory_space<vmem>>) target(%dma_start3A_189 : memref<10240x128xf32, #tpu.memory_space<vmem_shared>>) offsets(%dma_start3A_186 : memref<128xi32, #tpu.memory_space<vmem>>) semaphore(%run_scoped3A : memref<!tpu.dma_semaphore, #tpu.memory_space<semaphore_mem>>) {add = true}
        %dma_wait3A_190 = arith.constant 0 : i32
        %dma_wait3A_191 = tpu.memref_slice %arg7[%add3A_182, %dma_wait3A_190] : memref<16x128xi32, #tpu.memory_space<vmem>> -> memref<1x128xi32, #tpu.memory_space<vmem>>
        %dma_wait3A_192 = tpu.memref_squeeze %dma_wait3A_191 : memref<1x128xi32, #tpu.memory_space<vmem>> -> memref<128xi32, #tpu.memory_space<vmem>>
        %dma_wait3A_193 = arith.constant 0 : i32
        %dma_wait3A_194 = arith.constant 0 : i32
        %dma_wait3A_195 = tpu.memref_slice %arg10[%dma_wait3A_193, %dma_wait3A_194] : memref<10240x128xf32, #tpu.memory_space<vmem_shared>> -> memref<10240x128xf32, #tpu.memory_space<vmem_shared>>
        tpu.wait_indirect_dma semaphore(%run_scoped3A : memref<!tpu.dma_semaphore, #tpu.memory_space<semaphore_mem>>) src(%arg9 : memref<128x128xf32, #tpu.memory_space<vmem>>) dst(%dma_wait3A_195 : memref<10240x128xf32, #tpu.memory_space<vmem_shared>>)
        tpu.yield
      }) : () -> ()
      %scan3A_183 = arith.constant 0 : i32
      scf.yield %scan3A_183 : i32
    }
    %scan3A_40 = arith.constant 8 : i32
    %dma_wait3A = arith.constant 15 : i32
    %dma_wait3A_41 = arith.constant 0 : i32
    %dma_wait3A_42 = tpu.memref_slice %arg6[%dma_wait3A, %dma_wait3A_41] : memref<16x128xi32, #tpu.memory_space<vmem>> -> memref<1x128xi32, #tpu.memory_space<vmem>>
    %dma_wait3A_43 = tpu.memref_squeeze %dma_wait3A_42 : memref<1x128xi32, #tpu.memory_space<vmem>> -> memref<128xi32, #tpu.memory_space<vmem>>
    %dma_wait3A_44 = arith.constant 0 : i32
    %dma_wait3A_45 = arith.constant 0 : i32
    %dma_wait3A_46 = tpu.memref_slice %arg2[%dma_wait3A_44, %dma_wait3A_45] : memref<10240x128xf32, #tpu.memory_space<hbm>> -> memref<10240x128xf32, #tpu.memory_space<hbm>>
    tpu.wait_indirect_dma semaphore(%arg11 : memref<!tpu.dma_semaphore, #tpu.memory_space<semaphore_mem>>) src(%dma_wait3A_46 : memref<10240x128xf32, #tpu.memory_space<hbm>>) dst(%arg8 : memref<128x128xf32, #tpu.memory_space<vmem>>)
    "tpu.region"() ({
      %run_scoped3A = tpu.sem_alloc : memref<!tpu.dma_semaphore, #tpu.memory_space<semaphore_mem>>
      %dma_start3A_136 = arith.constant 16 : i32
      %dma_start3A_137 = arith.constant 0 : i32
      %dma_start3A_138 = tpu.memref_slice %arg3[%add3A, %dma_start3A_136, %dma_start3A_137] : memref<32x80x128xi32, #tpu.memory_space<hbm>> -> memref<1x16x128xi32, #tpu.memory_space<hbm>>
      %dma_start3A_139 = tpu.memref_squeeze %dma_start3A_138 : memref<1x16x128xi32, #tpu.memory_space<hbm>> -> memref<16x128xi32, #tpu.memory_space<hbm>>
      %dma_start3A_140 = arith.constant 16 : i32
      %dma_start3A_141 = arith.constant 0 : i32
      %dma_start3A_142 = tpu.memref_slice %arg3[%add3A, %dma_start3A_140, %dma_start3A_141] : memref<32x80x128xi32, #tpu.memory_space<hbm>> -> memref<1x16x128xi32, #tpu.memory_space<hbm>>
      %dma_start3A_143 = tpu.memref_squeeze %dma_start3A_142 : memref<1x16x128xi32, #tpu.memory_space<hbm>> -> memref<16x128xi32, #tpu.memory_space<hbm>>
      tpu.enqueue_dma source(%dma_start3A_143 : memref<16x128xi32, #tpu.memory_space<hbm>>) target(%arg6 : memref<16x128xi32, #tpu.memory_space<vmem>>) target_semaphore(%run_scoped3A : memref<!tpu.dma_semaphore, #tpu.memory_space<semaphore_mem>>)
      %dma_wait3A_144 = arith.constant 16 : i32
      %dma_wait3A_145 = arith.constant 0 : i32
      %dma_wait3A_146 = tpu.memref_slice %arg3[%add3A, %dma_wait3A_144, %dma_wait3A_145] : memref<32x80x128xi32, #tpu.memory_space<hbm>> -> memref<1x16x128xi32, #tpu.memory_space<hbm>>
      %dma_wait3A_147 = tpu.memref_squeeze %dma_wait3A_146 : memref<1x16x128xi32, #tpu.memory_space<hbm>> -> memref<16x128xi32, #tpu.memory_space<hbm>>
      %dma_wait3A_148 = arith.constant 16 : i32
      %dma_wait3A_149 = arith.constant 0 : i32
      %dma_wait3A_150 = tpu.memref_slice %arg3[%add3A, %dma_wait3A_148, %dma_wait3A_149] : memref<32x80x128xi32, #tpu.memory_space<hbm>> -> memref<1x16x128xi32, #tpu.memory_space<hbm>>
      %dma_wait3A_151 = tpu.memref_squeeze %dma_wait3A_150 : memref<1x16x128xi32, #tpu.memory_space<hbm>> -> memref<16x128xi32, #tpu.memory_space<hbm>>
      tpu.wait_dma2 semaphore(%run_scoped3A : memref<!tpu.dma_semaphore, #tpu.memory_space<semaphore_mem>>) src(%dma_wait3A_151 : memref<16x128xi32, #tpu.memory_space<hbm>>) dst(%arg6 : memref<16x128xi32, #tpu.memory_space<vmem>>)
      tpu.yield
    }) : () -> ()
    "tpu.region"() ({
      %run_scoped3A = tpu.sem_alloc : memref<!tpu.dma_semaphore, #tpu.memory_space<semaphore_mem>>
      %dma_start3A_136 = arith.constant 16 : i32
      %dma_start3A_137 = arith.constant 0 : i32
      %dma_start3A_138 = tpu.memref_slice %arg4[%add3A, %dma_start3A_136, %dma_start3A_137] : memref<32x80x128xi32, #tpu.memory_space<hbm>> -> memref<1x16x128xi32, #tpu.memory_space<hbm>>
      %dma_start3A_139 = tpu.memref_squeeze %dma_start3A_138 : memref<1x16x128xi32, #tpu.memory_space<hbm>> -> memref<16x128xi32, #tpu.memory_space<hbm>>
      %dma_start3A_140 = arith.constant 16 : i32
      %dma_start3A_141 = arith.constant 0 : i32
      %dma_start3A_142 = tpu.memref_slice %arg4[%add3A, %dma_start3A_140, %dma_start3A_141] : memref<32x80x128xi32, #tpu.memory_space<hbm>> -> memref<1x16x128xi32, #tpu.memory_space<hbm>>
      %dma_start3A_143 = tpu.memref_squeeze %dma_start3A_142 : memref<1x16x128xi32, #tpu.memory_space<hbm>> -> memref<16x128xi32, #tpu.memory_space<hbm>>
      tpu.enqueue_dma source(%dma_start3A_143 : memref<16x128xi32, #tpu.memory_space<hbm>>) target(%arg7 : memref<16x128xi32, #tpu.memory_space<vmem>>) target_semaphore(%run_scoped3A : memref<!tpu.dma_semaphore, #tpu.memory_space<semaphore_mem>>)
      %dma_wait3A_144 = arith.constant 16 : i32
      %dma_wait3A_145 = arith.constant 0 : i32
      %dma_wait3A_146 = tpu.memref_slice %arg4[%add3A, %dma_wait3A_144, %dma_wait3A_145] : memref<32x80x128xi32, #tpu.memory_space<hbm>> -> memref<1x16x128xi32, #tpu.memory_space<hbm>>
      %dma_wait3A_147 = tpu.memref_squeeze %dma_wait3A_146 : memref<1x16x128xi32, #tpu.memory_space<hbm>> -> memref<16x128xi32, #tpu.memory_space<hbm>>
      %dma_wait3A_148 = arith.constant 16 : i32
      %dma_wait3A_149 = arith.constant 0 : i32
      %dma_wait3A_150 = tpu.memref_slice %arg4[%add3A, %dma_wait3A_148, %dma_wait3A_149] : memref<32x80x128xi32, #tpu.memory_space<hbm>> -> memref<1x16x128xi32, #tpu.memory_space<hbm>>
      %dma_wait3A_151 = tpu.memref_squeeze %dma_wait3A_150 : memref<1x16x128xi32, #tpu.memory_space<hbm>> -> memref<16x128xi32, #tpu.memory_space<hbm>>
      tpu.wait_dma2 semaphore(%run_scoped3A : memref<!tpu.dma_semaphore, #tpu.memory_space<semaphore_mem>>) src(%dma_wait3A_151 : memref<16x128xi32, #tpu.memory_space<hbm>>) dst(%arg7 : memref<16x128xi32, #tpu.memory_space<vmem>>)
      tpu.yield
    }) : () -> ()
    %dma_start3A_47 = arith.constant 0 : i32
    %dma_start3A_48 = arith.constant 0 : i32
    %dma_start3A_49 = tpu.memref_slice %arg6[%dma_start3A_47, %dma_start3A_48] : memref<16x128xi32, #tpu.memory_space<vmem>> -> memref<1x128xi32, #tpu.memory_space<vmem>>
    %dma_start3A_50 = tpu.memref_squeeze %dma_start3A_49 : memref<1x128xi32, #tpu.memory_space<vmem>> -> memref<128xi32, #tpu.memory_space<vmem>>
    %dma_start3A_51 = arith.constant 0 : i32
    %dma_start3A_52 = arith.constant 0 : i32
    %dma_start3A_53 = tpu.memref_slice %arg2[%dma_start3A_51, %dma_start3A_52] : memref<10240x128xf32, #tpu.memory_space<hbm>> -> memref<10240x128xf32, #tpu.memory_space<hbm>>
    tpu.enqueue_indirect_dma source(%dma_start3A_53 : memref<10240x128xf32, #tpu.memory_space<hbm>>) target(%arg8 : memref<128x128xf32, #tpu.memory_space<vmem>>) offsets(%dma_start3A_50 : memref<128xi32, #tpu.memory_space<vmem>>) semaphore(%arg11 : memref<!tpu.dma_semaphore, #tpu.memory_space<semaphore_mem>>)
    %scan3A_54 = arith.constant 0 : i32
    %scan3A_55 = arith.constant 0 : i32
    %scan3A_56 = arith.constant 8 : i32
    %scan3A_57 = arith.addi %scan3A_55, %scan3A_56 : i32
    %scan3A_58 = arith.constant 1 : i32
    %scan3A_59 = scf.for %scan3A_136 = %scan3A_55 to %scan3A_57 step %scan3A_58 iter_args(%scan3A_137 = %scan3A_54) -> (i32)  : i32 {
      %mul3A_138 = arith.constant 2 : i32
      %mul3A_139 = arith.muli %mul3A_138, %scan3A_136 : i32
      %add3A_140 = arith.constant 1 : i32
      %add3A_141 = arith.addi %mul3A_139, %add3A_140 : i32
      %dma_start3A_142 = arith.constant 0 : i32
      %dma_start3A_143 = tpu.memref_slice %arg6[%add3A_141, %dma_start3A_142] : memref<16x128xi32, #tpu.memory_space<vmem>> -> memref<1x128xi32, #tpu.memory_space<vmem>>
      %dma_start3A_144 = tpu.memref_squeeze %dma_start3A_143 : memref<1x128xi32, #tpu.memory_space<vmem>> -> memref<128xi32, #tpu.memory_space<vmem>>
      %dma_start3A_145 = arith.constant 0 : i32
      %dma_start3A_146 = arith.constant 0 : i32
      %dma_start3A_147 = tpu.memref_slice %arg2[%dma_start3A_145, %dma_start3A_146] : memref<10240x128xf32, #tpu.memory_space<hbm>> -> memref<10240x128xf32, #tpu.memory_space<hbm>>
      tpu.enqueue_indirect_dma source(%dma_start3A_147 : memref<10240x128xf32, #tpu.memory_space<hbm>>) target(%arg9 : memref<128x128xf32, #tpu.memory_space<vmem>>) offsets(%dma_start3A_144 : memref<128xi32, #tpu.memory_space<vmem>>) semaphore(%arg12 : memref<!tpu.dma_semaphore, #tpu.memory_space<semaphore_mem>>)
      %mul3A_148 = arith.constant 2 : i32
      %mul3A_149 = arith.muli %mul3A_148, %scan3A_136 : i32
      %dma_wait3A_150 = arith.constant 0 : i32
      %dma_wait3A_151 = tpu.memref_slice %arg6[%mul3A_149, %dma_wait3A_150] : memref<16x128xi32, #tpu.memory_space<vmem>> -> memref<1x128xi32, #tpu.memory_space<vmem>>
      %dma_wait3A_152 = tpu.memref_squeeze %dma_wait3A_151 : memref<1x128xi32, #tpu.memory_space<vmem>> -> memref<128xi32, #tpu.memory_space<vmem>>
      %dma_wait3A_153 = arith.constant 0 : i32
      %dma_wait3A_154 = arith.constant 0 : i32
      %dma_wait3A_155 = tpu.memref_slice %arg2[%dma_wait3A_153, %dma_wait3A_154] : memref<10240x128xf32, #tpu.memory_space<hbm>> -> memref<10240x128xf32, #tpu.memory_space<hbm>>
      tpu.wait_indirect_dma semaphore(%arg11 : memref<!tpu.dma_semaphore, #tpu.memory_space<semaphore_mem>>) src(%dma_wait3A_155 : memref<10240x128xf32, #tpu.memory_space<hbm>>) dst(%arg8 : memref<128x128xf32, #tpu.memory_space<vmem>>)
      %mul3A_156 = arith.constant 2 : i32
      %mul3A_157 = arith.muli %mul3A_156, %scan3A_136 : i32
      "tpu.region"() ({
        %run_scoped3A = tpu.sem_alloc : memref<!tpu.dma_semaphore, #tpu.memory_space<semaphore_mem>>
        %dma_start3A_184 = arith.constant 0 : i32
        %dma_start3A_185 = tpu.memref_slice %arg7[%mul3A_157, %dma_start3A_184] : memref<16x128xi32, #tpu.memory_space<vmem>> -> memref<1x128xi32, #tpu.memory_space<vmem>>
        %dma_start3A_186 = tpu.memref_squeeze %dma_start3A_185 : memref<1x128xi32, #tpu.memory_space<vmem>> -> memref<128xi32, #tpu.memory_space<vmem>>
        %dma_start3A_187 = arith.constant 0 : i32
        %dma_start3A_188 = arith.constant 0 : i32
        %dma_start3A_189 = tpu.memref_slice %arg10[%dma_start3A_187, %dma_start3A_188] : memref<10240x128xf32, #tpu.memory_space<vmem_shared>> -> memref<10240x128xf32, #tpu.memory_space<vmem_shared>>
        tpu.enqueue_indirect_dma source(%arg8 : memref<128x128xf32, #tpu.memory_space<vmem>>) target(%dma_start3A_189 : memref<10240x128xf32, #tpu.memory_space<vmem_shared>>) offsets(%dma_start3A_186 : memref<128xi32, #tpu.memory_space<vmem>>) semaphore(%run_scoped3A : memref<!tpu.dma_semaphore, #tpu.memory_space<semaphore_mem>>) {add = true}
        %dma_wait3A_190 = arith.constant 0 : i32
        %dma_wait3A_191 = tpu.memref_slice %arg7[%mul3A_157, %dma_wait3A_190] : memref<16x128xi32, #tpu.memory_space<vmem>> -> memref<1x128xi32, #tpu.memory_space<vmem>>
        %dma_wait3A_192 = tpu.memref_squeeze %dma_wait3A_191 : memref<1x128xi32, #tpu.memory_space<vmem>> -> memref<128xi32, #tpu.memory_space<vmem>>
        %dma_wait3A_193 = arith.constant 0 : i32
        %dma_wait3A_194 = arith.constant 0 : i32
        %dma_wait3A_195 = tpu.memref_slice %arg10[%dma_wait3A_193, %dma_wait3A_194] : memref<10240x128xf32, #tpu.memory_space<vmem_shared>> -> memref<10240x128xf32, #tpu.memory_space<vmem_shared>>
        tpu.wait_indirect_dma semaphore(%run_scoped3A : memref<!tpu.dma_semaphore, #tpu.memory_space<semaphore_mem>>) src(%arg8 : memref<128x128xf32, #tpu.memory_space<vmem>>) dst(%dma_wait3A_195 : memref<10240x128xf32, #tpu.memory_space<vmem_shared>>)
        tpu.yield
      }) : () -> ()
      %mul3A_158 = arith.constant 2 : i32
      %mul3A_159 = arith.muli %mul3A_158, %scan3A_136 : i32
      %add3A_160 = arith.constant 2 : i32
      %add3A_161 = arith.addi %mul3A_159, %add3A_160 : i32
      %min3A = arith.constant 15 : i32
      %min3A_162 = arith.minsi %add3A_161, %min3A : i32
      %dma_start3A_163 = arith.constant 0 : i32
      %dma_start3A_164 = tpu.memref_slice %arg6[%min3A_162, %dma_start3A_163] : memref<16x128xi32, #tpu.memory_space<vmem>> -> memref<1x128xi32, #tpu.memory_space<vmem>>
      %dma_start3A_165 = tpu.memref_squeeze %dma_start3A_164 : memref<1x128xi32, #tpu.memory_space<vmem>> -> memref<128xi32, #tpu.memory_space<vmem>>
      %dma_start3A_166 = arith.constant 0 : i32
      %dma_start3A_167 = arith.constant 0 : i32
      %dma_start3A_168 = tpu.memref_slice %arg2[%dma_start3A_166, %dma_start3A_167] : memref<10240x128xf32, #tpu.memory_space<hbm>> -> memref<10240x128xf32, #tpu.memory_space<hbm>>
      tpu.enqueue_indirect_dma source(%dma_start3A_168 : memref<10240x128xf32, #tpu.memory_space<hbm>>) target(%arg8 : memref<128x128xf32, #tpu.memory_space<vmem>>) offsets(%dma_start3A_165 : memref<128xi32, #tpu.memory_space<vmem>>) semaphore(%arg11 : memref<!tpu.dma_semaphore, #tpu.memory_space<semaphore_mem>>)
      %mul3A_169 = arith.constant 2 : i32
      %mul3A_170 = arith.muli %mul3A_169, %scan3A_136 : i32
      %add3A_171 = arith.constant 1 : i32
      %add3A_172 = arith.addi %mul3A_170, %add3A_171 : i32
      %dma_wait3A_173 = arith.constant 0 : i32
      %dma_wait3A_174 = tpu.memref_slice %arg6[%add3A_172, %dma_wait3A_173] : memref<16x128xi32, #tpu.memory_space<vmem>> -> memref<1x128xi32, #tpu.memory_space<vmem>>
      %dma_wait3A_175 = tpu.memref_squeeze %dma_wait3A_174 : memref<1x128xi32, #tpu.memory_space<vmem>> -> memref<128xi32, #tpu.memory_space<vmem>>
      %dma_wait3A_176 = arith.constant 0 : i32
      %dma_wait3A_177 = arith.constant 0 : i32
      %dma_wait3A_178 = tpu.memref_slice %arg2[%dma_wait3A_176, %dma_wait3A_177] : memref<10240x128xf32, #tpu.memory_space<hbm>> -> memref<10240x128xf32, #tpu.memory_space<hbm>>
      tpu.wait_indirect_dma semaphore(%arg12 : memref<!tpu.dma_semaphore, #tpu.memory_space<semaphore_mem>>) src(%dma_wait3A_178 : memref<10240x128xf32, #tpu.memory_space<hbm>>) dst(%arg9 : memref<128x128xf32, #tpu.memory_space<vmem>>)
      %mul3A_179 = arith.constant 2 : i32
      %mul3A_180 = arith.muli %mul3A_179, %scan3A_136 : i32
      %add3A_181 = arith.constant 1 : i32
      %add3A_182 = arith.addi %mul3A_180, %add3A_181 : i32
      "tpu.region"() ({
        %run_scoped3A = tpu.sem_alloc : memref<!tpu.dma_semaphore, #tpu.memory_space<semaphore_mem>>
        %dma_start3A_184 = arith.constant 0 : i32
        %dma_start3A_185 = tpu.memref_slice %arg7[%add3A_182, %dma_start3A_184] : memref<16x128xi32, #tpu.memory_space<vmem>> -> memref<1x128xi32, #tpu.memory_space<vmem>>
        %dma_start3A_186 = tpu.memref_squeeze %dma_start3A_185 : memref<1x128xi32, #tpu.memory_space<vmem>> -> memref<128xi32, #tpu.memory_space<vmem>>
        %dma_start3A_187 = arith.constant 0 : i32
        %dma_start3A_188 = arith.constant 0 : i32
        %dma_start3A_189 = tpu.memref_slice %arg10[%dma_start3A_187, %dma_start3A_188] : memref<10240x128xf32, #tpu.memory_space<vmem_shared>> -> memref<10240x128xf32, #tpu.memory_space<vmem_shared>>
        tpu.enqueue_indirect_dma source(%arg9 : memref<128x128xf32, #tpu.memory_space<vmem>>) target(%dma_start3A_189 : memref<10240x128xf32, #tpu.memory_space<vmem_shared>>) offsets(%dma_start3A_186 : memref<128xi32, #tpu.memory_space<vmem>>) semaphore(%run_scoped3A : memref<!tpu.dma_semaphore, #tpu.memory_space<semaphore_mem>>) {add = true}
        %dma_wait3A_190 = arith.constant 0 : i32
        %dma_wait3A_191 = tpu.memref_slice %arg7[%add3A_182, %dma_wait3A_190] : memref<16x128xi32, #tpu.memory_space<vmem>> -> memref<1x128xi32, #tpu.memory_space<vmem>>
        %dma_wait3A_192 = tpu.memref_squeeze %dma_wait3A_191 : memref<1x128xi32, #tpu.memory_space<vmem>> -> memref<128xi32, #tpu.memory_space<vmem>>
        %dma_wait3A_193 = arith.constant 0 : i32
        %dma_wait3A_194 = arith.constant 0 : i32
        %dma_wait3A_195 = tpu.memref_slice %arg10[%dma_wait3A_193, %dma_wait3A_194] : memref<10240x128xf32, #tpu.memory_space<vmem_shared>> -> memref<10240x128xf32, #tpu.memory_space<vmem_shared>>
        tpu.wait_indirect_dma semaphore(%run_scoped3A : memref<!tpu.dma_semaphore, #tpu.memory_space<semaphore_mem>>) src(%arg9 : memref<128x128xf32, #tpu.memory_space<vmem>>) dst(%dma_wait3A_195 : memref<10240x128xf32, #tpu.memory_space<vmem_shared>>)
        tpu.yield
      }) : () -> ()
      %scan3A_183 = arith.constant 0 : i32
      scf.yield %scan3A_183 : i32
    }
    %scan3A_60 = arith.constant 8 : i32
    %dma_wait3A_61 = arith.constant 15 : i32
    %dma_wait3A_62 = arith.constant 0 : i32
    %dma_wait3A_63 = tpu.memref_slice %arg6[%dma_wait3A_61, %dma_wait3A_62] : memref<16x128xi32, #tpu.memory_space<vmem>> -> memref<1x128xi32, #tpu.memory_space<vmem>>
    %dma_wait3A_64 = tpu.memref_squeeze %dma_wait3A_63 : memref<1x128xi32, #tpu.memory_space<vmem>> -> memref<128xi32, #tpu.memory_space<vmem>>
    %dma_wait3A_65 = arith.constant 0 : i32
    %dma_wait3A_66 = arith.constant 0 : i32
    %dma_wait3A_67 = tpu.memref_slice %arg2[%dma_wait3A_65, %dma_wait3A_66] : memref<10240x128xf32, #tpu.memory_space<hbm>> -> memref<10240x128xf32, #tpu.memory_space<hbm>>
    tpu.wait_indirect_dma semaphore(%arg11 : memref<!tpu.dma_semaphore, #tpu.memory_space<semaphore_mem>>) src(%dma_wait3A_67 : memref<10240x128xf32, #tpu.memory_space<hbm>>) dst(%arg8 : memref<128x128xf32, #tpu.memory_space<vmem>>)
    "tpu.region"() ({
      %run_scoped3A = tpu.sem_alloc : memref<!tpu.dma_semaphore, #tpu.memory_space<semaphore_mem>>
      %dma_start3A_136 = arith.constant 32 : i32
      %dma_start3A_137 = arith.constant 0 : i32
      %dma_start3A_138 = tpu.memref_slice %arg3[%add3A, %dma_start3A_136, %dma_start3A_137] : memref<32x80x128xi32, #tpu.memory_space<hbm>> -> memref<1x16x128xi32, #tpu.memory_space<hbm>>
      %dma_start3A_139 = tpu.memref_squeeze %dma_start3A_138 : memref<1x16x128xi32, #tpu.memory_space<hbm>> -> memref<16x128xi32, #tpu.memory_space<hbm>>
      %dma_start3A_140 = arith.constant 32 : i32
      %dma_start3A_141 = arith.constant 0 : i32
      %dma_start3A_142 = tpu.memref_slice %arg3[%add3A, %dma_start3A_140, %dma_start3A_141] : memref<32x80x128xi32, #tpu.memory_space<hbm>> -> memref<1x16x128xi32, #tpu.memory_space<hbm>>
      %dma_start3A_143 = tpu.memref_squeeze %dma_start3A_142 : memref<1x16x128xi32, #tpu.memory_space<hbm>> -> memref<16x128xi32, #tpu.memory_space<hbm>>
      tpu.enqueue_dma source(%dma_start3A_143 : memref<16x128xi32, #tpu.memory_space<hbm>>) target(%arg6 : memref<16x128xi32, #tpu.memory_space<vmem>>) target_semaphore(%run_scoped3A : memref<!tpu.dma_semaphore, #tpu.memory_space<semaphore_mem>>)
      %dma_wait3A_144 = arith.constant 32 : i32
      %dma_wait3A_145 = arith.constant 0 : i32
      %dma_wait3A_146 = tpu.memref_slice %arg3[%add3A, %dma_wait3A_144, %dma_wait3A_145] : memref<32x80x128xi32, #tpu.memory_space<hbm>> -> memref<1x16x128xi32, #tpu.memory_space<hbm>>
      %dma_wait3A_147 = tpu.memref_squeeze %dma_wait3A_146 : memref<1x16x128xi32, #tpu.memory_space<hbm>> -> memref<16x128xi32, #tpu.memory_space<hbm>>
      %dma_wait3A_148 = arith.constant 32 : i32
      %dma_wait3A_149 = arith.constant 0 : i32
      %dma_wait3A_150 = tpu.memref_slice %arg3[%add3A, %dma_wait3A_148, %dma_wait3A_149] : memref<32x80x128xi32, #tpu.memory_space<hbm>> -> memref<1x16x128xi32, #tpu.memory_space<hbm>>
      %dma_wait3A_151 = tpu.memref_squeeze %dma_wait3A_150 : memref<1x16x128xi32, #tpu.memory_space<hbm>> -> memref<16x128xi32, #tpu.memory_space<hbm>>
      tpu.wait_dma2 semaphore(%run_scoped3A : memref<!tpu.dma_semaphore, #tpu.memory_space<semaphore_mem>>) src(%dma_wait3A_151 : memref<16x128xi32, #tpu.memory_space<hbm>>) dst(%arg6 : memref<16x128xi32, #tpu.memory_space<vmem>>)
      tpu.yield
    }) : () -> ()
    "tpu.region"() ({
      %run_scoped3A = tpu.sem_alloc : memref<!tpu.dma_semaphore, #tpu.memory_space<semaphore_mem>>
      %dma_start3A_136 = arith.constant 32 : i32
      %dma_start3A_137 = arith.constant 0 : i32
      %dma_start3A_138 = tpu.memref_slice %arg4[%add3A, %dma_start3A_136, %dma_start3A_137] : memref<32x80x128xi32, #tpu.memory_space<hbm>> -> memref<1x16x128xi32, #tpu.memory_space<hbm>>
      %dma_start3A_139 = tpu.memref_squeeze %dma_start3A_138 : memref<1x16x128xi32, #tpu.memory_space<hbm>> -> memref<16x128xi32, #tpu.memory_space<hbm>>
      %dma_start3A_140 = arith.constant 32 : i32
      %dma_start3A_141 = arith.constant 0 : i32
      %dma_start3A_142 = tpu.memref_slice %arg4[%add3A, %dma_start3A_140, %dma_start3A_141] : memref<32x80x128xi32, #tpu.memory_space<hbm>> -> memref<1x16x128xi32, #tpu.memory_space<hbm>>
      %dma_start3A_143 = tpu.memref_squeeze %dma_start3A_142 : memref<1x16x128xi32, #tpu.memory_space<hbm>> -> memref<16x128xi32, #tpu.memory_space<hbm>>
      tpu.enqueue_dma source(%dma_start3A_143 : memref<16x128xi32, #tpu.memory_space<hbm>>) target(%arg7 : memref<16x128xi32, #tpu.memory_space<vmem>>) target_semaphore(%run_scoped3A : memref<!tpu.dma_semaphore, #tpu.memory_space<semaphore_mem>>)
      %dma_wait3A_144 = arith.constant 32 : i32
      %dma_wait3A_145 = arith.constant 0 : i32
      %dma_wait3A_146 = tpu.memref_slice %arg4[%add3A, %dma_wait3A_144, %dma_wait3A_145] : memref<32x80x128xi32, #tpu.memory_space<hbm>> -> memref<1x16x128xi32, #tpu.memory_space<hbm>>
      %dma_wait3A_147 = tpu.memref_squeeze %dma_wait3A_146 : memref<1x16x128xi32, #tpu.memory_space<hbm>> -> memref<16x128xi32, #tpu.memory_space<hbm>>
      %dma_wait3A_148 = arith.constant 32 : i32
      %dma_wait3A_149 = arith.constant 0 : i32
      %dma_wait3A_150 = tpu.memref_slice %arg4[%add3A, %dma_wait3A_148, %dma_wait3A_149] : memref<32x80x128xi32, #tpu.memory_space<hbm>> -> memref<1x16x128xi32, #tpu.memory_space<hbm>>
      %dma_wait3A_151 = tpu.memref_squeeze %dma_wait3A_150 : memref<1x16x128xi32, #tpu.memory_space<hbm>> -> memref<16x128xi32, #tpu.memory_space<hbm>>
      tpu.wait_dma2 semaphore(%run_scoped3A : memref<!tpu.dma_semaphore, #tpu.memory_space<semaphore_mem>>) src(%dma_wait3A_151 : memref<16x128xi32, #tpu.memory_space<hbm>>) dst(%arg7 : memref<16x128xi32, #tpu.memory_space<vmem>>)
      tpu.yield
    }) : () -> ()
    %dma_start3A_68 = arith.constant 0 : i32
    %dma_start3A_69 = arith.constant 0 : i32
    %dma_start3A_70 = tpu.memref_slice %arg6[%dma_start3A_68, %dma_start3A_69] : memref<16x128xi32, #tpu.memory_space<vmem>> -> memref<1x128xi32, #tpu.memory_space<vmem>>
    %dma_start3A_71 = tpu.memref_squeeze %dma_start3A_70 : memref<1x128xi32, #tpu.memory_space<vmem>> -> memref<128xi32, #tpu.memory_space<vmem>>
    %dma_start3A_72 = arith.constant 0 : i32
    %dma_start3A_73 = arith.constant 0 : i32
    %dma_start3A_74 = tpu.memref_slice %arg2[%dma_start3A_72, %dma_start3A_73] : memref<10240x128xf32, #tpu.memory_space<hbm>> -> memref<10240x128xf32, #tpu.memory_space<hbm>>
    tpu.enqueue_indirect_dma source(%dma_start3A_74 : memref<10240x128xf32, #tpu.memory_space<hbm>>) target(%arg8 : memref<128x128xf32, #tpu.memory_space<vmem>>) offsets(%dma_start3A_71 : memref<128xi32, #tpu.memory_space<vmem>>) semaphore(%arg11 : memref<!tpu.dma_semaphore, #tpu.memory_space<semaphore_mem>>)
    %scan3A_75 = arith.constant 0 : i32
    %scan3A_76 = arith.constant 0 : i32
    %scan3A_77 = arith.constant 8 : i32
    %scan3A_78 = arith.addi %scan3A_76, %scan3A_77 : i32
    %scan3A_79 = arith.constant 1 : i32
    %scan3A_80 = scf.for %scan3A_136 = %scan3A_76 to %scan3A_78 step %scan3A_79 iter_args(%scan3A_137 = %scan3A_75) -> (i32)  : i32 {
      %mul3A_138 = arith.constant 2 : i32
      %mul3A_139 = arith.muli %mul3A_138, %scan3A_136 : i32
      %add3A_140 = arith.constant 1 : i32
      %add3A_141 = arith.addi %mul3A_139, %add3A_140 : i32
      %dma_start3A_142 = arith.constant 0 : i32
      %dma_start3A_143 = tpu.memref_slice %arg6[%add3A_141, %dma_start3A_142] : memref<16x128xi32, #tpu.memory_space<vmem>> -> memref<1x128xi32, #tpu.memory_space<vmem>>
      %dma_start3A_144 = tpu.memref_squeeze %dma_start3A_143 : memref<1x128xi32, #tpu.memory_space<vmem>> -> memref<128xi32, #tpu.memory_space<vmem>>
      %dma_start3A_145 = arith.constant 0 : i32
      %dma_start3A_146 = arith.constant 0 : i32
      %dma_start3A_147 = tpu.memref_slice %arg2[%dma_start3A_145, %dma_start3A_146] : memref<10240x128xf32, #tpu.memory_space<hbm>> -> memref<10240x128xf32, #tpu.memory_space<hbm>>
      tpu.enqueue_indirect_dma source(%dma_start3A_147 : memref<10240x128xf32, #tpu.memory_space<hbm>>) target(%arg9 : memref<128x128xf32, #tpu.memory_space<vmem>>) offsets(%dma_start3A_144 : memref<128xi32, #tpu.memory_space<vmem>>) semaphore(%arg12 : memref<!tpu.dma_semaphore, #tpu.memory_space<semaphore_mem>>)
      %mul3A_148 = arith.constant 2 : i32
      %mul3A_149 = arith.muli %mul3A_148, %scan3A_136 : i32
      %dma_wait3A_150 = arith.constant 0 : i32
      %dma_wait3A_151 = tpu.memref_slice %arg6[%mul3A_149, %dma_wait3A_150] : memref<16x128xi32, #tpu.memory_space<vmem>> -> memref<1x128xi32, #tpu.memory_space<vmem>>
      %dma_wait3A_152 = tpu.memref_squeeze %dma_wait3A_151 : memref<1x128xi32, #tpu.memory_space<vmem>> -> memref<128xi32, #tpu.memory_space<vmem>>
      %dma_wait3A_153 = arith.constant 0 : i32
      %dma_wait3A_154 = arith.constant 0 : i32
      %dma_wait3A_155 = tpu.memref_slice %arg2[%dma_wait3A_153, %dma_wait3A_154] : memref<10240x128xf32, #tpu.memory_space<hbm>> -> memref<10240x128xf32, #tpu.memory_space<hbm>>
      tpu.wait_indirect_dma semaphore(%arg11 : memref<!tpu.dma_semaphore, #tpu.memory_space<semaphore_mem>>) src(%dma_wait3A_155 : memref<10240x128xf32, #tpu.memory_space<hbm>>) dst(%arg8 : memref<128x128xf32, #tpu.memory_space<vmem>>)
      %mul3A_156 = arith.constant 2 : i32
      %mul3A_157 = arith.muli %mul3A_156, %scan3A_136 : i32
      "tpu.region"() ({
        %run_scoped3A = tpu.sem_alloc : memref<!tpu.dma_semaphore, #tpu.memory_space<semaphore_mem>>
        %dma_start3A_184 = arith.constant 0 : i32
        %dma_start3A_185 = tpu.memref_slice %arg7[%mul3A_157, %dma_start3A_184] : memref<16x128xi32, #tpu.memory_space<vmem>> -> memref<1x128xi32, #tpu.memory_space<vmem>>
        %dma_start3A_186 = tpu.memref_squeeze %dma_start3A_185 : memref<1x128xi32, #tpu.memory_space<vmem>> -> memref<128xi32, #tpu.memory_space<vmem>>
        %dma_start3A_187 = arith.constant 0 : i32
        %dma_start3A_188 = arith.constant 0 : i32
        %dma_start3A_189 = tpu.memref_slice %arg10[%dma_start3A_187, %dma_start3A_188] : memref<10240x128xf32, #tpu.memory_space<vmem_shared>> -> memref<10240x128xf32, #tpu.memory_space<vmem_shared>>
        tpu.enqueue_indirect_dma source(%arg8 : memref<128x128xf32, #tpu.memory_space<vmem>>) target(%dma_start3A_189 : memref<10240x128xf32, #tpu.memory_space<vmem_shared>>) offsets(%dma_start3A_186 : memref<128xi32, #tpu.memory_space<vmem>>) semaphore(%run_scoped3A : memref<!tpu.dma_semaphore, #tpu.memory_space<semaphore_mem>>) {add = true}
        %dma_wait3A_190 = arith.constant 0 : i32
        %dma_wait3A_191 = tpu.memref_slice %arg7[%mul3A_157, %dma_wait3A_190] : memref<16x128xi32, #tpu.memory_space<vmem>> -> memref<1x128xi32, #tpu.memory_space<vmem>>
        %dma_wait3A_192 = tpu.memref_squeeze %dma_wait3A_191 : memref<1x128xi32, #tpu.memory_space<vmem>> -> memref<128xi32, #tpu.memory_space<vmem>>
        %dma_wait3A_193 = arith.constant 0 : i32
        %dma_wait3A_194 = arith.constant 0 : i32
        %dma_wait3A_195 = tpu.memref_slice %arg10[%dma_wait3A_193, %dma_wait3A_194] : memref<10240x128xf32, #tpu.memory_space<vmem_shared>> -> memref<10240x128xf32, #tpu.memory_space<vmem_shared>>
        tpu.wait_indirect_dma semaphore(%run_scoped3A : memref<!tpu.dma_semaphore, #tpu.memory_space<semaphore_mem>>) src(%arg8 : memref<128x128xf32, #tpu.memory_space<vmem>>) dst(%dma_wait3A_195 : memref<10240x128xf32, #tpu.memory_space<vmem_shared>>)
        tpu.yield
      }) : () -> ()
      %mul3A_158 = arith.constant 2 : i32
      %mul3A_159 = arith.muli %mul3A_158, %scan3A_136 : i32
      %add3A_160 = arith.constant 2 : i32
      %add3A_161 = arith.addi %mul3A_159, %add3A_160 : i32
      %min3A = arith.constant 15 : i32
      %min3A_162 = arith.minsi %add3A_161, %min3A : i32
      %dma_start3A_163 = arith.constant 0 : i32
      %dma_start3A_164 = tpu.memref_slice %arg6[%min3A_162, %dma_start3A_163] : memref<16x128xi32, #tpu.memory_space<vmem>> -> memref<1x128xi32, #tpu.memory_space<vmem>>
      %dma_start3A_165 = tpu.memref_squeeze %dma_start3A_164 : memref<1x128xi32, #tpu.memory_space<vmem>> -> memref<128xi32, #tpu.memory_space<vmem>>
      %dma_start3A_166 = arith.constant 0 : i32
      %dma_start3A_167 = arith.constant 0 : i32
      %dma_start3A_168 = tpu.memref_slice %arg2[%dma_start3A_166, %dma_start3A_167] : memref<10240x128xf32, #tpu.memory_space<hbm>> -> memref<10240x128xf32, #tpu.memory_space<hbm>>
      tpu.enqueue_indirect_dma source(%dma_start3A_168 : memref<10240x128xf32, #tpu.memory_space<hbm>>) target(%arg8 : memref<128x128xf32, #tpu.memory_space<vmem>>) offsets(%dma_start3A_165 : memref<128xi32, #tpu.memory_space<vmem>>) semaphore(%arg11 : memref<!tpu.dma_semaphore, #tpu.memory_space<semaphore_mem>>)
      %mul3A_169 = arith.constant 2 : i32
      %mul3A_170 = arith.muli %mul3A_169, %scan3A_136 : i32
      %add3A_171 = arith.constant 1 : i32
      %add3A_172 = arith.addi %mul3A_170, %add3A_171 : i32
      %dma_wait3A_173 = arith.constant 0 : i32
      %dma_wait3A_174 = tpu.memref_slice %arg6[%add3A_172, %dma_wait3A_173] : memref<16x128xi32, #tpu.memory_space<vmem>> -> memref<1x128xi32, #tpu.memory_space<vmem>>
      %dma_wait3A_175 = tpu.memref_squeeze %dma_wait3A_174 : memref<1x128xi32, #tpu.memory_space<vmem>> -> memref<128xi32, #tpu.memory_space<vmem>>
      %dma_wait3A_176 = arith.constant 0 : i32
      %dma_wait3A_177 = arith.constant 0 : i32
      %dma_wait3A_178 = tpu.memref_slice %arg2[%dma_wait3A_176, %dma_wait3A_177] : memref<10240x128xf32, #tpu.memory_space<hbm>> -> memref<10240x128xf32, #tpu.memory_space<hbm>>
      tpu.wait_indirect_dma semaphore(%arg12 : memref<!tpu.dma_semaphore, #tpu.memory_space<semaphore_mem>>) src(%dma_wait3A_178 : memref<10240x128xf32, #tpu.memory_space<hbm>>) dst(%arg9 : memref<128x128xf32, #tpu.memory_space<vmem>>)
      %mul3A_179 = arith.constant 2 : i32
      %mul3A_180 = arith.muli %mul3A_179, %scan3A_136 : i32
      %add3A_181 = arith.constant 1 : i32
      %add3A_182 = arith.addi %mul3A_180, %add3A_181 : i32
      "tpu.region"() ({
        %run_scoped3A = tpu.sem_alloc : memref<!tpu.dma_semaphore, #tpu.memory_space<semaphore_mem>>
        %dma_start3A_184 = arith.constant 0 : i32
        %dma_start3A_185 = tpu.memref_slice %arg7[%add3A_182, %dma_start3A_184] : memref<16x128xi32, #tpu.memory_space<vmem>> -> memref<1x128xi32, #tpu.memory_space<vmem>>
        %dma_start3A_186 = tpu.memref_squeeze %dma_start3A_185 : memref<1x128xi32, #tpu.memory_space<vmem>> -> memref<128xi32, #tpu.memory_space<vmem>>
        %dma_start3A_187 = arith.constant 0 : i32
        %dma_start3A_188 = arith.constant 0 : i32
        %dma_start3A_189 = tpu.memref_slice %arg10[%dma_start3A_187, %dma_start3A_188] : memref<10240x128xf32, #tpu.memory_space<vmem_shared>> -> memref<10240x128xf32, #tpu.memory_space<vmem_shared>>
        tpu.enqueue_indirect_dma source(%arg9 : memref<128x128xf32, #tpu.memory_space<vmem>>) target(%dma_start3A_189 : memref<10240x128xf32, #tpu.memory_space<vmem_shared>>) offsets(%dma_start3A_186 : memref<128xi32, #tpu.memory_space<vmem>>) semaphore(%run_scoped3A : memref<!tpu.dma_semaphore, #tpu.memory_space<semaphore_mem>>) {add = true}
        %dma_wait3A_190 = arith.constant 0 : i32
        %dma_wait3A_191 = tpu.memref_slice %arg7[%add3A_182, %dma_wait3A_190] : memref<16x128xi32, #tpu.memory_space<vmem>> -> memref<1x128xi32, #tpu.memory_space<vmem>>
        %dma_wait3A_192 = tpu.memref_squeeze %dma_wait3A_191 : memref<1x128xi32, #tpu.memory_space<vmem>> -> memref<128xi32, #tpu.memory_space<vmem>>
        %dma_wait3A_193 = arith.constant 0 : i32
        %dma_wait3A_194 = arith.constant 0 : i32
        %dma_wait3A_195 = tpu.memref_slice %arg10[%dma_wait3A_193, %dma_wait3A_194] : memref<10240x128xf32, #tpu.memory_space<vmem_shared>> -> memref<10240x128xf32, #tpu.memory_space<vmem_shared>>
        tpu.wait_indirect_dma semaphore(%run_scoped3A : memref<!tpu.dma_semaphore, #tpu.memory_space<semaphore_mem>>) src(%arg9 : memref<128x128xf32, #tpu.memory_space<vmem>>) dst(%dma_wait3A_195 : memref<10240x128xf32, #tpu.memory_space<vmem_shared>>)
        tpu.yield
      }) : () -> ()
      %scan3A_183 = arith.constant 0 : i32
      scf.yield %scan3A_183 : i32
    }
    %scan3A_81 = arith.constant 8 : i32
    %dma_wait3A_82 = arith.constant 15 : i32
    %dma_wait3A_83 = arith.constant 0 : i32
    %dma_wait3A_84 = tpu.memref_slice %arg6[%dma_wait3A_82, %dma_wait3A_83] : memref<16x128xi32, #tpu.memory_space<vmem>> -> memref<1x128xi32, #tpu.memory_space<vmem>>
    %dma_wait3A_85 = tpu.memref_squeeze %dma_wait3A_84 : memref<1x128xi32, #tpu.memory_space<vmem>> -> memref<128xi32, #tpu.memory_space<vmem>>
    %dma_wait3A_86 = arith.constant 0 : i32
    %dma_wait3A_87 = arith.constant 0 : i32
    %dma_wait3A_88 = tpu.memref_slice %arg2[%dma_wait3A_86, %dma_wait3A_87] : memref<10240x128xf32, #tpu.memory_space<hbm>> -> memref<10240x128xf32, #tpu.memory_space<hbm>>
    tpu.wait_indirect_dma semaphore(%arg11 : memref<!tpu.dma_semaphore, #tpu.memory_space<semaphore_mem>>) src(%dma_wait3A_88 : memref<10240x128xf32, #tpu.memory_space<hbm>>) dst(%arg8 : memref<128x128xf32, #tpu.memory_space<vmem>>)
    "tpu.region"() ({
      %run_scoped3A = tpu.sem_alloc : memref<!tpu.dma_semaphore, #tpu.memory_space<semaphore_mem>>
      %dma_start3A_136 = arith.constant 48 : i32
      %dma_start3A_137 = arith.constant 0 : i32
      %dma_start3A_138 = tpu.memref_slice %arg3[%add3A, %dma_start3A_136, %dma_start3A_137] : memref<32x80x128xi32, #tpu.memory_space<hbm>> -> memref<1x16x128xi32, #tpu.memory_space<hbm>>
      %dma_start3A_139 = tpu.memref_squeeze %dma_start3A_138 : memref<1x16x128xi32, #tpu.memory_space<hbm>> -> memref<16x128xi32, #tpu.memory_space<hbm>>
      %dma_start3A_140 = arith.constant 48 : i32
      %dma_start3A_141 = arith.constant 0 : i32
      %dma_start3A_142 = tpu.memref_slice %arg3[%add3A, %dma_start3A_140, %dma_start3A_141] : memref<32x80x128xi32, #tpu.memory_space<hbm>> -> memref<1x16x128xi32, #tpu.memory_space<hbm>>
      %dma_start3A_143 = tpu.memref_squeeze %dma_start3A_142 : memref<1x16x128xi32, #tpu.memory_space<hbm>> -> memref<16x128xi32, #tpu.memory_space<hbm>>
      tpu.enqueue_dma source(%dma_start3A_143 : memref<16x128xi32, #tpu.memory_space<hbm>>) target(%arg6 : memref<16x128xi32, #tpu.memory_space<vmem>>) target_semaphore(%run_scoped3A : memref<!tpu.dma_semaphore, #tpu.memory_space<semaphore_mem>>)
      %dma_wait3A_144 = arith.constant 48 : i32
      %dma_wait3A_145 = arith.constant 0 : i32
      %dma_wait3A_146 = tpu.memref_slice %arg3[%add3A, %dma_wait3A_144, %dma_wait3A_145] : memref<32x80x128xi32, #tpu.memory_space<hbm>> -> memref<1x16x128xi32, #tpu.memory_space<hbm>>
      %dma_wait3A_147 = tpu.memref_squeeze %dma_wait3A_146 : memref<1x16x128xi32, #tpu.memory_space<hbm>> -> memref<16x128xi32, #tpu.memory_space<hbm>>
      %dma_wait3A_148 = arith.constant 48 : i32
      %dma_wait3A_149 = arith.constant 0 : i32
      %dma_wait3A_150 = tpu.memref_slice %arg3[%add3A, %dma_wait3A_148, %dma_wait3A_149] : memref<32x80x128xi32, #tpu.memory_space<hbm>> -> memref<1x16x128xi32, #tpu.memory_space<hbm>>
      %dma_wait3A_151 = tpu.memref_squeeze %dma_wait3A_150 : memref<1x16x128xi32, #tpu.memory_space<hbm>> -> memref<16x128xi32, #tpu.memory_space<hbm>>
      tpu.wait_dma2 semaphore(%run_scoped3A : memref<!tpu.dma_semaphore, #tpu.memory_space<semaphore_mem>>) src(%dma_wait3A_151 : memref<16x128xi32, #tpu.memory_space<hbm>>) dst(%arg6 : memref<16x128xi32, #tpu.memory_space<vmem>>)
      tpu.yield
    }) : () -> ()
    "tpu.region"() ({
      %run_scoped3A = tpu.sem_alloc : memref<!tpu.dma_semaphore, #tpu.memory_space<semaphore_mem>>
      %dma_start3A_136 = arith.constant 48 : i32
      %dma_start3A_137 = arith.constant 0 : i32
      %dma_start3A_138 = tpu.memref_slice %arg4[%add3A, %dma_start3A_136, %dma_start3A_137] : memref<32x80x128xi32, #tpu.memory_space<hbm>> -> memref<1x16x128xi32, #tpu.memory_space<hbm>>
      %dma_start3A_139 = tpu.memref_squeeze %dma_start3A_138 : memref<1x16x128xi32, #tpu.memory_space<hbm>> -> memref<16x128xi32, #tpu.memory_space<hbm>>
      %dma_start3A_140 = arith.constant 48 : i32
      %dma_start3A_141 = arith.constant 0 : i32
      %dma_start3A_142 = tpu.memref_slice %arg4[%add3A, %dma_start3A_140, %dma_start3A_141] : memref<32x80x128xi32, #tpu.memory_space<hbm>> -> memref<1x16x128xi32, #tpu.memory_space<hbm>>
      %dma_start3A_143 = tpu.memref_squeeze %dma_start3A_142 : memref<1x16x128xi32, #tpu.memory_space<hbm>> -> memref<16x128xi32, #tpu.memory_space<hbm>>
      tpu.enqueue_dma source(%dma_start3A_143 : memref<16x128xi32, #tpu.memory_space<hbm>>) target(%arg7 : memref<16x128xi32, #tpu.memory_space<vmem>>) target_semaphore(%run_scoped3A : memref<!tpu.dma_semaphore, #tpu.memory_space<semaphore_mem>>)
      %dma_wait3A_144 = arith.constant 48 : i32
      %dma_wait3A_145 = arith.constant 0 : i32
      %dma_wait3A_146 = tpu.memref_slice %arg4[%add3A, %dma_wait3A_144, %dma_wait3A_145] : memref<32x80x128xi32, #tpu.memory_space<hbm>> -> memref<1x16x128xi32, #tpu.memory_space<hbm>>
      %dma_wait3A_147 = tpu.memref_squeeze %dma_wait3A_146 : memref<1x16x128xi32, #tpu.memory_space<hbm>> -> memref<16x128xi32, #tpu.memory_space<hbm>>
      %dma_wait3A_148 = arith.constant 48 : i32
      %dma_wait3A_149 = arith.constant 0 : i32
      %dma_wait3A_150 = tpu.memref_slice %arg4[%add3A, %dma_wait3A_148, %dma_wait3A_149] : memref<32x80x128xi32, #tpu.memory_space<hbm>> -> memref<1x16x128xi32, #tpu.memory_space<hbm>>
      %dma_wait3A_151 = tpu.memref_squeeze %dma_wait3A_150 : memref<1x16x128xi32, #tpu.memory_space<hbm>> -> memref<16x128xi32, #tpu.memory_space<hbm>>
      tpu.wait_dma2 semaphore(%run_scoped3A : memref<!tpu.dma_semaphore, #tpu.memory_space<semaphore_mem>>) src(%dma_wait3A_151 : memref<16x128xi32, #tpu.memory_space<hbm>>) dst(%arg7 : memref<16x128xi32, #tpu.memory_space<vmem>>)
      tpu.yield
    }) : () -> ()
    %dma_start3A_89 = arith.constant 0 : i32
    %dma_start3A_90 = arith.constant 0 : i32
    %dma_start3A_91 = tpu.memref_slice %arg6[%dma_start3A_89, %dma_start3A_90] : memref<16x128xi32, #tpu.memory_space<vmem>> -> memref<1x128xi32, #tpu.memory_space<vmem>>
    %dma_start3A_92 = tpu.memref_squeeze %dma_start3A_91 : memref<1x128xi32, #tpu.memory_space<vmem>> -> memref<128xi32, #tpu.memory_space<vmem>>
    %dma_start3A_93 = arith.constant 0 : i32
    %dma_start3A_94 = arith.constant 0 : i32
    %dma_start3A_95 = tpu.memref_slice %arg2[%dma_start3A_93, %dma_start3A_94] : memref<10240x128xf32, #tpu.memory_space<hbm>> -> memref<10240x128xf32, #tpu.memory_space<hbm>>
    tpu.enqueue_indirect_dma source(%dma_start3A_95 : memref<10240x128xf32, #tpu.memory_space<hbm>>) target(%arg8 : memref<128x128xf32, #tpu.memory_space<vmem>>) offsets(%dma_start3A_92 : memref<128xi32, #tpu.memory_space<vmem>>) semaphore(%arg11 : memref<!tpu.dma_semaphore, #tpu.memory_space<semaphore_mem>>)
    %scan3A_96 = arith.constant 0 : i32
    %scan3A_97 = arith.constant 0 : i32
    %scan3A_98 = arith.constant 8 : i32
    %scan3A_99 = arith.addi %scan3A_97, %scan3A_98 : i32
    %scan3A_100 = arith.constant 1 : i32
    %scan3A_101 = scf.for %scan3A_136 = %scan3A_97 to %scan3A_99 step %scan3A_100 iter_args(%scan3A_137 = %scan3A_96) -> (i32)  : i32 {
      %mul3A_138 = arith.constant 2 : i32
      %mul3A_139 = arith.muli %mul3A_138, %scan3A_136 : i32
      %add3A_140 = arith.constant 1 : i32
      %add3A_141 = arith.addi %mul3A_139, %add3A_140 : i32
      %dma_start3A_142 = arith.constant 0 : i32
      %dma_start3A_143 = tpu.memref_slice %arg6[%add3A_141, %dma_start3A_142] : memref<16x128xi32, #tpu.memory_space<vmem>> -> memref<1x128xi32, #tpu.memory_space<vmem>>
      %dma_start3A_144 = tpu.memref_squeeze %dma_start3A_143 : memref<1x128xi32, #tpu.memory_space<vmem>> -> memref<128xi32, #tpu.memory_space<vmem>>
      %dma_start3A_145 = arith.constant 0 : i32
      %dma_start3A_146 = arith.constant 0 : i32
      %dma_start3A_147 = tpu.memref_slice %arg2[%dma_start3A_145, %dma_start3A_146] : memref<10240x128xf32, #tpu.memory_space<hbm>> -> memref<10240x128xf32, #tpu.memory_space<hbm>>
      tpu.enqueue_indirect_dma source(%dma_start3A_147 : memref<10240x128xf32, #tpu.memory_space<hbm>>) target(%arg9 : memref<128x128xf32, #tpu.memory_space<vmem>>) offsets(%dma_start3A_144 : memref<128xi32, #tpu.memory_space<vmem>>) semaphore(%arg12 : memref<!tpu.dma_semaphore, #tpu.memory_space<semaphore_mem>>)
      %mul3A_148 = arith.constant 2 : i32
      %mul3A_149 = arith.muli %mul3A_148, %scan3A_136 : i32
      %dma_wait3A_150 = arith.constant 0 : i32
      %dma_wait3A_151 = tpu.memref_slice %arg6[%mul3A_149, %dma_wait3A_150] : memref<16x128xi32, #tpu.memory_space<vmem>> -> memref<1x128xi32, #tpu.memory_space<vmem>>
      %dma_wait3A_152 = tpu.memref_squeeze %dma_wait3A_151 : memref<1x128xi32, #tpu.memory_space<vmem>> -> memref<128xi32, #tpu.memory_space<vmem>>
      %dma_wait3A_153 = arith.constant 0 : i32
      %dma_wait3A_154 = arith.constant 0 : i32
      %dma_wait3A_155 = tpu.memref_slice %arg2[%dma_wait3A_153, %dma_wait3A_154] : memref<10240x128xf32, #tpu.memory_space<hbm>> -> memref<10240x128xf32, #tpu.memory_space<hbm>>
      tpu.wait_indirect_dma semaphore(%arg11 : memref<!tpu.dma_semaphore, #tpu.memory_space<semaphore_mem>>) src(%dma_wait3A_155 : memref<10240x128xf32, #tpu.memory_space<hbm>>) dst(%arg8 : memref<128x128xf32, #tpu.memory_space<vmem>>)
      %mul3A_156 = arith.constant 2 : i32
      %mul3A_157 = arith.muli %mul3A_156, %scan3A_136 : i32
      "tpu.region"() ({
        %run_scoped3A = tpu.sem_alloc : memref<!tpu.dma_semaphore, #tpu.memory_space<semaphore_mem>>
        %dma_start3A_184 = arith.constant 0 : i32
        %dma_start3A_185 = tpu.memref_slice %arg7[%mul3A_157, %dma_start3A_184] : memref<16x128xi32, #tpu.memory_space<vmem>> -> memref<1x128xi32, #tpu.memory_space<vmem>>
        %dma_start3A_186 = tpu.memref_squeeze %dma_start3A_185 : memref<1x128xi32, #tpu.memory_space<vmem>> -> memref<128xi32, #tpu.memory_space<vmem>>
        %dma_start3A_187 = arith.constant 0 : i32
        %dma_start3A_188 = arith.constant 0 : i32
        %dma_start3A_189 = tpu.memref_slice %arg10[%dma_start3A_187, %dma_start3A_188] : memref<10240x128xf32, #tpu.memory_space<vmem_shared>> -> memref<10240x128xf32, #tpu.memory_space<vmem_shared>>
        tpu.enqueue_indirect_dma source(%arg8 : memref<128x128xf32, #tpu.memory_space<vmem>>) target(%dma_start3A_189 : memref<10240x128xf32, #tpu.memory_space<vmem_shared>>) offsets(%dma_start3A_186 : memref<128xi32, #tpu.memory_space<vmem>>) semaphore(%run_scoped3A : memref<!tpu.dma_semaphore, #tpu.memory_space<semaphore_mem>>) {add = true}
        %dma_wait3A_190 = arith.constant 0 : i32
        %dma_wait3A_191 = tpu.memref_slice %arg7[%mul3A_157, %dma_wait3A_190] : memref<16x128xi32, #tpu.memory_space<vmem>> -> memref<1x128xi32, #tpu.memory_space<vmem>>
        %dma_wait3A_192 = tpu.memref_squeeze %dma_wait3A_191 : memref<1x128xi32, #tpu.memory_space<vmem>> -> memref<128xi32, #tpu.memory_space<vmem>>
        %dma_wait3A_193 = arith.constant 0 : i32
        %dma_wait3A_194 = arith.constant 0 : i32
        %dma_wait3A_195 = tpu.memref_slice %arg10[%dma_wait3A_193, %dma_wait3A_194] : memref<10240x128xf32, #tpu.memory_space<vmem_shared>> -> memref<10240x128xf32, #tpu.memory_space<vmem_shared>>
        tpu.wait_indirect_dma semaphore(%run_scoped3A : memref<!tpu.dma_semaphore, #tpu.memory_space<semaphore_mem>>) src(%arg8 : memref<128x128xf32, #tpu.memory_space<vmem>>) dst(%dma_wait3A_195 : memref<10240x128xf32, #tpu.memory_space<vmem_shared>>)
        tpu.yield
      }) : () -> ()
      %mul3A_158 = arith.constant 2 : i32
      %mul3A_159 = arith.muli %mul3A_158, %scan3A_136 : i32
      %add3A_160 = arith.constant 2 : i32
      %add3A_161 = arith.addi %mul3A_159, %add3A_160 : i32
      %min3A = arith.constant 15 : i32
      %min3A_162 = arith.minsi %add3A_161, %min3A : i32
      %dma_start3A_163 = arith.constant 0 : i32
      %dma_start3A_164 = tpu.memref_slice %arg6[%min3A_162, %dma_start3A_163] : memref<16x128xi32, #tpu.memory_space<vmem>> -> memref<1x128xi32, #tpu.memory_space<vmem>>
      %dma_start3A_165 = tpu.memref_squeeze %dma_start3A_164 : memref<1x128xi32, #tpu.memory_space<vmem>> -> memref<128xi32, #tpu.memory_space<vmem>>
      %dma_start3A_166 = arith.constant 0 : i32
      %dma_start3A_167 = arith.constant 0 : i32
      %dma_start3A_168 = tpu.memref_slice %arg2[%dma_start3A_166, %dma_start3A_167] : memref<10240x128xf32, #tpu.memory_space<hbm>> -> memref<10240x128xf32, #tpu.memory_space<hbm>>
      tpu.enqueue_indirect_dma source(%dma_start3A_168 : memref<10240x128xf32, #tpu.memory_space<hbm>>) target(%arg8 : memref<128x128xf32, #tpu.memory_space<vmem>>) offsets(%dma_start3A_165 : memref<128xi32, #tpu.memory_space<vmem>>) semaphore(%arg11 : memref<!tpu.dma_semaphore, #tpu.memory_space<semaphore_mem>>)
      %mul3A_169 = arith.constant 2 : i32
      %mul3A_170 = arith.muli %mul3A_169, %scan3A_136 : i32
      %add3A_171 = arith.constant 1 : i32
      %add3A_172 = arith.addi %mul3A_170, %add3A_171 : i32
      %dma_wait3A_173 = arith.constant 0 : i32
      %dma_wait3A_174 = tpu.memref_slice %arg6[%add3A_172, %dma_wait3A_173] : memref<16x128xi32, #tpu.memory_space<vmem>> -> memref<1x128xi32, #tpu.memory_space<vmem>>
      %dma_wait3A_175 = tpu.memref_squeeze %dma_wait3A_174 : memref<1x128xi32, #tpu.memory_space<vmem>> -> memref<128xi32, #tpu.memory_space<vmem>>
      %dma_wait3A_176 = arith.constant 0 : i32
      %dma_wait3A_177 = arith.constant 0 : i32
      %dma_wait3A_178 = tpu.memref_slice %arg2[%dma_wait3A_176, %dma_wait3A_177] : memref<10240x128xf32, #tpu.memory_space<hbm>> -> memref<10240x128xf32, #tpu.memory_space<hbm>>
      tpu.wait_indirect_dma semaphore(%arg12 : memref<!tpu.dma_semaphore, #tpu.memory_space<semaphore_mem>>) src(%dma_wait3A_178 : memref<10240x128xf32, #tpu.memory_space<hbm>>) dst(%arg9 : memref<128x128xf32, #tpu.memory_space<vmem>>)
      %mul3A_179 = arith.constant 2 : i32
      %mul3A_180 = arith.muli %mul3A_179, %scan3A_136 : i32
      %add3A_181 = arith.constant 1 : i32
      %add3A_182 = arith.addi %mul3A_180, %add3A_181 : i32
      "tpu.region"() ({
        %run_scoped3A = tpu.sem_alloc : memref<!tpu.dma_semaphore, #tpu.memory_space<semaphore_mem>>
        %dma_start3A_184 = arith.constant 0 : i32
        %dma_start3A_185 = tpu.memref_slice %arg7[%add3A_182, %dma_start3A_184] : memref<16x128xi32, #tpu.memory_space<vmem>> -> memref<1x128xi32, #tpu.memory_space<vmem>>
        %dma_start3A_186 = tpu.memref_squeeze %dma_start3A_185 : memref<1x128xi32, #tpu.memory_space<vmem>> -> memref<128xi32, #tpu.memory_space<vmem>>
        %dma_start3A_187 = arith.constant 0 : i32
        %dma_start3A_188 = arith.constant 0 : i32
        %dma_start3A_189 = tpu.memref_slice %arg10[%dma_start3A_187, %dma_start3A_188] : memref<10240x128xf32, #tpu.memory_space<vmem_shared>> -> memref<10240x128xf32, #tpu.memory_space<vmem_shared>>
        tpu.enqueue_indirect_dma source(%arg9 : memref<128x128xf32, #tpu.memory_space<vmem>>) target(%dma_start3A_189 : memref<10240x128xf32, #tpu.memory_space<vmem_shared>>) offsets(%dma_start3A_186 : memref<128xi32, #tpu.memory_space<vmem>>) semaphore(%run_scoped3A : memref<!tpu.dma_semaphore, #tpu.memory_space<semaphore_mem>>) {add = true}
        %dma_wait3A_190 = arith.constant 0 : i32
        %dma_wait3A_191 = tpu.memref_slice %arg7[%add3A_182, %dma_wait3A_190] : memref<16x128xi32, #tpu.memory_space<vmem>> -> memref<1x128xi32, #tpu.memory_space<vmem>>
        %dma_wait3A_192 = tpu.memref_squeeze %dma_wait3A_191 : memref<1x128xi32, #tpu.memory_space<vmem>> -> memref<128xi32, #tpu.memory_space<vmem>>
        %dma_wait3A_193 = arith.constant 0 : i32
        %dma_wait3A_194 = arith.constant 0 : i32
        %dma_wait3A_195 = tpu.memref_slice %arg10[%dma_wait3A_193, %dma_wait3A_194] : memref<10240x128xf32, #tpu.memory_space<vmem_shared>> -> memref<10240x128xf32, #tpu.memory_space<vmem_shared>>
        tpu.wait_indirect_dma semaphore(%run_scoped3A : memref<!tpu.dma_semaphore, #tpu.memory_space<semaphore_mem>>) src(%arg9 : memref<128x128xf32, #tpu.memory_space<vmem>>) dst(%dma_wait3A_195 : memref<10240x128xf32, #tpu.memory_space<vmem_shared>>)
        tpu.yield
      }) : () -> ()
      %scan3A_183 = arith.constant 0 : i32
      scf.yield %scan3A_183 : i32
    }
    %scan3A_102 = arith.constant 8 : i32
    %dma_wait3A_103 = arith.constant 15 : i32
    %dma_wait3A_104 = arith.constant 0 : i32
    %dma_wait3A_105 = tpu.memref_slice %arg6[%dma_wait3A_103, %dma_wait3A_104] : memref<16x128xi32, #tpu.memory_space<vmem>> -> memref<1x128xi32, #tpu.memory_space<vmem>>
    %dma_wait3A_106 = tpu.memref_squeeze %dma_wait3A_105 : memref<1x128xi32, #tpu.memory_space<vmem>> -> memref<128xi32, #tpu.memory_space<vmem>>
    %dma_wait3A_107 = arith.constant 0 : i32
    %dma_wait3A_108 = arith.constant 0 : i32
    %dma_wait3A_109 = tpu.memref_slice %arg2[%dma_wait3A_107, %dma_wait3A_108] : memref<10240x128xf32, #tpu.memory_space<hbm>> -> memref<10240x128xf32, #tpu.memory_space<hbm>>
    tpu.wait_indirect_dma semaphore(%arg11 : memref<!tpu.dma_semaphore, #tpu.memory_space<semaphore_mem>>) src(%dma_wait3A_109 : memref<10240x128xf32, #tpu.memory_space<hbm>>) dst(%arg8 : memref<128x128xf32, #tpu.memory_space<vmem>>)
    "tpu.region"() ({
      %run_scoped3A = tpu.sem_alloc : memref<!tpu.dma_semaphore, #tpu.memory_space<semaphore_mem>>
      %dma_start3A_136 = arith.constant 64 : i32
      %dma_start3A_137 = arith.constant 0 : i32
      %dma_start3A_138 = tpu.memref_slice %arg3[%add3A, %dma_start3A_136, %dma_start3A_137] : memref<32x80x128xi32, #tpu.memory_space<hbm>> -> memref<1x16x128xi32, #tpu.memory_space<hbm>>
      %dma_start3A_139 = tpu.memref_squeeze %dma_start3A_138 : memref<1x16x128xi32, #tpu.memory_space<hbm>> -> memref<16x128xi32, #tpu.memory_space<hbm>>
      %dma_start3A_140 = arith.constant 64 : i32
      %dma_start3A_141 = arith.constant 0 : i32
      %dma_start3A_142 = tpu.memref_slice %arg3[%add3A, %dma_start3A_140, %dma_start3A_141] : memref<32x80x128xi32, #tpu.memory_space<hbm>> -> memref<1x16x128xi32, #tpu.memory_space<hbm>>
      %dma_start3A_143 = tpu.memref_squeeze %dma_start3A_142 : memref<1x16x128xi32, #tpu.memory_space<hbm>> -> memref<16x128xi32, #tpu.memory_space<hbm>>
      tpu.enqueue_dma source(%dma_start3A_143 : memref<16x128xi32, #tpu.memory_space<hbm>>) target(%arg6 : memref<16x128xi32, #tpu.memory_space<vmem>>) target_semaphore(%run_scoped3A : memref<!tpu.dma_semaphore, #tpu.memory_space<semaphore_mem>>)
      %dma_wait3A_144 = arith.constant 64 : i32
      %dma_wait3A_145 = arith.constant 0 : i32
      %dma_wait3A_146 = tpu.memref_slice %arg3[%add3A, %dma_wait3A_144, %dma_wait3A_145] : memref<32x80x128xi32, #tpu.memory_space<hbm>> -> memref<1x16x128xi32, #tpu.memory_space<hbm>>
      %dma_wait3A_147 = tpu.memref_squeeze %dma_wait3A_146 : memref<1x16x128xi32, #tpu.memory_space<hbm>> -> memref<16x128xi32, #tpu.memory_space<hbm>>
      %dma_wait3A_148 = arith.constant 64 : i32
      %dma_wait3A_149 = arith.constant 0 : i32
      %dma_wait3A_150 = tpu.memref_slice %arg3[%add3A, %dma_wait3A_148, %dma_wait3A_149] : memref<32x80x128xi32, #tpu.memory_space<hbm>> -> memref<1x16x128xi32, #tpu.memory_space<hbm>>
      %dma_wait3A_151 = tpu.memref_squeeze %dma_wait3A_150 : memref<1x16x128xi32, #tpu.memory_space<hbm>> -> memref<16x128xi32, #tpu.memory_space<hbm>>
      tpu.wait_dma2 semaphore(%run_scoped3A : memref<!tpu.dma_semaphore, #tpu.memory_space<semaphore_mem>>) src(%dma_wait3A_151 : memref<16x128xi32, #tpu.memory_space<hbm>>) dst(%arg6 : memref<16x128xi32, #tpu.memory_space<vmem>>)
      tpu.yield
    }) : () -> ()
    "tpu.region"() ({
      %run_scoped3A = tpu.sem_alloc : memref<!tpu.dma_semaphore, #tpu.memory_space<semaphore_mem>>
      %dma_start3A_136 = arith.constant 64 : i32
      %dma_start3A_137 = arith.constant 0 : i32
      %dma_start3A_138 = tpu.memref_slice %arg4[%add3A, %dma_start3A_136, %dma_start3A_137] : memref<32x80x128xi32, #tpu.memory_space<hbm>> -> memref<1x16x128xi32, #tpu.memory_space<hbm>>
      %dma_start3A_139 = tpu.memref_squeeze %dma_start3A_138 : memref<1x16x128xi32, #tpu.memory_space<hbm>> -> memref<16x128xi32, #tpu.memory_space<hbm>>
      %dma_start3A_140 = arith.constant 64 : i32
      %dma_start3A_141 = arith.constant 0 : i32
      %dma_start3A_142 = tpu.memref_slice %arg4[%add3A, %dma_start3A_140, %dma_start3A_141] : memref<32x80x128xi32, #tpu.memory_space<hbm>> -> memref<1x16x128xi32, #tpu.memory_space<hbm>>
      %dma_start3A_143 = tpu.memref_squeeze %dma_start3A_142 : memref<1x16x128xi32, #tpu.memory_space<hbm>> -> memref<16x128xi32, #tpu.memory_space<hbm>>
      tpu.enqueue_dma source(%dma_start3A_143 : memref<16x128xi32, #tpu.memory_space<hbm>>) target(%arg7 : memref<16x128xi32, #tpu.memory_space<vmem>>) target_semaphore(%run_scoped3A : memref<!tpu.dma_semaphore, #tpu.memory_space<semaphore_mem>>)
      %dma_wait3A_144 = arith.constant 64 : i32
      %dma_wait3A_145 = arith.constant 0 : i32
      %dma_wait3A_146 = tpu.memref_slice %arg4[%add3A, %dma_wait3A_144, %dma_wait3A_145] : memref<32x80x128xi32, #tpu.memory_space<hbm>> -> memref<1x16x128xi32, #tpu.memory_space<hbm>>
      %dma_wait3A_147 = tpu.memref_squeeze %dma_wait3A_146 : memref<1x16x128xi32, #tpu.memory_space<hbm>> -> memref<16x128xi32, #tpu.memory_space<hbm>>
      %dma_wait3A_148 = arith.constant 64 : i32
      %dma_wait3A_149 = arith.constant 0 : i32
      %dma_wait3A_150 = tpu.memref_slice %arg4[%add3A, %dma_wait3A_148, %dma_wait3A_149] : memref<32x80x128xi32, #tpu.memory_space<hbm>> -> memref<1x16x128xi32, #tpu.memory_space<hbm>>
      %dma_wait3A_151 = tpu.memref_squeeze %dma_wait3A_150 : memref<1x16x128xi32, #tpu.memory_space<hbm>> -> memref<16x128xi32, #tpu.memory_space<hbm>>
      tpu.wait_dma2 semaphore(%run_scoped3A : memref<!tpu.dma_semaphore, #tpu.memory_space<semaphore_mem>>) src(%dma_wait3A_151 : memref<16x128xi32, #tpu.memory_space<hbm>>) dst(%arg7 : memref<16x128xi32, #tpu.memory_space<vmem>>)
      tpu.yield
    }) : () -> ()
    %dma_start3A_110 = arith.constant 0 : i32
    %dma_start3A_111 = arith.constant 0 : i32
    %dma_start3A_112 = tpu.memref_slice %arg6[%dma_start3A_110, %dma_start3A_111] : memref<16x128xi32, #tpu.memory_space<vmem>> -> memref<1x128xi32, #tpu.memory_space<vmem>>
    %dma_start3A_113 = tpu.memref_squeeze %dma_start3A_112 : memref<1x128xi32, #tpu.memory_space<vmem>> -> memref<128xi32, #tpu.memory_space<vmem>>
    %dma_start3A_114 = arith.constant 0 : i32
    %dma_start3A_115 = arith.constant 0 : i32
    %dma_start3A_116 = tpu.memref_slice %arg2[%dma_start3A_114, %dma_start3A_115] : memref<10240x128xf32, #tpu.memory_space<hbm>> -> memref<10240x128xf32, #tpu.memory_space<hbm>>
    tpu.enqueue_indirect_dma source(%dma_start3A_116 : memref<10240x128xf32, #tpu.memory_space<hbm>>) target(%arg8 : memref<128x128xf32, #tpu.memory_space<vmem>>) offsets(%dma_start3A_113 : memref<128xi32, #tpu.memory_space<vmem>>) semaphore(%arg11 : memref<!tpu.dma_semaphore, #tpu.memory_space<semaphore_mem>>)
    %scan3A_117 = arith.constant 0 : i32
    %scan3A_118 = arith.constant 0 : i32
    %scan3A_119 = arith.constant 8 : i32
    %scan3A_120 = arith.addi %scan3A_118, %scan3A_119 : i32
    %scan3A_121 = arith.constant 1 : i32
    %scan3A_122 = scf.for %scan3A_136 = %scan3A_118 to %scan3A_120 step %scan3A_121 iter_args(%scan3A_137 = %scan3A_117) -> (i32)  : i32 {
      %mul3A_138 = arith.constant 2 : i32
      %mul3A_139 = arith.muli %mul3A_138, %scan3A_136 : i32
      %add3A_140 = arith.constant 1 : i32
      %add3A_141 = arith.addi %mul3A_139, %add3A_140 : i32
      %dma_start3A_142 = arith.constant 0 : i32
      %dma_start3A_143 = tpu.memref_slice %arg6[%add3A_141, %dma_start3A_142] : memref<16x128xi32, #tpu.memory_space<vmem>> -> memref<1x128xi32, #tpu.memory_space<vmem>>
      %dma_start3A_144 = tpu.memref_squeeze %dma_start3A_143 : memref<1x128xi32, #tpu.memory_space<vmem>> -> memref<128xi32, #tpu.memory_space<vmem>>
      %dma_start3A_145 = arith.constant 0 : i32
      %dma_start3A_146 = arith.constant 0 : i32
      %dma_start3A_147 = tpu.memref_slice %arg2[%dma_start3A_145, %dma_start3A_146] : memref<10240x128xf32, #tpu.memory_space<hbm>> -> memref<10240x128xf32, #tpu.memory_space<hbm>>
      tpu.enqueue_indirect_dma source(%dma_start3A_147 : memref<10240x128xf32, #tpu.memory_space<hbm>>) target(%arg9 : memref<128x128xf32, #tpu.memory_space<vmem>>) offsets(%dma_start3A_144 : memref<128xi32, #tpu.memory_space<vmem>>) semaphore(%arg12 : memref<!tpu.dma_semaphore, #tpu.memory_space<semaphore_mem>>)
      %mul3A_148 = arith.constant 2 : i32
      %mul3A_149 = arith.muli %mul3A_148, %scan3A_136 : i32
      %dma_wait3A_150 = arith.constant 0 : i32
      %dma_wait3A_151 = tpu.memref_slice %arg6[%mul3A_149, %dma_wait3A_150] : memref<16x128xi32, #tpu.memory_space<vmem>> -> memref<1x128xi32, #tpu.memory_space<vmem>>
      %dma_wait3A_152 = tpu.memref_squeeze %dma_wait3A_151 : memref<1x128xi32, #tpu.memory_space<vmem>> -> memref<128xi32, #tpu.memory_space<vmem>>
      %dma_wait3A_153 = arith.constant 0 : i32
      %dma_wait3A_154 = arith.constant 0 : i32
      %dma_wait3A_155 = tpu.memref_slice %arg2[%dma_wait3A_153, %dma_wait3A_154] : memref<10240x128xf32, #tpu.memory_space<hbm>> -> memref<10240x128xf32, #tpu.memory_space<hbm>>
      tpu.wait_indirect_dma semaphore(%arg11 : memref<!tpu.dma_semaphore, #tpu.memory_space<semaphore_mem>>) src(%dma_wait3A_155 : memref<10240x128xf32, #tpu.memory_space<hbm>>) dst(%arg8 : memref<128x128xf32, #tpu.memory_space<vmem>>)
      %mul3A_156 = arith.constant 2 : i32
      %mul3A_157 = arith.muli %mul3A_156, %scan3A_136 : i32
      "tpu.region"() ({
        %run_scoped3A = tpu.sem_alloc : memref<!tpu.dma_semaphore, #tpu.memory_space<semaphore_mem>>
        %dma_start3A_184 = arith.constant 0 : i32
        %dma_start3A_185 = tpu.memref_slice %arg7[%mul3A_157, %dma_start3A_184] : memref<16x128xi32, #tpu.memory_space<vmem>> -> memref<1x128xi32, #tpu.memory_space<vmem>>
        %dma_start3A_186 = tpu.memref_squeeze %dma_start3A_185 : memref<1x128xi32, #tpu.memory_space<vmem>> -> memref<128xi32, #tpu.memory_space<vmem>>
        %dma_start3A_187 = arith.constant 0 : i32
        %dma_start3A_188 = arith.constant 0 : i32
        %dma_start3A_189 = tpu.memref_slice %arg10[%dma_start3A_187, %dma_start3A_188] : memref<10240x128xf32, #tpu.memory_space<vmem_shared>> -> memref<10240x128xf32, #tpu.memory_space<vmem_shared>>
        tpu.enqueue_indirect_dma source(%arg8 : memref<128x128xf32, #tpu.memory_space<vmem>>) target(%dma_start3A_189 : memref<10240x128xf32, #tpu.memory_space<vmem_shared>>) offsets(%dma_start3A_186 : memref<128xi32, #tpu.memory_space<vmem>>) semaphore(%run_scoped3A : memref<!tpu.dma_semaphore, #tpu.memory_space<semaphore_mem>>) {add = true}
        %dma_wait3A_190 = arith.constant 0 : i32
        %dma_wait3A_191 = tpu.memref_slice %arg7[%mul3A_157, %dma_wait3A_190] : memref<16x128xi32, #tpu.memory_space<vmem>> -> memref<1x128xi32, #tpu.memory_space<vmem>>
        %dma_wait3A_192 = tpu.memref_squeeze %dma_wait3A_191 : memref<1x128xi32, #tpu.memory_space<vmem>> -> memref<128xi32, #tpu.memory_space<vmem>>
        %dma_wait3A_193 = arith.constant 0 : i32
        %dma_wait3A_194 = arith.constant 0 : i32
        %dma_wait3A_195 = tpu.memref_slice %arg10[%dma_wait3A_193, %dma_wait3A_194] : memref<10240x128xf32, #tpu.memory_space<vmem_shared>> -> memref<10240x128xf32, #tpu.memory_space<vmem_shared>>
        tpu.wait_indirect_dma semaphore(%run_scoped3A : memref<!tpu.dma_semaphore, #tpu.memory_space<semaphore_mem>>) src(%arg8 : memref<128x128xf32, #tpu.memory_space<vmem>>) dst(%dma_wait3A_195 : memref<10240x128xf32, #tpu.memory_space<vmem_shared>>)
        tpu.yield
      }) : () -> ()
      %mul3A_158 = arith.constant 2 : i32
      %mul3A_159 = arith.muli %mul3A_158, %scan3A_136 : i32
      %add3A_160 = arith.constant 2 : i32
      %add3A_161 = arith.addi %mul3A_159, %add3A_160 : i32
      %min3A = arith.constant 15 : i32
      %min3A_162 = arith.minsi %add3A_161, %min3A : i32
      %dma_start3A_163 = arith.constant 0 : i32
      %dma_start3A_164 = tpu.memref_slice %arg6[%min3A_162, %dma_start3A_163] : memref<16x128xi32, #tpu.memory_space<vmem>> -> memref<1x128xi32, #tpu.memory_space<vmem>>
      %dma_start3A_165 = tpu.memref_squeeze %dma_start3A_164 : memref<1x128xi32, #tpu.memory_space<vmem>> -> memref<128xi32, #tpu.memory_space<vmem>>
      %dma_start3A_166 = arith.constant 0 : i32
      %dma_start3A_167 = arith.constant 0 : i32
      %dma_start3A_168 = tpu.memref_slice %arg2[%dma_start3A_166, %dma_start3A_167] : memref<10240x128xf32, #tpu.memory_space<hbm>> -> memref<10240x128xf32, #tpu.memory_space<hbm>>
      tpu.enqueue_indirect_dma source(%dma_start3A_168 : memref<10240x128xf32, #tpu.memory_space<hbm>>) target(%arg8 : memref<128x128xf32, #tpu.memory_space<vmem>>) offsets(%dma_start3A_165 : memref<128xi32, #tpu.memory_space<vmem>>) semaphore(%arg11 : memref<!tpu.dma_semaphore, #tpu.memory_space<semaphore_mem>>)
      %mul3A_169 = arith.constant 2 : i32
      %mul3A_170 = arith.muli %mul3A_169, %scan3A_136 : i32
      %add3A_171 = arith.constant 1 : i32
      %add3A_172 = arith.addi %mul3A_170, %add3A_171 : i32
      %dma_wait3A_173 = arith.constant 0 : i32
      %dma_wait3A_174 = tpu.memref_slice %arg6[%add3A_172, %dma_wait3A_173] : memref<16x128xi32, #tpu.memory_space<vmem>> -> memref<1x128xi32, #tpu.memory_space<vmem>>
      %dma_wait3A_175 = tpu.memref_squeeze %dma_wait3A_174 : memref<1x128xi32, #tpu.memory_space<vmem>> -> memref<128xi32, #tpu.memory_space<vmem>>
      %dma_wait3A_176 = arith.constant 0 : i32
      %dma_wait3A_177 = arith.constant 0 : i32
      %dma_wait3A_178 = tpu.memref_slice %arg2[%dma_wait3A_176, %dma_wait3A_177] : memref<10240x128xf32, #tpu.memory_space<hbm>> -> memref<10240x128xf32, #tpu.memory_space<hbm>>
      tpu.wait_indirect_dma semaphore(%arg12 : memref<!tpu.dma_semaphore, #tpu.memory_space<semaphore_mem>>) src(%dma_wait3A_178 : memref<10240x128xf32, #tpu.memory_space<hbm>>) dst(%arg9 : memref<128x128xf32, #tpu.memory_space<vmem>>)
      %mul3A_179 = arith.constant 2 : i32
      %mul3A_180 = arith.muli %mul3A_179, %scan3A_136 : i32
      %add3A_181 = arith.constant 1 : i32
      %add3A_182 = arith.addi %mul3A_180, %add3A_181 : i32
      "tpu.region"() ({
        %run_scoped3A = tpu.sem_alloc : memref<!tpu.dma_semaphore, #tpu.memory_space<semaphore_mem>>
        %dma_start3A_184 = arith.constant 0 : i32
        %dma_start3A_185 = tpu.memref_slice %arg7[%add3A_182, %dma_start3A_184] : memref<16x128xi32, #tpu.memory_space<vmem>> -> memref<1x128xi32, #tpu.memory_space<vmem>>
        %dma_start3A_186 = tpu.memref_squeeze %dma_start3A_185 : memref<1x128xi32, #tpu.memory_space<vmem>> -> memref<128xi32, #tpu.memory_space<vmem>>
        %dma_start3A_187 = arith.constant 0 : i32
        %dma_start3A_188 = arith.constant 0 : i32
        %dma_start3A_189 = tpu.memref_slice %arg10[%dma_start3A_187, %dma_start3A_188] : memref<10240x128xf32, #tpu.memory_space<vmem_shared>> -> memref<10240x128xf32, #tpu.memory_space<vmem_shared>>
        tpu.enqueue_indirect_dma source(%arg9 : memref<128x128xf32, #tpu.memory_space<vmem>>) target(%dma_start3A_189 : memref<10240x128xf32, #tpu.memory_space<vmem_shared>>) offsets(%dma_start3A_186 : memref<128xi32, #tpu.memory_space<vmem>>) semaphore(%run_scoped3A : memref<!tpu.dma_semaphore, #tpu.memory_space<semaphore_mem>>) {add = true}
        %dma_wait3A_190 = arith.constant 0 : i32
        %dma_wait3A_191 = tpu.memref_slice %arg7[%add3A_182, %dma_wait3A_190] : memref<16x128xi32, #tpu.memory_space<vmem>> -> memref<1x128xi32, #tpu.memory_space<vmem>>
        %dma_wait3A_192 = tpu.memref_squeeze %dma_wait3A_191 : memref<1x128xi32, #tpu.memory_space<vmem>> -> memref<128xi32, #tpu.memory_space<vmem>>
        %dma_wait3A_193 = arith.constant 0 : i32
        %dma_wait3A_194 = arith.constant 0 : i32
        %dma_wait3A_195 = tpu.memref_slice %arg10[%dma_wait3A_193, %dma_wait3A_194] : memref<10240x128xf32, #tpu.memory_space<vmem_shared>> -> memref<10240x128xf32, #tpu.memory_space<vmem_shared>>
        tpu.wait_indirect_dma semaphore(%run_scoped3A : memref<!tpu.dma_semaphore, #tpu.memory_space<semaphore_mem>>) src(%arg9 : memref<128x128xf32, #tpu.memory_space<vmem>>) dst(%dma_wait3A_195 : memref<10240x128xf32, #tpu.memory_space<vmem_shared>>)
        tpu.yield
      }) : () -> ()
      %scan3A_183 = arith.constant 0 : i32
      scf.yield %scan3A_183 : i32
    }
    %scan3A_123 = arith.constant 8 : i32
    %dma_wait3A_124 = arith.constant 15 : i32
    %dma_wait3A_125 = arith.constant 0 : i32
    %dma_wait3A_126 = tpu.memref_slice %arg6[%dma_wait3A_124, %dma_wait3A_125] : memref<16x128xi32, #tpu.memory_space<vmem>> -> memref<1x128xi32, #tpu.memory_space<vmem>>
    %dma_wait3A_127 = tpu.memref_squeeze %dma_wait3A_126 : memref<1x128xi32, #tpu.memory_space<vmem>> -> memref<128xi32, #tpu.memory_space<vmem>>
    %dma_wait3A_128 = arith.constant 0 : i32
    %dma_wait3A_129 = arith.constant 0 : i32
    %dma_wait3A_130 = tpu.memref_slice %arg2[%dma_wait3A_128, %dma_wait3A_129] : memref<10240x128xf32, #tpu.memory_space<hbm>> -> memref<10240x128xf32, #tpu.memory_space<hbm>>
    tpu.wait_indirect_dma semaphore(%arg11 : memref<!tpu.dma_semaphore, #tpu.memory_space<semaphore_mem>>) src(%dma_wait3A_130 : memref<10240x128xf32, #tpu.memory_space<hbm>>) dst(%arg8 : memref<128x128xf32, #tpu.memory_space<vmem>>)
    %barrier3A_131 = arith.constant 0 : index
    tpu.barrier barrier_id(%barrier3A_131)
    %mul3A_132 = arith.constant 640 : i32
    %mul3A_133 = arith.muli %arg1, %mul3A_132 : i32
    %mul3A_134 = arith.constant 640 : i32
    %mul3A_135 = arith.muli %arg1, %mul3A_134 : i32
    "tpu.region"() ({
      %run_scoped3A = tpu.sem_alloc : memref<!tpu.dma_semaphore, #tpu.memory_space<semaphore_mem>>
      %dma_start3A_136 = arith.constant 0 : i32
      %dma_start3A_137 = tpu.memref_slice %arg5[%arg0, %mul3A_135, %dma_start3A_136] : memref<2x10240x128xf32, #tpu.memory_space<hbm>> -> memref<1x640x128xf32, #tpu.memory_space<hbm>>
      %dma_start3A_138 = tpu.memref_squeeze %dma_start3A_137 : memref<1x640x128xf32, #tpu.memory_space<hbm>> -> memref<640x128xf32, #tpu.memory_space<hbm>>
      %dma_start3A_139 = arith.constant 0 : i32
      %dma_start3A_140 = tpu.memref_slice %arg10[%mul3A_133, %dma_start3A_139] : memref<10240x128xf32, #tpu.memory_space<vmem_shared>> -> memref<640x128xf32, #tpu.memory_space<vmem_shared>>
      tpu.enqueue_dma source(%dma_start3A_140 : memref<640x128xf32, #tpu.memory_space<vmem_shared>>) target(%dma_start3A_138 : memref<640x128xf32, #tpu.memory_space<hbm>>) target_semaphore(%run_scoped3A : memref<!tpu.dma_semaphore, #tpu.memory_space<semaphore_mem>>)
      %dma_wait3A_141 = arith.constant 0 : i32
      %dma_wait3A_142 = tpu.memref_slice %arg5[%arg0, %mul3A_135, %dma_wait3A_141] : memref<2x10240x128xf32, #tpu.memory_space<hbm>> -> memref<1x640x128xf32, #tpu.memory_space<hbm>>
      %dma_wait3A_143 = tpu.memref_squeeze %dma_wait3A_142 : memref<1x640x128xf32, #tpu.memory_space<hbm>> -> memref<640x128xf32, #tpu.memory_space<hbm>>
      %dma_wait3A_144 = arith.constant 0 : i32
      %dma_wait3A_145 = tpu.memref_slice %arg10[%mul3A_133, %dma_wait3A_144] : memref<10240x128xf32, #tpu.memory_space<vmem_shared>> -> memref<640x128xf32, #tpu.memory_space<vmem_shared>>
      tpu.wait_dma2 semaphore(%run_scoped3A : memref<!tpu.dma_semaphore, #tpu.memory_space<semaphore_mem>>) src(%dma_wait3A_145 : memref<640x128xf32, #tpu.memory_space<vmem_shared>>) dst(%dma_wait3A_143 : memref<640x128xf32, #tpu.memory_space<hbm>>)
      tpu.yield
    }) : () -> ()
    return
  }
}

#map = affine_map<(d0, d1) -> (0, 0, 0)>
#map1 = affine_map<(d0, d1) -> (0, 0)>
module attributes {stable_mosaic.version = 14 : i64} {
  func.func @body(%arg0: i32, %arg1: i32, %arg2: memref<32x80x128xi32, #tpu.memory_space<hbm>>, %arg3: memref<2x10240xf32, #tpu.memory_space<hbm>>, %arg4: memref<80x128xi32, #tpu.memory_space<vmem>>, %arg5: memref<128xf32, #tpu.memory_space<vmem>>, %arg6: memref<640xf32, #tpu.memory_space<vmem>>, %arg7: memref<10240xf32, #tpu.memory_space<vmem_shared>>) attributes {dimension_semantics = [#tpu.dimension_semantics<core_parallel>, #tpu.dimension_semantics<subcore_parallel>], iteration_bounds = array<i64: 2, 16>, scalar_prefetch = 0 : i64, scratch_operands = 4 : i64, tpu.core_type = #tpu.core_type<sc_vector_subcore>, window_params = [{transform_indices = #map}, {transform_indices = #map1}]} {
    %mul3A = arith.constant 16 : i32
    %mul3A_0 = arith.muli %arg0, %mul3A : i32
    %add3A = arith.addi %mul3A_0, %arg1 : i32
    %broadcast_in_dim3A = arith.constant 1.000000e+00 : f32
    %broadcast_in_dim3A_1 = vector.broadcast %broadcast_in_dim3A : f32 to vector<16xf32>
    %swap3A = arith.constant 0 : index
    %swap3A_2 = tpu.vector_load %arg5[%swap3A] {strides = array<i32>} : memref<128xf32, #tpu.memory_space<vmem>>, vector<16xf32>,
    %swap3A_3 = vector.shape_cast %swap3A_2 : vector<16xf32> to vector<16xf32>
    %swap3A_4 = vector.shape_cast %broadcast_in_dim3A_1 : vector<16xf32> to vector<16xf32>
    tpu.vector_store %arg5[%swap3A], %swap3A_4 {strides = array<i32>} : memref<128xf32, #tpu.memory_space<vmem>>, vector<16xf32>,
    %broadcast_in_dim3A_5 = arith.constant 0.000000e+00 : f32
    %broadcast_in_dim3A_6 = vector.broadcast %broadcast_in_dim3A_5 : f32 to vector<16xf32>
    %swap3A_7 = arith.constant 0 : index
    %swap3A_8 = tpu.vector_load %arg6[%swap3A_7] {strides = array<i32>} : memref<640xf32, #tpu.memory_space<vmem>>, vector<16xf32>,
    %swap3A_9 = vector.shape_cast %swap3A_8 : vector<16xf32> to vector<16xf32>
    %swap3A_10 = vector.shape_cast %broadcast_in_dim3A_6 : vector<16xf32> to vector<16xf32>
    tpu.vector_store %arg6[%swap3A_7], %swap3A_10 {strides = array<i32>} : memref<640xf32, #tpu.memory_space<vmem>>, vector<16xf32>,
    %broadcast_in_dim3A_11 = arith.constant 0.000000e+00 : f32
    %broadcast_in_dim3A_12 = vector.broadcast %broadcast_in_dim3A_11 : f32 to vector<16xf32>
    %swap3A_13 = arith.constant 128 : index
    %swap3A_14 = tpu.vector_load %arg6[%swap3A_13] {strides = array<i32>} : memref<640xf32, #tpu.memory_space<vmem>>, vector<16xf32>,
    %swap3A_15 = vector.shape_cast %swap3A_14 : vector<16xf32> to vector<16xf32>
    %swap3A_16 = vector.shape_cast %broadcast_in_dim3A_12 : vector<16xf32> to vector<16xf32>
    tpu.vector_store %arg6[%swap3A_13], %swap3A_16 {strides = array<i32>} : memref<640xf32, #tpu.memory_space<vmem>>, vector<16xf32>,
    %broadcast_in_dim3A_17 = arith.constant 0.000000e+00 : f32
    %broadcast_in_dim3A_18 = vector.broadcast %broadcast_in_dim3A_17 : f32 to vector<16xf32>
    %swap3A_19 = arith.constant 256 : index
    %swap3A_20 = tpu.vector_load %arg6[%swap3A_19] {strides = array<i32>} : memref<640xf32, #tpu.memory_space<vmem>>, vector<16xf32>,
    %swap3A_21 = vector.shape_cast %swap3A_20 : vector<16xf32> to vector<16xf32>
    %swap3A_22 = vector.shape_cast %broadcast_in_dim3A_18 : vector<16xf32> to vector<16xf32>
    tpu.vector_store %arg6[%swap3A_19], %swap3A_22 {strides = array<i32>} : memref<640xf32, #tpu.memory_space<vmem>>, vector<16xf32>,
    %broadcast_in_dim3A_23 = arith.constant 0.000000e+00 : f32
    %broadcast_in_dim3A_24 = vector.broadcast %broadcast_in_dim3A_23 : f32 to vector<16xf32>
    %swap3A_25 = arith.constant 384 : index
    %swap3A_26 = tpu.vector_load %arg6[%swap3A_25] {strides = array<i32>} : memref<640xf32, #tpu.memory_space<vmem>>, vector<16xf32>,
    %swap3A_27 = vector.shape_cast %swap3A_26 : vector<16xf32> to vector<16xf32>
    %swap3A_28 = vector.shape_cast %broadcast_in_dim3A_24 : vector<16xf32> to vector<16xf32>
    tpu.vector_store %arg6[%swap3A_25], %swap3A_28 {strides = array<i32>} : memref<640xf32, #tpu.memory_space<vmem>>, vector<16xf32>,
    %broadcast_in_dim3A_29 = arith.constant 0.000000e+00 : f32
    %broadcast_in_dim3A_30 = vector.broadcast %broadcast_in_dim3A_29 : f32 to vector<16xf32>
    %swap3A_31 = arith.constant 512 : index
    %swap3A_32 = tpu.vector_load %arg6[%swap3A_31] {strides = array<i32>} : memref<640xf32, #tpu.memory_space<vmem>>, vector<16xf32>,
    %swap3A_33 = vector.shape_cast %swap3A_32 : vector<16xf32> to vector<16xf32>
    %swap3A_34 = vector.shape_cast %broadcast_in_dim3A_30 : vector<16xf32> to vector<16xf32>
    tpu.vector_store %arg6[%swap3A_31], %swap3A_34 {strides = array<i32>} : memref<640xf32, #tpu.memory_space<vmem>>, vector<16xf32>,
    %broadcast_in_dim3A_35 = arith.constant 1.000000e+00 : f32
    %broadcast_in_dim3A_36 = vector.broadcast %broadcast_in_dim3A_35 : f32 to vector<16xf32>
    %swap3A_37 = arith.constant 16 : index
    %swap3A_38 = tpu.vector_load %arg5[%swap3A_37] {strides = array<i32>} : memref<128xf32, #tpu.memory_space<vmem>>, vector<16xf32>,
    %swap3A_39 = vector.shape_cast %swap3A_38 : vector<16xf32> to vector<16xf32>
    %swap3A_40 = vector.shape_cast %broadcast_in_dim3A_36 : vector<16xf32> to vector<16xf32>
    tpu.vector_store %arg5[%swap3A_37], %swap3A_40 {strides = array<i32>} : memref<128xf32, #tpu.memory_space<vmem>>, vector<16xf32>,
    %broadcast_in_dim3A_41 = arith.constant 0.000000e+00 : f32
    %broadcast_in_dim3A_42 = vector.broadcast %broadcast_in_dim3A_41 : f32 to vector<16xf32>
    %swap3A_43 = arith.constant 16 : index
    %swap3A_44 = tpu.vector_load %arg6[%swap3A_43] {strides = array<i32>} : memref<640xf32, #tpu.memory_space<vmem>>, vector<16xf32>,
    %swap3A_45 = vector.shape_cast %swap3A_44 : vector<16xf32> to vector<16xf32>
    %swap3A_46 = vector.shape_cast %broadcast_in_dim3A_42 : vector<16xf32> to vector<16xf32>
    tpu.vector_store %arg6[%swap3A_43], %swap3A_46 {strides = array<i32>} : memref<640xf32, #tpu.memory_space<vmem>>, vector<16xf32>,
    %broadcast_in_dim3A_47 = arith.constant 0.000000e+00 : f32
    %broadcast_in_dim3A_48 = vector.broadcast %broadcast_in_dim3A_47 : f32 to vector<16xf32>
    %swap3A_49 = arith.constant 144 : index
    %swap3A_50 = tpu.vector_load %arg6[%swap3A_49] {strides = array<i32>} : memref<640xf32, #tpu.memory_space<vmem>>, vector<16xf32>,
    %swap3A_51 = vector.shape_cast %swap3A_50 : vector<16xf32> to vector<16xf32>
    %swap3A_52 = vector.shape_cast %broadcast_in_dim3A_48 : vector<16xf32> to vector<16xf32>
    tpu.vector_store %arg6[%swap3A_49], %swap3A_52 {strides = array<i32>} : memref<640xf32, #tpu.memory_space<vmem>>, vector<16xf32>,
    %broadcast_in_dim3A_53 = arith.constant 0.000000e+00 : f32
    %broadcast_in_dim3A_54 = vector.broadcast %broadcast_in_dim3A_53 : f32 to vector<16xf32>
    %swap3A_55 = arith.constant 272 : index
    %swap3A_56 = tpu.vector_load %arg6[%swap3A_55] {strides = array<i32>} : memref<640xf32, #tpu.memory_space<vmem>>, vector<16xf32>,
    %swap3A_57 = vector.shape_cast %swap3A_56 : vector<16xf32> to vector<16xf32>
    %swap3A_58 = vector.shape_cast %broadcast_in_dim3A_54 : vector<16xf32> to vector<16xf32>
    tpu.vector_store %arg6[%swap3A_55], %swap3A_58 {strides = array<i32>} : memref<640xf32, #tpu.memory_space<vmem>>, vector<16xf32>,
    %broadcast_in_dim3A_59 = arith.constant 0.000000e+00 : f32
    %broadcast_in_dim3A_60 = vector.broadcast %broadcast_in_dim3A_59 : f32 to vector<16xf32>
    %swap3A_61 = arith.constant 400 : index
    %swap3A_62 = tpu.vector_load %arg6[%swap3A_61] {strides = array<i32>} : memref<640xf32, #tpu.memory_space<vmem>>, vector<16xf32>,
    %swap3A_63 = vector.shape_cast %swap3A_62 : vector<16xf32> to vector<16xf32>
    %swap3A_64 = vector.shape_cast %broadcast_in_dim3A_60 : vector<16xf32> to vector<16xf32>
    tpu.vector_store %arg6[%swap3A_61], %swap3A_64 {strides = array<i32>} : memref<640xf32, #tpu.memory_space<vmem>>, vector<16xf32>,
    %broadcast_in_dim3A_65 = arith.constant 0.000000e+00 : f32
    %broadcast_in_dim3A_66 = vector.broadcast %broadcast_in_dim3A_65 : f32 to vector<16xf32>
    %swap3A_67 = arith.constant 528 : index
    %swap3A_68 = tpu.vector_load %arg6[%swap3A_67] {strides = array<i32>} : memref<640xf32, #tpu.memory_space<vmem>>, vector<16xf32>,
    %swap3A_69 = vector.shape_cast %swap3A_68 : vector<16xf32> to vector<16xf32>
    %swap3A_70 = vector.shape_cast %broadcast_in_dim3A_66 : vector<16xf32> to vector<16xf32>
    tpu.vector_store %arg6[%swap3A_67], %swap3A_70 {strides = array<i32>} : memref<640xf32, #tpu.memory_space<vmem>>, vector<16xf32>,
    %broadcast_in_dim3A_71 = arith.constant 1.000000e+00 : f32
    %broadcast_in_dim3A_72 = vector.broadcast %broadcast_in_dim3A_71 : f32 to vector<16xf32>
    %swap3A_73 = arith.constant 32 : index
    %swap3A_74 = tpu.vector_load %arg5[%swap3A_73] {strides = array<i32>} : memref<128xf32, #tpu.memory_space<vmem>>, vector<16xf32>,
    %swap3A_75 = vector.shape_cast %swap3A_74 : vector<16xf32> to vector<16xf32>
    %swap3A_76 = vector.shape_cast %broadcast_in_dim3A_72 : vector<16xf32> to vector<16xf32>
    tpu.vector_store %arg5[%swap3A_73], %swap3A_76 {strides = array<i32>} : memref<128xf32, #tpu.memory_space<vmem>>, vector<16xf32>,
    %broadcast_in_dim3A_77 = arith.constant 0.000000e+00 : f32
    %broadcast_in_dim3A_78 = vector.broadcast %broadcast_in_dim3A_77 : f32 to vector<16xf32>
    %swap3A_79 = arith.constant 32 : index
    %swap3A_80 = tpu.vector_load %arg6[%swap3A_79] {strides = array<i32>} : memref<640xf32, #tpu.memory_space<vmem>>, vector<16xf32>,
    %swap3A_81 = vector.shape_cast %swap3A_80 : vector<16xf32> to vector<16xf32>
    %swap3A_82 = vector.shape_cast %broadcast_in_dim3A_78 : vector<16xf32> to vector<16xf32>
    tpu.vector_store %arg6[%swap3A_79], %swap3A_82 {strides = array<i32>} : memref<640xf32, #tpu.memory_space<vmem>>, vector<16xf32>,
    %broadcast_in_dim3A_83 = arith.constant 0.000000e+00 : f32
    %broadcast_in_dim3A_84 = vector.broadcast %broadcast_in_dim3A_83 : f32 to vector<16xf32>
    %swap3A_85 = arith.constant 160 : index
    %swap3A_86 = tpu.vector_load %arg6[%swap3A_85] {strides = array<i32>} : memref<640xf32, #tpu.memory_space<vmem>>, vector<16xf32>,
    %swap3A_87 = vector.shape_cast %swap3A_86 : vector<16xf32> to vector<16xf32>
    %swap3A_88 = vector.shape_cast %broadcast_in_dim3A_84 : vector<16xf32> to vector<16xf32>
    tpu.vector_store %arg6[%swap3A_85], %swap3A_88 {strides = array<i32>} : memref<640xf32, #tpu.memory_space<vmem>>, vector<16xf32>,
    %broadcast_in_dim3A_89 = arith.constant 0.000000e+00 : f32
    %broadcast_in_dim3A_90 = vector.broadcast %broadcast_in_dim3A_89 : f32 to vector<16xf32>
    %swap3A_91 = arith.constant 288 : index
    %swap3A_92 = tpu.vector_load %arg6[%swap3A_91] {strides = array<i32>} : memref<640xf32, #tpu.memory_space<vmem>>, vector<16xf32>,
    %swap3A_93 = vector.shape_cast %swap3A_92 : vector<16xf32> to vector<16xf32>
    %swap3A_94 = vector.shape_cast %broadcast_in_dim3A_90 : vector<16xf32> to vector<16xf32>
    tpu.vector_store %arg6[%swap3A_91], %swap3A_94 {strides = array<i32>} : memref<640xf32, #tpu.memory_space<vmem>>, vector<16xf32>,
    %broadcast_in_dim3A_95 = arith.constant 0.000000e+00 : f32
    %broadcast_in_dim3A_96 = vector.broadcast %broadcast_in_dim3A_95 : f32 to vector<16xf32>
    %swap3A_97 = arith.constant 416 : index
    %swap3A_98 = tpu.vector_load %arg6[%swap3A_97] {strides = array<i32>} : memref<640xf32, #tpu.memory_space<vmem>>, vector<16xf32>,
    %swap3A_99 = vector.shape_cast %swap3A_98 : vector<16xf32> to vector<16xf32>
    %swap3A_100 = vector.shape_cast %broadcast_in_dim3A_96 : vector<16xf32> to vector<16xf32>
    tpu.vector_store %arg6[%swap3A_97], %swap3A_100 {strides = array<i32>} : memref<640xf32, #tpu.memory_space<vmem>>, vector<16xf32>,
    %broadcast_in_dim3A_101 = arith.constant 0.000000e+00 : f32
    %broadcast_in_dim3A_102 = vector.broadcast %broadcast_in_dim3A_101 : f32 to vector<16xf32>
    %swap3A_103 = arith.constant 544 : index
    %swap3A_104 = tpu.vector_load %arg6[%swap3A_103] {strides = array<i32>} : memref<640xf32, #tpu.memory_space<vmem>>, vector<16xf32>,
    %swap3A_105 = vector.shape_cast %swap3A_104 : vector<16xf32> to vector<16xf32>
    %swap3A_106 = vector.shape_cast %broadcast_in_dim3A_102 : vector<16xf32> to vector<16xf32>
    tpu.vector_store %arg6[%swap3A_103], %swap3A_106 {strides = array<i32>} : memref<640xf32, #tpu.memory_space<vmem>>, vector<16xf32>,
    %broadcast_in_dim3A_107 = arith.constant 1.000000e+00 : f32
    %broadcast_in_dim3A_108 = vector.broadcast %broadcast_in_dim3A_107 : f32 to vector<16xf32>
    %swap3A_109 = arith.constant 48 : index
    %swap3A_110 = tpu.vector_load %arg5[%swap3A_109] {strides = array<i32>} : memref<128xf32, #tpu.memory_space<vmem>>, vector<16xf32>,
    %swap3A_111 = vector.shape_cast %swap3A_110 : vector<16xf32> to vector<16xf32>
    %swap3A_112 = vector.shape_cast %broadcast_in_dim3A_108 : vector<16xf32> to vector<16xf32>
    tpu.vector_store %arg5[%swap3A_109], %swap3A_112 {strides = array<i32>} : memref<128xf32, #tpu.memory_space<vmem>>, vector<16xf32>,
    %broadcast_in_dim3A_113 = arith.constant 0.000000e+00 : f32
    %broadcast_in_dim3A_114 = vector.broadcast %broadcast_in_dim3A_113 : f32 to vector<16xf32>
    %swap3A_115 = arith.constant 48 : index
    %swap3A_116 = tpu.vector_load %arg6[%swap3A_115] {strides = array<i32>} : memref<640xf32, #tpu.memory_space<vmem>>, vector<16xf32>,
    %swap3A_117 = vector.shape_cast %swap3A_116 : vector<16xf32> to vector<16xf32>
    %swap3A_118 = vector.shape_cast %broadcast_in_dim3A_114 : vector<16xf32> to vector<16xf32>
    tpu.vector_store %arg6[%swap3A_115], %swap3A_118 {strides = array<i32>} : memref<640xf32, #tpu.memory_space<vmem>>, vector<16xf32>,
    %broadcast_in_dim3A_119 = arith.constant 0.000000e+00 : f32
    %broadcast_in_dim3A_120 = vector.broadcast %broadcast_in_dim3A_119 : f32 to vector<16xf32>
    %swap3A_121 = arith.constant 176 : index
    %swap3A_122 = tpu.vector_load %arg6[%swap3A_121] {strides = array<i32>} : memref<640xf32, #tpu.memory_space<vmem>>, vector<16xf32>,
    %swap3A_123 = vector.shape_cast %swap3A_122 : vector<16xf32> to vector<16xf32>
    %swap3A_124 = vector.shape_cast %broadcast_in_dim3A_120 : vector<16xf32> to vector<16xf32>
    tpu.vector_store %arg6[%swap3A_121], %swap3A_124 {strides = array<i32>} : memref<640xf32, #tpu.memory_space<vmem>>, vector<16xf32>,
    %broadcast_in_dim3A_125 = arith.constant 0.000000e+00 : f32
    %broadcast_in_dim3A_126 = vector.broadcast %broadcast_in_dim3A_125 : f32 to vector<16xf32>
    %swap3A_127 = arith.constant 304 : index
    %swap3A_128 = tpu.vector_load %arg6[%swap3A_127] {strides = array<i32>} : memref<640xf32, #tpu.memory_space<vmem>>, vector<16xf32>,
    %swap3A_129 = vector.shape_cast %swap3A_128 : vector<16xf32> to vector<16xf32>
    %swap3A_130 = vector.shape_cast %broadcast_in_dim3A_126 : vector<16xf32> to vector<16xf32>
    tpu.vector_store %arg6[%swap3A_127], %swap3A_130 {strides = array<i32>} : memref<640xf32, #tpu.memory_space<vmem>>, vector<16xf32>,
    %broadcast_in_dim3A_131 = arith.constant 0.000000e+00 : f32
    %broadcast_in_dim3A_132 = vector.broadcast %broadcast_in_dim3A_131 : f32 to vector<16xf32>
    %swap3A_133 = arith.constant 432 : index
    %swap3A_134 = tpu.vector_load %arg6[%swap3A_133] {strides = array<i32>} : memref<640xf32, #tpu.memory_space<vmem>>, vector<16xf32>,
    %swap3A_135 = vector.shape_cast %swap3A_134 : vector<16xf32> to vector<16xf32>
    %swap3A_136 = vector.shape_cast %broadcast_in_dim3A_132 : vector<16xf32> to vector<16xf32>
    tpu.vector_store %arg6[%swap3A_133], %swap3A_136 {strides = array<i32>} : memref<640xf32, #tpu.memory_space<vmem>>, vector<16xf32>,
    %broadcast_in_dim3A_137 = arith.constant 0.000000e+00 : f32
    %broadcast_in_dim3A_138 = vector.broadcast %broadcast_in_dim3A_137 : f32 to vector<16xf32>
    %swap3A_139 = arith.constant 560 : index
    %swap3A_140 = tpu.vector_load %arg6[%swap3A_139] {strides = array<i32>} : memref<640xf32, #tpu.memory_space<vmem>>, vector<16xf32>,
    %swap3A_141 = vector.shape_cast %swap3A_140 : vector<16xf32> to vector<16xf32>
    %swap3A_142 = vector.shape_cast %broadcast_in_dim3A_138 : vector<16xf32> to vector<16xf32>
    tpu.vector_store %arg6[%swap3A_139], %swap3A_142 {strides = array<i32>} : memref<640xf32, #tpu.memory_space<vmem>>, vector<16xf32>,
    %broadcast_in_dim3A_143 = arith.constant 1.000000e+00 : f32
    %broadcast_in_dim3A_144 = vector.broadcast %broadcast_in_dim3A_143 : f32 to vector<16xf32>
    %swap3A_145 = arith.constant 64 : index
    %swap3A_146 = tpu.vector_load %arg5[%swap3A_145] {strides = array<i32>} : memref<128xf32, #tpu.memory_space<vmem>>, vector<16xf32>,
    %swap3A_147 = vector.shape_cast %swap3A_146 : vector<16xf32> to vector<16xf32>
    %swap3A_148 = vector.shape_cast %broadcast_in_dim3A_144 : vector<16xf32> to vector<16xf32>
    tpu.vector_store %arg5[%swap3A_145], %swap3A_148 {strides = array<i32>} : memref<128xf32, #tpu.memory_space<vmem>>, vector<16xf32>,
    %broadcast_in_dim3A_149 = arith.constant 0.000000e+00 : f32
    %broadcast_in_dim3A_150 = vector.broadcast %broadcast_in_dim3A_149 : f32 to vector<16xf32>
    %swap3A_151 = arith.constant 64 : index
    %swap3A_152 = tpu.vector_load %arg6[%swap3A_151] {strides = array<i32>} : memref<640xf32, #tpu.memory_space<vmem>>, vector<16xf32>,
    %swap3A_153 = vector.shape_cast %swap3A_152 : vector<16xf32> to vector<16xf32>
    %swap3A_154 = vector.shape_cast %broadcast_in_dim3A_150 : vector<16xf32> to vector<16xf32>
    tpu.vector_store %arg6[%swap3A_151], %swap3A_154 {strides = array<i32>} : memref<640xf32, #tpu.memory_space<vmem>>, vector<16xf32>,
    %broadcast_in_dim3A_155 = arith.constant 0.000000e+00 : f32
    %broadcast_in_dim3A_156 = vector.broadcast %broadcast_in_dim3A_155 : f32 to vector<16xf32>
    %swap3A_157 = arith.constant 192 : index
    %swap3A_158 = tpu.vector_load %arg6[%swap3A_157] {strides = array<i32>} : memref<640xf32, #tpu.memory_space<vmem>>, vector<16xf32>,
    %swap3A_159 = vector.shape_cast %swap3A_158 : vector<16xf32> to vector<16xf32>
    %swap3A_160 = vector.shape_cast %broadcast_in_dim3A_156 : vector<16xf32> to vector<16xf32>
    tpu.vector_store %arg6[%swap3A_157], %swap3A_160 {strides = array<i32>} : memref<640xf32, #tpu.memory_space<vmem>>, vector<16xf32>,
    %broadcast_in_dim3A_161 = arith.constant 0.000000e+00 : f32
    %broadcast_in_dim3A_162 = vector.broadcast %broadcast_in_dim3A_161 : f32 to vector<16xf32>
    %swap3A_163 = arith.constant 320 : index
    %swap3A_164 = tpu.vector_load %arg6[%swap3A_163] {strides = array<i32>} : memref<640xf32, #tpu.memory_space<vmem>>, vector<16xf32>,
    %swap3A_165 = vector.shape_cast %swap3A_164 : vector<16xf32> to vector<16xf32>
    %swap3A_166 = vector.shape_cast %broadcast_in_dim3A_162 : vector<16xf32> to vector<16xf32>
    tpu.vector_store %arg6[%swap3A_163], %swap3A_166 {strides = array<i32>} : memref<640xf32, #tpu.memory_space<vmem>>, vector<16xf32>,
    %broadcast_in_dim3A_167 = arith.constant 0.000000e+00 : f32
    %broadcast_in_dim3A_168 = vector.broadcast %broadcast_in_dim3A_167 : f32 to vector<16xf32>
    %swap3A_169 = arith.constant 448 : index
    %swap3A_170 = tpu.vector_load %arg6[%swap3A_169] {strides = array<i32>} : memref<640xf32, #tpu.memory_space<vmem>>, vector<16xf32>,
    %swap3A_171 = vector.shape_cast %swap3A_170 : vector<16xf32> to vector<16xf32>
    %swap3A_172 = vector.shape_cast %broadcast_in_dim3A_168 : vector<16xf32> to vector<16xf32>
    tpu.vector_store %arg6[%swap3A_169], %swap3A_172 {strides = array<i32>} : memref<640xf32, #tpu.memory_space<vmem>>, vector<16xf32>,
    %broadcast_in_dim3A_173 = arith.constant 0.000000e+00 : f32
    %broadcast_in_dim3A_174 = vector.broadcast %broadcast_in_dim3A_173 : f32 to vector<16xf32>
    %swap3A_175 = arith.constant 576 : index
    %swap3A_176 = tpu.vector_load %arg6[%swap3A_175] {strides = array<i32>} : memref<640xf32, #tpu.memory_space<vmem>>, vector<16xf32>,
    %swap3A_177 = vector.shape_cast %swap3A_176 : vector<16xf32> to vector<16xf32>
    %swap3A_178 = vector.shape_cast %broadcast_in_dim3A_174 : vector<16xf32> to vector<16xf32>
    tpu.vector_store %arg6[%swap3A_175], %swap3A_178 {strides = array<i32>} : memref<640xf32, #tpu.memory_space<vmem>>, vector<16xf32>,
    %broadcast_in_dim3A_179 = arith.constant 1.000000e+00 : f32
    %broadcast_in_dim3A_180 = vector.broadcast %broadcast_in_dim3A_179 : f32 to vector<16xf32>
    %swap3A_181 = arith.constant 80 : index
    %swap3A_182 = tpu.vector_load %arg5[%swap3A_181] {strides = array<i32>} : memref<128xf32, #tpu.memory_space<vmem>>, vector<16xf32>,
    %swap3A_183 = vector.shape_cast %swap3A_182 : vector<16xf32> to vector<16xf32>
    %swap3A_184 = vector.shape_cast %broadcast_in_dim3A_180 : vector<16xf32> to vector<16xf32>
    tpu.vector_store %arg5[%swap3A_181], %swap3A_184 {strides = array<i32>} : memref<128xf32, #tpu.memory_space<vmem>>, vector<16xf32>,
    %broadcast_in_dim3A_185 = arith.constant 0.000000e+00 : f32
    %broadcast_in_dim3A_186 = vector.broadcast %broadcast_in_dim3A_185 : f32 to vector<16xf32>
    %swap3A_187 = arith.constant 80 : index
    %swap3A_188 = tpu.vector_load %arg6[%swap3A_187] {strides = array<i32>} : memref<640xf32, #tpu.memory_space<vmem>>, vector<16xf32>,
    %swap3A_189 = vector.shape_cast %swap3A_188 : vector<16xf32> to vector<16xf32>
    %swap3A_190 = vector.shape_cast %broadcast_in_dim3A_186 : vector<16xf32> to vector<16xf32>
    tpu.vector_store %arg6[%swap3A_187], %swap3A_190 {strides = array<i32>} : memref<640xf32, #tpu.memory_space<vmem>>, vector<16xf32>,
    %broadcast_in_dim3A_191 = arith.constant 0.000000e+00 : f32
    %broadcast_in_dim3A_192 = vector.broadcast %broadcast_in_dim3A_191 : f32 to vector<16xf32>
    %swap3A_193 = arith.constant 208 : index
    %swap3A_194 = tpu.vector_load %arg6[%swap3A_193] {strides = array<i32>} : memref<640xf32, #tpu.memory_space<vmem>>, vector<16xf32>,
    %swap3A_195 = vector.shape_cast %swap3A_194 : vector<16xf32> to vector<16xf32>
    %swap3A_196 = vector.shape_cast %broadcast_in_dim3A_192 : vector<16xf32> to vector<16xf32>
    tpu.vector_store %arg6[%swap3A_193], %swap3A_196 {strides = array<i32>} : memref<640xf32, #tpu.memory_space<vmem>>, vector<16xf32>,
    %broadcast_in_dim3A_197 = arith.constant 0.000000e+00 : f32
    %broadcast_in_dim3A_198 = vector.broadcast %broadcast_in_dim3A_197 : f32 to vector<16xf32>
    %swap3A_199 = arith.constant 336 : index
    %swap3A_200 = tpu.vector_load %arg6[%swap3A_199] {strides = array<i32>} : memref<640xf32, #tpu.memory_space<vmem>>, vector<16xf32>,
    %swap3A_201 = vector.shape_cast %swap3A_200 : vector<16xf32> to vector<16xf32>
    %swap3A_202 = vector.shape_cast %broadcast_in_dim3A_198 : vector<16xf32> to vector<16xf32>
    tpu.vector_store %arg6[%swap3A_199], %swap3A_202 {strides = array<i32>} : memref<640xf32, #tpu.memory_space<vmem>>, vector<16xf32>,
    %broadcast_in_dim3A_203 = arith.constant 0.000000e+00 : f32
    %broadcast_in_dim3A_204 = vector.broadcast %broadcast_in_dim3A_203 : f32 to vector<16xf32>
    %swap3A_205 = arith.constant 464 : index
    %swap3A_206 = tpu.vector_load %arg6[%swap3A_205] {strides = array<i32>} : memref<640xf32, #tpu.memory_space<vmem>>, vector<16xf32>,
    %swap3A_207 = vector.shape_cast %swap3A_206 : vector<16xf32> to vector<16xf32>
    %swap3A_208 = vector.shape_cast %broadcast_in_dim3A_204 : vector<16xf32> to vector<16xf32>
    tpu.vector_store %arg6[%swap3A_205], %swap3A_208 {strides = array<i32>} : memref<640xf32, #tpu.memory_space<vmem>>, vector<16xf32>,
    %broadcast_in_dim3A_209 = arith.constant 0.000000e+00 : f32
    %broadcast_in_dim3A_210 = vector.broadcast %broadcast_in_dim3A_209 : f32 to vector<16xf32>
    %swap3A_211 = arith.constant 592 : index
    %swap3A_212 = tpu.vector_load %arg6[%swap3A_211] {strides = array<i32>} : memref<640xf32, #tpu.memory_space<vmem>>, vector<16xf32>,
    %swap3A_213 = vector.shape_cast %swap3A_212 : vector<16xf32> to vector<16xf32>
    %swap3A_214 = vector.shape_cast %broadcast_in_dim3A_210 : vector<16xf32> to vector<16xf32>
    tpu.vector_store %arg6[%swap3A_211], %swap3A_214 {strides = array<i32>} : memref<640xf32, #tpu.memory_space<vmem>>, vector<16xf32>,
    %broadcast_in_dim3A_215 = arith.constant 1.000000e+00 : f32
    %broadcast_in_dim3A_216 = vector.broadcast %broadcast_in_dim3A_215 : f32 to vector<16xf32>
    %swap3A_217 = arith.constant 96 : index
    %swap3A_218 = tpu.vector_load %arg5[%swap3A_217] {strides = array<i32>} : memref<128xf32, #tpu.memory_space<vmem>>, vector<16xf32>,
    %swap3A_219 = vector.shape_cast %swap3A_218 : vector<16xf32> to vector<16xf32>
    %swap3A_220 = vector.shape_cast %broadcast_in_dim3A_216 : vector<16xf32> to vector<16xf32>
    tpu.vector_store %arg5[%swap3A_217], %swap3A_220 {strides = array<i32>} : memref<128xf32, #tpu.memory_space<vmem>>, vector<16xf32>,
    %broadcast_in_dim3A_221 = arith.constant 0.000000e+00 : f32
    %broadcast_in_dim3A_222 = vector.broadcast %broadcast_in_dim3A_221 : f32 to vector<16xf32>
    %swap3A_223 = arith.constant 96 : index
    %swap3A_224 = tpu.vector_load %arg6[%swap3A_223] {strides = array<i32>} : memref<640xf32, #tpu.memory_space<vmem>>, vector<16xf32>,
    %swap3A_225 = vector.shape_cast %swap3A_224 : vector<16xf32> to vector<16xf32>
    %swap3A_226 = vector.shape_cast %broadcast_in_dim3A_222 : vector<16xf32> to vector<16xf32>
    tpu.vector_store %arg6[%swap3A_223], %swap3A_226 {strides = array<i32>} : memref<640xf32, #tpu.memory_space<vmem>>, vector<16xf32>,
    %broadcast_in_dim3A_227 = arith.constant 0.000000e+00 : f32
    %broadcast_in_dim3A_228 = vector.broadcast %broadcast_in_dim3A_227 : f32 to vector<16xf32>
    %swap3A_229 = arith.constant 224 : index
    %swap3A_230 = tpu.vector_load %arg6[%swap3A_229] {strides = array<i32>} : memref<640xf32, #tpu.memory_space<vmem>>, vector<16xf32>,
    %swap3A_231 = vector.shape_cast %swap3A_230 : vector<16xf32> to vector<16xf32>
    %swap3A_232 = vector.shape_cast %broadcast_in_dim3A_228 : vector<16xf32> to vector<16xf32>
    tpu.vector_store %arg6[%swap3A_229], %swap3A_232 {strides = array<i32>} : memref<640xf32, #tpu.memory_space<vmem>>, vector<16xf32>,
    %broadcast_in_dim3A_233 = arith.constant 0.000000e+00 : f32
    %broadcast_in_dim3A_234 = vector.broadcast %broadcast_in_dim3A_233 : f32 to vector<16xf32>
    %swap3A_235 = arith.constant 352 : index
    %swap3A_236 = tpu.vector_load %arg6[%swap3A_235] {strides = array<i32>} : memref<640xf32, #tpu.memory_space<vmem>>, vector<16xf32>,
    %swap3A_237 = vector.shape_cast %swap3A_236 : vector<16xf32> to vector<16xf32>
    %swap3A_238 = vector.shape_cast %broadcast_in_dim3A_234 : vector<16xf32> to vector<16xf32>
    tpu.vector_store %arg6[%swap3A_235], %swap3A_238 {strides = array<i32>} : memref<640xf32, #tpu.memory_space<vmem>>, vector<16xf32>,
    %broadcast_in_dim3A_239 = arith.constant 0.000000e+00 : f32
    %broadcast_in_dim3A_240 = vector.broadcast %broadcast_in_dim3A_239 : f32 to vector<16xf32>
    %swap3A_241 = arith.constant 480 : index
    %swap3A_242 = tpu.vector_load %arg6[%swap3A_241] {strides = array<i32>} : memref<640xf32, #tpu.memory_space<vmem>>, vector<16xf32>,
    %swap3A_243 = vector.shape_cast %swap3A_242 : vector<16xf32> to vector<16xf32>
    %swap3A_244 = vector.shape_cast %broadcast_in_dim3A_240 : vector<16xf32> to vector<16xf32>
    tpu.vector_store %arg6[%swap3A_241], %swap3A_244 {strides = array<i32>} : memref<640xf32, #tpu.memory_space<vmem>>, vector<16xf32>,
    %broadcast_in_dim3A_245 = arith.constant 0.000000e+00 : f32
    %broadcast_in_dim3A_246 = vector.broadcast %broadcast_in_dim3A_245 : f32 to vector<16xf32>
    %swap3A_247 = arith.constant 608 : index
    %swap3A_248 = tpu.vector_load %arg6[%swap3A_247] {strides = array<i32>} : memref<640xf32, #tpu.memory_space<vmem>>, vector<16xf32>,
    %swap3A_249 = vector.shape_cast %swap3A_248 : vector<16xf32> to vector<16xf32>
    %swap3A_250 = vector.shape_cast %broadcast_in_dim3A_246 : vector<16xf32> to vector<16xf32>
    tpu.vector_store %arg6[%swap3A_247], %swap3A_250 {strides = array<i32>} : memref<640xf32, #tpu.memory_space<vmem>>, vector<16xf32>,
    %broadcast_in_dim3A_251 = arith.constant 1.000000e+00 : f32
    %broadcast_in_dim3A_252 = vector.broadcast %broadcast_in_dim3A_251 : f32 to vector<16xf32>
    %swap3A_253 = arith.constant 112 : index
    %swap3A_254 = tpu.vector_load %arg5[%swap3A_253] {strides = array<i32>} : memref<128xf32, #tpu.memory_space<vmem>>, vector<16xf32>,
    %swap3A_255 = vector.shape_cast %swap3A_254 : vector<16xf32> to vector<16xf32>
    %swap3A_256 = vector.shape_cast %broadcast_in_dim3A_252 : vector<16xf32> to vector<16xf32>
    tpu.vector_store %arg5[%swap3A_253], %swap3A_256 {strides = array<i32>} : memref<128xf32, #tpu.memory_space<vmem>>, vector<16xf32>,
    %broadcast_in_dim3A_257 = arith.constant 0.000000e+00 : f32
    %broadcast_in_dim3A_258 = vector.broadcast %broadcast_in_dim3A_257 : f32 to vector<16xf32>
    %swap3A_259 = arith.constant 112 : index
    %swap3A_260 = tpu.vector_load %arg6[%swap3A_259] {strides = array<i32>} : memref<640xf32, #tpu.memory_space<vmem>>, vector<16xf32>,
    %swap3A_261 = vector.shape_cast %swap3A_260 : vector<16xf32> to vector<16xf32>
    %swap3A_262 = vector.shape_cast %broadcast_in_dim3A_258 : vector<16xf32> to vector<16xf32>
    tpu.vector_store %arg6[%swap3A_259], %swap3A_262 {strides = array<i32>} : memref<640xf32, #tpu.memory_space<vmem>>, vector<16xf32>,
    %broadcast_in_dim3A_263 = arith.constant 0.000000e+00 : f32
    %broadcast_in_dim3A_264 = vector.broadcast %broadcast_in_dim3A_263 : f32 to vector<16xf32>
    %swap3A_265 = arith.constant 240 : index
    %swap3A_266 = tpu.vector_load %arg6[%swap3A_265] {strides = array<i32>} : memref<640xf32, #tpu.memory_space<vmem>>, vector<16xf32>,
    %swap3A_267 = vector.shape_cast %swap3A_266 : vector<16xf32> to vector<16xf32>
    %swap3A_268 = vector.shape_cast %broadcast_in_dim3A_264 : vector<16xf32> to vector<16xf32>
    tpu.vector_store %arg6[%swap3A_265], %swap3A_268 {strides = array<i32>} : memref<640xf32, #tpu.memory_space<vmem>>, vector<16xf32>,
    %broadcast_in_dim3A_269 = arith.constant 0.000000e+00 : f32
    %broadcast_in_dim3A_270 = vector.broadcast %broadcast_in_dim3A_269 : f32 to vector<16xf32>
    %swap3A_271 = arith.constant 368 : index
    %swap3A_272 = tpu.vector_load %arg6[%swap3A_271] {strides = array<i32>} : memref<640xf32, #tpu.memory_space<vmem>>, vector<16xf32>,
    %swap3A_273 = vector.shape_cast %swap3A_272 : vector<16xf32> to vector<16xf32>
    %swap3A_274 = vector.shape_cast %broadcast_in_dim3A_270 : vector<16xf32> to vector<16xf32>
    tpu.vector_store %arg6[%swap3A_271], %swap3A_274 {strides = array<i32>} : memref<640xf32, #tpu.memory_space<vmem>>, vector<16xf32>,
    %broadcast_in_dim3A_275 = arith.constant 0.000000e+00 : f32
    %broadcast_in_dim3A_276 = vector.broadcast %broadcast_in_dim3A_275 : f32 to vector<16xf32>
    %swap3A_277 = arith.constant 496 : index
    %swap3A_278 = tpu.vector_load %arg6[%swap3A_277] {strides = array<i32>} : memref<640xf32, #tpu.memory_space<vmem>>, vector<16xf32>,
    %swap3A_279 = vector.shape_cast %swap3A_278 : vector<16xf32> to vector<16xf32>
    %swap3A_280 = vector.shape_cast %broadcast_in_dim3A_276 : vector<16xf32> to vector<16xf32>
    tpu.vector_store %arg6[%swap3A_277], %swap3A_280 {strides = array<i32>} : memref<640xf32, #tpu.memory_space<vmem>>, vector<16xf32>,
    %broadcast_in_dim3A_281 = arith.constant 0.000000e+00 : f32
    %broadcast_in_dim3A_282 = vector.broadcast %broadcast_in_dim3A_281 : f32 to vector<16xf32>
    %swap3A_283 = arith.constant 624 : index
    %swap3A_284 = tpu.vector_load %arg6[%swap3A_283] {strides = array<i32>} : memref<640xf32, #tpu.memory_space<vmem>>, vector<16xf32>,
    %swap3A_285 = vector.shape_cast %swap3A_284 : vector<16xf32> to vector<16xf32>
    %swap3A_286 = vector.shape_cast %broadcast_in_dim3A_282 : vector<16xf32> to vector<16xf32>
    tpu.vector_store %arg6[%swap3A_283], %swap3A_286 {strides = array<i32>} : memref<640xf32, #tpu.memory_space<vmem>>, vector<16xf32>,
    %mul3A_287 = arith.constant 640 : i32
    %mul3A_288 = arith.muli %arg1, %mul3A_287 : i32
    "tpu.region"() ({
      %run_scoped3A = tpu.sem_alloc : memref<!tpu.dma_semaphore, #tpu.memory_space<semaphore_mem>>
      %dma_start3A = tpu.memref_slice %arg7[%mul3A_288] : memref<10240xf32, #tpu.memory_space<vmem_shared>> -> memref<640xf32, #tpu.memory_space<vmem_shared>>
      %dma_start3A_300 = tpu.memref_slice %arg7[%mul3A_288] : memref<10240xf32, #tpu.memory_space<vmem_shared>> -> memref<640xf32, #tpu.memory_space<vmem_shared>>
      tpu.enqueue_dma source(%arg6 : memref<640xf32, #tpu.memory_space<vmem>>) target(%dma_start3A_300 : memref<640xf32, #tpu.memory_space<vmem_shared>>) target_semaphore(%run_scoped3A : memref<!tpu.dma_semaphore, #tpu.memory_space<semaphore_mem>>)
      %dma_wait3A = tpu.memref_slice %arg7[%mul3A_288] : memref<10240xf32, #tpu.memory_space<vmem_shared>> -> memref<640xf32, #tpu.memory_space<vmem_shared>>
      %dma_wait3A_301 = tpu.memref_slice %arg7[%mul3A_288] : memref<10240xf32, #tpu.memory_space<vmem_shared>> -> memref<640xf32, #tpu.memory_space<vmem_shared>>
      tpu.wait_dma2 semaphore(%run_scoped3A : memref<!tpu.dma_semaphore, #tpu.memory_space<semaphore_mem>>) src(%arg6 : memref<640xf32, #tpu.memory_space<vmem>>) dst(%dma_wait3A_301 : memref<640xf32, #tpu.memory_space<vmem_shared>>)
      tpu.yield
    }) : () -> ()
    %barrier3A = arith.constant 0 : index
    tpu.barrier barrier_id(%barrier3A)
    "tpu.region"() ({
      %run_scoped3A = tpu.sem_alloc : memref<!tpu.dma_semaphore, #tpu.memory_space<semaphore_mem>>
      %dma_start3A = arith.constant 0 : i32
      %dma_start3A_300 = arith.constant 0 : i32
      %dma_start3A_301 = tpu.memref_slice %arg2[%add3A, %dma_start3A, %dma_start3A_300] : memref<32x80x128xi32, #tpu.memory_space<hbm>> -> memref<1x80x128xi32, #tpu.memory_space<hbm>>
      %dma_start3A_302 = tpu.memref_squeeze %dma_start3A_301 : memref<1x80x128xi32, #tpu.memory_space<hbm>> -> memref<80x128xi32, #tpu.memory_space<hbm>>
      %dma_start3A_303 = arith.constant 0 : i32
      %dma_start3A_304 = arith.constant 0 : i32
      %dma_start3A_305 = tpu.memref_slice %arg2[%add3A, %dma_start3A_303, %dma_start3A_304] : memref<32x80x128xi32, #tpu.memory_space<hbm>> -> memref<1x80x128xi32, #tpu.memory_space<hbm>>
      %dma_start3A_306 = tpu.memref_squeeze %dma_start3A_305 : memref<1x80x128xi32, #tpu.memory_space<hbm>> -> memref<80x128xi32, #tpu.memory_space<hbm>>
      tpu.enqueue_dma source(%dma_start3A_306 : memref<80x128xi32, #tpu.memory_space<hbm>>) target(%arg4 : memref<80x128xi32, #tpu.memory_space<vmem>>) target_semaphore(%run_scoped3A : memref<!tpu.dma_semaphore, #tpu.memory_space<semaphore_mem>>)
      %dma_wait3A = arith.constant 0 : i32
      %dma_wait3A_307 = arith.constant 0 : i32
      %dma_wait3A_308 = tpu.memref_slice %arg2[%add3A, %dma_wait3A, %dma_wait3A_307] : memref<32x80x128xi32, #tpu.memory_space<hbm>> -> memref<1x80x128xi32, #tpu.memory_space<hbm>>
      %dma_wait3A_309 = tpu.memref_squeeze %dma_wait3A_308 : memref<1x80x128xi32, #tpu.memory_space<hbm>> -> memref<80x128xi32, #tpu.memory_space<hbm>>
      %dma_wait3A_310 = arith.constant 0 : i32
      %dma_wait3A_311 = arith.constant 0 : i32
      %dma_wait3A_312 = tpu.memref_slice %arg2[%add3A, %dma_wait3A_310, %dma_wait3A_311] : memref<32x80x128xi32, #tpu.memory_space<hbm>> -> memref<1x80x128xi32, #tpu.memory_space<hbm>>
      %dma_wait3A_313 = tpu.memref_squeeze %dma_wait3A_312 : memref<1x80x128xi32, #tpu.memory_space<hbm>> -> memref<80x128xi32, #tpu.memory_space<hbm>>
      tpu.wait_dma2 semaphore(%run_scoped3A : memref<!tpu.dma_semaphore, #tpu.memory_space<semaphore_mem>>) src(%dma_wait3A_313 : memref<80x128xi32, #tpu.memory_space<hbm>>) dst(%arg4 : memref<80x128xi32, #tpu.memory_space<vmem>>)
      tpu.yield
    }) : () -> ()
    %scan3A = arith.constant 0 : i32
    %scan3A_289 = arith.constant 0 : i32
    %scan3A_290 = arith.constant 80 : i32
    %scan3A_291 = arith.addi %scan3A_289, %scan3A_290 : i32
    %scan3A_292 = arith.constant 1 : i32
    %scan3A_293 = scf.for %scan3A_300 = %scan3A_289 to %scan3A_291 step %scan3A_292 iter_args(%scan3A_301 = %scan3A) -> (i32)  : i32 {
      "tpu.region"() ({
        %run_scoped3A = tpu.sem_alloc : memref<!tpu.dma_semaphore, #tpu.memory_space<semaphore_mem>>
        %dma_start3A = arith.constant 0 : i32
        %dma_start3A_303 = tpu.memref_slice %arg4[%scan3A_300, %dma_start3A] : memref<80x128xi32, #tpu.memory_space<vmem>> -> memref<1x128xi32, #tpu.memory_space<vmem>>
        %dma_start3A_304 = tpu.memref_squeeze %dma_start3A_303 : memref<1x128xi32, #tpu.memory_space<vmem>> -> memref<128xi32, #tpu.memory_space<vmem>>
        %dma_start3A_305 = arith.constant 0 : i32
        %dma_start3A_306 = tpu.memref_slice %arg7[%dma_start3A_305] : memref<10240xf32, #tpu.memory_space<vmem_shared>> -> memref<10240xf32, #tpu.memory_space<vmem_shared>>
        tpu.enqueue_indirect_dma source(%arg5 : memref<128xf32, #tpu.memory_space<vmem>>) target(%dma_start3A_306 : memref<10240xf32, #tpu.memory_space<vmem_shared>>) offsets(%dma_start3A_304 : memref<128xi32, #tpu.memory_space<vmem>>) semaphore(%run_scoped3A : memref<!tpu.dma_semaphore, #tpu.memory_space<semaphore_mem>>) {add = true}
        %dma_wait3A = arith.constant 0 : i32
        %dma_wait3A_307 = tpu.memref_slice %arg4[%scan3A_300, %dma_wait3A] : memref<80x128xi32, #tpu.memory_space<vmem>> -> memref<1x128xi32, #tpu.memory_space<vmem>>
        %dma_wait3A_308 = tpu.memref_squeeze %dma_wait3A_307 : memref<1x128xi32, #tpu.memory_space<vmem>> -> memref<128xi32, #tpu.memory_space<vmem>>
        %dma_wait3A_309 = arith.constant 0 : i32
        %dma_wait3A_310 = tpu.memref_slice %arg7[%dma_wait3A_309] : memref<10240xf32, #tpu.memory_space<vmem_shared>> -> memref<10240xf32, #tpu.memory_space<vmem_shared>>
        tpu.wait_indirect_dma semaphore(%run_scoped3A : memref<!tpu.dma_semaphore, #tpu.memory_space<semaphore_mem>>) src(%arg5 : memref<128xf32, #tpu.memory_space<vmem>>) dst(%dma_wait3A_310 : memref<10240xf32, #tpu.memory_space<vmem_shared>>)
        tpu.yield
      }) : () -> ()
      %scan3A_302 = arith.constant 0 : i32
      scf.yield %scan3A_302 : i32
    }
    %scan3A_294 = arith.constant 80 : i32
    %barrier3A_295 = arith.constant 0 : index
    tpu.barrier barrier_id(%barrier3A_295)
    %mul3A_296 = arith.constant 640 : i32
    %mul3A_297 = arith.muli %arg1, %mul3A_296 : i32
    %mul3A_298 = arith.constant 640 : i32
    %mul3A_299 = arith.muli %arg1, %mul3A_298 : i32
    "tpu.region"() ({
      %run_scoped3A = tpu.sem_alloc : memref<!tpu.dma_semaphore, #tpu.memory_space<semaphore_mem>>
      %dma_start3A = tpu.memref_slice %arg3[%arg0, %mul3A_299] : memref<2x10240xf32, #tpu.memory_space<hbm>> -> memref<1x640xf32, #tpu.memory_space<hbm>>
      %dma_start3A_300 = tpu.memref_squeeze %dma_start3A : memref<1x640xf32, #tpu.memory_space<hbm>> -> memref<640xf32, #tpu.memory_space<hbm>>
      %dma_start3A_301 = tpu.memref_slice %arg7[%mul3A_297] : memref<10240xf32, #tpu.memory_space<vmem_shared>> -> memref<640xf32, #tpu.memory_space<vmem_shared>>
      tpu.enqueue_dma source(%dma_start3A_301 : memref<640xf32, #tpu.memory_space<vmem_shared>>) target(%dma_start3A_300 : memref<640xf32, #tpu.memory_space<hbm>>) target_semaphore(%run_scoped3A : memref<!tpu.dma_semaphore, #tpu.memory_space<semaphore_mem>>)
      %dma_wait3A = tpu.memref_slice %arg3[%arg0, %mul3A_299] : memref<2x10240xf32, #tpu.memory_space<hbm>> -> memref<1x640xf32, #tpu.memory_space<hbm>>
      %dma_wait3A_302 = tpu.memref_squeeze %dma_wait3A : memref<1x640xf32, #tpu.memory_space<hbm>> -> memref<640xf32, #tpu.memory_space<hbm>>
      %dma_wait3A_303 = tpu.memref_slice %arg7[%mul3A_297] : memref<10240xf32, #tpu.memory_space<vmem_shared>> -> memref<640xf32, #tpu.memory_space<vmem_shared>>
      tpu.wait_dma2 semaphore(%run_scoped3A : memref<!tpu.dma_semaphore, #tpu.memory_space<semaphore_mem>>) src(%dma_wait3A_303 : memref<640xf32, #tpu.memory_space<vmem_shared>>) dst(%dma_wait3A_302 : memref<640xf32, #tpu.memory_space<hbm>>)
      tpu.yield
    }) : () -> ()
    return
  }
}

#map = affine_map<(d0, d1) -> (0, 0)>
#map1 = affine_map<(d0, d1) -> (0, 0, 0)>
module attributes {stable_mosaic.version = 14 : i64} {
  func.func @body(%arg0: i32, %arg1: i32, %arg2: memref<10240x128xf32, #tpu.memory_space<hbm>>, %arg3: memref<32x80x128xi32, #tpu.memory_space<hbm>>, %arg4: memref<32x80x128xi32, #tpu.memory_space<hbm>>, %arg5: memref<2x10240x128xf32, #tpu.memory_space<hbm>>, %arg6: memref<16x128xi32, #tpu.memory_space<vmem>>, %arg7: memref<16x128xi32, #tpu.memory_space<vmem>>, %arg8: memref<128x128xf32, #tpu.memory_space<vmem>>, %arg9: memref<128x128xf32, #tpu.memory_space<vmem>>, %arg10: memref<10240x128xf32, #tpu.memory_space<vmem_shared>>, %arg11: memref<!tpu.dma_semaphore, #tpu.memory_space<semaphore_mem>>, %arg12: memref<!tpu.dma_semaphore, #tpu.memory_space<semaphore_mem>>) attributes {dimension_semantics = [#tpu.dimension_semantics<core_parallel>, #tpu.dimension_semantics<subcore_parallel>], iteration_bounds = array<i64: 2, 16>, scalar_prefetch = 0 : i64, scratch_operands = 7 : i64, tpu.core_type = #tpu.core_type<sc_vector_subcore>, window_params = [{transform_indices = #map}, {transform_indices = #map1}, {transform_indices = #map1}, {transform_indices = #map1}]} {
    %mul3A = arith.constant 16 : i32
    %mul3A_0 = arith.muli %arg0, %mul3A : i32
    %add3A = arith.addi %mul3A_0, %arg1 : i32
    %broadcast_in_dim3A = arith.constant 0.000000e+00 : f32
    %broadcast_in_dim3A_1 = vector.broadcast %broadcast_in_dim3A : f32 to vector<16xf32>
    %scan3A = arith.constant 0 : i32
    %scan3A_2 = arith.constant 0 : i32
    %scan3A_3 = arith.constant 128 : i32
    %scan3A_4 = arith.addi %scan3A_2, %scan3A_3 : i32
    %scan3A_5 = arith.constant 1 : i32
    %scan3A_6 = scf.for %scan3A_136 = %scan3A_2 to %scan3A_4 step %scan3A_5 iter_args(%scan3A_137 = %scan3A) -> (i32)  : i32 {
      %swap3A = arith.index_cast %scan3A_136 : i32 to index
      %swap3A_138 = arith.constant 0 : index
      %swap3A_139 = tpu.vector_load %arg8[%swap3A, %swap3A_138] {strides = array<i32>} : memref<128x128xf32, #tpu.memory_space<vmem>>, vector<1x16xf32>,
      %swap3A_140 = vector.shape_cast %swap3A_139 : vector<1x16xf32> to vector<16xf32>
      %swap3A_141 = vector.shape_cast %broadcast_in_dim3A_1 : vector<16xf32> to vector<1x16xf32>
      tpu.vector_store %arg8[%swap3A, %swap3A_138], %swap3A_141 {strides = array<i32>} : memref<128x128xf32, #tpu.memory_space<vmem>>, vector<1x16xf32>,
      %swap3A_142 = arith.index_cast %scan3A_136 : i32 to index
      %swap3A_143 = arith.constant 16 : index
      %swap3A_144 = tpu.vector_load %arg8[%swap3A_142, %swap3A_143] {strides = array<i32>} : memref<128x128xf32, #tpu.memory_space<vmem>>, vector<1x16xf32>,
      %swap3A_145 = vector.shape_cast %swap3A_144 : vector<1x16xf32> to vector<16xf32>
      %swap3A_146 = vector.shape_cast %broadcast_in_dim3A_1 : vector<16xf32> to vector<1x16xf32>
      tpu.vector_store %arg8[%swap3A_142, %swap3A_143], %swap3A_146 {strides = array<i32>} : memref<128x128xf32, #tpu.memory_space<vmem>>, vector<1x16xf32>,
      %swap3A_147 = arith.index_cast %scan3A_136 : i32 to index
      %swap3A_148 = arith.constant 32 : index
      %swap3A_149 = tpu.vector_load %arg8[%swap3A_147, %swap3A_148] {strides = array<i32>} : memref<128x128xf32, #tpu.memory_space<vmem>>, vector<1x16xf32>,
      %swap3A_150 = vector.shape_cast %swap3A_149 : vector<1x16xf32> to vector<16xf32>
      %swap3A_151 = vector.shape_cast %broadcast_in_dim3A_1 : vector<16xf32> to vector<1x16xf32>
      tpu.vector_store %arg8[%swap3A_147, %swap3A_148], %swap3A_151 {strides = array<i32>} : memref<128x128xf32, #tpu.memory_space<vmem>>, vector<1x16xf32>,
      %swap3A_152 = arith.index_cast %scan3A_136 : i32 to index
      %swap3A_153 = arith.constant 48 : index
      %swap3A_154 = tpu.vector_load %arg8[%swap3A_152, %swap3A_153] {strides = array<i32>} : memref<128x128xf32, #tpu.memory_space<vmem>>, vector<1x16xf32>,
      %swap3A_155 = vector.shape_cast %swap3A_154 : vector<1x16xf32> to vector<16xf32>
      %swap3A_156 = vector.shape_cast %broadcast_in_dim3A_1 : vector<16xf32> to vector<1x16xf32>
      tpu.vector_store %arg8[%swap3A_152, %swap3A_153], %swap3A_156 {strides = array<i32>} : memref<128x128xf32, #tpu.memory_space<vmem>>, vector<1x16xf32>,
      %swap3A_157 = arith.index_cast %scan3A_136 : i32 to index
      %swap3A_158 = arith.constant 64 : index
      %swap3A_159 = tpu.vector_load %arg8[%swap3A_157, %swap3A_158] {strides = array<i32>} : memref<128x128xf32, #tpu.memory_space<vmem>>, vector<1x16xf32>,
      %swap3A_160 = vector.shape_cast %swap3A_159 : vector<1x16xf32> to vector<16xf32>
      %swap3A_161 = vector.shape_cast %broadcast_in_dim3A_1 : vector<16xf32> to vector<1x16xf32>
      tpu.vector_store %arg8[%swap3A_157, %swap3A_158], %swap3A_161 {strides = array<i32>} : memref<128x128xf32, #tpu.memory_space<vmem>>, vector<1x16xf32>,
      %swap3A_162 = arith.index_cast %scan3A_136 : i32 to index
      %swap3A_163 = arith.constant 80 : index
      %swap3A_164 = tpu.vector_load %arg8[%swap3A_162, %swap3A_163] {strides = array<i32>} : memref<128x128xf32, #tpu.memory_space<vmem>>, vector<1x16xf32>,
      %swap3A_165 = vector.shape_cast %swap3A_164 : vector<1x16xf32> to vector<16xf32>
      %swap3A_166 = vector.shape_cast %broadcast_in_dim3A_1 : vector<16xf32> to vector<1x16xf32>
      tpu.vector_store %arg8[%swap3A_162, %swap3A_163], %swap3A_166 {strides = array<i32>} : memref<128x128xf32, #tpu.memory_space<vmem>>, vector<1x16xf32>,
      %swap3A_167 = arith.index_cast %scan3A_136 : i32 to index
      %swap3A_168 = arith.constant 96 : index
      %swap3A_169 = tpu.vector_load %arg8[%swap3A_167, %swap3A_168] {strides = array<i32>} : memref<128x128xf32, #tpu.memory_space<vmem>>, vector<1x16xf32>,
      %swap3A_170 = vector.shape_cast %swap3A_169 : vector<1x16xf32> to vector<16xf32>
      %swap3A_171 = vector.shape_cast %broadcast_in_dim3A_1 : vector<16xf32> to vector<1x16xf32>
      tpu.vector_store %arg8[%swap3A_167, %swap3A_168], %swap3A_171 {strides = array<i32>} : memref<128x128xf32, #tpu.memory_space<vmem>>, vector<1x16xf32>,
      %swap3A_172 = arith.index_cast %scan3A_136 : i32 to index
      %swap3A_173 = arith.constant 112 : index
      %swap3A_174 = tpu.vector_load %arg8[%swap3A_172, %swap3A_173] {strides = array<i32>} : memref<128x128xf32, #tpu.memory_space<vmem>>, vector<1x16xf32>,
      %swap3A_175 = vector.shape_cast %swap3A_174 : vector<1x16xf32> to vector<16xf32>
      %swap3A_176 = vector.shape_cast %broadcast_in_dim3A_1 : vector<16xf32> to vector<1x16xf32>
      tpu.vector_store %arg8[%swap3A_172, %swap3A_173], %swap3A_176 {strides = array<i32>} : memref<128x128xf32, #tpu.memory_space<vmem>>, vector<1x16xf32>,
      %scan3A_177 = arith.constant 0 : i32
      scf.yield %scan3A_177 : i32
    }
    %scan3A_7 = arith.constant 128 : i32
    %mul3A_8 = arith.constant 640 : i32
    %mul3A_9 = arith.muli %arg1, %mul3A_8 : i32
    %add3A_10 = arith.constant 0 : i32
    %add3A_11 = arith.addi %mul3A_9, %add3A_10 : i32
    "tpu.region"() ({
      %run_scoped3A = tpu.sem_alloc : memref<!tpu.dma_semaphore, #tpu.memory_space<semaphore_mem>>
      %dma_start3A_136 = arith.constant 0 : i32
      %dma_start3A_137 = tpu.memref_slice %arg10[%add3A_11, %dma_start3A_136] : memref<10240x128xf32, #tpu.memory_space<vmem_shared>> -> memref<128x128xf32, #tpu.memory_space<vmem_shared>>
      %dma_start3A_138 = arith.constant 0 : i32
      %dma_start3A_139 = tpu.memref_slice %arg10[%add3A_11, %dma_start3A_138] : memref<10240x128xf32, #tpu.memory_space<vmem_shared>> -> memref<128x128xf32, #tpu.memory_space<vmem_shared>>
      tpu.enqueue_dma source(%arg8 : memref<128x128xf32, #tpu.memory_space<vmem>>) target(%dma_start3A_139 : memref<128x128xf32, #tpu.memory_space<vmem_shared>>) target_semaphore(%run_scoped3A : memref<!tpu.dma_semaphore, #tpu.memory_space<semaphore_mem>>)
      %dma_wait3A_140 = arith.constant 0 : i32
      %dma_wait3A_141 = tpu.memref_slice %arg10[%add3A_11, %dma_wait3A_140] : memref<10240x128xf32, #tpu.memory_space<vmem_shared>> -> memref<128x128xf32, #tpu.memory_space<vmem_shared>>
      %dma_wait3A_142 = arith.constant 0 : i32
      %dma_wait3A_143 = tpu.memref_slice %arg10[%add3A_11, %dma_wait3A_142] : memref<10240x128xf32, #tpu.memory_space<vmem_shared>> -> memref<128x128xf32, #tpu.memory_space<vmem_shared>>
      tpu.wait_dma2 semaphore(%run_scoped3A : memref<!tpu.dma_semaphore, #tpu.memory_space<semaphore_mem>>) src(%arg8 : memref<128x128xf32, #tpu.memory_space<vmem>>) dst(%dma_wait3A_143 : memref<128x128xf32, #tpu.memory_space<vmem_shared>>)
      tpu.yield
    }) : () -> ()
    %mul3A_12 = arith.constant 640 : i32
    %mul3A_13 = arith.muli %arg1, %mul3A_12 : i32
    %add3A_14 = arith.constant 128 : i32
    %add3A_15 = arith.addi %mul3A_13, %add3A_14 : i32
    "tpu.region"() ({
      %run_scoped3A = tpu.sem_alloc : memref<!tpu.dma_semaphore, #tpu.memory_space<semaphore_mem>>
      %dma_start3A_136 = arith.constant 0 : i32
      %dma_start3A_137 = tpu.memref_slice %arg10[%add3A_15, %dma_start3A_136] : memref<10240x128xf32, #tpu.memory_space<vmem_shared>> -> memref<128x128xf32, #tpu.memory_space<vmem_shared>>
      %dma_start3A_138 = arith.constant 0 : i32
      %dma_start3A_139 = tpu.memref_slice %arg10[%add3A_15, %dma_start3A_138] : memref<10240x128xf32, #tpu.memory_space<vmem_shared>> -> memref<128x128xf32, #tpu.memory_space<vmem_shared>>
      tpu.enqueue_dma source(%arg8 : memref<128x128xf32, #tpu.memory_space<vmem>>) target(%dma_start3A_139 : memref<128x128xf32, #tpu.memory_space<vmem_shared>>) target_semaphore(%run_scoped3A : memref<!tpu.dma_semaphore, #tpu.memory_space<semaphore_mem>>)
      %dma_wait3A_140 = arith.constant 0 : i32
      %dma_wait3A_141 = tpu.memref_slice %arg10[%add3A_15, %dma_wait3A_140] : memref<10240x128xf32, #tpu.memory_space<vmem_shared>> -> memref<128x128xf32, #tpu.memory_space<vmem_shared>>
      %dma_wait3A_142 = arith.constant 0 : i32
      %dma_wait3A_143 = tpu.memref_slice %arg10[%add3A_15, %dma_wait3A_142] : memref<10240x128xf32, #tpu.memory_space<vmem_shared>> -> memref<128x128xf32, #tpu.memory_space<vmem_shared>>
      tpu.wait_dma2 semaphore(%run_scoped3A : memref<!tpu.dma_semaphore, #tpu.memory_space<semaphore_mem>>) src(%arg8 : memref<128x128xf32, #tpu.memory_space<vmem>>) dst(%dma_wait3A_143 : memref<128x128xf32, #tpu.memory_space<vmem_shared>>)
      tpu.yield
    }) : () -> ()
    %mul3A_16 = arith.constant 640 : i32
    %mul3A_17 = arith.muli %arg1, %mul3A_16 : i32
    %add3A_18 = arith.constant 256 : i32
    %add3A_19 = arith.addi %mul3A_17, %add3A_18 : i32
    "tpu.region"() ({
      %run_scoped3A = tpu.sem_alloc : memref<!tpu.dma_semaphore, #tpu.memory_space<semaphore_mem>>
      %dma_start3A_136 = arith.constant 0 : i32
      %dma_start3A_137 = tpu.memref_slice %arg10[%add3A_19, %dma_start3A_136] : memref<10240x128xf32, #tpu.memory_space<vmem_shared>> -> memref<128x128xf32, #tpu.memory_space<vmem_shared>>
      %dma_start3A_138 = arith.constant 0 : i32
      %dma_start3A_139 = tpu.memref_slice %arg10[%add3A_19, %dma_start3A_138] : memref<10240x128xf32, #tpu.memory_space<vmem_shared>> -> memref<128x128xf32, #tpu.memory_space<vmem_shared>>
      tpu.enqueue_dma source(%arg8 : memref<128x128xf32, #tpu.memory_space<vmem>>) target(%dma_start3A_139 : memref<128x128xf32, #tpu.memory_space<vmem_shared>>) target_semaphore(%run_scoped3A : memref<!tpu.dma_semaphore, #tpu.memory_space<semaphore_mem>>)
      %dma_wait3A_140 = arith.constant 0 : i32
      %dma_wait3A_141 = tpu.memref_slice %arg10[%add3A_19, %dma_wait3A_140] : memref<10240x128xf32, #tpu.memory_space<vmem_shared>> -> memref<128x128xf32, #tpu.memory_space<vmem_shared>>
      %dma_wait3A_142 = arith.constant 0 : i32
      %dma_wait3A_143 = tpu.memref_slice %arg10[%add3A_19, %dma_wait3A_142] : memref<10240x128xf32, #tpu.memory_space<vmem_shared>> -> memref<128x128xf32, #tpu.memory_space<vmem_shared>>
      tpu.wait_dma2 semaphore(%run_scoped3A : memref<!tpu.dma_semaphore, #tpu.memory_space<semaphore_mem>>) src(%arg8 : memref<128x128xf32, #tpu.memory_space<vmem>>) dst(%dma_wait3A_143 : memref<128x128xf32, #tpu.memory_space<vmem_shared>>)
      tpu.yield
    }) : () -> ()
    %mul3A_20 = arith.constant 640 : i32
    %mul3A_21 = arith.muli %arg1, %mul3A_20 : i32
    %add3A_22 = arith.constant 384 : i32
    %add3A_23 = arith.addi %mul3A_21, %add3A_22 : i32
    "tpu.region"() ({
      %run_scoped3A = tpu.sem_alloc : memref<!tpu.dma_semaphore, #tpu.memory_space<semaphore_mem>>
      %dma_start3A_136 = arith.constant 0 : i32
      %dma_start3A_137 = tpu.memref_slice %arg10[%add3A_23, %dma_start3A_136] : memref<10240x128xf32, #tpu.memory_space<vmem_shared>> -> memref<128x128xf32, #tpu.memory_space<vmem_shared>>
      %dma_start3A_138 = arith.constant 0 : i32
      %dma_start3A_139 = tpu.memref_slice %arg10[%add3A_23, %dma_start3A_138] : memref<10240x128xf32, #tpu.memory_space<vmem_shared>> -> memref<128x128xf32, #tpu.memory_space<vmem_shared>>
      tpu.enqueue_dma source(%arg8 : memref<128x128xf32, #tpu.memory_space<vmem>>) target(%dma_start3A_139 : memref<128x128xf32, #tpu.memory_space<vmem_shared>>) target_semaphore(%run_scoped3A : memref<!tpu.dma_semaphore, #tpu.memory_space<semaphore_mem>>)
      %dma_wait3A_140 = arith.constant 0 : i32
      %dma_wait3A_141 = tpu.memref_slice %arg10[%add3A_23, %dma_wait3A_140] : memref<10240x128xf32, #tpu.memory_space<vmem_shared>> -> memref<128x128xf32, #tpu.memory_space<vmem_shared>>
      %dma_wait3A_142 = arith.constant 0 : i32
      %dma_wait3A_143 = tpu.memref_slice %arg10[%add3A_23, %dma_wait3A_142] : memref<10240x128xf32, #tpu.memory_space<vmem_shared>> -> memref<128x128xf32, #tpu.memory_space<vmem_shared>>
      tpu.wait_dma2 semaphore(%run_scoped3A : memref<!tpu.dma_semaphore, #tpu.memory_space<semaphore_mem>>) src(%arg8 : memref<128x128xf32, #tpu.memory_space<vmem>>) dst(%dma_wait3A_143 : memref<128x128xf32, #tpu.memory_space<vmem_shared>>)
      tpu.yield
    }) : () -> ()
    %mul3A_24 = arith.constant 640 : i32
    %mul3A_25 = arith.muli %arg1, %mul3A_24 : i32
    %add3A_26 = arith.constant 512 : i32
    %add3A_27 = arith.addi %mul3A_25, %add3A_26 : i32
    "tpu.region"() ({
      %run_scoped3A = tpu.sem_alloc : memref<!tpu.dma_semaphore, #tpu.memory_space<semaphore_mem>>
      %dma_start3A_136 = arith.constant 0 : i32
      %dma_start3A_137 = tpu.memref_slice %arg10[%add3A_27, %dma_start3A_136] : memref<10240x128xf32, #tpu.memory_space<vmem_shared>> -> memref<128x128xf32, #tpu.memory_space<vmem_shared>>
      %dma_start3A_138 = arith.constant 0 : i32
      %dma_start3A_139 = tpu.memref_slice %arg10[%add3A_27, %dma_start3A_138] : memref<10240x128xf32, #tpu.memory_space<vmem_shared>> -> memref<128x128xf32, #tpu.memory_space<vmem_shared>>
      tpu.enqueue_dma source(%arg8 : memref<128x128xf32, #tpu.memory_space<vmem>>) target(%dma_start3A_139 : memref<128x128xf32, #tpu.memory_space<vmem_shared>>) target_semaphore(%run_scoped3A : memref<!tpu.dma_semaphore, #tpu.memory_space<semaphore_mem>>)
      %dma_wait3A_140 = arith.constant 0 : i32
      %dma_wait3A_141 = tpu.memref_slice %arg10[%add3A_27, %dma_wait3A_140] : memref<10240x128xf32, #tpu.memory_space<vmem_shared>> -> memref<128x128xf32, #tpu.memory_space<vmem_shared>>
      %dma_wait3A_142 = arith.constant 0 : i32
      %dma_wait3A_143 = tpu.memref_slice %arg10[%add3A_27, %dma_wait3A_142] : memref<10240x128xf32, #tpu.memory_space<vmem_shared>> -> memref<128x128xf32, #tpu.memory_space<vmem_shared>>
      tpu.wait_dma2 semaphore(%run_scoped3A : memref<!tpu.dma_semaphore, #tpu.memory_space<semaphore_mem>>) src(%arg8 : memref<128x128xf32, #tpu.memory_space<vmem>>) dst(%dma_wait3A_143 : memref<128x128xf32, #tpu.memory_space<vmem_shared>>)
      tpu.yield
    }) : () -> ()
    %barrier3A = arith.constant 0 : index
    tpu.barrier barrier_id(%barrier3A)
    "tpu.region"() ({
      %run_scoped3A = tpu.sem_alloc : memref<!tpu.dma_semaphore, #tpu.memory_space<semaphore_mem>>
      %dma_start3A_136 = arith.constant 0 : i32
      %dma_start3A_137 = arith.constant 0 : i32
      %dma_start3A_138 = tpu.memref_slice %arg3[%add3A, %dma_start3A_136, %dma_start3A_137] : memref<32x80x128xi32, #tpu.memory_space<hbm>> -> memref<1x16x128xi32, #tpu.memory_space<hbm>>
      %dma_start3A_139 = tpu.memref_squeeze %dma_start3A_138 : memref<1x16x128xi32, #tpu.memory_space<hbm>> -> memref<16x128xi32, #tpu.memory_space<hbm>>
      %dma_start3A_140 = arith.constant 0 : i32
      %dma_start3A_141 = arith.constant 0 : i32
      %dma_start3A_142 = tpu.memref_slice %arg3[%add3A, %dma_start3A_140, %dma_start3A_141] : memref<32x80x128xi32, #tpu.memory_space<hbm>> -> memref<1x16x128xi32, #tpu.memory_space<hbm>>
      %dma_start3A_143 = tpu.memref_squeeze %dma_start3A_142 : memref<1x16x128xi32, #tpu.memory_space<hbm>> -> memref<16x128xi32, #tpu.memory_space<hbm>>
      tpu.enqueue_dma source(%dma_start3A_143 : memref<16x128xi32, #tpu.memory_space<hbm>>) target(%arg6 : memref<16x128xi32, #tpu.memory_space<vmem>>) target_semaphore(%run_scoped3A : memref<!tpu.dma_semaphore, #tpu.memory_space<semaphore_mem>>)
      %dma_wait3A_144 = arith.constant 0 : i32
      %dma_wait3A_145 = arith.constant 0 : i32
      %dma_wait3A_146 = tpu.memref_slice %arg3[%add3A, %dma_wait3A_144, %dma_wait3A_145] : memref<32x80x128xi32, #tpu.memory_space<hbm>> -> memref<1x16x128xi32, #tpu.memory_space<hbm>>
      %dma_wait3A_147 = tpu.memref_squeeze %dma_wait3A_146 : memref<1x16x128xi32, #tpu.memory_space<hbm>> -> memref<16x128xi32, #tpu.memory_space<hbm>>
      %dma_wait3A_148 = arith.constant 0 : i32
      %dma_wait3A_149 = arith.constant 0 : i32
      %dma_wait3A_150 = tpu.memref_slice %arg3[%add3A, %dma_wait3A_148, %dma_wait3A_149] : memref<32x80x128xi32, #tpu.memory_space<hbm>> -> memref<1x16x128xi32, #tpu.memory_space<hbm>>
      %dma_wait3A_151 = tpu.memref_squeeze %dma_wait3A_150 : memref<1x16x128xi32, #tpu.memory_space<hbm>> -> memref<16x128xi32, #tpu.memory_space<hbm>>
      tpu.wait_dma2 semaphore(%run_scoped3A : memref<!tpu.dma_semaphore, #tpu.memory_space<semaphore_mem>>) src(%dma_wait3A_151 : memref<16x128xi32, #tpu.memory_space<hbm>>) dst(%arg6 : memref<16x128xi32, #tpu.memory_space<vmem>>)
      tpu.yield
    }) : () -> ()
    "tpu.region"() ({
      %run_scoped3A = tpu.sem_alloc : memref<!tpu.dma_semaphore, #tpu.memory_space<semaphore_mem>>
      %dma_start3A_136 = arith.constant 0 : i32
      %dma_start3A_137 = arith.constant 0 : i32
      %dma_start3A_138 = tpu.memref_slice %arg4[%add3A, %dma_start3A_136, %dma_start3A_137] : memref<32x80x128xi32, #tpu.memory_space<hbm>> -> memref<1x16x128xi32, #tpu.memory_space<hbm>>
      %dma_start3A_139 = tpu.memref_squeeze %dma_start3A_138 : memref<1x16x128xi32, #tpu.memory_space<hbm>> -> memref<16x128xi32, #tpu.memory_space<hbm>>
      %dma_start3A_140 = arith.constant 0 : i32
      %dma_start3A_141 = arith.constant 0 : i32
      %dma_start3A_142 = tpu.memref_slice %arg4[%add3A, %dma_start3A_140, %dma_start3A_141] : memref<32x80x128xi32, #tpu.memory_space<hbm>> -> memref<1x16x128xi32, #tpu.memory_space<hbm>>
      %dma_start3A_143 = tpu.memref_squeeze %dma_start3A_142 : memref<1x16x128xi32, #tpu.memory_space<hbm>> -> memref<16x128xi32, #tpu.memory_space<hbm>>
      tpu.enqueue_dma source(%dma_start3A_143 : memref<16x128xi32, #tpu.memory_space<hbm>>) target(%arg7 : memref<16x128xi32, #tpu.memory_space<vmem>>) target_semaphore(%run_scoped3A : memref<!tpu.dma_semaphore, #tpu.memory_space<semaphore_mem>>)
      %dma_wait3A_144 = arith.constant 0 : i32
      %dma_wait3A_145 = arith.constant 0 : i32
      %dma_wait3A_146 = tpu.memref_slice %arg4[%add3A, %dma_wait3A_144, %dma_wait3A_145] : memref<32x80x128xi32, #tpu.memory_space<hbm>> -> memref<1x16x128xi32, #tpu.memory_space<hbm>>
      %dma_wait3A_147 = tpu.memref_squeeze %dma_wait3A_146 : memref<1x16x128xi32, #tpu.memory_space<hbm>> -> memref<16x128xi32, #tpu.memory_space<hbm>>
      %dma_wait3A_148 = arith.constant 0 : i32
      %dma_wait3A_149 = arith.constant 0 : i32
      %dma_wait3A_150 = tpu.memref_slice %arg4[%add3A, %dma_wait3A_148, %dma_wait3A_149] : memref<32x80x128xi32, #tpu.memory_space<hbm>> -> memref<1x16x128xi32, #tpu.memory_space<hbm>>
      %dma_wait3A_151 = tpu.memref_squeeze %dma_wait3A_150 : memref<1x16x128xi32, #tpu.memory_space<hbm>> -> memref<16x128xi32, #tpu.memory_space<hbm>>
      tpu.wait_dma2 semaphore(%run_scoped3A : memref<!tpu.dma_semaphore, #tpu.memory_space<semaphore_mem>>) src(%dma_wait3A_151 : memref<16x128xi32, #tpu.memory_space<hbm>>) dst(%arg7 : memref<16x128xi32, #tpu.memory_space<vmem>>)
      tpu.yield
    }) : () -> ()
    %dma_start3A = arith.constant 0 : i32
    %dma_start3A_28 = arith.constant 0 : i32
    %dma_start3A_29 = tpu.memref_slice %arg6[%dma_start3A, %dma_start3A_28] : memref<16x128xi32, #tpu.memory_space<vmem>> -> memref<1x128xi32, #tpu.memory_space<vmem>>
    %dma_start3A_30 = tpu.memref_squeeze %dma_start3A_29 : memref<1x128xi32, #tpu.memory_space<vmem>> -> memref<128xi32, #tpu.memory_space<vmem>>
    %dma_start3A_31 = arith.constant 0 : i32
    %dma_start3A_32 = arith.constant 0 : i32
    %dma_start3A_33 = tpu.memref_slice %arg2[%dma_start3A_31, %dma_start3A_32] : memref<10240x128xf32, #tpu.memory_space<hbm>> -> memref<10240x128xf32, #tpu.memory_space<hbm>>
    tpu.enqueue_indirect_dma source(%dma_start3A_33 : memref<10240x128xf32, #tpu.memory_space<hbm>>) target(%arg8 : memref<128x128xf32, #tpu.memory_space<vmem>>) offsets(%dma_start3A_30 : memref<128xi32, #tpu.memory_space<vmem>>) semaphore(%arg11 : memref<!tpu.dma_semaphore, #tpu.memory_space<semaphore_mem>>)
    %scan3A_34 = arith.constant 0 : i32
    %scan3A_35 = arith.constant 0 : i32
    %scan3A_36 = arith.constant 8 : i32
    %scan3A_37 = arith.addi %scan3A_35, %scan3A_36 : i32
    %scan3A_38 = arith.constant 1 : i32
    %scan3A_39 = scf.for %scan3A_136 = %scan3A_35 to %scan3A_37 step %scan3A_38 iter_args(%scan3A_137 = %scan3A_34) -> (i32)  : i32 {
      %mul3A_138 = arith.constant 2 : i32
      %mul3A_139 = arith.muli %mul3A_138, %scan3A_136 : i32
      %add3A_140 = arith.constant 1 : i32
      %add3A_141 = arith.addi %mul3A_139, %add3A_140 : i32
      %dma_start3A_142 = arith.constant 0 : i32
      %dma_start3A_143 = tpu.memref_slice %arg6[%add3A_141, %dma_start3A_142] : memref<16x128xi32, #tpu.memory_space<vmem>> -> memref<1x128xi32, #tpu.memory_space<vmem>>
      %dma_start3A_144 = tpu.memref_squeeze %dma_start3A_143 : memref<1x128xi32, #tpu.memory_space<vmem>> -> memref<128xi32, #tpu.memory_space<vmem>>
      %dma_start3A_145 = arith.constant 0 : i32
      %dma_start3A_146 = arith.constant 0 : i32
      %dma_start3A_147 = tpu.memref_slice %arg2[%dma_start3A_145, %dma_start3A_146] : memref<10240x128xf32, #tpu.memory_space<hbm>> -> memref<10240x128xf32, #tpu.memory_space<hbm>>
      tpu.enqueue_indirect_dma source(%dma_start3A_147 : memref<10240x128xf32, #tpu.memory_space<hbm>>) target(%arg9 : memref<128x128xf32, #tpu.memory_space<vmem>>) offsets(%dma_start3A_144 : memref<128xi32, #tpu.memory_space<vmem>>) semaphore(%arg12 : memref<!tpu.dma_semaphore, #tpu.memory_space<semaphore_mem>>)
      %mul3A_148 = arith.constant 2 : i32
      %mul3A_149 = arith.muli %mul3A_148, %scan3A_136 : i32
      %dma_wait3A_150 = arith.constant 0 : i32
      %dma_wait3A_151 = tpu.memref_slice %arg6[%mul3A_149, %dma_wait3A_150] : memref<16x128xi32, #tpu.memory_space<vmem>> -> memref<1x128xi32, #tpu.memory_space<vmem>>
      %dma_wait3A_152 = tpu.memref_squeeze %dma_wait3A_151 : memref<1x128xi32, #tpu.memory_space<vmem>> -> memref<128xi32, #tpu.memory_space<vmem>>
      %dma_wait3A_153 = arith.constant 0 : i32
      %dma_wait3A_154 = arith.constant 0 : i32
      %dma_wait3A_155 = tpu.memref_slice %arg2[%dma_wait3A_153, %dma_wait3A_154] : memref<10240x128xf32, #tpu.memory_space<hbm>> -> memref<10240x128xf32, #tpu.memory_space<hbm>>
      tpu.wait_indirect_dma semaphore(%arg11 : memref<!tpu.dma_semaphore, #tpu.memory_space<semaphore_mem>>) src(%dma_wait3A_155 : memref<10240x128xf32, #tpu.memory_space<hbm>>) dst(%arg8 : memref<128x128xf32, #tpu.memory_space<vmem>>)
      %mul3A_156 = arith.constant 2 : i32
      %mul3A_157 = arith.muli %mul3A_156, %scan3A_136 : i32
      "tpu.region"() ({
        %run_scoped3A = tpu.sem_alloc : memref<!tpu.dma_semaphore, #tpu.memory_space<semaphore_mem>>
        %dma_start3A_184 = arith.constant 0 : i32
        %dma_start3A_185 = tpu.memref_slice %arg7[%mul3A_157, %dma_start3A_184] : memref<16x128xi32, #tpu.memory_space<vmem>> -> memref<1x128xi32, #tpu.memory_space<vmem>>
        %dma_start3A_186 = tpu.memref_squeeze %dma_start3A_185 : memref<1x128xi32, #tpu.memory_space<vmem>> -> memref<128xi32, #tpu.memory_space<vmem>>
        %dma_start3A_187 = arith.constant 0 : i32
        %dma_start3A_188 = arith.constant 0 : i32
        %dma_start3A_189 = tpu.memref_slice %arg10[%dma_start3A_187, %dma_start3A_188] : memref<10240x128xf32, #tpu.memory_space<vmem_shared>> -> memref<10240x128xf32, #tpu.memory_space<vmem_shared>>
        tpu.enqueue_indirect_dma source(%arg8 : memref<128x128xf32, #tpu.memory_space<vmem>>) target(%dma_start3A_189 : memref<10240x128xf32, #tpu.memory_space<vmem_shared>>) offsets(%dma_start3A_186 : memref<128xi32, #tpu.memory_space<vmem>>) semaphore(%run_scoped3A : memref<!tpu.dma_semaphore, #tpu.memory_space<semaphore_mem>>) {add = true}
        %dma_wait3A_190 = arith.constant 0 : i32
        %dma_wait3A_191 = tpu.memref_slice %arg7[%mul3A_157, %dma_wait3A_190] : memref<16x128xi32, #tpu.memory_space<vmem>> -> memref<1x128xi32, #tpu.memory_space<vmem>>
        %dma_wait3A_192 = tpu.memref_squeeze %dma_wait3A_191 : memref<1x128xi32, #tpu.memory_space<vmem>> -> memref<128xi32, #tpu.memory_space<vmem>>
        %dma_wait3A_193 = arith.constant 0 : i32
        %dma_wait3A_194 = arith.constant 0 : i32
        %dma_wait3A_195 = tpu.memref_slice %arg10[%dma_wait3A_193, %dma_wait3A_194] : memref<10240x128xf32, #tpu.memory_space<vmem_shared>> -> memref<10240x128xf32, #tpu.memory_space<vmem_shared>>
        tpu.wait_indirect_dma semaphore(%run_scoped3A : memref<!tpu.dma_semaphore, #tpu.memory_space<semaphore_mem>>) src(%arg8 : memref<128x128xf32, #tpu.memory_space<vmem>>) dst(%dma_wait3A_195 : memref<10240x128xf32, #tpu.memory_space<vmem_shared>>)
        tpu.yield
      }) : () -> ()
      %mul3A_158 = arith.constant 2 : i32
      %mul3A_159 = arith.muli %mul3A_158, %scan3A_136 : i32
      %add3A_160 = arith.constant 2 : i32
      %add3A_161 = arith.addi %mul3A_159, %add3A_160 : i32
      %min3A = arith.constant 15 : i32
      %min3A_162 = arith.minsi %add3A_161, %min3A : i32
      %dma_start3A_163 = arith.constant 0 : i32
      %dma_start3A_164 = tpu.memref_slice %arg6[%min3A_162, %dma_start3A_163] : memref<16x128xi32, #tpu.memory_space<vmem>> -> memref<1x128xi32, #tpu.memory_space<vmem>>
      %dma_start3A_165 = tpu.memref_squeeze %dma_start3A_164 : memref<1x128xi32, #tpu.memory_space<vmem>> -> memref<128xi32, #tpu.memory_space<vmem>>
      %dma_start3A_166 = arith.constant 0 : i32
      %dma_start3A_167 = arith.constant 0 : i32
      %dma_start3A_168 = tpu.memref_slice %arg2[%dma_start3A_166, %dma_start3A_167] : memref<10240x128xf32, #tpu.memory_space<hbm>> -> memref<10240x128xf32, #tpu.memory_space<hbm>>
      tpu.enqueue_indirect_dma source(%dma_start3A_168 : memref<10240x128xf32, #tpu.memory_space<hbm>>) target(%arg8 : memref<128x128xf32, #tpu.memory_space<vmem>>) offsets(%dma_start3A_165 : memref<128xi32, #tpu.memory_space<vmem>>) semaphore(%arg11 : memref<!tpu.dma_semaphore, #tpu.memory_space<semaphore_mem>>)
      %mul3A_169 = arith.constant 2 : i32
      %mul3A_170 = arith.muli %mul3A_169, %scan3A_136 : i32
      %add3A_171 = arith.constant 1 : i32
      %add3A_172 = arith.addi %mul3A_170, %add3A_171 : i32
      %dma_wait3A_173 = arith.constant 0 : i32
      %dma_wait3A_174 = tpu.memref_slice %arg6[%add3A_172, %dma_wait3A_173] : memref<16x128xi32, #tpu.memory_space<vmem>> -> memref<1x128xi32, #tpu.memory_space<vmem>>
      %dma_wait3A_175 = tpu.memref_squeeze %dma_wait3A_174 : memref<1x128xi32, #tpu.memory_space<vmem>> -> memref<128xi32, #tpu.memory_space<vmem>>
      %dma_wait3A_176 = arith.constant 0 : i32
      %dma_wait3A_177 = arith.constant 0 : i32
      %dma_wait3A_178 = tpu.memref_slice %arg2[%dma_wait3A_176, %dma_wait3A_177] : memref<10240x128xf32, #tpu.memory_space<hbm>> -> memref<10240x128xf32, #tpu.memory_space<hbm>>
      tpu.wait_indirect_dma semaphore(%arg12 : memref<!tpu.dma_semaphore, #tpu.memory_space<semaphore_mem>>) src(%dma_wait3A_178 : memref<10240x128xf32, #tpu.memory_space<hbm>>) dst(%arg9 : memref<128x128xf32, #tpu.memory_space<vmem>>)
      %mul3A_179 = arith.constant 2 : i32
      %mul3A_180 = arith.muli %mul3A_179, %scan3A_136 : i32
      %add3A_181 = arith.constant 1 : i32
      %add3A_182 = arith.addi %mul3A_180, %add3A_181 : i32
      "tpu.region"() ({
        %run_scoped3A = tpu.sem_alloc : memref<!tpu.dma_semaphore, #tpu.memory_space<semaphore_mem>>
        %dma_start3A_184 = arith.constant 0 : i32
        %dma_start3A_185 = tpu.memref_slice %arg7[%add3A_182, %dma_start3A_184] : memref<16x128xi32, #tpu.memory_space<vmem>> -> memref<1x128xi32, #tpu.memory_space<vmem>>
        %dma_start3A_186 = tpu.memref_squeeze %dma_start3A_185 : memref<1x128xi32, #tpu.memory_space<vmem>> -> memref<128xi32, #tpu.memory_space<vmem>>
        %dma_start3A_187 = arith.constant 0 : i32
        %dma_start3A_188 = arith.constant 0 : i32
        %dma_start3A_189 = tpu.memref_slice %arg10[%dma_start3A_187, %dma_start3A_188] : memref<10240x128xf32, #tpu.memory_space<vmem_shared>> -> memref<10240x128xf32, #tpu.memory_space<vmem_shared>>
        tpu.enqueue_indirect_dma source(%arg9 : memref<128x128xf32, #tpu.memory_space<vmem>>) target(%dma_start3A_189 : memref<10240x128xf32, #tpu.memory_space<vmem_shared>>) offsets(%dma_start3A_186 : memref<128xi32, #tpu.memory_space<vmem>>) semaphore(%run_scoped3A : memref<!tpu.dma_semaphore, #tpu.memory_space<semaphore_mem>>) {add = true}
        %dma_wait3A_190 = arith.constant 0 : i32
        %dma_wait3A_191 = tpu.memref_slice %arg7[%add3A_182, %dma_wait3A_190] : memref<16x128xi32, #tpu.memory_space<vmem>> -> memref<1x128xi32, #tpu.memory_space<vmem>>
        %dma_wait3A_192 = tpu.memref_squeeze %dma_wait3A_191 : memref<1x128xi32, #tpu.memory_space<vmem>> -> memref<128xi32, #tpu.memory_space<vmem>>
        %dma_wait3A_193 = arith.constant 0 : i32
        %dma_wait3A_194 = arith.constant 0 : i32
        %dma_wait3A_195 = tpu.memref_slice %arg10[%dma_wait3A_193, %dma_wait3A_194] : memref<10240x128xf32, #tpu.memory_space<vmem_shared>> -> memref<10240x128xf32, #tpu.memory_space<vmem_shared>>
        tpu.wait_indirect_dma semaphore(%run_scoped3A : memref<!tpu.dma_semaphore, #tpu.memory_space<semaphore_mem>>) src(%arg9 : memref<128x128xf32, #tpu.memory_space<vmem>>) dst(%dma_wait3A_195 : memref<10240x128xf32, #tpu.memory_space<vmem_shared>>)
        tpu.yield
      }) : () -> ()
      %scan3A_183 = arith.constant 0 : i32
      scf.yield %scan3A_183 : i32
    }
    %scan3A_40 = arith.constant 8 : i32
    %dma_wait3A = arith.constant 15 : i32
    %dma_wait3A_41 = arith.constant 0 : i32
    %dma_wait3A_42 = tpu.memref_slice %arg6[%dma_wait3A, %dma_wait3A_41] : memref<16x128xi32, #tpu.memory_space<vmem>> -> memref<1x128xi32, #tpu.memory_space<vmem>>
    %dma_wait3A_43 = tpu.memref_squeeze %dma_wait3A_42 : memref<1x128xi32, #tpu.memory_space<vmem>> -> memref<128xi32, #tpu.memory_space<vmem>>
    %dma_wait3A_44 = arith.constant 0 : i32
    %dma_wait3A_45 = arith.constant 0 : i32
    %dma_wait3A_46 = tpu.memref_slice %arg2[%dma_wait3A_44, %dma_wait3A_45] : memref<10240x128xf32, #tpu.memory_space<hbm>> -> memref<10240x128xf32, #tpu.memory_space<hbm>>
    tpu.wait_indirect_dma semaphore(%arg11 : memref<!tpu.dma_semaphore, #tpu.memory_space<semaphore_mem>>) src(%dma_wait3A_46 : memref<10240x128xf32, #tpu.memory_space<hbm>>) dst(%arg8 : memref<128x128xf32, #tpu.memory_space<vmem>>)
    "tpu.region"() ({
      %run_scoped3A = tpu.sem_alloc : memref<!tpu.dma_semaphore, #tpu.memory_space<semaphore_mem>>
      %dma_start3A_136 = arith.constant 16 : i32
      %dma_start3A_137 = arith.constant 0 : i32
      %dma_start3A_138 = tpu.memref_slice %arg3[%add3A, %dma_start3A_136, %dma_start3A_137] : memref<32x80x128xi32, #tpu.memory_space<hbm>> -> memref<1x16x128xi32, #tpu.memory_space<hbm>>
      %dma_start3A_139 = tpu.memref_squeeze %dma_start3A_138 : memref<1x16x128xi32, #tpu.memory_space<hbm>> -> memref<16x128xi32, #tpu.memory_space<hbm>>
      %dma_start3A_140 = arith.constant 16 : i32
      %dma_start3A_141 = arith.constant 0 : i32
      %dma_start3A_142 = tpu.memref_slice %arg3[%add3A, %dma_start3A_140, %dma_start3A_141] : memref<32x80x128xi32, #tpu.memory_space<hbm>> -> memref<1x16x128xi32, #tpu.memory_space<hbm>>
      %dma_start3A_143 = tpu.memref_squeeze %dma_start3A_142 : memref<1x16x128xi32, #tpu.memory_space<hbm>> -> memref<16x128xi32, #tpu.memory_space<hbm>>
      tpu.enqueue_dma source(%dma_start3A_143 : memref<16x128xi32, #tpu.memory_space<hbm>>) target(%arg6 : memref<16x128xi32, #tpu.memory_space<vmem>>) target_semaphore(%run_scoped3A : memref<!tpu.dma_semaphore, #tpu.memory_space<semaphore_mem>>)
      %dma_wait3A_144 = arith.constant 16 : i32
      %dma_wait3A_145 = arith.constant 0 : i32
      %dma_wait3A_146 = tpu.memref_slice %arg3[%add3A, %dma_wait3A_144, %dma_wait3A_145] : memref<32x80x128xi32, #tpu.memory_space<hbm>> -> memref<1x16x128xi32, #tpu.memory_space<hbm>>
      %dma_wait3A_147 = tpu.memref_squeeze %dma_wait3A_146 : memref<1x16x128xi32, #tpu.memory_space<hbm>> -> memref<16x128xi32, #tpu.memory_space<hbm>>
      %dma_wait3A_148 = arith.constant 16 : i32
      %dma_wait3A_149 = arith.constant 0 : i32
      %dma_wait3A_150 = tpu.memref_slice %arg3[%add3A, %dma_wait3A_148, %dma_wait3A_149] : memref<32x80x128xi32, #tpu.memory_space<hbm>> -> memref<1x16x128xi32, #tpu.memory_space<hbm>>
      %dma_wait3A_151 = tpu.memref_squeeze %dma_wait3A_150 : memref<1x16x128xi32, #tpu.memory_space<hbm>> -> memref<16x128xi32, #tpu.memory_space<hbm>>
      tpu.wait_dma2 semaphore(%run_scoped3A : memref<!tpu.dma_semaphore, #tpu.memory_space<semaphore_mem>>) src(%dma_wait3A_151 : memref<16x128xi32, #tpu.memory_space<hbm>>) dst(%arg6 : memref<16x128xi32, #tpu.memory_space<vmem>>)
      tpu.yield
    }) : () -> ()
    "tpu.region"() ({
      %run_scoped3A = tpu.sem_alloc : memref<!tpu.dma_semaphore, #tpu.memory_space<semaphore_mem>>
      %dma_start3A_136 = arith.constant 16 : i32
      %dma_start3A_137 = arith.constant 0 : i32
      %dma_start3A_138 = tpu.memref_slice %arg4[%add3A, %dma_start3A_136, %dma_start3A_137] : memref<32x80x128xi32, #tpu.memory_space<hbm>> -> memref<1x16x128xi32, #tpu.memory_space<hbm>>
      %dma_start3A_139 = tpu.memref_squeeze %dma_start3A_138 : memref<1x16x128xi32, #tpu.memory_space<hbm>> -> memref<16x128xi32, #tpu.memory_space<hbm>>
      %dma_start3A_140 = arith.constant 16 : i32
      %dma_start3A_141 = arith.constant 0 : i32
      %dma_start3A_142 = tpu.memref_slice %arg4[%add3A, %dma_start3A_140, %dma_start3A_141] : memref<32x80x128xi32, #tpu.memory_space<hbm>> -> memref<1x16x128xi32, #tpu.memory_space<hbm>>
      %dma_start3A_143 = tpu.memref_squeeze %dma_start3A_142 : memref<1x16x128xi32, #tpu.memory_space<hbm>> -> memref<16x128xi32, #tpu.memory_space<hbm>>
      tpu.enqueue_dma source(%dma_start3A_143 : memref<16x128xi32, #tpu.memory_space<hbm>>) target(%arg7 : memref<16x128xi32, #tpu.memory_space<vmem>>) target_semaphore(%run_scoped3A : memref<!tpu.dma_semaphore, #tpu.memory_space<semaphore_mem>>)
      %dma_wait3A_144 = arith.constant 16 : i32
      %dma_wait3A_145 = arith.constant 0 : i32
      %dma_wait3A_146 = tpu.memref_slice %arg4[%add3A, %dma_wait3A_144, %dma_wait3A_145] : memref<32x80x128xi32, #tpu.memory_space<hbm>> -> memref<1x16x128xi32, #tpu.memory_space<hbm>>
      %dma_wait3A_147 = tpu.memref_squeeze %dma_wait3A_146 : memref<1x16x128xi32, #tpu.memory_space<hbm>> -> memref<16x128xi32, #tpu.memory_space<hbm>>
      %dma_wait3A_148 = arith.constant 16 : i32
      %dma_wait3A_149 = arith.constant 0 : i32
      %dma_wait3A_150 = tpu.memref_slice %arg4[%add3A, %dma_wait3A_148, %dma_wait3A_149] : memref<32x80x128xi32, #tpu.memory_space<hbm>> -> memref<1x16x128xi32, #tpu.memory_space<hbm>>
      %dma_wait3A_151 = tpu.memref_squeeze %dma_wait3A_150 : memref<1x16x128xi32, #tpu.memory_space<hbm>> -> memref<16x128xi32, #tpu.memory_space<hbm>>
      tpu.wait_dma2 semaphore(%run_scoped3A : memref<!tpu.dma_semaphore, #tpu.memory_space<semaphore_mem>>) src(%dma_wait3A_151 : memref<16x128xi32, #tpu.memory_space<hbm>>) dst(%arg7 : memref<16x128xi32, #tpu.memory_space<vmem>>)
      tpu.yield
    }) : () -> ()
    %dma_start3A_47 = arith.constant 0 : i32
    %dma_start3A_48 = arith.constant 0 : i32
    %dma_start3A_49 = tpu.memref_slice %arg6[%dma_start3A_47, %dma_start3A_48] : memref<16x128xi32, #tpu.memory_space<vmem>> -> memref<1x128xi32, #tpu.memory_space<vmem>>
    %dma_start3A_50 = tpu.memref_squeeze %dma_start3A_49 : memref<1x128xi32, #tpu.memory_space<vmem>> -> memref<128xi32, #tpu.memory_space<vmem>>
    %dma_start3A_51 = arith.constant 0 : i32
    %dma_start3A_52 = arith.constant 0 : i32
    %dma_start3A_53 = tpu.memref_slice %arg2[%dma_start3A_51, %dma_start3A_52] : memref<10240x128xf32, #tpu.memory_space<hbm>> -> memref<10240x128xf32, #tpu.memory_space<hbm>>
    tpu.enqueue_indirect_dma source(%dma_start3A_53 : memref<10240x128xf32, #tpu.memory_space<hbm>>) target(%arg8 : memref<128x128xf32, #tpu.memory_space<vmem>>) offsets(%dma_start3A_50 : memref<128xi32, #tpu.memory_space<vmem>>) semaphore(%arg11 : memref<!tpu.dma_semaphore, #tpu.memory_space<semaphore_mem>>)
    %scan3A_54 = arith.constant 0 : i32
    %scan3A_55 = arith.constant 0 : i32
    %scan3A_56 = arith.constant 8 : i32
    %scan3A_57 = arith.addi %scan3A_55, %scan3A_56 : i32
    %scan3A_58 = arith.constant 1 : i32
    %scan3A_59 = scf.for %scan3A_136 = %scan3A_55 to %scan3A_57 step %scan3A_58 iter_args(%scan3A_137 = %scan3A_54) -> (i32)  : i32 {
      %mul3A_138 = arith.constant 2 : i32
      %mul3A_139 = arith.muli %mul3A_138, %scan3A_136 : i32
      %add3A_140 = arith.constant 1 : i32
      %add3A_141 = arith.addi %mul3A_139, %add3A_140 : i32
      %dma_start3A_142 = arith.constant 0 : i32
      %dma_start3A_143 = tpu.memref_slice %arg6[%add3A_141, %dma_start3A_142] : memref<16x128xi32, #tpu.memory_space<vmem>> -> memref<1x128xi32, #tpu.memory_space<vmem>>
      %dma_start3A_144 = tpu.memref_squeeze %dma_start3A_143 : memref<1x128xi32, #tpu.memory_space<vmem>> -> memref<128xi32, #tpu.memory_space<vmem>>
      %dma_start3A_145 = arith.constant 0 : i32
      %dma_start3A_146 = arith.constant 0 : i32
      %dma_start3A_147 = tpu.memref_slice %arg2[%dma_start3A_145, %dma_start3A_146] : memref<10240x128xf32, #tpu.memory_space<hbm>> -> memref<10240x128xf32, #tpu.memory_space<hbm>>
      tpu.enqueue_indirect_dma source(%dma_start3A_147 : memref<10240x128xf32, #tpu.memory_space<hbm>>) target(%arg9 : memref<128x128xf32, #tpu.memory_space<vmem>>) offsets(%dma_start3A_144 : memref<128xi32, #tpu.memory_space<vmem>>) semaphore(%arg12 : memref<!tpu.dma_semaphore, #tpu.memory_space<semaphore_mem>>)
      %mul3A_148 = arith.constant 2 : i32
      %mul3A_149 = arith.muli %mul3A_148, %scan3A_136 : i32
      %dma_wait3A_150 = arith.constant 0 : i32
      %dma_wait3A_151 = tpu.memref_slice %arg6[%mul3A_149, %dma_wait3A_150] : memref<16x128xi32, #tpu.memory_space<vmem>> -> memref<1x128xi32, #tpu.memory_space<vmem>>
      %dma_wait3A_152 = tpu.memref_squeeze %dma_wait3A_151 : memref<1x128xi32, #tpu.memory_space<vmem>> -> memref<128xi32, #tpu.memory_space<vmem>>
      %dma_wait3A_153 = arith.constant 0 : i32
      %dma_wait3A_154 = arith.constant 0 : i32
      %dma_wait3A_155 = tpu.memref_slice %arg2[%dma_wait3A_153, %dma_wait3A_154] : memref<10240x128xf32, #tpu.memory_space<hbm>> -> memref<10240x128xf32, #tpu.memory_space<hbm>>
      tpu.wait_indirect_dma semaphore(%arg11 : memref<!tpu.dma_semaphore, #tpu.memory_space<semaphore_mem>>) src(%dma_wait3A_155 : memref<10240x128xf32, #tpu.memory_space<hbm>>) dst(%arg8 : memref<128x128xf32, #tpu.memory_space<vmem>>)
      %mul3A_156 = arith.constant 2 : i32
      %mul3A_157 = arith.muli %mul3A_156, %scan3A_136 : i32
      "tpu.region"() ({
        %run_scoped3A = tpu.sem_alloc : memref<!tpu.dma_semaphore, #tpu.memory_space<semaphore_mem>>
        %dma_start3A_184 = arith.constant 0 : i32
        %dma_start3A_185 = tpu.memref_slice %arg7[%mul3A_157, %dma_start3A_184] : memref<16x128xi32, #tpu.memory_space<vmem>> -> memref<1x128xi32, #tpu.memory_space<vmem>>
        %dma_start3A_186 = tpu.memref_squeeze %dma_start3A_185 : memref<1x128xi32, #tpu.memory_space<vmem>> -> memref<128xi32, #tpu.memory_space<vmem>>
        %dma_start3A_187 = arith.constant 0 : i32
        %dma_start3A_188 = arith.constant 0 : i32
        %dma_start3A_189 = tpu.memref_slice %arg10[%dma_start3A_187, %dma_start3A_188] : memref<10240x128xf32, #tpu.memory_space<vmem_shared>> -> memref<10240x128xf32, #tpu.memory_space<vmem_shared>>
        tpu.enqueue_indirect_dma source(%arg8 : memref<128x128xf32, #tpu.memory_space<vmem>>) target(%dma_start3A_189 : memref<10240x128xf32, #tpu.memory_space<vmem_shared>>) offsets(%dma_start3A_186 : memref<128xi32, #tpu.memory_space<vmem>>) semaphore(%run_scoped3A : memref<!tpu.dma_semaphore, #tpu.memory_space<semaphore_mem>>) {add = true}
        %dma_wait3A_190 = arith.constant 0 : i32
        %dma_wait3A_191 = tpu.memref_slice %arg7[%mul3A_157, %dma_wait3A_190] : memref<16x128xi32, #tpu.memory_space<vmem>> -> memref<1x128xi32, #tpu.memory_space<vmem>>
        %dma_wait3A_192 = tpu.memref_squeeze %dma_wait3A_191 : memref<1x128xi32, #tpu.memory_space<vmem>> -> memref<128xi32, #tpu.memory_space<vmem>>
        %dma_wait3A_193 = arith.constant 0 : i32
        %dma_wait3A_194 = arith.constant 0 : i32
        %dma_wait3A_195 = tpu.memref_slice %arg10[%dma_wait3A_193, %dma_wait3A_194] : memref<10240x128xf32, #tpu.memory_space<vmem_shared>> -> memref<10240x128xf32, #tpu.memory_space<vmem_shared>>
        tpu.wait_indirect_dma semaphore(%run_scoped3A : memref<!tpu.dma_semaphore, #tpu.memory_space<semaphore_mem>>) src(%arg8 : memref<128x128xf32, #tpu.memory_space<vmem>>) dst(%dma_wait3A_195 : memref<10240x128xf32, #tpu.memory_space<vmem_shared>>)
        tpu.yield
      }) : () -> ()
      %mul3A_158 = arith.constant 2 : i32
      %mul3A_159 = arith.muli %mul3A_158, %scan3A_136 : i32
      %add3A_160 = arith.constant 2 : i32
      %add3A_161 = arith.addi %mul3A_159, %add3A_160 : i32
      %min3A = arith.constant 15 : i32
      %min3A_162 = arith.minsi %add3A_161, %min3A : i32
      %dma_start3A_163 = arith.constant 0 : i32
      %dma_start3A_164 = tpu.memref_slice %arg6[%min3A_162, %dma_start3A_163] : memref<16x128xi32, #tpu.memory_space<vmem>> -> memref<1x128xi32, #tpu.memory_space<vmem>>
      %dma_start3A_165 = tpu.memref_squeeze %dma_start3A_164 : memref<1x128xi32, #tpu.memory_space<vmem>> -> memref<128xi32, #tpu.memory_space<vmem>>
      %dma_start3A_166 = arith.constant 0 : i32
      %dma_start3A_167 = arith.constant 0 : i32
      %dma_start3A_168 = tpu.memref_slice %arg2[%dma_start3A_166, %dma_start3A_167] : memref<10240x128xf32, #tpu.memory_space<hbm>> -> memref<10240x128xf32, #tpu.memory_space<hbm>>
      tpu.enqueue_indirect_dma source(%dma_start3A_168 : memref<10240x128xf32, #tpu.memory_space<hbm>>) target(%arg8 : memref<128x128xf32, #tpu.memory_space<vmem>>) offsets(%dma_start3A_165 : memref<128xi32, #tpu.memory_space<vmem>>) semaphore(%arg11 : memref<!tpu.dma_semaphore, #tpu.memory_space<semaphore_mem>>)
      %mul3A_169 = arith.constant 2 : i32
      %mul3A_170 = arith.muli %mul3A_169, %scan3A_136 : i32
      %add3A_171 = arith.constant 1 : i32
      %add3A_172 = arith.addi %mul3A_170, %add3A_171 : i32
      %dma_wait3A_173 = arith.constant 0 : i32
      %dma_wait3A_174 = tpu.memref_slice %arg6[%add3A_172, %dma_wait3A_173] : memref<16x128xi32, #tpu.memory_space<vmem>> -> memref<1x128xi32, #tpu.memory_space<vmem>>
      %dma_wait3A_175 = tpu.memref_squeeze %dma_wait3A_174 : memref<1x128xi32, #tpu.memory_space<vmem>> -> memref<128xi32, #tpu.memory_space<vmem>>
      %dma_wait3A_176 = arith.constant 0 : i32
      %dma_wait3A_177 = arith.constant 0 : i32
      %dma_wait3A_178 = tpu.memref_slice %arg2[%dma_wait3A_176, %dma_wait3A_177] : memref<10240x128xf32, #tpu.memory_space<hbm>> -> memref<10240x128xf32, #tpu.memory_space<hbm>>
      tpu.wait_indirect_dma semaphore(%arg12 : memref<!tpu.dma_semaphore, #tpu.memory_space<semaphore_mem>>) src(%dma_wait3A_178 : memref<10240x128xf32, #tpu.memory_space<hbm>>) dst(%arg9 : memref<128x128xf32, #tpu.memory_space<vmem>>)
      %mul3A_179 = arith.constant 2 : i32
      %mul3A_180 = arith.muli %mul3A_179, %scan3A_136 : i32
      %add3A_181 = arith.constant 1 : i32
      %add3A_182 = arith.addi %mul3A_180, %add3A_181 : i32
      "tpu.region"() ({
        %run_scoped3A = tpu.sem_alloc : memref<!tpu.dma_semaphore, #tpu.memory_space<semaphore_mem>>
        %dma_start3A_184 = arith.constant 0 : i32
        %dma_start3A_185 = tpu.memref_slice %arg7[%add3A_182, %dma_start3A_184] : memref<16x128xi32, #tpu.memory_space<vmem>> -> memref<1x128xi32, #tpu.memory_space<vmem>>
        %dma_start3A_186 = tpu.memref_squeeze %dma_start3A_185 : memref<1x128xi32, #tpu.memory_space<vmem>> -> memref<128xi32, #tpu.memory_space<vmem>>
        %dma_start3A_187 = arith.constant 0 : i32
        %dma_start3A_188 = arith.constant 0 : i32
        %dma_start3A_189 = tpu.memref_slice %arg10[%dma_start3A_187, %dma_start3A_188] : memref<10240x128xf32, #tpu.memory_space<vmem_shared>> -> memref<10240x128xf32, #tpu.memory_space<vmem_shared>>
        tpu.enqueue_indirect_dma source(%arg9 : memref<128x128xf32, #tpu.memory_space<vmem>>) target(%dma_start3A_189 : memref<10240x128xf32, #tpu.memory_space<vmem_shared>>) offsets(%dma_start3A_186 : memref<128xi32, #tpu.memory_space<vmem>>) semaphore(%run_scoped3A : memref<!tpu.dma_semaphore, #tpu.memory_space<semaphore_mem>>) {add = true}
        %dma_wait3A_190 = arith.constant 0 : i32
        %dma_wait3A_191 = tpu.memref_slice %arg7[%add3A_182, %dma_wait3A_190] : memref<16x128xi32, #tpu.memory_space<vmem>> -> memref<1x128xi32, #tpu.memory_space<vmem>>
        %dma_wait3A_192 = tpu.memref_squeeze %dma_wait3A_191 : memref<1x128xi32, #tpu.memory_space<vmem>> -> memref<128xi32, #tpu.memory_space<vmem>>
        %dma_wait3A_193 = arith.constant 0 : i32
        %dma_wait3A_194 = arith.constant 0 : i32
        %dma_wait3A_195 = tpu.memref_slice %arg10[%dma_wait3A_193, %dma_wait3A_194] : memref<10240x128xf32, #tpu.memory_space<vmem_shared>> -> memref<10240x128xf32, #tpu.memory_space<vmem_shared>>
        tpu.wait_indirect_dma semaphore(%run_scoped3A : memref<!tpu.dma_semaphore, #tpu.memory_space<semaphore_mem>>) src(%arg9 : memref<128x128xf32, #tpu.memory_space<vmem>>) dst(%dma_wait3A_195 : memref<10240x128xf32, #tpu.memory_space<vmem_shared>>)
        tpu.yield
      }) : () -> ()
      %scan3A_183 = arith.constant 0 : i32
      scf.yield %scan3A_183 : i32
    }
    %scan3A_60 = arith.constant 8 : i32
    %dma_wait3A_61 = arith.constant 15 : i32
    %dma_wait3A_62 = arith.constant 0 : i32
    %dma_wait3A_63 = tpu.memref_slice %arg6[%dma_wait3A_61, %dma_wait3A_62] : memref<16x128xi32, #tpu.memory_space<vmem>> -> memref<1x128xi32, #tpu.memory_space<vmem>>
    %dma_wait3A_64 = tpu.memref_squeeze %dma_wait3A_63 : memref<1x128xi32, #tpu.memory_space<vmem>> -> memref<128xi32, #tpu.memory_space<vmem>>
    %dma_wait3A_65 = arith.constant 0 : i32
    %dma_wait3A_66 = arith.constant 0 : i32
    %dma_wait3A_67 = tpu.memref_slice %arg2[%dma_wait3A_65, %dma_wait3A_66] : memref<10240x128xf32, #tpu.memory_space<hbm>> -> memref<10240x128xf32, #tpu.memory_space<hbm>>
    tpu.wait_indirect_dma semaphore(%arg11 : memref<!tpu.dma_semaphore, #tpu.memory_space<semaphore_mem>>) src(%dma_wait3A_67 : memref<10240x128xf32, #tpu.memory_space<hbm>>) dst(%arg8 : memref<128x128xf32, #tpu.memory_space<vmem>>)
    "tpu.region"() ({
      %run_scoped3A = tpu.sem_alloc : memref<!tpu.dma_semaphore, #tpu.memory_space<semaphore_mem>>
      %dma_start3A_136 = arith.constant 32 : i32
      %dma_start3A_137 = arith.constant 0 : i32
      %dma_start3A_138 = tpu.memref_slice %arg3[%add3A, %dma_start3A_136, %dma_start3A_137] : memref<32x80x128xi32, #tpu.memory_space<hbm>> -> memref<1x16x128xi32, #tpu.memory_space<hbm>>
      %dma_start3A_139 = tpu.memref_squeeze %dma_start3A_138 : memref<1x16x128xi32, #tpu.memory_space<hbm>> -> memref<16x128xi32, #tpu.memory_space<hbm>>
      %dma_start3A_140 = arith.constant 32 : i32
      %dma_start3A_141 = arith.constant 0 : i32
      %dma_start3A_142 = tpu.memref_slice %arg3[%add3A, %dma_start3A_140, %dma_start3A_141] : memref<32x80x128xi32, #tpu.memory_space<hbm>> -> memref<1x16x128xi32, #tpu.memory_space<hbm>>
      %dma_start3A_143 = tpu.memref_squeeze %dma_start3A_142 : memref<1x16x128xi32, #tpu.memory_space<hbm>> -> memref<16x128xi32, #tpu.memory_space<hbm>>
      tpu.enqueue_dma source(%dma_start3A_143 : memref<16x128xi32, #tpu.memory_space<hbm>>) target(%arg6 : memref<16x128xi32, #tpu.memory_space<vmem>>) target_semaphore(%run_scoped3A : memref<!tpu.dma_semaphore, #tpu.memory_space<semaphore_mem>>)
      %dma_wait3A_144 = arith.constant 32 : i32
      %dma_wait3A_145 = arith.constant 0 : i32
      %dma_wait3A_146 = tpu.memref_slice %arg3[%add3A, %dma_wait3A_144, %dma_wait3A_145] : memref<32x80x128xi32, #tpu.memory_space<hbm>> -> memref<1x16x128xi32, #tpu.memory_space<hbm>>
      %dma_wait3A_147 = tpu.memref_squeeze %dma_wait3A_146 : memref<1x16x128xi32, #tpu.memory_space<hbm>> -> memref<16x128xi32, #tpu.memory_space<hbm>>
      %dma_wait3A_148 = arith.constant 32 : i32
      %dma_wait3A_149 = arith.constant 0 : i32
      %dma_wait3A_150 = tpu.memref_slice %arg3[%add3A, %dma_wait3A_148, %dma_wait3A_149] : memref<32x80x128xi32, #tpu.memory_space<hbm>> -> memref<1x16x128xi32, #tpu.memory_space<hbm>>
      %dma_wait3A_151 = tpu.memref_squeeze %dma_wait3A_150 : memref<1x16x128xi32, #tpu.memory_space<hbm>> -> memref<16x128xi32, #tpu.memory_space<hbm>>
      tpu.wait_dma2 semaphore(%run_scoped3A : memref<!tpu.dma_semaphore, #tpu.memory_space<semaphore_mem>>) src(%dma_wait3A_151 : memref<16x128xi32, #tpu.memory_space<hbm>>) dst(%arg6 : memref<16x128xi32, #tpu.memory_space<vmem>>)
      tpu.yield
    }) : () -> ()
    "tpu.region"() ({
      %run_scoped3A = tpu.sem_alloc : memref<!tpu.dma_semaphore, #tpu.memory_space<semaphore_mem>>
      %dma_start3A_136 = arith.constant 32 : i32
      %dma_start3A_137 = arith.constant 0 : i32
      %dma_start3A_138 = tpu.memref_slice %arg4[%add3A, %dma_start3A_136, %dma_start3A_137] : memref<32x80x128xi32, #tpu.memory_space<hbm>> -> memref<1x16x128xi32, #tpu.memory_space<hbm>>
      %dma_start3A_139 = tpu.memref_squeeze %dma_start3A_138 : memref<1x16x128xi32, #tpu.memory_space<hbm>> -> memref<16x128xi32, #tpu.memory_space<hbm>>
      %dma_start3A_140 = arith.constant 32 : i32
      %dma_start3A_141 = arith.constant 0 : i32
      %dma_start3A_142 = tpu.memref_slice %arg4[%add3A, %dma_start3A_140, %dma_start3A_141] : memref<32x80x128xi32, #tpu.memory_space<hbm>> -> memref<1x16x128xi32, #tpu.memory_space<hbm>>
      %dma_start3A_143 = tpu.memref_squeeze %dma_start3A_142 : memref<1x16x128xi32, #tpu.memory_space<hbm>> -> memref<16x128xi32, #tpu.memory_space<hbm>>
      tpu.enqueue_dma source(%dma_start3A_143 : memref<16x128xi32, #tpu.memory_space<hbm>>) target(%arg7 : memref<16x128xi32, #tpu.memory_space<vmem>>) target_semaphore(%run_scoped3A : memref<!tpu.dma_semaphore, #tpu.memory_space<semaphore_mem>>)
      %dma_wait3A_144 = arith.constant 32 : i32
      %dma_wait3A_145 = arith.constant 0 : i32
      %dma_wait3A_146 = tpu.memref_slice %arg4[%add3A, %dma_wait3A_144, %dma_wait3A_145] : memref<32x80x128xi32, #tpu.memory_space<hbm>> -> memref<1x16x128xi32, #tpu.memory_space<hbm>>
      %dma_wait3A_147 = tpu.memref_squeeze %dma_wait3A_146 : memref<1x16x128xi32, #tpu.memory_space<hbm>> -> memref<16x128xi32, #tpu.memory_space<hbm>>
      %dma_wait3A_148 = arith.constant 32 : i32
      %dma_wait3A_149 = arith.constant 0 : i32
      %dma_wait3A_150 = tpu.memref_slice %arg4[%add3A, %dma_wait3A_148, %dma_wait3A_149] : memref<32x80x128xi32, #tpu.memory_space<hbm>> -> memref<1x16x128xi32, #tpu.memory_space<hbm>>
      %dma_wait3A_151 = tpu.memref_squeeze %dma_wait3A_150 : memref<1x16x128xi32, #tpu.memory_space<hbm>> -> memref<16x128xi32, #tpu.memory_space<hbm>>
      tpu.wait_dma2 semaphore(%run_scoped3A : memref<!tpu.dma_semaphore, #tpu.memory_space<semaphore_mem>>) src(%dma_wait3A_151 : memref<16x128xi32, #tpu.memory_space<hbm>>) dst(%arg7 : memref<16x128xi32, #tpu.memory_space<vmem>>)
      tpu.yield
    }) : () -> ()
    %dma_start3A_68 = arith.constant 0 : i32
    %dma_start3A_69 = arith.constant 0 : i32
    %dma_start3A_70 = tpu.memref_slice %arg6[%dma_start3A_68, %dma_start3A_69] : memref<16x128xi32, #tpu.memory_space<vmem>> -> memref<1x128xi32, #tpu.memory_space<vmem>>
    %dma_start3A_71 = tpu.memref_squeeze %dma_start3A_70 : memref<1x128xi32, #tpu.memory_space<vmem>> -> memref<128xi32, #tpu.memory_space<vmem>>
    %dma_start3A_72 = arith.constant 0 : i32
    %dma_start3A_73 = arith.constant 0 : i32
    %dma_start3A_74 = tpu.memref_slice %arg2[%dma_start3A_72, %dma_start3A_73] : memref<10240x128xf32, #tpu.memory_space<hbm>> -> memref<10240x128xf32, #tpu.memory_space<hbm>>
    tpu.enqueue_indirect_dma source(%dma_start3A_74 : memref<10240x128xf32, #tpu.memory_space<hbm>>) target(%arg8 : memref<128x128xf32, #tpu.memory_space<vmem>>) offsets(%dma_start3A_71 : memref<128xi32, #tpu.memory_space<vmem>>) semaphore(%arg11 : memref<!tpu.dma_semaphore, #tpu.memory_space<semaphore_mem>>)
    %scan3A_75 = arith.constant 0 : i32
    %scan3A_76 = arith.constant 0 : i32
    %scan3A_77 = arith.constant 8 : i32
    %scan3A_78 = arith.addi %scan3A_76, %scan3A_77 : i32
    %scan3A_79 = arith.constant 1 : i32
    %scan3A_80 = scf.for %scan3A_136 = %scan3A_76 to %scan3A_78 step %scan3A_79 iter_args(%scan3A_137 = %scan3A_75) -> (i32)  : i32 {
      %mul3A_138 = arith.constant 2 : i32
      %mul3A_139 = arith.muli %mul3A_138, %scan3A_136 : i32
      %add3A_140 = arith.constant 1 : i32
      %add3A_141 = arith.addi %mul3A_139, %add3A_140 : i32
      %dma_start3A_142 = arith.constant 0 : i32
      %dma_start3A_143 = tpu.memref_slice %arg6[%add3A_141, %dma_start3A_142] : memref<16x128xi32, #tpu.memory_space<vmem>> -> memref<1x128xi32, #tpu.memory_space<vmem>>
      %dma_start3A_144 = tpu.memref_squeeze %dma_start3A_143 : memref<1x128xi32, #tpu.memory_space<vmem>> -> memref<128xi32, #tpu.memory_space<vmem>>
      %dma_start3A_145 = arith.constant 0 : i32
      %dma_start3A_146 = arith.constant 0 : i32
      %dma_start3A_147 = tpu.memref_slice %arg2[%dma_start3A_145, %dma_start3A_146] : memref<10240x128xf32, #tpu.memory_space<hbm>> -> memref<10240x128xf32, #tpu.memory_space<hbm>>
      tpu.enqueue_indirect_dma source(%dma_start3A_147 : memref<10240x128xf32, #tpu.memory_space<hbm>>) target(%arg9 : memref<128x128xf32, #tpu.memory_space<vmem>>) offsets(%dma_start3A_144 : memref<128xi32, #tpu.memory_space<vmem>>) semaphore(%arg12 : memref<!tpu.dma_semaphore, #tpu.memory_space<semaphore_mem>>)
      %mul3A_148 = arith.constant 2 : i32
      %mul3A_149 = arith.muli %mul3A_148, %scan3A_136 : i32
      %dma_wait3A_150 = arith.constant 0 : i32
      %dma_wait3A_151 = tpu.memref_slice %arg6[%mul3A_149, %dma_wait3A_150] : memref<16x128xi32, #tpu.memory_space<vmem>> -> memref<1x128xi32, #tpu.memory_space<vmem>>
      %dma_wait3A_152 = tpu.memref_squeeze %dma_wait3A_151 : memref<1x128xi32, #tpu.memory_space<vmem>> -> memref<128xi32, #tpu.memory_space<vmem>>
      %dma_wait3A_153 = arith.constant 0 : i32
      %dma_wait3A_154 = arith.constant 0 : i32
      %dma_wait3A_155 = tpu.memref_slice %arg2[%dma_wait3A_153, %dma_wait3A_154] : memref<10240x128xf32, #tpu.memory_space<hbm>> -> memref<10240x128xf32, #tpu.memory_space<hbm>>
      tpu.wait_indirect_dma semaphore(%arg11 : memref<!tpu.dma_semaphore, #tpu.memory_space<semaphore_mem>>) src(%dma_wait3A_155 : memref<10240x128xf32, #tpu.memory_space<hbm>>) dst(%arg8 : memref<128x128xf32, #tpu.memory_space<vmem>>)
      %mul3A_156 = arith.constant 2 : i32
      %mul3A_157 = arith.muli %mul3A_156, %scan3A_136 : i32
      "tpu.region"() ({
        %run_scoped3A = tpu.sem_alloc : memref<!tpu.dma_semaphore, #tpu.memory_space<semaphore_mem>>
        %dma_start3A_184 = arith.constant 0 : i32
        %dma_start3A_185 = tpu.memref_slice %arg7[%mul3A_157, %dma_start3A_184] : memref<16x128xi32, #tpu.memory_space<vmem>> -> memref<1x128xi32, #tpu.memory_space<vmem>>
        %dma_start3A_186 = tpu.memref_squeeze %dma_start3A_185 : memref<1x128xi32, #tpu.memory_space<vmem>> -> memref<128xi32, #tpu.memory_space<vmem>>
        %dma_start3A_187 = arith.constant 0 : i32
        %dma_start3A_188 = arith.constant 0 : i32
        %dma_start3A_189 = tpu.memref_slice %arg10[%dma_start3A_187, %dma_start3A_188] : memref<10240x128xf32, #tpu.memory_space<vmem_shared>> -> memref<10240x128xf32, #tpu.memory_space<vmem_shared>>
        tpu.enqueue_indirect_dma source(%arg8 : memref<128x128xf32, #tpu.memory_space<vmem>>) target(%dma_start3A_189 : memref<10240x128xf32, #tpu.memory_space<vmem_shared>>) offsets(%dma_start3A_186 : memref<128xi32, #tpu.memory_space<vmem>>) semaphore(%run_scoped3A : memref<!tpu.dma_semaphore, #tpu.memory_space<semaphore_mem>>) {add = true}
        %dma_wait3A_190 = arith.constant 0 : i32
        %dma_wait3A_191 = tpu.memref_slice %arg7[%mul3A_157, %dma_wait3A_190] : memref<16x128xi32, #tpu.memory_space<vmem>> -> memref<1x128xi32, #tpu.memory_space<vmem>>
        %dma_wait3A_192 = tpu.memref_squeeze %dma_wait3A_191 : memref<1x128xi32, #tpu.memory_space<vmem>> -> memref<128xi32, #tpu.memory_space<vmem>>
        %dma_wait3A_193 = arith.constant 0 : i32
        %dma_wait3A_194 = arith.constant 0 : i32
        %dma_wait3A_195 = tpu.memref_slice %arg10[%dma_wait3A_193, %dma_wait3A_194] : memref<10240x128xf32, #tpu.memory_space<vmem_shared>> -> memref<10240x128xf32, #tpu.memory_space<vmem_shared>>
        tpu.wait_indirect_dma semaphore(%run_scoped3A : memref<!tpu.dma_semaphore, #tpu.memory_space<semaphore_mem>>) src(%arg8 : memref<128x128xf32, #tpu.memory_space<vmem>>) dst(%dma_wait3A_195 : memref<10240x128xf32, #tpu.memory_space<vmem_shared>>)
        tpu.yield
      }) : () -> ()
      %mul3A_158 = arith.constant 2 : i32
      %mul3A_159 = arith.muli %mul3A_158, %scan3A_136 : i32
      %add3A_160 = arith.constant 2 : i32
      %add3A_161 = arith.addi %mul3A_159, %add3A_160 : i32
      %min3A = arith.constant 15 : i32
      %min3A_162 = arith.minsi %add3A_161, %min3A : i32
      %dma_start3A_163 = arith.constant 0 : i32
      %dma_start3A_164 = tpu.memref_slice %arg6[%min3A_162, %dma_start3A_163] : memref<16x128xi32, #tpu.memory_space<vmem>> -> memref<1x128xi32, #tpu.memory_space<vmem>>
      %dma_start3A_165 = tpu.memref_squeeze %dma_start3A_164 : memref<1x128xi32, #tpu.memory_space<vmem>> -> memref<128xi32, #tpu.memory_space<vmem>>
      %dma_start3A_166 = arith.constant 0 : i32
      %dma_start3A_167 = arith.constant 0 : i32
      %dma_start3A_168 = tpu.memref_slice %arg2[%dma_start3A_166, %dma_start3A_167] : memref<10240x128xf32, #tpu.memory_space<hbm>> -> memref<10240x128xf32, #tpu.memory_space<hbm>>
      tpu.enqueue_indirect_dma source(%dma_start3A_168 : memref<10240x128xf32, #tpu.memory_space<hbm>>) target(%arg8 : memref<128x128xf32, #tpu.memory_space<vmem>>) offsets(%dma_start3A_165 : memref<128xi32, #tpu.memory_space<vmem>>) semaphore(%arg11 : memref<!tpu.dma_semaphore, #tpu.memory_space<semaphore_mem>>)
      %mul3A_169 = arith.constant 2 : i32
      %mul3A_170 = arith.muli %mul3A_169, %scan3A_136 : i32
      %add3A_171 = arith.constant 1 : i32
      %add3A_172 = arith.addi %mul3A_170, %add3A_171 : i32
      %dma_wait3A_173 = arith.constant 0 : i32
      %dma_wait3A_174 = tpu.memref_slice %arg6[%add3A_172, %dma_wait3A_173] : memref<16x128xi32, #tpu.memory_space<vmem>> -> memref<1x128xi32, #tpu.memory_space<vmem>>
      %dma_wait3A_175 = tpu.memref_squeeze %dma_wait3A_174 : memref<1x128xi32, #tpu.memory_space<vmem>> -> memref<128xi32, #tpu.memory_space<vmem>>
      %dma_wait3A_176 = arith.constant 0 : i32
      %dma_wait3A_177 = arith.constant 0 : i32
      %dma_wait3A_178 = tpu.memref_slice %arg2[%dma_wait3A_176, %dma_wait3A_177] : memref<10240x128xf32, #tpu.memory_space<hbm>> -> memref<10240x128xf32, #tpu.memory_space<hbm>>
      tpu.wait_indirect_dma semaphore(%arg12 : memref<!tpu.dma_semaphore, #tpu.memory_space<semaphore_mem>>) src(%dma_wait3A_178 : memref<10240x128xf32, #tpu.memory_space<hbm>>) dst(%arg9 : memref<128x128xf32, #tpu.memory_space<vmem>>)
      %mul3A_179 = arith.constant 2 : i32
      %mul3A_180 = arith.muli %mul3A_179, %scan3A_136 : i32
      %add3A_181 = arith.constant 1 : i32
      %add3A_182 = arith.addi %mul3A_180, %add3A_181 : i32
      "tpu.region"() ({
        %run_scoped3A = tpu.sem_alloc : memref<!tpu.dma_semaphore, #tpu.memory_space<semaphore_mem>>
        %dma_start3A_184 = arith.constant 0 : i32
        %dma_start3A_185 = tpu.memref_slice %arg7[%add3A_182, %dma_start3A_184] : memref<16x128xi32, #tpu.memory_space<vmem>> -> memref<1x128xi32, #tpu.memory_space<vmem>>
        %dma_start3A_186 = tpu.memref_squeeze %dma_start3A_185 : memref<1x128xi32, #tpu.memory_space<vmem>> -> memref<128xi32, #tpu.memory_space<vmem>>
        %dma_start3A_187 = arith.constant 0 : i32
        %dma_start3A_188 = arith.constant 0 : i32
        %dma_start3A_189 = tpu.memref_slice %arg10[%dma_start3A_187, %dma_start3A_188] : memref<10240x128xf32, #tpu.memory_space<vmem_shared>> -> memref<10240x128xf32, #tpu.memory_space<vmem_shared>>
        tpu.enqueue_indirect_dma source(%arg9 : memref<128x128xf32, #tpu.memory_space<vmem>>) target(%dma_start3A_189 : memref<10240x128xf32, #tpu.memory_space<vmem_shared>>) offsets(%dma_start3A_186 : memref<128xi32, #tpu.memory_space<vmem>>) semaphore(%run_scoped3A : memref<!tpu.dma_semaphore, #tpu.memory_space<semaphore_mem>>) {add = true}
        %dma_wait3A_190 = arith.constant 0 : i32
        %dma_wait3A_191 = tpu.memref_slice %arg7[%add3A_182, %dma_wait3A_190] : memref<16x128xi32, #tpu.memory_space<vmem>> -> memref<1x128xi32, #tpu.memory_space<vmem>>
        %dma_wait3A_192 = tpu.memref_squeeze %dma_wait3A_191 : memref<1x128xi32, #tpu.memory_space<vmem>> -> memref<128xi32, #tpu.memory_space<vmem>>
        %dma_wait3A_193 = arith.constant 0 : i32
        %dma_wait3A_194 = arith.constant 0 : i32
        %dma_wait3A_195 = tpu.memref_slice %arg10[%dma_wait3A_193, %dma_wait3A_194] : memref<10240x128xf32, #tpu.memory_space<vmem_shared>> -> memref<10240x128xf32, #tpu.memory_space<vmem_shared>>
        tpu.wait_indirect_dma semaphore(%run_scoped3A : memref<!tpu.dma_semaphore, #tpu.memory_space<semaphore_mem>>) src(%arg9 : memref<128x128xf32, #tpu.memory_space<vmem>>) dst(%dma_wait3A_195 : memref<10240x128xf32, #tpu.memory_space<vmem_shared>>)
        tpu.yield
      }) : () -> ()
      %scan3A_183 = arith.constant 0 : i32
      scf.yield %scan3A_183 : i32
    }
    %scan3A_81 = arith.constant 8 : i32
    %dma_wait3A_82 = arith.constant 15 : i32
    %dma_wait3A_83 = arith.constant 0 : i32
    %dma_wait3A_84 = tpu.memref_slice %arg6[%dma_wait3A_82, %dma_wait3A_83] : memref<16x128xi32, #tpu.memory_space<vmem>> -> memref<1x128xi32, #tpu.memory_space<vmem>>
    %dma_wait3A_85 = tpu.memref_squeeze %dma_wait3A_84 : memref<1x128xi32, #tpu.memory_space<vmem>> -> memref<128xi32, #tpu.memory_space<vmem>>
    %dma_wait3A_86 = arith.constant 0 : i32
    %dma_wait3A_87 = arith.constant 0 : i32
    %dma_wait3A_88 = tpu.memref_slice %arg2[%dma_wait3A_86, %dma_wait3A_87] : memref<10240x128xf32, #tpu.memory_space<hbm>> -> memref<10240x128xf32, #tpu.memory_space<hbm>>
    tpu.wait_indirect_dma semaphore(%arg11 : memref<!tpu.dma_semaphore, #tpu.memory_space<semaphore_mem>>) src(%dma_wait3A_88 : memref<10240x128xf32, #tpu.memory_space<hbm>>) dst(%arg8 : memref<128x128xf32, #tpu.memory_space<vmem>>)
    "tpu.region"() ({
      %run_scoped3A = tpu.sem_alloc : memref<!tpu.dma_semaphore, #tpu.memory_space<semaphore_mem>>
      %dma_start3A_136 = arith.constant 48 : i32
      %dma_start3A_137 = arith.constant 0 : i32
      %dma_start3A_138 = tpu.memref_slice %arg3[%add3A, %dma_start3A_136, %dma_start3A_137] : memref<32x80x128xi32, #tpu.memory_space<hbm>> -> memref<1x16x128xi32, #tpu.memory_space<hbm>>
      %dma_start3A_139 = tpu.memref_squeeze %dma_start3A_138 : memref<1x16x128xi32, #tpu.memory_space<hbm>> -> memref<16x128xi32, #tpu.memory_space<hbm>>
      %dma_start3A_140 = arith.constant 48 : i32
      %dma_start3A_141 = arith.constant 0 : i32
      %dma_start3A_142 = tpu.memref_slice %arg3[%add3A, %dma_start3A_140, %dma_start3A_141] : memref<32x80x128xi32, #tpu.memory_space<hbm>> -> memref<1x16x128xi32, #tpu.memory_space<hbm>>
      %dma_start3A_143 = tpu.memref_squeeze %dma_start3A_142 : memref<1x16x128xi32, #tpu.memory_space<hbm>> -> memref<16x128xi32, #tpu.memory_space<hbm>>
      tpu.enqueue_dma source(%dma_start3A_143 : memref<16x128xi32, #tpu.memory_space<hbm>>) target(%arg6 : memref<16x128xi32, #tpu.memory_space<vmem>>) target_semaphore(%run_scoped3A : memref<!tpu.dma_semaphore, #tpu.memory_space<semaphore_mem>>)
      %dma_wait3A_144 = arith.constant 48 : i32
      %dma_wait3A_145 = arith.constant 0 : i32
      %dma_wait3A_146 = tpu.memref_slice %arg3[%add3A, %dma_wait3A_144, %dma_wait3A_145] : memref<32x80x128xi32, #tpu.memory_space<hbm>> -> memref<1x16x128xi32, #tpu.memory_space<hbm>>
      %dma_wait3A_147 = tpu.memref_squeeze %dma_wait3A_146 : memref<1x16x128xi32, #tpu.memory_space<hbm>> -> memref<16x128xi32, #tpu.memory_space<hbm>>
      %dma_wait3A_148 = arith.constant 48 : i32
      %dma_wait3A_149 = arith.constant 0 : i32
      %dma_wait3A_150 = tpu.memref_slice %arg3[%add3A, %dma_wait3A_148, %dma_wait3A_149] : memref<32x80x128xi32, #tpu.memory_space<hbm>> -> memref<1x16x128xi32, #tpu.memory_space<hbm>>
      %dma_wait3A_151 = tpu.memref_squeeze %dma_wait3A_150 : memref<1x16x128xi32, #tpu.memory_space<hbm>> -> memref<16x128xi32, #tpu.memory_space<hbm>>
      tpu.wait_dma2 semaphore(%run_scoped3A : memref<!tpu.dma_semaphore, #tpu.memory_space<semaphore_mem>>) src(%dma_wait3A_151 : memref<16x128xi32, #tpu.memory_space<hbm>>) dst(%arg6 : memref<16x128xi32, #tpu.memory_space<vmem>>)
      tpu.yield
    }) : () -> ()
    "tpu.region"() ({
      %run_scoped3A = tpu.sem_alloc : memref<!tpu.dma_semaphore, #tpu.memory_space<semaphore_mem>>
      %dma_start3A_136 = arith.constant 48 : i32
      %dma_start3A_137 = arith.constant 0 : i32
      %dma_start3A_138 = tpu.memref_slice %arg4[%add3A, %dma_start3A_136, %dma_start3A_137] : memref<32x80x128xi32, #tpu.memory_space<hbm>> -> memref<1x16x128xi32, #tpu.memory_space<hbm>>
      %dma_start3A_139 = tpu.memref_squeeze %dma_start3A_138 : memref<1x16x128xi32, #tpu.memory_space<hbm>> -> memref<16x128xi32, #tpu.memory_space<hbm>>
      %dma_start3A_140 = arith.constant 48 : i32
      %dma_start3A_141 = arith.constant 0 : i32
      %dma_start3A_142 = tpu.memref_slice %arg4[%add3A, %dma_start3A_140, %dma_start3A_141] : memref<32x80x128xi32, #tpu.memory_space<hbm>> -> memref<1x16x128xi32, #tpu.memory_space<hbm>>
      %dma_start3A_143 = tpu.memref_squeeze %dma_start3A_142 : memref<1x16x128xi32, #tpu.memory_space<hbm>> -> memref<16x128xi32, #tpu.memory_space<hbm>>
      tpu.enqueue_dma source(%dma_start3A_143 : memref<16x128xi32, #tpu.memory_space<hbm>>) target(%arg7 : memref<16x128xi32, #tpu.memory_space<vmem>>) target_semaphore(%run_scoped3A : memref<!tpu.dma_semaphore, #tpu.memory_space<semaphore_mem>>)
      %dma_wait3A_144 = arith.constant 48 : i32
      %dma_wait3A_145 = arith.constant 0 : i32
      %dma_wait3A_146 = tpu.memref_slice %arg4[%add3A, %dma_wait3A_144, %dma_wait3A_145] : memref<32x80x128xi32, #tpu.memory_space<hbm>> -> memref<1x16x128xi32, #tpu.memory_space<hbm>>
      %dma_wait3A_147 = tpu.memref_squeeze %dma_wait3A_146 : memref<1x16x128xi32, #tpu.memory_space<hbm>> -> memref<16x128xi32, #tpu.memory_space<hbm>>
      %dma_wait3A_148 = arith.constant 48 : i32
      %dma_wait3A_149 = arith.constant 0 : i32
      %dma_wait3A_150 = tpu.memref_slice %arg4[%add3A, %dma_wait3A_148, %dma_wait3A_149] : memref<32x80x128xi32, #tpu.memory_space<hbm>> -> memref<1x16x128xi32, #tpu.memory_space<hbm>>
      %dma_wait3A_151 = tpu.memref_squeeze %dma_wait3A_150 : memref<1x16x128xi32, #tpu.memory_space<hbm>> -> memref<16x128xi32, #tpu.memory_space<hbm>>
      tpu.wait_dma2 semaphore(%run_scoped3A : memref<!tpu.dma_semaphore, #tpu.memory_space<semaphore_mem>>) src(%dma_wait3A_151 : memref<16x128xi32, #tpu.memory_space<hbm>>) dst(%arg7 : memref<16x128xi32, #tpu.memory_space<vmem>>)
      tpu.yield
    }) : () -> ()
    %dma_start3A_89 = arith.constant 0 : i32
    %dma_start3A_90 = arith.constant 0 : i32
    %dma_start3A_91 = tpu.memref_slice %arg6[%dma_start3A_89, %dma_start3A_90] : memref<16x128xi32, #tpu.memory_space<vmem>> -> memref<1x128xi32, #tpu.memory_space<vmem>>
    %dma_start3A_92 = tpu.memref_squeeze %dma_start3A_91 : memref<1x128xi32, #tpu.memory_space<vmem>> -> memref<128xi32, #tpu.memory_space<vmem>>
    %dma_start3A_93 = arith.constant 0 : i32
    %dma_start3A_94 = arith.constant 0 : i32
    %dma_start3A_95 = tpu.memref_slice %arg2[%dma_start3A_93, %dma_start3A_94] : memref<10240x128xf32, #tpu.memory_space<hbm>> -> memref<10240x128xf32, #tpu.memory_space<hbm>>
    tpu.enqueue_indirect_dma source(%dma_start3A_95 : memref<10240x128xf32, #tpu.memory_space<hbm>>) target(%arg8 : memref<128x128xf32, #tpu.memory_space<vmem>>) offsets(%dma_start3A_92 : memref<128xi32, #tpu.memory_space<vmem>>) semaphore(%arg11 : memref<!tpu.dma_semaphore, #tpu.memory_space<semaphore_mem>>)
    %scan3A_96 = arith.constant 0 : i32
    %scan3A_97 = arith.constant 0 : i32
    %scan3A_98 = arith.constant 8 : i32
    %scan3A_99 = arith.addi %scan3A_97, %scan3A_98 : i32
    %scan3A_100 = arith.constant 1 : i32
    %scan3A_101 = scf.for %scan3A_136 = %scan3A_97 to %scan3A_99 step %scan3A_100 iter_args(%scan3A_137 = %scan3A_96) -> (i32)  : i32 {
      %mul3A_138 = arith.constant 2 : i32
      %mul3A_139 = arith.muli %mul3A_138, %scan3A_136 : i32
      %add3A_140 = arith.constant 1 : i32
      %add3A_141 = arith.addi %mul3A_139, %add3A_140 : i32
      %dma_start3A_142 = arith.constant 0 : i32
      %dma_start3A_143 = tpu.memref_slice %arg6[%add3A_141, %dma_start3A_142] : memref<16x128xi32, #tpu.memory_space<vmem>> -> memref<1x128xi32, #tpu.memory_space<vmem>>
      %dma_start3A_144 = tpu.memref_squeeze %dma_start3A_143 : memref<1x128xi32, #tpu.memory_space<vmem>> -> memref<128xi32, #tpu.memory_space<vmem>>
      %dma_start3A_145 = arith.constant 0 : i32
      %dma_start3A_146 = arith.constant 0 : i32
      %dma_start3A_147 = tpu.memref_slice %arg2[%dma_start3A_145, %dma_start3A_146] : memref<10240x128xf32, #tpu.memory_space<hbm>> -> memref<10240x128xf32, #tpu.memory_space<hbm>>
      tpu.enqueue_indirect_dma source(%dma_start3A_147 : memref<10240x128xf32, #tpu.memory_space<hbm>>) target(%arg9 : memref<128x128xf32, #tpu.memory_space<vmem>>) offsets(%dma_start3A_144 : memref<128xi32, #tpu.memory_space<vmem>>) semaphore(%arg12 : memref<!tpu.dma_semaphore, #tpu.memory_space<semaphore_mem>>)
      %mul3A_148 = arith.constant 2 : i32
      %mul3A_149 = arith.muli %mul3A_148, %scan3A_136 : i32
      %dma_wait3A_150 = arith.constant 0 : i32
      %dma_wait3A_151 = tpu.memref_slice %arg6[%mul3A_149, %dma_wait3A_150] : memref<16x128xi32, #tpu.memory_space<vmem>> -> memref<1x128xi32, #tpu.memory_space<vmem>>
      %dma_wait3A_152 = tpu.memref_squeeze %dma_wait3A_151 : memref<1x128xi32, #tpu.memory_space<vmem>> -> memref<128xi32, #tpu.memory_space<vmem>>
      %dma_wait3A_153 = arith.constant 0 : i32
      %dma_wait3A_154 = arith.constant 0 : i32
      %dma_wait3A_155 = tpu.memref_slice %arg2[%dma_wait3A_153, %dma_wait3A_154] : memref<10240x128xf32, #tpu.memory_space<hbm>> -> memref<10240x128xf32, #tpu.memory_space<hbm>>
      tpu.wait_indirect_dma semaphore(%arg11 : memref<!tpu.dma_semaphore, #tpu.memory_space<semaphore_mem>>) src(%dma_wait3A_155 : memref<10240x128xf32, #tpu.memory_space<hbm>>) dst(%arg8 : memref<128x128xf32, #tpu.memory_space<vmem>>)
      %mul3A_156 = arith.constant 2 : i32
      %mul3A_157 = arith.muli %mul3A_156, %scan3A_136 : i32
      "tpu.region"() ({
        %run_scoped3A = tpu.sem_alloc : memref<!tpu.dma_semaphore, #tpu.memory_space<semaphore_mem>>
        %dma_start3A_184 = arith.constant 0 : i32
        %dma_start3A_185 = tpu.memref_slice %arg7[%mul3A_157, %dma_start3A_184] : memref<16x128xi32, #tpu.memory_space<vmem>> -> memref<1x128xi32, #tpu.memory_space<vmem>>
        %dma_start3A_186 = tpu.memref_squeeze %dma_start3A_185 : memref<1x128xi32, #tpu.memory_space<vmem>> -> memref<128xi32, #tpu.memory_space<vmem>>
        %dma_start3A_187 = arith.constant 0 : i32
        %dma_start3A_188 = arith.constant 0 : i32
        %dma_start3A_189 = tpu.memref_slice %arg10[%dma_start3A_187, %dma_start3A_188] : memref<10240x128xf32, #tpu.memory_space<vmem_shared>> -> memref<10240x128xf32, #tpu.memory_space<vmem_shared>>
        tpu.enqueue_indirect_dma source(%arg8 : memref<128x128xf32, #tpu.memory_space<vmem>>) target(%dma_start3A_189 : memref<10240x128xf32, #tpu.memory_space<vmem_shared>>) offsets(%dma_start3A_186 : memref<128xi32, #tpu.memory_space<vmem>>) semaphore(%run_scoped3A : memref<!tpu.dma_semaphore, #tpu.memory_space<semaphore_mem>>) {add = true}
        %dma_wait3A_190 = arith.constant 0 : i32
        %dma_wait3A_191 = tpu.memref_slice %arg7[%mul3A_157, %dma_wait3A_190] : memref<16x128xi32, #tpu.memory_space<vmem>> -> memref<1x128xi32, #tpu.memory_space<vmem>>
        %dma_wait3A_192 = tpu.memref_squeeze %dma_wait3A_191 : memref<1x128xi32, #tpu.memory_space<vmem>> -> memref<128xi32, #tpu.memory_space<vmem>>
        %dma_wait3A_193 = arith.constant 0 : i32
        %dma_wait3A_194 = arith.constant 0 : i32
        %dma_wait3A_195 = tpu.memref_slice %arg10[%dma_wait3A_193, %dma_wait3A_194] : memref<10240x128xf32, #tpu.memory_space<vmem_shared>> -> memref<10240x128xf32, #tpu.memory_space<vmem_shared>>
        tpu.wait_indirect_dma semaphore(%run_scoped3A : memref<!tpu.dma_semaphore, #tpu.memory_space<semaphore_mem>>) src(%arg8 : memref<128x128xf32, #tpu.memory_space<vmem>>) dst(%dma_wait3A_195 : memref<10240x128xf32, #tpu.memory_space<vmem_shared>>)
        tpu.yield
      }) : () -> ()
      %mul3A_158 = arith.constant 2 : i32
      %mul3A_159 = arith.muli %mul3A_158, %scan3A_136 : i32
      %add3A_160 = arith.constant 2 : i32
      %add3A_161 = arith.addi %mul3A_159, %add3A_160 : i32
      %min3A = arith.constant 15 : i32
      %min3A_162 = arith.minsi %add3A_161, %min3A : i32
      %dma_start3A_163 = arith.constant 0 : i32
      %dma_start3A_164 = tpu.memref_slice %arg6[%min3A_162, %dma_start3A_163] : memref<16x128xi32, #tpu.memory_space<vmem>> -> memref<1x128xi32, #tpu.memory_space<vmem>>
      %dma_start3A_165 = tpu.memref_squeeze %dma_start3A_164 : memref<1x128xi32, #tpu.memory_space<vmem>> -> memref<128xi32, #tpu.memory_space<vmem>>
      %dma_start3A_166 = arith.constant 0 : i32
      %dma_start3A_167 = arith.constant 0 : i32
      %dma_start3A_168 = tpu.memref_slice %arg2[%dma_start3A_166, %dma_start3A_167] : memref<10240x128xf32, #tpu.memory_space<hbm>> -> memref<10240x128xf32, #tpu.memory_space<hbm>>
      tpu.enqueue_indirect_dma source(%dma_start3A_168 : memref<10240x128xf32, #tpu.memory_space<hbm>>) target(%arg8 : memref<128x128xf32, #tpu.memory_space<vmem>>) offsets(%dma_start3A_165 : memref<128xi32, #tpu.memory_space<vmem>>) semaphore(%arg11 : memref<!tpu.dma_semaphore, #tpu.memory_space<semaphore_mem>>)
      %mul3A_169 = arith.constant 2 : i32
      %mul3A_170 = arith.muli %mul3A_169, %scan3A_136 : i32
      %add3A_171 = arith.constant 1 : i32
      %add3A_172 = arith.addi %mul3A_170, %add3A_171 : i32
      %dma_wait3A_173 = arith.constant 0 : i32
      %dma_wait3A_174 = tpu.memref_slice %arg6[%add3A_172, %dma_wait3A_173] : memref<16x128xi32, #tpu.memory_space<vmem>> -> memref<1x128xi32, #tpu.memory_space<vmem>>
      %dma_wait3A_175 = tpu.memref_squeeze %dma_wait3A_174 : memref<1x128xi32, #tpu.memory_space<vmem>> -> memref<128xi32, #tpu.memory_space<vmem>>
      %dma_wait3A_176 = arith.constant 0 : i32
      %dma_wait3A_177 = arith.constant 0 : i32
      %dma_wait3A_178 = tpu.memref_slice %arg2[%dma_wait3A_176, %dma_wait3A_177] : memref<10240x128xf32, #tpu.memory_space<hbm>> -> memref<10240x128xf32, #tpu.memory_space<hbm>>
      tpu.wait_indirect_dma semaphore(%arg12 : memref<!tpu.dma_semaphore, #tpu.memory_space<semaphore_mem>>) src(%dma_wait3A_178 : memref<10240x128xf32, #tpu.memory_space<hbm>>) dst(%arg9 : memref<128x128xf32, #tpu.memory_space<vmem>>)
      %mul3A_179 = arith.constant 2 : i32
      %mul3A_180 = arith.muli %mul3A_179, %scan3A_136 : i32
      %add3A_181 = arith.constant 1 : i32
      %add3A_182 = arith.addi %mul3A_180, %add3A_181 : i32
      "tpu.region"() ({
        %run_scoped3A = tpu.sem_alloc : memref<!tpu.dma_semaphore, #tpu.memory_space<semaphore_mem>>
        %dma_start3A_184 = arith.constant 0 : i32
        %dma_start3A_185 = tpu.memref_slice %arg7[%add3A_182, %dma_start3A_184] : memref<16x128xi32, #tpu.memory_space<vmem>> -> memref<1x128xi32, #tpu.memory_space<vmem>>
        %dma_start3A_186 = tpu.memref_squeeze %dma_start3A_185 : memref<1x128xi32, #tpu.memory_space<vmem>> -> memref<128xi32, #tpu.memory_space<vmem>>
        %dma_start3A_187 = arith.constant 0 : i32
        %dma_start3A_188 = arith.constant 0 : i32
        %dma_start3A_189 = tpu.memref_slice %arg10[%dma_start3A_187, %dma_start3A_188] : memref<10240x128xf32, #tpu.memory_space<vmem_shared>> -> memref<10240x128xf32, #tpu.memory_space<vmem_shared>>
        tpu.enqueue_indirect_dma source(%arg9 : memref<128x128xf32, #tpu.memory_space<vmem>>) target(%dma_start3A_189 : memref<10240x128xf32, #tpu.memory_space<vmem_shared>>) offsets(%dma_start3A_186 : memref<128xi32, #tpu.memory_space<vmem>>) semaphore(%run_scoped3A : memref<!tpu.dma_semaphore, #tpu.memory_space<semaphore_mem>>) {add = true}
        %dma_wait3A_190 = arith.constant 0 : i32
        %dma_wait3A_191 = tpu.memref_slice %arg7[%add3A_182, %dma_wait3A_190] : memref<16x128xi32, #tpu.memory_space<vmem>> -> memref<1x128xi32, #tpu.memory_space<vmem>>
        %dma_wait3A_192 = tpu.memref_squeeze %dma_wait3A_191 : memref<1x128xi32, #tpu.memory_space<vmem>> -> memref<128xi32, #tpu.memory_space<vmem>>
        %dma_wait3A_193 = arith.constant 0 : i32
        %dma_wait3A_194 = arith.constant 0 : i32
        %dma_wait3A_195 = tpu.memref_slice %arg10[%dma_wait3A_193, %dma_wait3A_194] : memref<10240x128xf32, #tpu.memory_space<vmem_shared>> -> memref<10240x128xf32, #tpu.memory_space<vmem_shared>>
        tpu.wait_indirect_dma semaphore(%run_scoped3A : memref<!tpu.dma_semaphore, #tpu.memory_space<semaphore_mem>>) src(%arg9 : memref<128x128xf32, #tpu.memory_space<vmem>>) dst(%dma_wait3A_195 : memref<10240x128xf32, #tpu.memory_space<vmem_shared>>)
        tpu.yield
      }) : () -> ()
      %scan3A_183 = arith.constant 0 : i32
      scf.yield %scan3A_183 : i32
    }
    %scan3A_102 = arith.constant 8 : i32
    %dma_wait3A_103 = arith.constant 15 : i32
    %dma_wait3A_104 = arith.constant 0 : i32
    %dma_wait3A_105 = tpu.memref_slice %arg6[%dma_wait3A_103, %dma_wait3A_104] : memref<16x128xi32, #tpu.memory_space<vmem>> -> memref<1x128xi32, #tpu.memory_space<vmem>>
    %dma_wait3A_106 = tpu.memref_squeeze %dma_wait3A_105 : memref<1x128xi32, #tpu.memory_space<vmem>> -> memref<128xi32, #tpu.memory_space<vmem>>
    %dma_wait3A_107 = arith.constant 0 : i32
    %dma_wait3A_108 = arith.constant 0 : i32
    %dma_wait3A_109 = tpu.memref_slice %arg2[%dma_wait3A_107, %dma_wait3A_108] : memref<10240x128xf32, #tpu.memory_space<hbm>> -> memref<10240x128xf32, #tpu.memory_space<hbm>>
    tpu.wait_indirect_dma semaphore(%arg11 : memref<!tpu.dma_semaphore, #tpu.memory_space<semaphore_mem>>) src(%dma_wait3A_109 : memref<10240x128xf32, #tpu.memory_space<hbm>>) dst(%arg8 : memref<128x128xf32, #tpu.memory_space<vmem>>)
    "tpu.region"() ({
      %run_scoped3A = tpu.sem_alloc : memref<!tpu.dma_semaphore, #tpu.memory_space<semaphore_mem>>
      %dma_start3A_136 = arith.constant 64 : i32
      %dma_start3A_137 = arith.constant 0 : i32
      %dma_start3A_138 = tpu.memref_slice %arg3[%add3A, %dma_start3A_136, %dma_start3A_137] : memref<32x80x128xi32, #tpu.memory_space<hbm>> -> memref<1x16x128xi32, #tpu.memory_space<hbm>>
      %dma_start3A_139 = tpu.memref_squeeze %dma_start3A_138 : memref<1x16x128xi32, #tpu.memory_space<hbm>> -> memref<16x128xi32, #tpu.memory_space<hbm>>
      %dma_start3A_140 = arith.constant 64 : i32
      %dma_start3A_141 = arith.constant 0 : i32
      %dma_start3A_142 = tpu.memref_slice %arg3[%add3A, %dma_start3A_140, %dma_start3A_141] : memref<32x80x128xi32, #tpu.memory_space<hbm>> -> memref<1x16x128xi32, #tpu.memory_space<hbm>>
      %dma_start3A_143 = tpu.memref_squeeze %dma_start3A_142 : memref<1x16x128xi32, #tpu.memory_space<hbm>> -> memref<16x128xi32, #tpu.memory_space<hbm>>
      tpu.enqueue_dma source(%dma_start3A_143 : memref<16x128xi32, #tpu.memory_space<hbm>>) target(%arg6 : memref<16x128xi32, #tpu.memory_space<vmem>>) target_semaphore(%run_scoped3A : memref<!tpu.dma_semaphore, #tpu.memory_space<semaphore_mem>>)
      %dma_wait3A_144 = arith.constant 64 : i32
      %dma_wait3A_145 = arith.constant 0 : i32
      %dma_wait3A_146 = tpu.memref_slice %arg3[%add3A, %dma_wait3A_144, %dma_wait3A_145] : memref<32x80x128xi32, #tpu.memory_space<hbm>> -> memref<1x16x128xi32, #tpu.memory_space<hbm>>
      %dma_wait3A_147 = tpu.memref_squeeze %dma_wait3A_146 : memref<1x16x128xi32, #tpu.memory_space<hbm>> -> memref<16x128xi32, #tpu.memory_space<hbm>>
      %dma_wait3A_148 = arith.constant 64 : i32
      %dma_wait3A_149 = arith.constant 0 : i32
      %dma_wait3A_150 = tpu.memref_slice %arg3[%add3A, %dma_wait3A_148, %dma_wait3A_149] : memref<32x80x128xi32, #tpu.memory_space<hbm>> -> memref<1x16x128xi32, #tpu.memory_space<hbm>>
      %dma_wait3A_151 = tpu.memref_squeeze %dma_wait3A_150 : memref<1x16x128xi32, #tpu.memory_space<hbm>> -> memref<16x128xi32, #tpu.memory_space<hbm>>
      tpu.wait_dma2 semaphore(%run_scoped3A : memref<!tpu.dma_semaphore, #tpu.memory_space<semaphore_mem>>) src(%dma_wait3A_151 : memref<16x128xi32, #tpu.memory_space<hbm>>) dst(%arg6 : memref<16x128xi32, #tpu.memory_space<vmem>>)
      tpu.yield
    }) : () -> ()
    "tpu.region"() ({
      %run_scoped3A = tpu.sem_alloc : memref<!tpu.dma_semaphore, #tpu.memory_space<semaphore_mem>>
      %dma_start3A_136 = arith.constant 64 : i32
      %dma_start3A_137 = arith.constant 0 : i32
      %dma_start3A_138 = tpu.memref_slice %arg4[%add3A, %dma_start3A_136, %dma_start3A_137] : memref<32x80x128xi32, #tpu.memory_space<hbm>> -> memref<1x16x128xi32, #tpu.memory_space<hbm>>
      %dma_start3A_139 = tpu.memref_squeeze %dma_start3A_138 : memref<1x16x128xi32, #tpu.memory_space<hbm>> -> memref<16x128xi32, #tpu.memory_space<hbm>>
      %dma_start3A_140 = arith.constant 64 : i32
      %dma_start3A_141 = arith.constant 0 : i32
      %dma_start3A_142 = tpu.memref_slice %arg4[%add3A, %dma_start3A_140, %dma_start3A_141] : memref<32x80x128xi32, #tpu.memory_space<hbm>> -> memref<1x16x128xi32, #tpu.memory_space<hbm>>
      %dma_start3A_143 = tpu.memref_squeeze %dma_start3A_142 : memref<1x16x128xi32, #tpu.memory_space<hbm>> -> memref<16x128xi32, #tpu.memory_space<hbm>>
      tpu.enqueue_dma source(%dma_start3A_143 : memref<16x128xi32, #tpu.memory_space<hbm>>) target(%arg7 : memref<16x128xi32, #tpu.memory_space<vmem>>) target_semaphore(%run_scoped3A : memref<!tpu.dma_semaphore, #tpu.memory_space<semaphore_mem>>)
      %dma_wait3A_144 = arith.constant 64 : i32
      %dma_wait3A_145 = arith.constant 0 : i32
      %dma_wait3A_146 = tpu.memref_slice %arg4[%add3A, %dma_wait3A_144, %dma_wait3A_145] : memref<32x80x128xi32, #tpu.memory_space<hbm>> -> memref<1x16x128xi32, #tpu.memory_space<hbm>>
      %dma_wait3A_147 = tpu.memref_squeeze %dma_wait3A_146 : memref<1x16x128xi32, #tpu.memory_space<hbm>> -> memref<16x128xi32, #tpu.memory_space<hbm>>
      %dma_wait3A_148 = arith.constant 64 : i32
      %dma_wait3A_149 = arith.constant 0 : i32
      %dma_wait3A_150 = tpu.memref_slice %arg4[%add3A, %dma_wait3A_148, %dma_wait3A_149] : memref<32x80x128xi32, #tpu.memory_space<hbm>> -> memref<1x16x128xi32, #tpu.memory_space<hbm>>
      %dma_wait3A_151 = tpu.memref_squeeze %dma_wait3A_150 : memref<1x16x128xi32, #tpu.memory_space<hbm>> -> memref<16x128xi32, #tpu.memory_space<hbm>>
      tpu.wait_dma2 semaphore(%run_scoped3A : memref<!tpu.dma_semaphore, #tpu.memory_space<semaphore_mem>>) src(%dma_wait3A_151 : memref<16x128xi32, #tpu.memory_space<hbm>>) dst(%arg7 : memref<16x128xi32, #tpu.memory_space<vmem>>)
      tpu.yield
    }) : () -> ()
    %dma_start3A_110 = arith.constant 0 : i32
    %dma_start3A_111 = arith.constant 0 : i32
    %dma_start3A_112 = tpu.memref_slice %arg6[%dma_start3A_110, %dma_start3A_111] : memref<16x128xi32, #tpu.memory_space<vmem>> -> memref<1x128xi32, #tpu.memory_space<vmem>>
    %dma_start3A_113 = tpu.memref_squeeze %dma_start3A_112 : memref<1x128xi32, #tpu.memory_space<vmem>> -> memref<128xi32, #tpu.memory_space<vmem>>
    %dma_start3A_114 = arith.constant 0 : i32
    %dma_start3A_115 = arith.constant 0 : i32
    %dma_start3A_116 = tpu.memref_slice %arg2[%dma_start3A_114, %dma_start3A_115] : memref<10240x128xf32, #tpu.memory_space<hbm>> -> memref<10240x128xf32, #tpu.memory_space<hbm>>
    tpu.enqueue_indirect_dma source(%dma_start3A_116 : memref<10240x128xf32, #tpu.memory_space<hbm>>) target(%arg8 : memref<128x128xf32, #tpu.memory_space<vmem>>) offsets(%dma_start3A_113 : memref<128xi32, #tpu.memory_space<vmem>>) semaphore(%arg11 : memref<!tpu.dma_semaphore, #tpu.memory_space<semaphore_mem>>)
    %scan3A_117 = arith.constant 0 : i32
    %scan3A_118 = arith.constant 0 : i32
    %scan3A_119 = arith.constant 8 : i32
    %scan3A_120 = arith.addi %scan3A_118, %scan3A_119 : i32
    %scan3A_121 = arith.constant 1 : i32
    %scan3A_122 = scf.for %scan3A_136 = %scan3A_118 to %scan3A_120 step %scan3A_121 iter_args(%scan3A_137 = %scan3A_117) -> (i32)  : i32 {
      %mul3A_138 = arith.constant 2 : i32
      %mul3A_139 = arith.muli %mul3A_138, %scan3A_136 : i32
      %add3A_140 = arith.constant 1 : i32
      %add3A_141 = arith.addi %mul3A_139, %add3A_140 : i32
      %dma_start3A_142 = arith.constant 0 : i32
      %dma_start3A_143 = tpu.memref_slice %arg6[%add3A_141, %dma_start3A_142] : memref<16x128xi32, #tpu.memory_space<vmem>> -> memref<1x128xi32, #tpu.memory_space<vmem>>
      %dma_start3A_144 = tpu.memref_squeeze %dma_start3A_143 : memref<1x128xi32, #tpu.memory_space<vmem>> -> memref<128xi32, #tpu.memory_space<vmem>>
      %dma_start3A_145 = arith.constant 0 : i32
      %dma_start3A_146 = arith.constant 0 : i32
      %dma_start3A_147 = tpu.memref_slice %arg2[%dma_start3A_145, %dma_start3A_146] : memref<10240x128xf32, #tpu.memory_space<hbm>> -> memref<10240x128xf32, #tpu.memory_space<hbm>>
      tpu.enqueue_indirect_dma source(%dma_start3A_147 : memref<10240x128xf32, #tpu.memory_space<hbm>>) target(%arg9 : memref<128x128xf32, #tpu.memory_space<vmem>>) offsets(%dma_start3A_144 : memref<128xi32, #tpu.memory_space<vmem>>) semaphore(%arg12 : memref<!tpu.dma_semaphore, #tpu.memory_space<semaphore_mem>>)
      %mul3A_148 = arith.constant 2 : i32
      %mul3A_149 = arith.muli %mul3A_148, %scan3A_136 : i32
      %dma_wait3A_150 = arith.constant 0 : i32
      %dma_wait3A_151 = tpu.memref_slice %arg6[%mul3A_149, %dma_wait3A_150] : memref<16x128xi32, #tpu.memory_space<vmem>> -> memref<1x128xi32, #tpu.memory_space<vmem>>
      %dma_wait3A_152 = tpu.memref_squeeze %dma_wait3A_151 : memref<1x128xi32, #tpu.memory_space<vmem>> -> memref<128xi32, #tpu.memory_space<vmem>>
      %dma_wait3A_153 = arith.constant 0 : i32
      %dma_wait3A_154 = arith.constant 0 : i32
      %dma_wait3A_155 = tpu.memref_slice %arg2[%dma_wait3A_153, %dma_wait3A_154] : memref<10240x128xf32, #tpu.memory_space<hbm>> -> memref<10240x128xf32, #tpu.memory_space<hbm>>
      tpu.wait_indirect_dma semaphore(%arg11 : memref<!tpu.dma_semaphore, #tpu.memory_space<semaphore_mem>>) src(%dma_wait3A_155 : memref<10240x128xf32, #tpu.memory_space<hbm>>) dst(%arg8 : memref<128x128xf32, #tpu.memory_space<vmem>>)
      %mul3A_156 = arith.constant 2 : i32
      %mul3A_157 = arith.muli %mul3A_156, %scan3A_136 : i32
      "tpu.region"() ({
        %run_scoped3A = tpu.sem_alloc : memref<!tpu.dma_semaphore, #tpu.memory_space<semaphore_mem>>
        %dma_start3A_184 = arith.constant 0 : i32
        %dma_start3A_185 = tpu.memref_slice %arg7[%mul3A_157, %dma_start3A_184] : memref<16x128xi32, #tpu.memory_space<vmem>> -> memref<1x128xi32, #tpu.memory_space<vmem>>
        %dma_start3A_186 = tpu.memref_squeeze %dma_start3A_185 : memref<1x128xi32, #tpu.memory_space<vmem>> -> memref<128xi32, #tpu.memory_space<vmem>>
        %dma_start3A_187 = arith.constant 0 : i32
        %dma_start3A_188 = arith.constant 0 : i32
        %dma_start3A_189 = tpu.memref_slice %arg10[%dma_start3A_187, %dma_start3A_188] : memref<10240x128xf32, #tpu.memory_space<vmem_shared>> -> memref<10240x128xf32, #tpu.memory_space<vmem_shared>>
        tpu.enqueue_indirect_dma source(%arg8 : memref<128x128xf32, #tpu.memory_space<vmem>>) target(%dma_start3A_189 : memref<10240x128xf32, #tpu.memory_space<vmem_shared>>) offsets(%dma_start3A_186 : memref<128xi32, #tpu.memory_space<vmem>>) semaphore(%run_scoped3A : memref<!tpu.dma_semaphore, #tpu.memory_space<semaphore_mem>>) {add = true}
        %dma_wait3A_190 = arith.constant 0 : i32
        %dma_wait3A_191 = tpu.memref_slice %arg7[%mul3A_157, %dma_wait3A_190] : memref<16x128xi32, #tpu.memory_space<vmem>> -> memref<1x128xi32, #tpu.memory_space<vmem>>
        %dma_wait3A_192 = tpu.memref_squeeze %dma_wait3A_191 : memref<1x128xi32, #tpu.memory_space<vmem>> -> memref<128xi32, #tpu.memory_space<vmem>>
        %dma_wait3A_193 = arith.constant 0 : i32
        %dma_wait3A_194 = arith.constant 0 : i32
        %dma_wait3A_195 = tpu.memref_slice %arg10[%dma_wait3A_193, %dma_wait3A_194] : memref<10240x128xf32, #tpu.memory_space<vmem_shared>> -> memref<10240x128xf32, #tpu.memory_space<vmem_shared>>
        tpu.wait_indirect_dma semaphore(%run_scoped3A : memref<!tpu.dma_semaphore, #tpu.memory_space<semaphore_mem>>) src(%arg8 : memref<128x128xf32, #tpu.memory_space<vmem>>) dst(%dma_wait3A_195 : memref<10240x128xf32, #tpu.memory_space<vmem_shared>>)
        tpu.yield
      }) : () -> ()
      %mul3A_158 = arith.constant 2 : i32
      %mul3A_159 = arith.muli %mul3A_158, %scan3A_136 : i32
      %add3A_160 = arith.constant 2 : i32
      %add3A_161 = arith.addi %mul3A_159, %add3A_160 : i32
      %min3A = arith.constant 15 : i32
      %min3A_162 = arith.minsi %add3A_161, %min3A : i32
      %dma_start3A_163 = arith.constant 0 : i32
      %dma_start3A_164 = tpu.memref_slice %arg6[%min3A_162, %dma_start3A_163] : memref<16x128xi32, #tpu.memory_space<vmem>> -> memref<1x128xi32, #tpu.memory_space<vmem>>
      %dma_start3A_165 = tpu.memref_squeeze %dma_start3A_164 : memref<1x128xi32, #tpu.memory_space<vmem>> -> memref<128xi32, #tpu.memory_space<vmem>>
      %dma_start3A_166 = arith.constant 0 : i32
      %dma_start3A_167 = arith.constant 0 : i32
      %dma_start3A_168 = tpu.memref_slice %arg2[%dma_start3A_166, %dma_start3A_167] : memref<10240x128xf32, #tpu.memory_space<hbm>> -> memref<10240x128xf32, #tpu.memory_space<hbm>>
      tpu.enqueue_indirect_dma source(%dma_start3A_168 : memref<10240x128xf32, #tpu.memory_space<hbm>>) target(%arg8 : memref<128x128xf32, #tpu.memory_space<vmem>>) offsets(%dma_start3A_165 : memref<128xi32, #tpu.memory_space<vmem>>) semaphore(%arg11 : memref<!tpu.dma_semaphore, #tpu.memory_space<semaphore_mem>>)
      %mul3A_169 = arith.constant 2 : i32
      %mul3A_170 = arith.muli %mul3A_169, %scan3A_136 : i32
      %add3A_171 = arith.constant 1 : i32
      %add3A_172 = arith.addi %mul3A_170, %add3A_171 : i32
      %dma_wait3A_173 = arith.constant 0 : i32
      %dma_wait3A_174 = tpu.memref_slice %arg6[%add3A_172, %dma_wait3A_173] : memref<16x128xi32, #tpu.memory_space<vmem>> -> memref<1x128xi32, #tpu.memory_space<vmem>>
      %dma_wait3A_175 = tpu.memref_squeeze %dma_wait3A_174 : memref<1x128xi32, #tpu.memory_space<vmem>> -> memref<128xi32, #tpu.memory_space<vmem>>
      %dma_wait3A_176 = arith.constant 0 : i32
      %dma_wait3A_177 = arith.constant 0 : i32
      %dma_wait3A_178 = tpu.memref_slice %arg2[%dma_wait3A_176, %dma_wait3A_177] : memref<10240x128xf32, #tpu.memory_space<hbm>> -> memref<10240x128xf32, #tpu.memory_space<hbm>>
      tpu.wait_indirect_dma semaphore(%arg12 : memref<!tpu.dma_semaphore, #tpu.memory_space<semaphore_mem>>) src(%dma_wait3A_178 : memref<10240x128xf32, #tpu.memory_space<hbm>>) dst(%arg9 : memref<128x128xf32, #tpu.memory_space<vmem>>)
      %mul3A_179 = arith.constant 2 : i32
      %mul3A_180 = arith.muli %mul3A_179, %scan3A_136 : i32
      %add3A_181 = arith.constant 1 : i32
      %add3A_182 = arith.addi %mul3A_180, %add3A_181 : i32
      "tpu.region"() ({
        %run_scoped3A = tpu.sem_alloc : memref<!tpu.dma_semaphore, #tpu.memory_space<semaphore_mem>>
        %dma_start3A_184 = arith.constant 0 : i32
        %dma_start3A_185 = tpu.memref_slice %arg7[%add3A_182, %dma_start3A_184] : memref<16x128xi32, #tpu.memory_space<vmem>> -> memref<1x128xi32, #tpu.memory_space<vmem>>
        %dma_start3A_186 = tpu.memref_squeeze %dma_start3A_185 : memref<1x128xi32, #tpu.memory_space<vmem>> -> memref<128xi32, #tpu.memory_space<vmem>>
        %dma_start3A_187 = arith.constant 0 : i32
        %dma_start3A_188 = arith.constant 0 : i32
        %dma_start3A_189 = tpu.memref_slice %arg10[%dma_start3A_187, %dma_start3A_188] : memref<10240x128xf32, #tpu.memory_space<vmem_shared>> -> memref<10240x128xf32, #tpu.memory_space<vmem_shared>>
        tpu.enqueue_indirect_dma source(%arg9 : memref<128x128xf32, #tpu.memory_space<vmem>>) target(%dma_start3A_189 : memref<10240x128xf32, #tpu.memory_space<vmem_shared>>) offsets(%dma_start3A_186 : memref<128xi32, #tpu.memory_space<vmem>>) semaphore(%run_scoped3A : memref<!tpu.dma_semaphore, #tpu.memory_space<semaphore_mem>>) {add = true}
        %dma_wait3A_190 = arith.constant 0 : i32
        %dma_wait3A_191 = tpu.memref_slice %arg7[%add3A_182, %dma_wait3A_190] : memref<16x128xi32, #tpu.memory_space<vmem>> -> memref<1x128xi32, #tpu.memory_space<vmem>>
        %dma_wait3A_192 = tpu.memref_squeeze %dma_wait3A_191 : memref<1x128xi32, #tpu.memory_space<vmem>> -> memref<128xi32, #tpu.memory_space<vmem>>
        %dma_wait3A_193 = arith.constant 0 : i32
        %dma_wait3A_194 = arith.constant 0 : i32
        %dma_wait3A_195 = tpu.memref_slice %arg10[%dma_wait3A_193, %dma_wait3A_194] : memref<10240x128xf32, #tpu.memory_space<vmem_shared>> -> memref<10240x128xf32, #tpu.memory_space<vmem_shared>>
        tpu.wait_indirect_dma semaphore(%run_scoped3A : memref<!tpu.dma_semaphore, #tpu.memory_space<semaphore_mem>>) src(%arg9 : memref<128x128xf32, #tpu.memory_space<vmem>>) dst(%dma_wait3A_195 : memref<10240x128xf32, #tpu.memory_space<vmem_shared>>)
        tpu.yield
      }) : () -> ()
      %scan3A_183 = arith.constant 0 : i32
      scf.yield %scan3A_183 : i32
    }
    %scan3A_123 = arith.constant 8 : i32
    %dma_wait3A_124 = arith.constant 15 : i32
    %dma_wait3A_125 = arith.constant 0 : i32
    %dma_wait3A_126 = tpu.memref_slice %arg6[%dma_wait3A_124, %dma_wait3A_125] : memref<16x128xi32, #tpu.memory_space<vmem>> -> memref<1x128xi32, #tpu.memory_space<vmem>>
    %dma_wait3A_127 = tpu.memref_squeeze %dma_wait3A_126 : memref<1x128xi32, #tpu.memory_space<vmem>> -> memref<128xi32, #tpu.memory_space<vmem>>
    %dma_wait3A_128 = arith.constant 0 : i32
    %dma_wait3A_129 = arith.constant 0 : i32
    %dma_wait3A_130 = tpu.memref_slice %arg2[%dma_wait3A_128, %dma_wait3A_129] : memref<10240x128xf32, #tpu.memory_space<hbm>> -> memref<10240x128xf32, #tpu.memory_space<hbm>>
    tpu.wait_indirect_dma semaphore(%arg11 : memref<!tpu.dma_semaphore, #tpu.memory_space<semaphore_mem>>) src(%dma_wait3A_130 : memref<10240x128xf32, #tpu.memory_space<hbm>>) dst(%arg8 : memref<128x128xf32, #tpu.memory_space<vmem>>)
    %barrier3A_131 = arith.constant 0 : index
    tpu.barrier barrier_id(%barrier3A_131)
    %mul3A_132 = arith.constant 640 : i32
    %mul3A_133 = arith.muli %arg1, %mul3A_132 : i32
    %mul3A_134 = arith.constant 640 : i32
    %mul3A_135 = arith.muli %arg1, %mul3A_134 : i32
    "tpu.region"() ({
      %run_scoped3A = tpu.sem_alloc : memref<!tpu.dma_semaphore, #tpu.memory_space<semaphore_mem>>
      %dma_start3A_136 = arith.constant 0 : i32
      %dma_start3A_137 = tpu.memref_slice %arg5[%arg0, %mul3A_135, %dma_start3A_136] : memref<2x10240x128xf32, #tpu.memory_space<hbm>> -> memref<1x640x128xf32, #tpu.memory_space<hbm>>
      %dma_start3A_138 = tpu.memref_squeeze %dma_start3A_137 : memref<1x640x128xf32, #tpu.memory_space<hbm>> -> memref<640x128xf32, #tpu.memory_space<hbm>>
      %dma_start3A_139 = arith.constant 0 : i32
      %dma_start3A_140 = tpu.memref_slice %arg10[%mul3A_133, %dma_start3A_139] : memref<10240x128xf32, #tpu.memory_space<vmem_shared>> -> memref<640x128xf32, #tpu.memory_space<vmem_shared>>
      tpu.enqueue_dma source(%dma_start3A_140 : memref<640x128xf32, #tpu.memory_space<vmem_shared>>) target(%dma_start3A_138 : memref<640x128xf32, #tpu.memory_space<hbm>>) target_semaphore(%run_scoped3A : memref<!tpu.dma_semaphore, #tpu.memory_space<semaphore_mem>>)
      %dma_wait3A_141 = arith.constant 0 : i32
      %dma_wait3A_142 = tpu.memref_slice %arg5[%arg0, %mul3A_135, %dma_wait3A_141] : memref<2x10240x128xf32, #tpu.memory_space<hbm>> -> memref<1x640x128xf32, #tpu.memory_space<hbm>>
      %dma_wait3A_143 = tpu.memref_squeeze %dma_wait3A_142 : memref<1x640x128xf32, #tpu.memory_space<hbm>> -> memref<640x128xf32, #tpu.memory_space<hbm>>
      %dma_wait3A_144 = arith.constant 0 : i32
      %dma_wait3A_145 = tpu.memref_slice %arg10[%mul3A_133, %dma_wait3A_144] : memref<10240x128xf32, #tpu.memory_space<vmem_shared>> -> memref<640x128xf32, #tpu.memory_space<vmem_shared>>
      tpu.wait_dma2 semaphore(%run_scoped3A : memref<!tpu.dma_semaphore, #tpu.memory_space<semaphore_mem>>) src(%dma_wait3A_145 : memref<640x128xf32, #tpu.memory_space<vmem_shared>>) dst(%dma_wait3A_143 : memref<640x128xf32, #tpu.memory_space<hbm>>)
      tpu.yield
    }) : () -> ()
    return
  }
}

module attributes {stable_mosaic.version = 14 : i64} {
  func.func @_tc_prep_body(%arg0: memref<2x10240xf32, #tpu.memory_space<vmem>>, %arg1: memref<10240x16xf32, #tpu.memory_space<vmem>>, %arg2: memref<16x128xf32, #tpu.memory_space<vmem>>, %arg3: memref<10240x128xf32, #tpu.memory_space<vmem>>, %arg4: memref<10240xf32, #tpu.memory_space<vmem>>) attributes {dimension_semantics = [], scalar_prefetch = 0 : i64, scratch_operands = 0 : i64, tpu.core_type = #tpu.core_type<tc>} {
    %get3A = arith.constant 0 : index
    %get3A_0 = arith.constant 0 : index
    %get3A_1 = vector.load %arg0[%get3A, %get3A_0] : memref<2x10240xf32, #tpu.memory_space<vmem>>, vector<1x10240xf32>
    %get3A_2 = vector.shape_cast %get3A_1 : vector<1x10240xf32> to vector<10240xf32>
    %get3A_3 = arith.constant 1 : index
    %get3A_4 = arith.constant 0 : index
    %get3A_5 = vector.load %arg0[%get3A_3, %get3A_4] : memref<2x10240xf32, #tpu.memory_space<vmem>>, vector<1x10240xf32>
    %get3A_6 = vector.shape_cast %get3A_5 : vector<1x10240xf32> to vector<10240xf32>
    %add3A = arith.addf %get3A_2, %get3A_6 : vector<10240xf32>
    %add3A_7 = arith.constant 1.000000e+00 : f32
    %add3A_8 = vector.broadcast %add3A_7 : f32 to vector<10240xf32>
    %add3A_9 = arith.addf %add3A, %add3A_8 : vector<10240xf32>
    %sqrt3A = math.sqrt %add3A_9 : vector<10240xf32>
    %div3A = arith.constant 1.000000e+00 : f32
    %div3A_10 = vector.broadcast %div3A : f32 to vector<10240xf32>
    %div3A_11 = arith.divf %div3A_10, %sqrt3A : vector<10240xf32>
    %swap3A = arith.constant 0 : index
    %swap3A_12 = vector.load %arg4[%swap3A] : memref<10240xf32, #tpu.memory_space<vmem>>, vector<10240xf32>
    tpu.vector_store %arg4[%swap3A], %div3A_11 {strides = array<i32>} : memref<10240xf32, #tpu.memory_space<vmem>>, vector<10240xf32>,
    %get3A_13 = arith.constant 0 : index
    %get3A_14 = arith.constant 0 : index
    %get3A_15 = vector.load %arg1[%get3A_13, %get3A_14] : memref<10240x16xf32, #tpu.memory_space<vmem>>, vector<10240x16xf32>
    %get3A_16 = arith.constant 0 : index
    %get3A_17 = arith.constant 0 : index
    %get3A_18 = vector.load %arg2[%get3A_16, %get3A_17] : memref<16x128xf32, #tpu.memory_space<vmem>>, vector<16x128xf32>
    %dot_general3A = arith.constant dense<0.000000e+00> : vector<10240x128xf32>
    %dot_general3A_19 = tpu.matmul %get3A_15, %get3A_18, %dot_general3A {dimension_numbers = #tpu.dot_dimension_numbers<[1], [0], [0], [1], [0, 0, 1, 1], [], []>, transpose_lhs_hint = false} : vector<10240x16xf32>, vector<16x128xf32>, vector<10240x128xf32> -> vector<10240x128xf32>
    %broadcast_in_dim3A = vector.shape_cast %div3A_11 : vector<10240xf32> to vector<10240x1xf32>
    %mul3A = vector.broadcast %broadcast_in_dim3A : vector<10240x1xf32> to vector<10240x128xf32>
    %mul3A_20 = arith.mulf %dot_general3A_19, %mul3A : vector<10240x128xf32>
    %swap3A_21 = arith.constant 0 : index
    %swap3A_22 = arith.constant 0 : index
    %swap3A_23 = vector.load %arg3[%swap3A_21, %swap3A_22] : memref<10240x128xf32, #tpu.memory_space<vmem>>, vector<10240x128xf32>
    tpu.vector_store %arg3[%swap3A_21, %swap3A_22], %mul3A_20 {strides = array<i32>} : memref<10240x128xf32, #tpu.memory_space<vmem>>, vector<10240x128xf32>,
    return
  }
}

module attributes {stable_mosaic.version = 14 : i64} {
  func.func @_tc_mid_body(%arg0: i32, %arg1: memref<2x2048x128xf32, #tpu.memory_space<vmem>>, %arg2: memref<2048x128xf32, #tpu.memory_space<vmem>>, %arg3: memref<2048xf32, #tpu.memory_space<vmem>>, %arg4: memref<128xf32, #tpu.memory_space<vmem>>, %arg5: memref<128x128xf32, #tpu.memory_space<vmem>>, %arg6: memref<2048x128xf32, #tpu.memory_space<vmem>>) attributes {dimension_semantics = [#tpu.dimension_semantics<arbitrary>], iteration_bounds = array<i64: 5>, scalar_prefetch = 0 : i64, scratch_operands = 0 : i64, tpu.core_type = #tpu.core_type<tc>, window_params = [{transform_indices = @transform_0, window_bounds = array<i64: 2, 2048, 128>}, {transform_indices = @transform_1, window_bounds = array<i64: 2048, 128>}, {transform_indices = @transform_2, window_bounds = array<i64: 2048>}, {pipeline_mode = #tpu.pipeline_mode<synchronous>, transform_indices = @transform_3, window_bounds = array<i64: 128>}, {pipeline_mode = #tpu.pipeline_mode<synchronous>, transform_indices = @transform_4, window_bounds = array<i64: 128, 128>}, {transform_indices = @transform_5, window_bounds = array<i64: 2048, 128>}]} {
    %get3A = arith.constant 0 : index
    %get3A_0 = arith.constant 0 : index
    %get3A_1 = arith.constant 0 : index
    %get3A_2 = vector.load %arg1[%get3A, %get3A_0, %get3A_1] : memref<2x2048x128xf32, #tpu.memory_space<vmem>>, vector<1x2048x128xf32>
    %get3A_3 = vector.shape_cast %get3A_2 : vector<1x2048x128xf32> to vector<2048x128xf32>
    %get3A_4 = arith.constant 1 : index
    %get3A_5 = arith.constant 0 : index
    %get3A_6 = arith.constant 0 : index
    %get3A_7 = vector.load %arg1[%get3A_4, %get3A_5, %get3A_6] : memref<2x2048x128xf32, #tpu.memory_space<vmem>>, vector<1x2048x128xf32>
    %get3A_8 = vector.shape_cast %get3A_7 : vector<1x2048x128xf32> to vector<2048x128xf32>
    %add3A = arith.addf %get3A_3, %get3A_8 : vector<2048x128xf32>
    %get3A_9 = arith.constant 0 : index
    %get3A_10 = arith.constant 0 : index
    %get3A_11 = vector.load %arg2[%get3A_9, %get3A_10] : memref<2048x128xf32, #tpu.memory_space<vmem>>, vector<2048x128xf32>
    %add3A_12 = arith.addf %add3A, %get3A_11 : vector<2048x128xf32>
    %get3A_13 = arith.constant 0 : index
    %get3A_14 = vector.load %arg3[%get3A_13] : memref<2048xf32, #tpu.memory_space<vmem>>, vector<2048xf32>
    %broadcast_in_dim3A = vector.shape_cast %get3A_14 : vector<2048xf32> to vector<2048x1xf32>
    %mul3A = vector.broadcast %broadcast_in_dim3A : vector<2048x1xf32> to vector<2048x128xf32>
    %mul3A_15 = arith.mulf %mul3A, %add3A_12 : vector<2048x128xf32>
    %get3A_16 = arith.constant 0 : index
    %get3A_17 = vector.load %arg4[%get3A_16] : memref<128xf32, #tpu.memory_space<vmem>>, vector<128xf32>
    %broadcast_in_dim3A_18 = vector.shape_cast %get3A_17 : vector<128xf32> to vector<1x128xf32>
    %add3A_19 = vector.broadcast %broadcast_in_dim3A_18 : vector<1x128xf32> to vector<2048x128xf32>
    %add3A_20 = arith.addf %mul3A_15, %add3A_19 : vector<2048x128xf32>
    %max3A = arith.constant 0.000000e+00 : f32
    %max3A_21 = vector.broadcast %max3A : f32 to vector<2048x128xf32>
    %max3A_22 = arith.maximumf %add3A_20, %max3A_21 : vector<2048x128xf32>
    %broadcast_in_dim3A_23 = vector.shape_cast %get3A_14 : vector<2048xf32> to vector<2048x1xf32>
    %get3A_24 = arith.constant 0 : index
    %get3A_25 = arith.constant 0 : index
    %get3A_26 = vector.load %arg5[%get3A_24, %get3A_25] : memref<128x128xf32, #tpu.memory_space<vmem>>, vector<128x128xf32>
    %dot_general3A = arith.constant dense<0.000000e+00> : vector<2048x128xf32>
    %dot_general3A_27 = tpu.matmul %max3A_22, %get3A_26, %dot_general3A {dimension_numbers = #tpu.dot_dimension_numbers<[1], [0], [0], [1], [0, 0, 1, 1], [], []>, transpose_lhs_hint = false} : vector<2048x128xf32>, vector<128x128xf32>, vector<2048x128xf32> -> vector<2048x128xf32>
    %mul3A_28 = vector.broadcast %broadcast_in_dim3A_23 : vector<2048x1xf32> to vector<2048x128xf32>
    %mul3A_29 = arith.mulf %mul3A_28, %dot_general3A_27 : vector<2048x128xf32>
    %swap3A = arith.constant 0 : index
    %swap3A_30 = arith.constant 0 : index
    %swap3A_31 = vector.load %arg6[%swap3A, %swap3A_30] : memref<2048x128xf32, #tpu.memory_space<vmem>>, vector<2048x128xf32>
    tpu.vector_store %arg6[%swap3A, %swap3A_30], %mul3A_29 {strides = array<i32>} : memref<2048x128xf32, #tpu.memory_space<vmem>>, vector<2048x128xf32>,
    return
  }
  func.func @transform_0(%arg0: i32) -> (i32, i32, i32) {
    %c0_i32 = arith.constant 0 : i32
    %c0_i32_0 = arith.constant 0 : i32
    %c0_i32_1 = arith.constant 0 : i32
    return %c0_i32, %arg0, %c0_i32_0 : i32, i32, i32
  }
  func.func @transform_1(%arg0: i32) -> (i32, i32) {
    %c0_i32 = arith.constant 0 : i32
    %c0_i32_0 = arith.constant 0 : i32
    return %arg0, %c0_i32 : i32, i32
  }
  func.func @transform_2(%arg0: i32) -> i32 {
    %c0_i32 = arith.constant 0 : i32
    return %arg0 : i32
  }
  func.func @transform_3(%arg0: i32) -> i32 {
    %c0_i32 = arith.constant 0 : i32
    %c0_i32_0 = arith.constant 0 : i32
    return %c0_i32 : i32
  }
  func.func @transform_4(%arg0: i32) -> (i32, i32) {
    %c0_i32 = arith.constant 0 : i32
    %c0_i32_0 = arith.constant 0 : i32
    %c0_i32_1 = arith.constant 0 : i32
    return %c0_i32, %c0_i32_0 : i32, i32
  }
  func.func @transform_5(%arg0: i32) -> (i32, i32) {
    %c0_i32 = arith.constant 0 : i32
    %c0_i32_0 = arith.constant 0 : i32
    return %arg0, %c0_i32 : i32, i32
  }
}

module attributes {stable_mosaic.version = 14 : i64} {
  func.func @_tc_final_body(%arg0: i32, %arg1: memref<2x2048x128xf32, #tpu.memory_space<vmem>>, %arg2: memref<2048x128xf32, #tpu.memory_space<vmem>>, %arg3: memref<2048xf32, #tpu.memory_space<vmem>>, %arg4: memref<128xf32, #tpu.memory_space<vmem>>, %arg5: memref<128x1xf32, #tpu.memory_space<vmem>>, %arg6: memref<1xf32, #tpu.memory_space<vmem>>, %arg7: memref<2048xf32, #tpu.memory_space<vmem>>, %arg8: memref<64xf32, #tpu.memory_space<vmem>>, %arg9: memref<64x128xf32, #tpu.memory_space<vmem>>, %arg10: memref<64xf32, #tpu.memory_space<vmem>>) attributes {dimension_semantics = [#tpu.dimension_semantics<arbitrary>], iteration_bounds = array<i64: 5>, scalar_prefetch = 0 : i64, scratch_operands = 2 : i64, tpu.core_type = #tpu.core_type<tc>, window_params = [{transform_indices = @transform_0, window_bounds = array<i64: 2, 2048, 128>}, {transform_indices = @transform_1, window_bounds = array<i64: 2048, 128>}, {transform_indices = @transform_2, window_bounds = array<i64: 2048>}, {pipeline_mode = #tpu.pipeline_mode<synchronous>, transform_indices = @transform_3, window_bounds = array<i64: 128>}, {pipeline_mode = #tpu.pipeline_mode<synchronous>, transform_indices = @transform_4, window_bounds = array<i64: 128, 1>}, {pipeline_mode = #tpu.pipeline_mode<synchronous>, transform_indices = @transform_5, window_bounds = array<i64: 1>}, {transform_indices = @transform_6, window_bounds = array<i64: 2048>}, {pipeline_mode = #tpu.pipeline_mode<synchronous>, transform_indices = @transform_7, window_bounds = array<i64: 64>}]} {
    %get3A = arith.constant 0 : index
    %get3A_0 = arith.constant 0 : index
    %get3A_1 = arith.constant 0 : index
    %get3A_2 = vector.load %arg1[%get3A, %get3A_0, %get3A_1] : memref<2x2048x128xf32, #tpu.memory_space<vmem>>, vector<1x2048x128xf32>
    %get3A_3 = vector.shape_cast %get3A_2 : vector<1x2048x128xf32> to vector<2048x128xf32>
    %get3A_4 = arith.constant 1 : index
    %get3A_5 = arith.constant 0 : index
    %get3A_6 = arith.constant 0 : index
    %get3A_7 = vector.load %arg1[%get3A_4, %get3A_5, %get3A_6] : memref<2x2048x128xf32, #tpu.memory_space<vmem>>, vector<1x2048x128xf32>
    %get3A_8 = vector.shape_cast %get3A_7 : vector<1x2048x128xf32> to vector<2048x128xf32>
    %add3A = arith.addf %get3A_3, %get3A_8 : vector<2048x128xf32>
    %get3A_9 = arith.constant 0 : index
    %get3A_10 = arith.constant 0 : index
    %get3A_11 = vector.load %arg2[%get3A_9, %get3A_10] : memref<2048x128xf32, #tpu.memory_space<vmem>>, vector<2048x128xf32>
    %add3A_12 = arith.addf %add3A, %get3A_11 : vector<2048x128xf32>
    %get3A_13 = arith.constant 0 : index
    %get3A_14 = vector.load %arg3[%get3A_13] : memref<2048xf32, #tpu.memory_space<vmem>>, vector<2048xf32>
    %broadcast_in_dim3A = vector.shape_cast %get3A_14 : vector<2048xf32> to vector<2048x1xf32>
    %mul3A = vector.broadcast %broadcast_in_dim3A : vector<2048x1xf32> to vector<2048x128xf32>
    %mul3A_15 = arith.mulf %mul3A, %add3A_12 : vector<2048x128xf32>
    %get3A_16 = arith.constant 0 : index
    %get3A_17 = vector.load %arg4[%get3A_16] : memref<128xf32, #tpu.memory_space<vmem>>, vector<128xf32>
    %broadcast_in_dim3A_18 = vector.shape_cast %get3A_17 : vector<128xf32> to vector<1x128xf32>
    %add3A_19 = vector.broadcast %broadcast_in_dim3A_18 : vector<1x128xf32> to vector<2048x128xf32>
    %add3A_20 = arith.addf %mul3A_15, %add3A_19 : vector<2048x128xf32>
    %max3A = arith.constant 0.000000e+00 : f32
    %max3A_21 = vector.broadcast %max3A : f32 to vector<2048x128xf32>
    %max3A_22 = arith.maximumf %add3A_20, %max3A_21 : vector<2048x128xf32>
    %iota3A = tpu.iota {dimensions = array<i32: 0>} : vector<64x2048xi32>
    %convert_element_type3A = arith.sitofp %iota3A : vector<64x2048xi32> to vector<64x2048xf32>
    %get3A_23 = arith.constant 0 : index
    %get3A_24 = vector.load %arg7[%get3A_23] : memref<2048xf32, #tpu.memory_space<vmem>>, vector<2048xf32>
    %broadcast_in_dim3A_25 = vector.shape_cast %get3A_24 : vector<2048xf32> to vector<1x2048xf32>
    %eq3A = vector.broadcast %broadcast_in_dim3A_25 : vector<1x2048xf32> to vector<64x2048xf32>
    %eq3A_26 = arith.cmpf oeq, %eq3A, %convert_element_type3A : vector<64x2048xf32>
    %convert_element_type3A_27 = arith.extui %eq3A_26 : vector<64x2048xi1> to vector<64x2048xi32>
    %convert_element_type3A_28 = arith.sitofp %convert_element_type3A_27 : vector<64x2048xi32> to vector<64x2048xf32>
    %dot_general3A = arith.constant dense<0.000000e+00> : vector<64x128xf32>
    %dot_general3A_29 = tpu.matmul %convert_element_type3A_28, %max3A_22, %dot_general3A {dimension_numbers = #tpu.dot_dimension_numbers<[1], [0], [0], [1], [0, 0, 1, 1], [], []>, precision = #tpu.contract_precision<fp32>, transpose_lhs_hint = false} : vector<64x2048xf32>, vector<2048x128xf32>, vector<64x128xf32> -> vector<64x128xf32>
    %reduce_sum3A = arith.constant dense<0.000000e+00> : vector<64xf32>
    %reduce_sum3A_30 = vector.multi_reduction <add>, %convert_element_type3A_28, %reduce_sum3A [1] : vector<64x2048xf32> to vector<64xf32>
    %eq3A_31 = arith.constant 0 : i32
    %eq3A_32 = arith.cmpi eq, %arg0, %eq3A_31 : i32
    %convert_element_type3A_33 = arith.extui %eq3A_32 : i1 to i32
    %cond3A = arith.constant 0 : i32
    %cond3A_34 = arith.cmpi ne, %convert_element_type3A_33, %cond3A : i32
    scf.if %cond3A_34 {
      %swap3A = arith.constant 0 : index
      %swap3A_44 = arith.constant 0 : index
      %swap3A_45 = vector.load %arg9[%swap3A, %swap3A_44] : memref<64x128xf32, #tpu.memory_space<vmem>>, vector<64x128xf32>
      tpu.vector_store %arg9[%swap3A, %swap3A_44], %dot_general3A_29 {strides = array<i32>} : memref<64x128xf32, #tpu.memory_space<vmem>>, vector<64x128xf32>,
      %swap3A_46 = arith.constant 0 : index
      %swap3A_47 = vector.load %arg10[%swap3A_46] : memref<64xf32, #tpu.memory_space<vmem>>, vector<64xf32>
      tpu.vector_store %arg10[%swap3A_46], %reduce_sum3A_30 {strides = array<i32>} : memref<64xf32, #tpu.memory_space<vmem>>, vector<64xf32>,
    } else {
    }
    %gt3A = arith.constant 0 : i32
    %gt3A_35 = arith.cmpi sgt, %arg0, %gt3A : i32
    %convert_element_type3A_36 = arith.extui %gt3A_35 : i1 to i32
    %cond3A_37 = arith.constant 0 : i32
    %cond3A_38 = arith.cmpi ne, %convert_element_type3A_36, %cond3A_37 : i32
    scf.if %cond3A_38 {
      %get3A_44 = arith.constant 0 : index
      %get3A_45 = arith.constant 0 : index
      %get3A_46 = vector.load %arg9[%get3A_44, %get3A_45] : memref<64x128xf32, #tpu.memory_space<vmem>>, vector<64x128xf32>
      %add3A_47 = arith.addf %get3A_46, %dot_general3A_29 : vector<64x128xf32>
      %swap3A = arith.constant 0 : index
      %swap3A_48 = arith.constant 0 : index
      %swap3A_49 = vector.load %arg9[%swap3A, %swap3A_48] : memref<64x128xf32, #tpu.memory_space<vmem>>, vector<64x128xf32>
      tpu.vector_store %arg9[%swap3A, %swap3A_48], %add3A_47 {strides = array<i32>} : memref<64x128xf32, #tpu.memory_space<vmem>>, vector<64x128xf32>,
      %get3A_50 = arith.constant 0 : index
      %get3A_51 = vector.load %arg10[%get3A_50] : memref<64xf32, #tpu.memory_space<vmem>>, vector<64xf32>
      %add3A_52 = arith.addf %get3A_51, %reduce_sum3A_30 : vector<64xf32>
      %swap3A_53 = arith.constant 0 : index
      %swap3A_54 = vector.load %arg10[%swap3A_53] : memref<64xf32, #tpu.memory_space<vmem>>, vector<64xf32>
      tpu.vector_store %arg10[%swap3A_53], %add3A_52 {strides = array<i32>} : memref<64xf32, #tpu.memory_space<vmem>>, vector<64xf32>,
    } else {
    }
    %eq3A_39 = arith.constant 4 : i32
    %eq3A_40 = arith.cmpi eq, %arg0, %eq3A_39 : i32
    %convert_element_type3A_41 = arith.extui %eq3A_40 : i1 to i32
    %cond3A_42 = arith.constant 0 : i32
    %cond3A_43 = arith.cmpi ne, %convert_element_type3A_41, %cond3A_42 : i32
    scf.if %cond3A_43 {
      %get3A_44 = arith.constant 0 : index
      %get3A_45 = arith.constant 0 : index
      %get3A_46 = vector.load %arg9[%get3A_44, %get3A_45] : memref<64x128xf32, #tpu.memory_space<vmem>>, vector<64x128xf32>
      %get3A_47 = arith.constant 0 : index
      %get3A_48 = vector.load %arg10[%get3A_47] : memref<64xf32, #tpu.memory_space<vmem>>, vector<64xf32>
      %max3A_49 = arith.constant 1.000000e+00 : f32
      %max3A_50 = vector.broadcast %max3A_49 : f32 to vector<64xf32>
      %max3A_51 = arith.maximumf %get3A_48, %max3A_50 : vector<64xf32>
      %broadcast_in_dim3A_52 = vector.shape_cast %max3A_51 : vector<64xf32> to vector<64x1xf32>
      %div3A = vector.broadcast %broadcast_in_dim3A_52 : vector<64x1xf32> to vector<64x128xf32>
      %div3A_53 = arith.divf %get3A_46, %div3A : vector<64x128xf32>
      %get3A_54 = arith.constant 0 : index
      %get3A_55 = arith.constant 0 : index
      %get3A_56 = vector.load %arg5[%get3A_54, %get3A_55] : memref<128x1xf32, #tpu.memory_space<vmem>>, vector<128x1xf32>
      %dot_general3A_57 = arith.constant dense<0.000000e+00> : vector<64x1xf32>
      %dot_general3A_58 = tpu.matmul %div3A_53, %get3A_56, %dot_general3A_57 {dimension_numbers = #tpu.dot_dimension_numbers<[1], [0], [0], [1], [0, 0, 1, 1], [], []>, transpose_lhs_hint = false} : vector<64x128xf32>, vector<128x1xf32>, vector<64x1xf32> -> vector<64x1xf32>
      %squeeze3A = vector.shape_cast %dot_general3A_58 : vector<64x1xf32> to vector<64xf32>
      %get3A_59 = arith.constant 0 : index
      %get3A_60 = vector.load %arg6[%get3A_59] : memref<1xf32, #tpu.memory_space<vmem>>, vector<1xf32>
      %get3A_61 = vector.extract %get3A_60[0] : f32 from vector<1xf32>
      %add3A_62 = vector.broadcast %get3A_61 : f32 to vector<64xf32>
      %add3A_63 = arith.addf %squeeze3A, %add3A_62 : vector<64xf32>
      %swap3A = arith.constant 0 : index
      %swap3A_64 = vector.load %arg8[%swap3A] : memref<64xf32, #tpu.memory_space<vmem>>, vector<64xf32>
      tpu.vector_store %arg8[%swap3A], %add3A_63 {strides = array<i32>} : memref<64xf32, #tpu.memory_space<vmem>>, vector<64xf32>,
    } else {
    }
    return
  }
  func.func @transform_0(%arg0: i32) -> (i32, i32, i32) {
    %c0_i32 = arith.constant 0 : i32
    %c0_i32_0 = arith.constant 0 : i32
    %c0_i32_1 = arith.constant 0 : i32
    return %c0_i32, %arg0, %c0_i32_0 : i32, i32, i32
  }
  func.func @transform_1(%arg0: i32) -> (i32, i32) {
    %c0_i32 = arith.constant 0 : i32
    %c0_i32_0 = arith.constant 0 : i32
    return %arg0, %c0_i32 : i32, i32
  }
  func.func @transform_2(%arg0: i32) -> i32 {
    %c0_i32 = arith.constant 0 : i32
    return %arg0 : i32
  }
  func.func @transform_3(%arg0: i32) -> i32 {
    %c0_i32 = arith.constant 0 : i32
    %c0_i32_0 = arith.constant 0 : i32
    return %c0_i32 : i32
  }
  func.func @transform_4(%arg0: i32) -> (i32, i32) {
    %c0_i32 = arith.constant 0 : i32
    %c0_i32_0 = arith.constant 0 : i32
    %c0_i32_1 = arith.constant 0 : i32
    return %c0_i32, %c0_i32_0 : i32, i32
  }
  func.func @transform_5(%arg0: i32) -> i32 {
    %c0_i32 = arith.constant 0 : i32
    %c0_i32_0 = arith.constant 0 : i32
    return %c0_i32 : i32
  }
  func.func @transform_6(%arg0: i32) -> i32 {
    %c0_i32 = arith.constant 0 : i32
    return %arg0 : i32
  }
  func.func @transform_7(%arg0: i32) -> i32 {
    %c0_i32 = arith.constant 0 : i32
    %c0_i32_0 = arith.constant 0 : i32
    return %c0_i32 : i32
  }
}

</mosaic_0001>

<sc_bundles>
// kernel: kernel.11.cloned.1.call-start
scs
__scs_entry_jumppad:
0x0: {  	(pc) =	sbr.rel $0x88, $3  }
0x1: {  	(tag) =	ssettag $0x0;
	lr =	simm.s32 $0x1  }
0x2: {  	[smem:$0x3F98] =	sst lr;
	_ =	strace $0xD0000000  }
0x3: {  	_ = 	snop  }
0x4: {  	_ = 	snop  }
0x5: {  	_ = 	snop  }
0x6: {  	_ = 	snop  }
0x7: {  	_ = 	snop  }
__scs_overlays_trampoline_lowered:
0x8: {  	[smem:$0x3FA7] =	sst s0  }
0x9: {  	[smem:$0x3FA8] =	sst s1  }
0xa: {  	[smem:$0x3FA9] =	sst s2  }
0xb: {  	[smem:$0x3FAA] =	sst s3  }
0xc: {  	[smem:$0x3FAB] =	sst s4  }
0xd: {  	[smem:$0x3FAC] =	sst s5  }
0xe: {  	[smem:$0x3FAD] =	sst s6  }
0xf: {  	[smem:$0x3FAE] =	sst s7  }
0x10: {  	[smem:$0x3FAF] =	sst s8  }
0x11: {  	[smem:$0x3FB0] =	sst s9;
	s0 =	simm.s32 @!p0 $0x0  }
0x12: {  	s1 =	sld [smem:$0x3F96];
	s0 =	simm.s32 @p0 $0x1  }
0x13: {  	[smem:$0x3FB1] =	sst s0;
	s0 =	simm.s32 @!p1 $0x0  }
0x14: {  	s2 =	sld [smem:$0x3F95];
	s0 =	simm.s32 @p1 $0x1  }
0x15: {  	[smem:$0x3FB2] =	sst s0;
	s0 =	simm.s32 @!p2 $0x0  }
0x16: {  	s3 =	sld [smem:$0x3FDB];
	s0 =	simm.s32 @p2 $0x1  }
0x17: {  	s4 =	simm.s32 $0x1BF5;
	[smem:$0x3FB4] =	sst s0  }
0x18: {  	s0 =	sld [smem:$0x3F97];
	_ =	swait.ge [sflag:s4], $0x0  }
0x19: {  	s7 =	sld [smem:$0x3F98]  }
0x1a: {  	s8 =	sadd.s32 $0xFFFFE003, lr  }
0x1b: {  	s9 =	sadd.s32 $0xFFFFFEF7, lr;
	s5 =	simm.s32 $0xFFFFFFFF;
	p2 =	slt.u32 s8, $0xFFFFF086  }
0x1c: {  	p1 =	slt.u32 s9, $0xF7A;
	s5 =	simm.s32 @!p2 $0x0  }
0x1d: {  	s5 =	simm.s32 @p1 $0x1;
	p0 =	seq.s32 s7, s2  }
0x1e: {  	s7 =	smul.u32 @!p0 $0xF7A, s2;
	p2 =	seq.s32 @!p0 s5, $0x0  }
0x1f: {  	s9 =	smul.u32 $0xF7A, s1;
	s8 =	simm.s32 @!p0 $0x1BF5;
	p2 =	por !p2, p0  }
0x20: {  	[sflag:s8] =	ssyncset.s32 @!p0 $0xFFFFF086;
	s6 =	sadd.s32 @!p0 s3, s7;
	s7 =	simm.s32 @!p0 $0x108  }
0x21: {  	s3 =	sadd.s32 s3, s9;
	s6 =	sadd.s32 @!p0 $0x88, s6;
	s7 =	simm.s32 @p2 $0x1082  }
0x22: {  	[simem:s7], [sflag:s8] =	dma.local @!p0 [hbm:s6], $0xF7A  }
0x23: {  	s9 =	sor.u32 $0xD0000000, s2;
	s6 =	simm.s32 $0x108;
	_ =	swait.ge @!p0 [sflag:s8], $0x0  }
0x24: {  	s3 =	sadd.s32 $0x88, s3;
	s6 =	simm.s32 @!p1 $0x1082;
	[sflag:s4] =	ssyncset.s32 $0xFFFFF086  }
0x25: {  	[simem:s6], [sflag:s4] =	dma.local [hbm:s3], $0xF7A  }
0x26: {  	[smem:$0x3F98] =	sst s1;
	(tag) =	ssettag s2;
	_ =	strace s9  }
0x27: {  	s1 =	sld [smem:$0x3FA8]  }
0x28: {  	s2 =	sld [smem:$0x3FA9]  }
0x29: {  	s4 =	sld [smem:$0x3FAB]  }
0x2a: {  	p0 =	seq.s32 s5, $0x0;
	s5 =	sld [smem:$0x3FAC]  }
0x2b: {  	s6 =	sld [smem:$0x3FAD]  }
0x2c: {  	s7 =	sld [smem:$0x3FAE]  }
0x2d: {  	s3 =	simm.s32 $0x108;
	s8 =	sld [smem:$0x3FAF]  }
0x2e: {  	s3 =	simm.s32 @!p0 $0x1082;
	s9 =	sld [smem:$0x3FB0]  }
0x2f: {  	lr =	sadd.s32 s0, s3;
	s0 =	sld [smem:$0x3FA7]  }
0x30: {  	s3 =	sld [smem:$0x3FAA]  }
0x31: {  	[smem:$0x3FB3] =	sst s10  }
0x32: {  	s10 =	sld [smem:$0x3FB1];
	_ =	sdelay $0x3  }
0x33: {  	p0 =	seq.s32 s10, $0x1;
	s10 =	sld [smem:$0x3FB3];
	_ =	sdelay $0x3  }
0x34: {  	[smem:$0x3FB3] =	sst s10  }
0x35: {  	s10 =	sld [smem:$0x3FB2];
	_ =	sdelay $0x3  }
0x36: {  	p1 =	seq.s32 s10, $0x1;
	s10 =	sld [smem:$0x3FB3];
	_ =	sdelay $0x3  }
0x37: {  	[smem:$0x3FB3] =	sst s10  }
0x38: {  	s10 =	sld [smem:$0x3FB4]  }
0x39: {  	_ = 	snop;
	(pc) =	sbr.ind lr, $3  }
0x3a: {  	_ = 	snop  }
0x3b: {  	_ = 	snop  }
0x3c: {  	p2 =	seq.s32 s10, $0x1;
	s10 =	sld [smem:$0x3FB3]  }
0x3d: {  	_ =	shalt  }
0x3e: {  	_ =	shalt  }
0x3f: {  	_ =	shalt  }
0x40: {  	_ =	shalt  }
0x41: {  	_ =	shalt  }
0x42: {  	_ =	shalt  }
0x43: {  	_ =	shalt  }
0x44: {  	_ =	shalt  }
0x45: {  	_ =	shalt  }
0x46: {  	_ =	shalt  }
0x47: {  	_ =	shalt  }
0x48: {  	_ =	shalt  }
0x49: {  	_ =	shalt  }
0x4a: {  	_ =	shalt  }
0x4b: {  	_ =	shalt  }
0x4c: {  	_ =	shalt  }
0x4d: {  	_ =	shalt  }
0x4e: {  	_ =	shalt  }
0x4f: {  	_ =	shalt  }
0x50: {  	_ =	shalt  }
0x51: {  	_ =	shalt  }
0x52: {  	_ =	shalt  }
0x53: {  	_ =	shalt  }
0x54: {  	_ =	shalt  }
0x55: {  	_ =	shalt  }
0x56: {  	_ =	shalt  }
0x57: {  	_ =	shalt  }
0x58: {  	_ =	shalt  }
0x59: {  	_ =	shalt  }
0x5a: {  	_ =	shalt  }
0x5b: {  	_ =	shalt  }
0x5c: {  	_ =	shalt  }
0x5d: {  	_ =	shalt  }
0x5e: {  	_ =	shalt  }
0x5f: {  	_ =	shalt  }
0x60: {  	_ =	shalt  }
0x61: {  	_ =	shalt  }
0x62: {  	_ =	shalt  }
0x63: {  	_ =	shalt  }
0x64: {  	_ =	shalt  }
0x65: {  	_ =	shalt  }
0x66: {  	_ =	shalt  }
0x67: {  	_ =	shalt  }
0x68: {  	_ =	shalt  }
0x69: {  	_ =	shalt  }
0x6a: {  	_ =	shalt  }
0x6b: {  	_ =	shalt  }
0x6c: {  	_ =	shalt  }
0x6d: {  	_ =	shalt  }
0x6e: {  	_ =	shalt  }
0x6f: {  	_ =	shalt  }
0x70: {  	_ =	shalt  }
0x71: {  	_ =	shalt  }
0x72: {  	_ =	shalt  }
0x73: {  	_ =	shalt  }
0x74: {  	_ =	shalt  }
0x75: {  	_ =	shalt  }
0x76: {  	_ =	shalt  }
0x77: {  	_ =	shalt  }
0x78: {  	_ =	shalt  }
0x79: {  	_ =	shalt  }
0x7a: {  	_ =	shalt  }
0x7b: {  	_ =	shalt  }
0x7c: {  	_ =	shalt  }
0x7d: {  	_ =	shalt  }
0x7e: {  	_ =	shalt  }
0x7f: {  	_ =	shalt  }
0x80: {  	_ =	shalt  }
0x81: {  	_ =	shalt  }
0x82: {  	_ =	shalt  }
0x83: {  	_ =	shalt  }
0x84: {  	_ =	shalt  }
0x85: {  	_ =	shalt  }
0x86: {  	_ =	shalt  }
0x87: {  	_ =	shalt  }
.Lfunc_end0:
.L_simem_size_0:
called_computation.1_lowered:
.L_overlay_start_0:
0x88: {  	s2 =	sld [smem:$0x3FD9]  }
0x89: {  	s3 =	sld [smem:$0x3FFE];
	_ =	sdelay $0x1  }
0x8a: {  	s1 =	srdreg.scid  }
0x8b: {  	s0 =	sand.u32 $0x1, s1  }
0x8c: {  	s16 =	sshll.u32 s0, $0xA;
	s2 =	sadd.s32 s3, s2  }
0x8d: {  	s2 =	sadd.s32 s2, s16  }
0x8e: {  	[smem:$0x3FBF] =	sst s2  }
0x8f: {  	_ = 	snop  }
0x90: {  	(tm) =	ssettm $0x1  }
0x91: {  	s17 =	sld [smem:$0x3FFB];
	_ =	sdelay $0x3  }
0x92: {  	_ =	strace s17  }
0x93: {  	s2 =	sld [smem:$0x3FFC];
	_ =	sdelay $0x3  }
0x94: {  	_ =	strace s2  }
0x95: {  	s2 =	sld [smem:$0x3FFD];
	_ =	sdelay $0x3  }
0x96: {  	_ =	strace s2  }
0x97: {  	_ =	strace $0x8FFFFFFF  }
0x98: {  	s18 =	sld [smem:$0x3FDB];
	_ =	sdelay $0x1  }
0x99: {  	s19 =	simm.s32 $_scs_section_size  }
0x9a: {  	s4 =	simm.s32 $_size__tile_overlayer_lowered;
	s5 =	simm.s32 $_tile_overlayer_lowered  }
0x9b: {  	s22 =	simm.s32 $0x1BFF;
	s21 =	sshll.u32 s5, $0x1;
	s2 =	sadd.s32 s19, s18  }
0x9c: {  	s6 =	simm.s32 $0x0;
	s20 =	sshll.u32 s4, $0x1;
	s4 =	sadd.s32 s21, s2  }
0x9d: {  	[timem:s6], [sflag:s22] =	dma.local [hbm:s4], s20  }
0x9e: {  	_ =	swait.ge [sflag:s22], s20  }
0x9f: {  	s3 =	ssub.s32 $0x0, s20;
	[sflag:s22] =	ssyncset.done $0x0  }
0xa0: {  	[sflag:s22] =	ssyncadd.s32 s3;
	_ =	sdelay $0x1  }
0xa1: {  	s23 =	simm.s32 $0x1B8B  }
0xa2: {  	_ =	swait.ge [sflag:s23], $0x1  }
0xa3: {  	[sflag:s23] =	ssyncset.done $0x0  }
0xa4: {  	s25 =	simm.s32 $0x1B8E;
	s24 =	sld [smem:$0x3FFE];
	[sflag:s23] =	ssyncadd.s32 $0xFFFFFFFF  }
0xa5: {  	s26 =	simm.s32 $execute0_lowered;
	[smem:$0x3FD2] =	sst s25  }
0xa6: {  	s4 =	sshll.u32 s26, $0x1;
	_ =	strace $0x80000049;
	[dreg:$0x1] =	wrdreg $0xFFFFFFFF  }
0xa7: {  	s28 =	simm.s32 $_size_execute0_lowered;
	s2 =	sadd.s32 s2, s4;
	[dreg:$0x0] =	wrdreg $0x0  }
0xa8: {  	s4 =	sshll.u32 s28, $0x1;
	[dreg:$0x2] =	wrdreg s2  }
0xa9: {  	[dreg:$0x3] =	wrdreg s4  }
0xaa: {  	[dreg:$0x4] =	wrdreg $0xC0  }
0xab: {  	_ =	task [dreg:s6], $0x5FFFF  }
0xac: {  	[dreg:$0x1] =	wrdreg $0xFFFFFFFF  }
0xad: {  	[dreg:$0x0] =	wrdreg $0x60  }
0xae: {  	[dreg:$0x2] =	wrdreg s24  }
0xaf: {  	[dreg:$0x3] =	wrdreg $0x90000  }
0xb0: {  	[dreg:$0x4] =	wrdreg $0x9  }
0xb1: {  	_ =	task.clear_ibuf [dreg:s6], $0x5FFFF;
	_ =	strace $0x90000049  }
0xb2: {  	s29 =	simm.s32 $0x9;
	_ =	strace $0x8000004B  }
0xb3: {  	_ =	swait.ge [sflag:s29], $0x1  }
0xb4: {  	[sflag:s29] =	ssyncadd.s32 $0xFFFFFFFF  }
0xb5: {  	_ =	strace $0x9000004B  }
0xb6: {  	_ =	sfence  }
0xb7: {  	s30 =	sld [smem:$0x0];
	_ =	sdelay $0x2  }
0xb8: {  	s31 =	sshll.u32 s1, $0xD;
	s1 =	sshrl.u32 s1, $0x2  }
0xb9: {  	s3 =	sand.u32 $0x4000, s31;
	s1 =	sadd.s32 s1, s30  }
0xba: {  	s0 =	sor.u32 s3, s0;
	s1 =	sshll.u32 s1, $0x11  }
0xbb: {  	s0 =	sor.u32 s1, s0  }
0xbc: {  	s0 =	sadd.s32 $0x8F2B, s0  }
0xbd: {  	[sflag:s0] =	ssyncadd.remote.s32 $0x1  }
0xbe: {  	_ =	sfence.sel $0xFFFF  }
0xbf: {  	[dreg:$0x0] =	wrdreg $0xFFFFFFFF;
	(pc) =	sbr.abs _section_cstart, $3  }
0xc0: {  	[dreg:$0x1] =	wrdreg $0xFFFFFFFF  }
0xc1: {  	_ =	task.clear_ibuf [dreg:s6], $0x2FFFF;
	_ =	strace $0x9FFFFFFF  }
0xc2: {  	(tm) =	ssettm $0x7FFFFFFF  }
0xc3: {  	_ =	shalt  }
tec
execute0_lowered:
.L_overlay_start_1:
0x0: {  	(tag) =	ssettag $0x1  }
0x1: {  	s0 =	rddreg [dreg:$0x0]  }
0x2: {  	s1 =	rddreg [dreg:$0x1];
	s10 =	stileid.u32  }
0x3: {  	s2 =	srdreg.scid;
	s6 =	smul.u32 $0x14000, s10  }
0x4: {  	s3 =	simm.s32 $0x0;
	s2 =	sand.u32 $0x1, s2;
	s11 =	smul.u32 $0x50000, s10  }
0x5: {  	s28 =	simm.s32 $0x1;
	[smem:$0x7FF] =	sst s3;
	s5 =	smul.u32 $0x140000, s2  }
0x6: {  	s4 =	sadd.s32 $0x16A00, s0;
	s9 =	sshll.u32 s2, $0x4;
	s2 =	ssub.s32 $0x2, s2  }
0x7: {  	s12 =	sshrl.u32 s2, $0x1;
	s5 =	sadd.s32 s6, s5;
	s6 =	sshrl.u32 s11, $0x2  }
0x8: {  	s7 =	sadd.s32 $0x2A00, s0;
	s2 =	ssub.s32 s2, s12;
	s11 =	sadd.s32 s6, s1  }
0x9: {  	_ =	strace $0x8000004A;
	s31 =	smax.u32 s2, $0x1;
	[dreg:$0x3] =	wrdreg s11  }
0xa: {  	s9 =	sor.u32 s10, s9;
	s14 =	sadd.s32 $0x4000, s11;
	[dreg:$0x13] =	wrdreg s31  }
0xb: {  	s13 =	smul.u32 $0x2800, s9;
	s15 =	sadd.s32 $0x8000, s11;
	[dreg:$0x4] =	wrdreg s14  }
0xc: {  	s8 =	sadd.s32 $0xCA00, s0;
	s16 =	sadd.s32 $0xC000, s11;
	[dreg:$0x5] =	wrdreg s15  }
0xd: {  	s17 =	sshrl.u32 s13, $0x3;
	s18 =	sadd.s32 $0x10000, s11;
	[dreg:$0x6] =	wrdreg s16  }
0xe: {  	s5 =	sshrl.u32 s5, $0x3;
	[dreg:$0x7] =	wrdreg s18;
	s19 =	sadd.s32 s7, s17  }
0xf: {  	s0 =	sadd.s32 s5, s0;
	s21 =	sadd.s32 s8, s17;
	[dreg:$0x8] =	wrdreg s19  }
0x10: {  	s20 =	sadd.s32 $0x100, s17;
	s0 =	sadd.s32 $0x3EA00, s0;
	[dreg:$0x9] =	wrdreg s21  }
0x11: {  	s30 =	simm.s32 $0x2;
	s22 =	sadd.s32 s7, s20;
	[dreg:$0x12] =	wrdreg s0  }
0x12: {  	s23 =	sadd.s32 $0x200, s17;
	s6 =	sadd.s32 s8, s20;
	[dreg:$0xa] =	wrdreg s22  }
0x13: {  	s10 =	simm.s32 $0x0;
	s24 =	sadd.s32 s7, s23;
	[dreg:$0xb] =	wrdreg s6  }
0x14: {  	s25 =	sadd.s32 $0x300, s17;
	s9 =	sadd.s32 s8, s23;
	[dreg:$0xc] =	wrdreg s24  }
0x15: {  	s5 =	sadd.s32 $0x400, s17;
	s26 =	sadd.s32 s7, s25;
	[dreg:$0xd] =	wrdreg s9  }
0x16: {  	s29 =	sadd.s32 s7, s5;
	s5 =	sadd.s32 s8, s5;
	[dreg:$0xe] =	wrdreg s26  }
0x17: {  	s23 =	simm.s32 $0x3;
	s6 =	sadd.s32 s8, s25;
	[dreg:$0x10] =	wrdreg s29  }
0x18: {  	[dreg:$0x11] =	wrdreg s5;
	s22 =	simm.s32 $0x1000;
	s25 =	simm.s32 $0x80  }
0x19: {  	v0 =	vimm.f32 $0.0e+00;
	s26 =	simm.s32 $0x5000;
	s8 =	simm.s32 $0x780;
	[dreg:$0xf] =	wrdreg s6  }
.LBB2_1:
0x1a: {  	s11 =	simm.s32 $0x0;
	s12 =	simm.s32 $0x200  }
.LBB2_2:
0x1b: {  	p0 =	sne.s32 s12, $0xFE00;
	[tilespmem:s11+$0x1070] =	vst v0  }
0x1c: {  	[tilespmem:s11+$0x1000] =	vst v0  }
0x1d: {  	[tilespmem:s11+$0x1010] =	vst v0  }
.Ltmp0:
0x1e: {  	[tilespmem:s11+$0x1020] =	vst v0;
	(pc) =	sbr.rel @p0 .LBB2_2-.Ltmp0, $4  }
0x1f: {  	[tilespmem:s11+$0x1030] =	vst v0  }
0x20: {  	[tilespmem:s11+$0x1040] =	vst v0  }
0x21: {  	[tilespmem:s11+$0x1050] =	vst v0  }
0x22: {  	[tilespmem:s11+$0x1060] =	vst v0;
	s11 =	sshra.s32 s12, $0x2;
	s12 =	sadd.s32 $0x200, s12  }
0x23: {  	[tilespmem:s11+$0x1070] =	vst v0  }
0x24: {  	[tilespmem:s11+$0x1000] =	vst v0  }
0x25: {  	[tilespmem:s11+$0x1010] =	vst v0  }
0x26: {  	[tilespmem:s11+$0x1020] =	vst v0  }
0x27: {  	[tilespmem:s11+$0x1030] =	vst v0  }
0x28: {  	[tilespmem:s11+$0x1040] =	vst v0  }
0x29: {  	[tilespmem:s11+$0x1050] =	vst v0  }
0x2a: {  	[tilespmem:s11+$0x1060] =	vst v0;
	s0 =	rddreg [dreg:$0x3]  }
0x2b: {  	[spmem:s0] =	stream.linear.scatter [tilespmem:s22], [sflag:$0x3], $0x4000, $0x38;
	[tilespmem:$0x1D000] =	vst v63  }
0x2c: {  	_ =	swait.ge [sflag:s23], $0x4000  }
0x2d: {  	[sflag:s23] =	ssyncset.done $0x0  }
0x2e: {  	s17 =	rddreg [dreg:$0x4];
	[sflag:s23] =	ssyncadd.s32 $0xFFFFC000  }
0x2f: {  	[spmem:s17] =	stream.linear.scatter [tilespmem:s22], [sflag:$0x3], $0x4000, $0x38;
	[tilespmem:$0x1D000] =	vst v63  }
0x30: {  	_ =	swait.ge [sflag:s23], $0x4000  }
0x31: {  	[sflag:s23] =	ssyncset.done $0x0  }
0x32: {  	s18 =	rddreg [dreg:$0x5];
	[sflag:s23] =	ssyncadd.s32 $0xFFFFC000  }
0x33: {  	[spmem:s18] =	stream.linear.scatter [tilespmem:s22], [sflag:$0x3], $0x4000, $0x38;
	[tilespmem:$0x1D000] =	vst v63  }
0x34: {  	_ =	swait.ge [sflag:s23], $0x4000  }
0x35: {  	[sflag:s23] =	ssyncset.done $0x0  }
0x36: {  	s19 =	rddreg [dreg:$0x6];
	[sflag:s23] =	ssyncadd.s32 $0xFFFFC000  }
0x37: {  	[spmem:s19] =	stream.linear.scatter [tilespmem:s22], [sflag:$0x3], $0x4000, $0x38;
	[tilespmem:$0x1D000] =	vst v63  }
0x38: {  	_ =	swait.ge [sflag:s23], $0x4000  }
0x39: {  	[sflag:s23] =	ssyncset.done $0x0  }
0x3a: {  	s20 =	rddreg [dreg:$0x7];
	[sflag:s23] =	ssyncadd.s32 $0xFFFFC000  }
0x3b: {  	[spmem:s20] =	stream.linear.scatter [tilespmem:s22], [sflag:$0x3], $0x4000, $0x38;
	[tilespmem:$0x1D000] =	vst v63  }
0x3c: {  	_ =	swait.ge [sflag:s23], $0x4000  }
0x3d: {  	[sflag:s23] =	ssyncset.done $0x0  }
0x3e: {  	[sflag:s23] =	ssyncadd.s32 $0xFFFFC000  }
0x3f: {  	[bflag:$0x0] =	sbarrier.arrive $0xFFFF  }
0x40: {  	s21 =	rddreg [dreg:$0x8]  }
0x41: {  	[tilespmem:s3], [sflag:$0x3] =	stream.linear.gather [hbm4b:s21+s3], $0x800, $0x38;
	[tilespmem:$0x1D000] =	vst v63  }
0x42: {  	_ =	swait.ge [sflag:s23], $0x800  }
0x43: {  	[sflag:s23] =	ssyncset.done $0x0  }
0x44: {  	s2 =	simm.s32 $0x800;
	s24 =	rddreg [dreg:$0x9];
	[sflag:s23] =	ssyncadd.s32 $0xFFFFF800  }
0x45: {  	[tilespmem:s2], [sflag:$0x3] =	stream.linear.gather [hbm4b:s24+s3], $0x800, $0x38;
	[tilespmem:$0x1D000] =	vst v63  }
0x46: {  	_ =	swait.ge [sflag:s23], $0x800  }
0x47: {  	[sflag:s23] =	ssyncset.done $0x0  }
0x48: {  	[sflag:s23] =	ssyncadd.s32 $0xFFFFF800  }
0x49: {  	[tilespmem:s22], [sflag:$0x1] =	stream.indirect.gather [hbm4b:s4+s25], $0x80, s3, s25, $0xb8;
	[tilespmem:$0x1D000] =	vst v63  }
0x4a: {  	_ = 	snop  }
0x4b: {  	[tilespmem:s26], [sflag:$0x2] =	stream.indirect.gather [hbm4b:s4+s25], $0x80, s25, s25, $0xb8;
	[tilespmem:$0x1D000] =	vst v63  }
0x4c: {  	_ =	swait.ge [sflag:s28], $0x4000  }
0x4d: {  	[sflag:s28] =	ssyncset.done $0x0  }
0x4e: {  	[sflag:s28] =	ssyncadd.s32 $0xFFFFC000  }
0x4f: {  	[spmem:s1] =	stream.indirect.scatter.add.f32 [tilespmem:s22], [sflag:$0x3], $0x80, s2, s25, $0xb8;
	[tilespmem:$0x1D000] =	vst v63  }
0x50: {  	_ =	swait.ge [sflag:s23], $0x4000  }
0x51: {  	[sflag:s23] =	ssyncset.done $0x0  }
0x52: {  	s29 =	simm.s32 $0x100;
	[sflag:s23] =	ssyncadd.s32 $0xFFFFC000  }
0x53: {  	[tilespmem:s22], [sflag:$0x1] =	stream.indirect.gather [hbm4b:s4+s25], $0x80, s29, s25, $0xb8;
	[tilespmem:$0x1D000] =	vst v63  }
0x54: {  	_ =	swait.ge [sflag:s30], $0x4000  }
0x55: {  	[sflag:s30] =	ssyncset.done $0x0  }
0x56: {  	s31 =	simm.s32 $0x880;
	[sflag:s30] =	ssyncadd.s32 $0xFFFFC000  }
0x57: {  	[spmem:s1] =	stream.indirect.scatter.add.f32 [tilespmem:s26], [sflag:$0x3], $0x80, s31, s25, $0xb8;
	[tilespmem:$0x1D000] =	vst v63  }
0x58: {  	_ =	swait.ge [sflag:s23], $0x4000  }
0x59: {  	[sflag:s23] =	ssyncset.done $0x0  }
0x5a: {  	s5 =	simm.s32 $0x180;
	[sflag:s23] =	ssyncadd.s32 $0xFFFFC000  }
0x5b: {  	[tilespmem:s26], [sflag:$0x2] =	stream.indirect.gather [hbm4b:s4+s25], $0x80, s5, s25, $0xb8;
	[tilespmem:$0x1D000] =	vst v63  }
0x5c: {  	_ =	swait.ge [sflag:s28], $0x4000  }
0x5d: {  	[sflag:s28] =	ssyncset.done $0x0  }
0x5e: {  	s6 =	simm.s32 $0x900;
	[sflag:s28] =	ssyncadd.s32 $0xFFFFC000  }
0x5f: {  	[spmem:s1] =	stream.indirect.scatter.add.f32 [tilespmem:s22], [sflag:$0x3], $0x80, s6, s25, $0xb8;
	[tilespmem:$0x1D000] =	vst v63  }
0x60: {  	_ =	swait.ge [sflag:s23], $0x4000  }
0x61: {  	[sflag:s23] =	ssyncset.done $0x0  }
0x62: {  	s7 =	simm.s32 $0x200;
	[sflag:s23] =	ssyncadd.s32 $0xFFFFC000  }
0x63: {  	[tilespmem:s22], [sflag:$0x1] =	stream.indirect.gather [hbm4b:s4+s25], $0x80, s7, s25, $0xb8;
	[tilespmem:$0x1D000] =	vst v63  }
0x64: {  	_ =	swait.ge [sflag:s30], $0x4000  }
0x65: {  	[sflag:s30] =	ssyncset.done $0x0  }
0x66: {  	s9 =	simm.s32 $0x980;
	[sflag:s30] =	ssyncadd.s32 $0xFFFFC000  }
0x67: {  	[spmem:s1] =	stream.indirect.scatter.add.f32 [tilespmem:s26], [sflag:$0x3], $0x80, s9, s25, $0xb8;
	[tilespmem:$0x1D000] =	vst v63  }
0x68: {  	_ =	swait.ge [sflag:s23], $0x4000  }
0x69: {  	[sflag:s23] =	ssyncset.done $0x0  }
0x6a: {  	s11 =	simm.s32 $0x280;
	[sflag:s23] =	ssyncadd.s32 $0xFFFFC000  }
0x6b: {  	[tilespmem:s26], [sflag:$0x2] =	stream.indirect.gather [hbm4b:s4+s25], $0x80, s11, s25, $0xb8;
	[tilespmem:$0x1D000] =	vst v63  }
0x6c: {  	_ =	swait.ge [sflag:s28], $0x4000  }
0x6d: {  	[sflag:s28] =	ssyncset.done $0x0  }
0x6e: {  	s12 =	simm.s32 $0xA00;
	[sflag:s28] =	ssyncadd.s32 $0xFFFFC000  }
0x6f: {  	[spmem:s1] =	stream.indirect.scatter.add.f32 [tilespmem:s22], [sflag:$0x3], $0x80, s12, s25, $0xb8;
	[tilespmem:$0x1D000] =	vst v63  }
0x70: {  	_ =	swait.ge [sflag:s23], $0x4000  }
0x71: {  	[sflag:s23] =	ssyncset.done $0x0  }
0x72: {  	s13 =	simm.s32 $0x300;
	[sflag:s23] =	ssyncadd.s32 $0xFFFFC000  }
0x73: {  	[tilespmem:s22], [sflag:$0x1] =	stream.indirect.gather [hbm4b:s4+s25], $0x80, s13, s25, $0xb8;
	[tilespmem:$0x1D000] =	vst v63  }
0x74: {  	_ =	swait.ge [sflag:s30], $0x4000  }
0x75: {  	[sflag:s30] =	ssyncset.done $0x0  }
0x76: {  	s14 =	simm.s32 $0xA80;
	[sflag:s30] =	ssyncadd.s32 $0xFFFFC000  }
0x77: {  	[spmem:s1] =	stream.indirect.scatter.add.f32 [tilespmem:s26], [sflag:$0x3], $0x80, s14, s25, $0xb8;
	[tilespmem:$0x1D000] =	vst v63  }
0x78: {  	_ =	swait.ge [sflag:s23], $0x4000  }
0x79: {  	[sflag:s23] =	ssyncset.done $0x0  }
0x7a: {  	s15 =	simm.s32 $0x380;
	[sflag:s23] =	ssyncadd.s32 $0xFFFFC000  }
0x7b: {  	[tilespmem:s26], [sflag:$0x2] =	stream.indirect.gather [hbm4b:s4+s25], $0x80, s15, s25, $0xb8;
	[tilespmem:$0x1D000] =	vst v63  }
0x7c: {  	_ =	swait.ge [sflag:s28], $0x4000  }
0x7d: {  	[sflag:s28] =	ssyncset.done $0x0  }
0x7e: {  	s20 =	simm.s32 $0xB00;
	[sflag:s28] =	ssyncadd.s32 $0xFFFFC000  }
0x7f: {  	[spmem:s1] =	stream.indirect.scatter.add.f32 [tilespmem:s22], [sflag:$0x3], $0x80, s20, s25, $0xb8;
	[tilespmem:$0x1D000] =	vst v63  }
0x80: {  	_ =	swait.ge [sflag:s23], $0x4000  }
0x81: {  	[sflag:s23] =	ssyncset.done $0x0  }
0x82: {  	s21 =	simm.s32 $0x400;
	[sflag:s23] =	ssyncadd.s32 $0xFFFFC000  }
0x83: {  	[tilespmem:s22], [sflag:$0x1] =	stream.indirect.gather [hbm4b:s4+s25], $0x80, s21, s25, $0xb8;
	[tilespmem:$0x1D000] =	vst v63  }
0x84: {  	_ =	swait.ge [sflag:s30], $0x4000  }
0x85: {  	[sflag:s30] =	ssyncset.done $0x0  }
0x86: {  	s29 =	simm.s32 $0xB80;
	[sflag:s30] =	ssyncadd.s32 $0xFFFFC000  }
0x87: {  	[spmem:s1] =	stream.indirect.scatter.add.f32 [tilespmem:s26], [sflag:$0x3], $0x80, s29, s25, $0xb8;
	[tilespmem:$0x1D000] =	vst v63  }
0x88: {  	_ =	swait.ge [sflag:s23], $0x4000  }
0x89: {  	[sflag:s23] =	ssyncset.done $0x0  }
0x8a: {  	s31 =	simm.s32 $0x480;
	[sflag:s23] =	ssyncadd.s32 $0xFFFFC000  }
0x8b: {  	[tilespmem:s26], [sflag:$0x2] =	stream.indirect.gather [hbm4b:s4+s25], $0x80, s31, s25, $0xb8;
	[tilespmem:$0x1D000] =	vst v63  }
0x8c: {  	_ =	swait.ge [sflag:s28], $0x4000  }
0x8d: {  	[sflag:s28] =	ssyncset.done $0x0  }
0x8e: {  	s5 =	simm.s32 $0xC00;
	[sflag:s28] =	ssyncadd.s32 $0xFFFFC000  }
0x8f: {  	[spmem:s1] =	stream.indirect.scatter.add.f32 [tilespmem:s22], [sflag:$0x3], $0x80, s5, s25, $0xb8;
	[tilespmem:$0x1D000] =	vst v63  }
0x90: {  	_ =	swait.ge [sflag:s23], $0x4000  }
0x91: {  	[sflag:s23] =	ssyncset.done $0x0  }
0x92: {  	s6 =	simm.s32 $0x500;
	[sflag:s23] =	ssyncadd.s32 $0xFFFFC000  }
0x93: {  	[tilespmem:s22], [sflag:$0x1] =	stream.indirect.gather [hbm4b:s4+s25], $0x80, s6, s25, $0xb8;
	[tilespmem:$0x1D000] =	vst v63  }
0x94: {  	_ =	swait.ge [sflag:s30], $0x4000  }
0x95: {  	[sflag:s30] =	ssyncset.done $0x0  }
0x96: {  	s7 =	simm.s32 $0xC80;
	[sflag:s30] =	ssyncadd.s32 $0xFFFFC000  }
0x97: {  	[spmem:s1] =	stream.indirect.scatter.add.f32 [tilespmem:s26], [sflag:$0x3], $0x80, s7, s25, $0xb8;
	[tilespmem:$0x1D000] =	vst v63  }
0x98: {  	_ =	swait.ge [sflag:s23], $0x4000  }
0x99: {  	[sflag:s23] =	ssyncset.done $0x0  }
0x9a: {  	s9 =	simm.s32 $0x580;
	[sflag:s23] =	ssyncadd.s32 $0xFFFFC000  }
0x9b: {  	[tilespmem:s26], [sflag:$0x2] =	stream.indirect.gather [hbm4b:s4+s25], $0x80, s9, s25, $0xb8;
	[tilespmem:$0x1D000] =	vst v63  }
0x9c: {  	_ =	swait.ge [sflag:s28], $0x4000  }
0x9d: {  	[sflag:s28] =	ssyncset.done $0x0  }
0x9e: {  	s12 =	simm.s32 $0xD00;
	[sflag:s28] =	ssyncadd.s32 $0xFFFFC000  }
0x9f: {  	[spmem:s1] =	stream.indirect.scatter.add.f32 [tilespmem:s22], [sflag:$0x3], $0x80, s12, s25, $0xb8;
	[tilespmem:$0x1D000] =	vst v63  }
0xa0: {  	_ =	swait.ge [sflag:s23], $0x4000  }
0xa1: {  	[sflag:s23] =	ssyncset.done $0x0  }
0xa2: {  	s13 =	simm.s32 $0x600;
	[sflag:s23] =	ssyncadd.s32 $0xFFFFC000  }
0xa3: {  	[tilespmem:s22], [sflag:$0x1] =	stream.indirect.gather [hbm4b:s4+s25], $0x80, s13, s25, $0xb8;
	[tilespmem:$0x1D000] =	vst v63  }
0xa4: {  	_ =	swait.ge [sflag:s30], $0x4000  }
0xa5: {  	[sflag:s30] =	ssyncset.done $0x0  }
0xa6: {  	s14 =	simm.s32 $0xD80;
	[sflag:s30] =	ssyncadd.s32 $0xFFFFC000  }
0xa7: {  	[spmem:s1] =	stream.indirect.scatter.add.f32 [tilespmem:s26], [sflag:$0x3], $0x80, s14, s25, $0xb8;
	[tilespmem:$0x1D000] =	vst v63  }
0xa8: {  	_ =	swait.ge [sflag:s23], $0x4000  }
0xa9: {  	[sflag:s23] =	ssyncset.done $0x0  }
0xaa: {  	s15 =	simm.s32 $0x680;
	[sflag:s23] =	ssyncadd.s32 $0xFFFFC000  }
0xab: {  	[tilespmem:s26], [sflag:$0x2] =	stream.indirect.gather [hbm4b:s4+s25], $0x80, s15, s25, $0xb8;
	[tilespmem:$0x1D000] =	vst v63  }
0xac: {  	_ =	swait.ge [sflag:s28], $0x4000  }
0xad: {  	[sflag:s28] =	ssyncset.done $0x0  }
0xae: {  	s21 =	simm.s32 $0xE00;
	[sflag:s28] =	ssyncadd.s32 $0xFFFFC000  }
0xaf: {  	[spmem:s1] =	stream.indirect.scatter.add.f32 [tilespmem:s22], [sflag:$0x3], $0x80, s21, s25, $0xb8;
	[tilespmem:$0x1D000] =	vst v63  }
0xb0: {  	_ =	swait.ge [sflag:s23], $0x4000  }
0xb1: {  	[sflag:s23] =	ssyncset.done $0x0  }
0xb2: {  	s29 =	simm.s32 $0x700;
	[sflag:s23] =	ssyncadd.s32 $0xFFFFC000  }
0xb3: {  	[tilespmem:s22], [sflag:$0x1] =	stream.indirect.gather [hbm4b:s4+s25], $0x80, s29, s25, $0xb8;
	[tilespmem:$0x1D000] =	vst v63  }
0xb4: {  	_ =	swait.ge [sflag:s30], $0x4000  }
0xb5: {  	[sflag:s30] =	ssyncset.done $0x0  }
0xb6: {  	s31 =	simm.s32 $0xE80;
	[sflag:s30] =	ssyncadd.s32 $0xFFFFC000  }
0xb7: {  	[spmem:s1] =	stream.indirect.scatter.add.f32 [tilespmem:s26], [sflag:$0x3], $0x80, s31, s25, $0xb8;
	[tilespmem:$0x1D000] =	vst v63  }
0xb8: {  	_ =	swait.ge [sflag:s23], $0x4000  }
0xb9: {  	[sflag:s23] =	ssyncset.done $0x0  }
0xba: {  	[sflag:s23] =	ssyncadd.s32 $0xFFFFC000  }
0xbb: {  	[tilespmem:s26], [sflag:$0x2] =	stream.indirect.gather [hbm4b:s4+s25], $0x80, s8, s25, $0xb8;
	[tilespmem:$0x1D000] =	vst v63  }
0xbc: {  	_ =	swait.ge [sflag:s28], $0x4000  }
0xbd: {  	[sflag:s28] =	ssyncset.done $0x0  }
0xbe: {  	s0 =	simm.s32 $0xF00;
	[sflag:s28] =	ssyncadd.s32 $0xFFFFC000  }
0xbf: {  	[spmem:s1] =	stream.indirect.scatter.add.f32 [tilespmem:s22], [sflag:$0x3], $0x80, s0, s25, $0xb8;
	[tilespmem:$0x1D000] =	vst v63  }
0xc0: {  	_ =	swait.ge [sflag:s23], $0x4000  }
0xc1: {  	[sflag:s23] =	ssyncset.done $0x0  }
0xc2: {  	[sflag:s23] =	ssyncadd.s32 $0xFFFFC000  }
0xc3: {  	[tilespmem:s22], [sflag:$0x1] =	stream.indirect.gather [hbm4b:s4+s25], $0x80, s8, s25, $0xb8;
	[tilespmem:$0x1D000] =	vst v63  }
0xc4: {  	_ =	swait.ge [sflag:s30], $0x4000  }
0xc5: {  	[sflag:s30] =	ssyncset.done $0x0  }
0xc6: {  	s5 =	simm.s32 $0xF80;
	[sflag:s30] =	ssyncadd.s32 $0xFFFFC000  }
0xc7: {  	[spmem:s1] =	stream.indirect.scatter.add.f32 [tilespmem:s26], [sflag:$0x3], $0x80, s5, s25, $0xb8;
	[tilespmem:$0x1D000] =	vst v63  }
0xc8: {  	_ =	swait.ge [sflag:s23], $0x4000  }
0xc9: {  	[sflag:s23] =	ssyncset.done $0x0  }
0xca: {  	[sflag:s23] =	ssyncadd.s32 $0xFFFFC000  }
0xcb: {  	_ =	swait.ge [sflag:s28], $0x4000  }
0xcc: {  	[sflag:s28] =	ssyncset.done $0x0  }
0xcd: {  	s6 =	rddreg [dreg:$0xa];
	[sflag:s28] =	ssyncadd.s32 $0xFFFFC000  }
0xce: {  	[tilespmem:s3], [sflag:$0x3] =	stream.linear.gather [hbm4b:s6+s3], $0x800, $0x38;
	[tilespmem:$0x1D000] =	vst v63  }
0xcf: {  	_ =	swait.ge [sflag:s23], $0x800  }
0xd0: {  	[sflag:s23] =	ssyncset.done $0x0  }
0xd1: {  	s7 =	rddreg [dreg:$0xb];
	[sflag:s23] =	ssyncadd.s32 $0xFFFFF800  }
0xd2: {  	[tilespmem:s2], [sflag:$0x3] =	stream.linear.gather [hbm4b:s7+s3], $0x800, $0x38;
	[tilespmem:$0x1D000] =	vst v63  }
0xd3: {  	_ =	swait.ge [sflag:s23], $0x800  }
0xd4: {  	[sflag:s23] =	ssyncset.done $0x0  }
0xd5: {  	[sflag:s23] =	ssyncadd.s32 $0xFFFFF800  }
0xd6: {  	[tilespmem:s22], [sflag:$0x1] =	stream.indirect.gather [hbm4b:s4+s25], $0x80, s3, s25, $0xb8;
	[tilespmem:$0x1D000] =	vst v63  }
0xd7: {  	_ = 	snop  }
0xd8: {  	[tilespmem:s26], [sflag:$0x2] =	stream.indirect.gather [hbm4b:s4+s25], $0x80, s25, s25, $0xb8;
	[tilespmem:$0x1D000] =	vst v63  }
0xd9: {  	_ =	swait.ge [sflag:s28], $0x4000  }
0xda: {  	[sflag:s28] =	ssyncset.done $0x0  }
0xdb: {  	[sflag:s28] =	ssyncadd.s32 $0xFFFFC000  }
0xdc: {  	[spmem:s1] =	stream.indirect.scatter.add.f32 [tilespmem:s22], [sflag:$0x3], $0x80, s2, s25, $0xb8;
	[tilespmem:$0x1D000] =	vst v63  }
0xdd: {  	_ =	swait.ge [sflag:s23], $0x4000  }
0xde: {  	[sflag:s23] =	ssyncset.done $0x0  }
0xdf: {  	s17 =	simm.s32 $0x100;
	[sflag:s23] =	ssyncadd.s32 $0xFFFFC000  }
0xe0: {  	[tilespmem:s22], [sflag:$0x1] =	stream.indirect.gather [hbm4b:s4+s25], $0x80, s17, s25, $0xb8;
	[tilespmem:$0x1D000] =	vst v63  }
0xe1: {  	_ =	swait.ge [sflag:s30], $0x4000  }
0xe2: {  	[sflag:s30] =	ssyncset.done $0x0  }
0xe3: {  	s18 =	simm.s32 $0x880;
	[sflag:s30] =	ssyncadd.s32 $0xFFFFC000  }
0xe4: {  	[spmem:s1] =	stream.indirect.scatter.add.f32 [tilespmem:s26], [sflag:$0x3], $0x80, s18, s25, $0xb8;
	[tilespmem:$0x1D000] =	vst v63  }
0xe5: {  	_ =	swait.ge [sflag:s23], $0x4000  }
0xe6: {  	[sflag:s23] =	ssyncset.done $0x0  }
0xe7: {  	s19 =	simm.s32 $0x180;
	[sflag:s23] =	ssyncadd.s32 $0xFFFFC000  }
0xe8: {  	[tilespmem:s26], [sflag:$0x2] =	stream.indirect.gather [hbm4b:s4+s25], $0x80, s19, s25, $0xb8;
	[tilespmem:$0x1D000] =	vst v63  }
0xe9: {  	_ =	swait.ge [sflag:s28], $0x4000  }
0xea: {  	[sflag:s28] =	ssyncset.done $0x0  }
0xeb: {  	s24 =	simm.s32 $0x900;
	[sflag:s28] =	ssyncadd.s32 $0xFFFFC000  }
0xec: {  	[spmem:s1] =	stream.indirect.scatter.add.f32 [tilespmem:s22], [sflag:$0x3], $0x80, s24, s25, $0xb8;
	[tilespmem:$0x1D000] =	vst v63  }
0xed: {  	_ =	swait.ge [sflag:s23], $0x4000  }
0xee: {  	[sflag:s23] =	ssyncset.done $0x0  }
0xef: {  	s21 =	simm.s32 $0x200;
	[sflag:s23] =	ssyncadd.s32 $0xFFFFC000  }
0xf0: {  	[tilespmem:s22], [sflag:$0x1] =	stream.indirect.gather [hbm4b:s4+s25], $0x80, s21, s25, $0xb8;
	[tilespmem:$0x1D000] =	vst v63  }
0xf1: {  	_ =	swait.ge [sflag:s30], $0x4000  }
0xf2: {  	[sflag:s30] =	ssyncset.done $0x0  }
0xf3: {  	s29 =	simm.s32 $0x980;
	[sflag:s30] =	ssyncadd.s32 $0xFFFFC000  }
0xf4: {  	[spmem:s1] =	stream.indirect.scatter.add.f32 [tilespmem:s26], [sflag:$0x3], $0x80, s29, s25, $0xb8;
	[tilespmem:$0x1D000] =	vst v63  }
0xf5: {  	_ =	swait.ge [sflag:s23], $0x4000  }
0xf6: {  	[sflag:s23] =	ssyncset.done $0x0  }
0xf7: {  	s31 =	simm.s32 $0x280;
	[sflag:s23] =	ssyncadd.s32 $0xFFFFC000  }
0xf8: {  	[tilespmem:s26], [sflag:$0x2] =	stream.indirect.gather [hbm4b:s4+s25], $0x80, s31, s25, $0xb8;
	[tilespmem:$0x1D000] =	vst v63  }
0xf9: {  	_ =	swait.ge [sflag:s28], $0x4000  }
0xfa: {  	[sflag:s28] =	ssyncset.done $0x0  }
0xfb: {  	s0 =	simm.s32 $0xA00;
	[sflag:s28] =	ssyncadd.s32 $0xFFFFC000  }
0xfc: {  	[spmem:s1] =	stream.indirect.scatter.add.f32 [tilespmem:s22], [sflag:$0x3], $0x80, s0, s25, $0xb8;
	[tilespmem:$0x1D000] =	vst v63  }
0xfd: {  	_ =	swait.ge [sflag:s23], $0x4000  }
0xfe: {  	[sflag:s23] =	ssyncset.done $0x0  }
0xff: {  	s7 =	simm.s32 $0x300;
	[sflag:s23] =	ssyncadd.s32 $0xFFFFC000  }
0x100: {  	[tilespmem:s22], [sflag:$0x1] =	stream.indirect.gather [hbm4b:s4+s25], $0x80, s7, s25, $0xb8;
	[tilespmem:$0x1D000] =	vst v63  }
0x101: {  	_ =	swait.ge [sflag:s30], $0x4000  }
0x102: {  	[sflag:s30] =	ssyncset.done $0x0  }
0x103: {  	s16 =	simm.s32 $0xA80;
	[sflag:s30] =	ssyncadd.s32 $0xFFFFC000  }
0x104: {  	[spmem:s1] =	stream.indirect.scatter.add.f32 [tilespmem:s26], [sflag:$0x3], $0x80, s16, s25, $0xb8;
	[tilespmem:$0x1D000] =	vst v63  }
0x105: {  	_ =	swait.ge [sflag:s23], $0x4000  }
0x106: {  	[sflag:s23] =	ssyncset.done $0x0  }
0x107: {  	s5 =	simm.s32 $0x380;
	[sflag:s23] =	ssyncadd.s32 $0xFFFFC000  }
0x108: {  	[tilespmem:s26], [sflag:$0x2] =	stream.indirect.gather [hbm4b:s4+s25], $0x80, s5, s25, $0xb8;
	[tilespmem:$0x1D000] =	vst v63  }
0x109: {  	_ =	swait.ge [sflag:s28], $0x4000  }
0x10a: {  	[sflag:s28] =	ssyncset.done $0x0  }
0x10b: {  	s6 =	simm.s32 $0xB00;
	[sflag:s28] =	ssyncadd.s32 $0xFFFFC000  }
0x10c: {  	[spmem:s1] =	stream.indirect.scatter.add.f32 [tilespmem:s22], [sflag:$0x3], $0x80, s6, s25, $0xb8;
	[tilespmem:$0x1D000] =	vst v63  }
0x10d: {  	_ =	swait.ge [sflag:s23], $0x4000  }
0x10e: {  	[sflag:s23] =	ssyncset.done $0x0  }
0x10f: {  	s24 =	simm.s32 $0x400;
	[sflag:s23] =	ssyncadd.s32 $0xFFFFC000  }
0x110: {  	[tilespmem:s22], [sflag:$0x1] =	stream.indirect.gather [hbm4b:s4+s25], $0x80, s24, s25, $0xb8;
	[tilespmem:$0x1D000] =	vst v63  }
0x111: {  	_ =	swait.ge [sflag:s30], $0x4000  }
0x112: {  	[sflag:s30] =	ssyncset.done $0x0  }
0x113: {  	s16 =	simm.s32 $0xB80;
	[sflag:s30] =	ssyncadd.s32 $0xFFFFC000  }
0x114: {  	[spmem:s1] =	stream.indirect.scatter.add.f32 [tilespmem:s26], [sflag:$0x3], $0x80, s16, s25, $0xb8;
	[tilespmem:$0x1D000] =	vst v63  }
0x115: {  	_ =	swait.ge [sflag:s23], $0x4000  }
0x116: {  	[sflag:s23] =	ssyncset.done $0x0  }
0x117: {  	s17 =	simm.s32 $0x480;
	[sflag:s23] =	ssyncadd.s32 $0xFFFFC000  }
0x118: {  	[tilespmem:s26], [sflag:$0x2] =	stream.indirect.gather [hbm4b:s4+s25], $0x80, s17, s25, $0xb8;
	[tilespmem:$0x1D000] =	vst v63  }
0x119: {  	_ =	swait.ge [sflag:s28], $0x4000  }
0x11a: {  	[sflag:s28] =	ssyncset.done $0x0  }
0x11b: {  	s18 =	simm.s32 $0xC00;
	[sflag:s28] =	ssyncadd.s32 $0xFFFFC000  }
0x11c: {  	[spmem:s1] =	stream.indirect.scatter.add.f32 [tilespmem:s22], [sflag:$0x3], $0x80, s18, s25, $0xb8;
	[tilespmem:$0x1D000] =	vst v63  }
0x11d: {  	_ =	swait.ge [sflag:s23], $0x4000  }
0x11e: {  	[sflag:s23] =	ssyncset.done $0x0  }
0x11f: {  	s19 =	simm.s32 $0x500;
	[sflag:s23] =	ssyncadd.s32 $0xFFFFC000  }
0x120: {  	[tilespmem:s22], [sflag:$0x1] =	stream.indirect.gather [hbm4b:s4+s25], $0x80, s19, s25, $0xb8;
	[tilespmem:$0x1D000] =	vst v63  }
0x121: {  	_ =	swait.ge [sflag:s30], $0x4000  }
0x122: {  	[sflag:s30] =	ssyncset.done $0x0  }
0x123: {  	s20 =	simm.s32 $0xC80;
	[sflag:s30] =	ssyncadd.s32 $0xFFFFC000  }
0x124: {  	[spmem:s1] =	stream.indirect.scatter.add.f32 [tilespmem:s26], [sflag:$0x3], $0x80, s20, s25, $0xb8;
	[tilespmem:$0x1D000] =	vst v63  }
0x125: {  	_ =	swait.ge [sflag:s23], $0x4000  }
0x126: {  	[sflag:s23] =	ssyncset.done $0x0  }
0x127: {  	s20 =	simm.s32 $0x580;
	[sflag:s23] =	ssyncadd.s32 $0xFFFFC000  }
0x128: {  	[tilespmem:s26], [sflag:$0x2] =	stream.indirect.gather [hbm4b:s4+s25], $0x80, s20, s25, $0xb8;
	[tilespmem:$0x1D000] =	vst v63  }
0x129: {  	_ =	swait.ge [sflag:s28], $0x4000  }
0x12a: {  	[sflag:s28] =	ssyncset.done $0x0  }
0x12b: {  	s11 =	simm.s32 $0xD00;
	[sflag:s28] =	ssyncadd.s32 $0xFFFFC000  }
0x12c: {  	[spmem:s1] =	stream.indirect.scatter.add.f32 [tilespmem:s22], [sflag:$0x3], $0x80, s11, s25, $0xb8;
	[tilespmem:$0x1D000] =	vst v63  }
0x12d: {  	_ =	swait.ge [sflag:s23], $0x4000  }
0x12e: {  	[sflag:s23] =	ssyncset.done $0x0  }
0x12f: {  	s11 =	simm.s32 $0x600;
	[sflag:s23] =	ssyncadd.s32 $0xFFFFC000  }
0x130: {  	[tilespmem:s22], [sflag:$0x1] =	stream.indirect.gather [hbm4b:s4+s25], $0x80, s11, s25, $0xb8;
	[tilespmem:$0x1D000] =	vst v63  }
0x131: {  	_ =	swait.ge [sflag:s30], $0x4000  }
0x132: {  	[sflag:s30] =	ssyncset.done $0x0  }
0x133: {  	s11 =	simm.s32 $0xD80;
	[sflag:s30] =	ssyncadd.s32 $0xFFFFC000  }
0x134: {  	[spmem:s1] =	stream.indirect.scatter.add.f32 [tilespmem:s26], [sflag:$0x3], $0x80, s11, s25, $0xb8;
	[tilespmem:$0x1D000] =	vst v63  }
0x135: {  	_ =	swait.ge [sflag:s23], $0x4000  }
0x136: {  	[sflag:s23] =	ssyncset.done $0x0  }
0x137: {  	s11 =	simm.s32 $0x680;
	[sflag:s23] =	ssyncadd.s32 $0xFFFFC000  }
0x138: {  	[tilespmem:s26], [sflag:$0x2] =	stream.indirect.gather [hbm4b:s4+s25], $0x80, s11, s25, $0xb8;
	[tilespmem:$0x1D000] =	vst v63  }
0x139: {  	_ =	swait.ge [sflag:s28], $0x4000  }
0x13a: {  	[sflag:s28] =	ssyncset.done $0x0  }
0x13b: {  	s9 =	simm.s32 $0xE00;
	[sflag:s28] =	ssyncadd.s32 $0xFFFFC000  }
0x13c: {  	[spmem:s1] =	stream.indirect.scatter.add.f32 [tilespmem:s22], [sflag:$0x3], $0x80, s9, s25, $0xb8;
	[tilespmem:$0x1D000] =	vst v63  }
0x13d: {  	_ =	swait.ge [sflag:s23], $0x4000  }
0x13e: {  	[sflag:s23] =	ssyncset.done $0x0  }
0x13f: {  	s12 =	simm.s32 $0x700;
	[sflag:s23] =	ssyncadd.s32 $0xFFFFC000  }
0x140: {  	[tilespmem:s22], [sflag:$0x1] =	stream.indirect.gather [hbm4b:s4+s25], $0x80, s12, s25, $0xb8;
	[tilespmem:$0x1D000] =	vst v63  }
0x141: {  	_ =	swait.ge [sflag:s30], $0x4000  }
0x142: {  	[sflag:s30] =	ssyncset.done $0x0  }
0x143: {  	s13 =	simm.s32 $0xE80;
	[sflag:s30] =	ssyncadd.s32 $0xFFFFC000  }
0x144: {  	[spmem:s1] =	stream.indirect.scatter.add.f32 [tilespmem:s26], [sflag:$0x3], $0x80, s13, s25, $0xb8;
	[tilespmem:$0x1D000] =	vst v63  }
0x145: {  	_ =	swait.ge [sflag:s23], $0x4000  }
0x146: {  	[sflag:s23] =	ssyncset.done $0x0  }
0x147: {  	[sflag:s23] =	ssyncadd.s32 $0xFFFFC000  }
0x148: {  	[tilespmem:s26], [sflag:$0x2] =	stream.indirect.gather [hbm4b:s4+s25], $0x80, s8, s25, $0xb8;
	[tilespmem:$0x1D000] =	vst v63  }
0x149: {  	_ =	swait.ge [sflag:s28], $0x4000  }
0x14a: {  	[sflag:s28] =	ssyncset.done $0x0  }
0x14b: {  	s14 =	simm.s32 $0xF00;
	[sflag:s28] =	ssyncadd.s32 $0xFFFFC000  }
0x14c: {  	[spmem:s1] =	stream.indirect.scatter.add.f32 [tilespmem:s22], [sflag:$0x3], $0x80, s14, s25, $0xb8;
	[tilespmem:$0x1D000] =	vst v63  }
0x14d: {  	_ =	swait.ge [sflag:s23], $0x4000  }
0x14e: {  	[sflag:s23] =	ssyncset.done $0x0  }
0x14f: {  	[sflag:s23] =	ssyncadd.s32 $0xFFFFC000  }
0x150: {  	[tilespmem:s22], [sflag:$0x1] =	stream.indirect.gather [hbm4b:s4+s25], $0x80, s8, s25, $0xb8;
	[tilespmem:$0x1D000] =	vst v63  }
0x151: {  	_ =	swait.ge [sflag:s30], $0x4000  }
0x152: {  	[sflag:s30] =	ssyncset.done $0x0  }
0x153: {  	s15 =	simm.s32 $0xF80;
	[sflag:s30] =	ssyncadd.s32 $0xFFFFC000  }
0x154: {  	[spmem:s1] =	stream.indirect.scatter.add.f32 [tilespmem:s26], [sflag:$0x3], $0x80, s15, s25, $0xb8;
	[tilespmem:$0x1D000] =	vst v63  }
0x155: {  	_ =	swait.ge [sflag:s23], $0x4000  }
0x156: {  	[sflag:s23] =	ssyncset.done $0x0  }
0x157: {  	[sflag:s23] =	ssyncadd.s32 $0xFFFFC000  }
0x158: {  	_ =	swait.ge [sflag:s28], $0x4000  }
0x159: {  	[sflag:s28] =	ssyncset.done $0x0  }
0x15a: {  	s11 =	rddreg [dreg:$0xc];
	[sflag:s28] =	ssyncadd.s32 $0xFFFFC000  }
0x15b: {  	[tilespmem:s3], [sflag:$0x3] =	stream.linear.gather [hbm4b:s11+s3], $0x800, $0x38;
	[tilespmem:$0x1D000] =	vst v63  }
0x15c: {  	_ =	swait.ge [sflag:s23], $0x800  }
0x15d: {  	[sflag:s23] =	ssyncset.done $0x0  }
0x15e: {  	s11 =	rddreg [dreg:$0xd];
	[sflag:s23] =	ssyncadd.s32 $0xFFFFF800  }
0x15f: {  	[tilespmem:s2], [sflag:$0x3] =	stream.linear.gather [hbm4b:s11+s3], $0x800, $0x38;
	[tilespmem:$0x1D000] =	vst v63  }
0x160: {  	_ =	swait.ge [sflag:s23], $0x800  }
0x161: {  	[sflag:s23] =	ssyncset.done $0x0  }
0x162: {  	[sflag:s23] =	ssyncadd.s32 $0xFFFFF800  }
0x163: {  	[tilespmem:s22], [sflag:$0x1] =	stream.indirect.gather [hbm4b:s4+s25], $0x80, s3, s25, $0xb8;
	[tilespmem:$0x1D000] =	vst v63  }
0x164: {  	_ = 	snop  }
0x165: {  	[tilespmem:s26], [sflag:$0x2] =	stream.indirect.gather [hbm4b:s4+s25], $0x80, s25, s25, $0xb8;
	[tilespmem:$0x1D000] =	vst v63  }
0x166: {  	_ =	swait.ge [sflag:s28], $0x4000  }
0x167: {  	[sflag:s28] =	ssyncset.done $0x0  }
0x168: {  	[sflag:s28] =	ssyncadd.s32 $0xFFFFC000  }
0x169: {  	[spmem:s1] =	stream.indirect.scatter.add.f32 [tilespmem:s22], [sflag:$0x3], $0x80, s2, s25, $0xb8;
	[tilespmem:$0x1D000] =	vst v63  }
0x16a: {  	_ =	swait.ge [sflag:s23], $0x4000  }
0x16b: {  	[sflag:s23] =	ssyncset.done $0x0  }
0x16c: {  	s11 =	simm.s32 $0x100;
	[sflag:s23] =	ssyncadd.s32 $0xFFFFC000  }
0x16d: {  	[tilespmem:s22], [sflag:$0x1] =	stream.indirect.gather [hbm4b:s4+s25], $0x80, s11, s25, $0xb8;
	[tilespmem:$0x1D000] =	vst v63  }
0x16e: {  	_ =	swait.ge [sflag:s30], $0x4000  }
0x16f: {  	[sflag:s30] =	ssyncset.done $0x0  }
0x170: {  	s11 =	simm.s32 $0x880;
	[sflag:s30] =	ssyncadd.s32 $0xFFFFC000  }
0x171: {  	[spmem:s1] =	stream.indirect.scatter.add.f32 [tilespmem:s26], [sflag:$0x3], $0x80, s11, s25, $0xb8;
	[tilespmem:$0x1D000] =	vst v63  }
0x172: {  	_ =	swait.ge [sflag:s23], $0x4000  }
0x173: {  	[sflag:s23] =	ssyncset.done $0x0  }
0x174: {  	s11 =	simm.s32 $0x180;
	[sflag:s23] =	ssyncadd.s32 $0xFFFFC000  }
0x175: {  	[tilespmem:s26], [sflag:$0x2] =	stream.indirect.gather [hbm4b:s4+s25], $0x80, s11, s25, $0xb8;
	[tilespmem:$0x1D000] =	vst v63  }
0x176: {  	_ =	swait.ge [sflag:s28], $0x4000  }
0x177: {  	[sflag:s28] =	ssyncset.done $0x0  }
0x178: {  	s11 =	simm.s32 $0x900;
	[sflag:s28] =	ssyncadd.s32 $0xFFFFC000  }
0x179: {  	[spmem:s1] =	stream.indirect.scatter.add.f32 [tilespmem:s22], [sflag:$0x3], $0x80, s11, s25, $0xb8;
	[tilespmem:$0x1D000] =	vst v63  }
0x17a: {  	_ =	swait.ge [sflag:s23], $0x4000  }
0x17b: {  	[sflag:s23] =	ssyncset.done $0x0  }
0x17c: {  	[sflag:s23] =	ssyncadd.s32 $0xFFFFC000  }
0x17d: {  	[tilespmem:s22], [sflag:$0x1] =	stream.indirect.gather [hbm4b:s4+s25], $0x80, s21, s25, $0xb8;
	[tilespmem:$0x1D000] =	vst v63  }
0x17e: {  	_ =	swait.ge [sflag:s30], $0x4000  }
0x17f: {  	[sflag:s30] =	ssyncset.done $0x0  }
0x180: {  	[sflag:s30] =	ssyncadd.s32 $0xFFFFC000  }
0x181: {  	[spmem:s1] =	stream.indirect.scatter.add.f32 [tilespmem:s26], [sflag:$0x3], $0x80, s29, s25, $0xb8;
	[tilespmem:$0x1D000] =	vst v63  }
0x182: {  	_ =	swait.ge [sflag:s23], $0x4000  }
0x183: {  	[sflag:s23] =	ssyncset.done $0x0  }
0x184: {  	[sflag:s23] =	ssyncadd.s32 $0xFFFFC000  }
0x185: {  	[tilespmem:s26], [sflag:$0x2] =	stream.indirect.gather [hbm4b:s4+s25], $0x80, s31, s25, $0xb8;
	[tilespmem:$0x1D000] =	vst v63  }
0x186: {  	_ =	swait.ge [sflag:s28], $0x4000  }
0x187: {  	[sflag:s28] =	ssyncset.done $0x0  }
0x188: {  	[sflag:s28] =	ssyncadd.s32 $0xFFFFC000  }
0x189: {  	[spmem:s1] =	stream.indirect.scatter.add.f32 [tilespmem:s22], [sflag:$0x3], $0x80, s0, s25, $0xb8;
	[tilespmem:$0x1D000] =	vst v63  }
0x18a: {  	_ =	swait.ge [sflag:s23], $0x4000  }
0x18b: {  	[sflag:s23] =	ssyncset.done $0x0  }
0x18c: {  	[sflag:s23] =	ssyncadd.s32 $0xFFFFC000  }
0x18d: {  	[tilespmem:s22], [sflag:$0x1] =	stream.indirect.gather [hbm4b:s4+s25], $0x80, s7, s25, $0xb8;
	[tilespmem:$0x1D000] =	vst v63  }
0x18e: {  	_ =	swait.ge [sflag:s30], $0x4000  }
0x18f: {  	[sflag:s30] =	ssyncset.done $0x0  }
0x190: {  	s11 =	simm.s32 $0xA80;
	[sflag:s30] =	ssyncadd.s32 $0xFFFFC000  }
0x191: {  	[spmem:s1] =	stream.indirect.scatter.add.f32 [tilespmem:s26], [sflag:$0x3], $0x80, s11, s25, $0xb8;
	[tilespmem:$0x1D000] =	vst v63  }
0x192: {  	_ =	swait.ge [sflag:s23], $0x4000  }
0x193: {  	[sflag:s23] =	ssyncset.done $0x0  }
0x194: {  	[sflag:s23] =	ssyncadd.s32 $0xFFFFC000  }
0x195: {  	[tilespmem:s26], [sflag:$0x2] =	stream.indirect.gather [hbm4b:s4+s25], $0x80, s5, s25, $0xb8;
	[tilespmem:$0x1D000] =	vst v63  }
0x196: {  	_ =	swait.ge [sflag:s28], $0x4000  }
0x197: {  	[sflag:s28] =	ssyncset.done $0x0  }
0x198: {  	[sflag:s28] =	ssyncadd.s32 $0xFFFFC000  }
0x199: {  	[spmem:s1] =	stream.indirect.scatter.add.f32 [tilespmem:s22], [sflag:$0x3], $0x80, s6, s25, $0xb8;
	[tilespmem:$0x1D000] =	vst v63  }
0x19a: {  	_ =	swait.ge [sflag:s23], $0x4000  }
0x19b: {  	[sflag:s23] =	ssyncset.done $0x0  }
0x19c: {  	[sflag:s23] =	ssyncadd.s32 $0xFFFFC000  }
0x19d: {  	[tilespmem:s22], [sflag:$0x1] =	stream.indirect.gather [hbm4b:s4+s25], $0x80, s24, s25, $0xb8;
	[tilespmem:$0x1D000] =	vst v63  }
0x19e: {  	_ =	swait.ge [sflag:s30], $0x4000  }
0x19f: {  	[sflag:s30] =	ssyncset.done $0x0  }
0x1a0: {  	[sflag:s30] =	ssyncadd.s32 $0xFFFFC000  }
0x1a1: {  	[spmem:s1] =	stream.indirect.scatter.add.f32 [tilespmem:s26], [sflag:$0x3], $0x80, s16, s25, $0xb8;
	[tilespmem:$0x1D000] =	vst v63  }
0x1a2: {  	_ =	swait.ge [sflag:s23], $0x4000  }
0x1a3: {  	[sflag:s23] =	ssyncset.done $0x0  }
0x1a4: {  	[sflag:s23] =	ssyncadd.s32 $0xFFFFC000  }
0x1a5: {  	[tilespmem:s26], [sflag:$0x2] =	stream.indirect.gather [hbm4b:s4+s25], $0x80, s17, s25, $0xb8;
	[tilespmem:$0x1D000] =	vst v63  }
0x1a6: {  	_ =	swait.ge [sflag:s28], $0x4000  }
0x1a7: {  	[sflag:s28] =	ssyncset.done $0x0  }
0x1a8: {  	[sflag:s28] =	ssyncadd.s32 $0xFFFFC000  }
0x1a9: {  	[spmem:s1] =	stream.indirect.scatter.add.f32 [tilespmem:s22], [sflag:$0x3], $0x80, s18, s25, $0xb8;
	[tilespmem:$0x1D000] =	vst v63  }
0x1aa: {  	_ =	swait.ge [sflag:s23], $0x4000  }
0x1ab: {  	[sflag:s23] =	ssyncset.done $0x0  }
0x1ac: {  	[sflag:s23] =	ssyncadd.s32 $0xFFFFC000  }
0x1ad: {  	[tilespmem:s22], [sflag:$0x1] =	stream.indirect.gather [hbm4b:s4+s25], $0x80, s19, s25, $0xb8;
	[tilespmem:$0x1D000] =	vst v63  }
0x1ae: {  	_ =	swait.ge [sflag:s30], $0x4000  }
0x1af: {  	[sflag:s30] =	ssyncset.done $0x0  }
0x1b0: {  	s16 =	simm.s32 $0xC80;
	[sflag:s30] =	ssyncadd.s32 $0xFFFFC000  }
0x1b1: {  	[spmem:s1] =	stream.indirect.scatter.add.f32 [tilespmem:s26], [sflag:$0x3], $0x80, s16, s25, $0xb8;
	[tilespmem:$0x1D000] =	vst v63  }
0x1b2: {  	_ =	swait.ge [sflag:s23], $0x4000  }
0x1b3: {  	[sflag:s23] =	ssyncset.done $0x0  }
0x1b4: {  	s20 =	simm.s32 $0x580;
	[sflag:s23] =	ssyncadd.s32 $0xFFFFC000  }
0x1b5: {  	[tilespmem:s26], [sflag:$0x2] =	stream.indirect.gather [hbm4b:s4+s25], $0x80, s20, s25, $0xb8;
	[tilespmem:$0x1D000] =	vst v63  }
0x1b6: {  	_ =	swait.ge [sflag:s28], $0x4000  }
0x1b7: {  	[sflag:s28] =	ssyncset.done $0x0  }
0x1b8: {  	s24 =	simm.s32 $0xD00;
	[sflag:s28] =	ssyncadd.s32 $0xFFFFC000  }
0x1b9: {  	[spmem:s1] =	stream.indirect.scatter.add.f32 [tilespmem:s22], [sflag:$0x3], $0x80, s24, s25, $0xb8;
	[tilespmem:$0x1D000] =	vst v63  }
0x1ba: {  	_ =	swait.ge [sflag:s23], $0x4000  }
0x1bb: {  	[sflag:s23] =	ssyncset.done $0x0  }
0x1bc: {  	s6 =	simm.s32 $0x600;
	[sflag:s23] =	ssyncadd.s32 $0xFFFFC000  }
0x1bd: {  	[tilespmem:s22], [sflag:$0x1] =	stream.indirect.gather [hbm4b:s4+s25], $0x80, s6, s25, $0xb8;
	[tilespmem:$0x1D000] =	vst v63  }
0x1be: {  	_ =	swait.ge [sflag:s30], $0x4000  }
0x1bf: {  	[sflag:s30] =	ssyncset.done $0x0  }
0x1c0: {  	s11 =	simm.s32 $0xD80;
	[sflag:s30] =	ssyncadd.s32 $0xFFFFC000  }
0x1c1: {  	[spmem:s1] =	stream.indirect.scatter.add.f32 [tilespmem:s26], [sflag:$0x3], $0x80, s11, s25, $0xb8;
	[tilespmem:$0x1D000] =	vst v63  }
0x1c2: {  	_ =	swait.ge [sflag:s23], $0x4000  }
0x1c3: {  	[sflag:s23] =	ssyncset.done $0x0  }
0x1c4: {  	s6 =	simm.s32 $0x680;
	[sflag:s23] =	ssyncadd.s32 $0xFFFFC000  }
0x1c5: {  	[tilespmem:s26], [sflag:$0x2] =	stream.indirect.gather [hbm4b:s4+s25], $0x80, s6, s25, $0xb8;
	[tilespmem:$0x1D000] =	vst v63  }
0x1c6: {  	_ =	swait.ge [sflag:s28], $0x4000  }
0x1c7: {  	[sflag:s28] =	ssyncset.done $0x0  }
0x1c8: {  	s9 =	simm.s32 $0xE00;
	[sflag:s28] =	ssyncadd.s32 $0xFFFFC000  }
0x1c9: {  	[spmem:s1] =	stream.indirect.scatter.add.f32 [tilespmem:s22], [sflag:$0x3], $0x80, s9, s25, $0xb8;
	[tilespmem:$0x1D000] =	vst v63  }
0x1ca: {  	_ =	swait.ge [sflag:s23], $0x4000  }
0x1cb: {  	[sflag:s23] =	ssyncset.done $0x0  }
0x1cc: {  	s12 =	simm.s32 $0x700;
	[sflag:s23] =	ssyncadd.s32 $0xFFFFC000  }
0x1cd: {  	[tilespmem:s22], [sflag:$0x1] =	stream.indirect.gather [hbm4b:s4+s25], $0x80, s12, s25, $0xb8;
	[tilespmem:$0x1D000] =	vst v63  }
0x1ce: {  	_ =	swait.ge [sflag:s30], $0x4000  }
0x1cf: {  	[sflag:s30] =	ssyncset.done $0x0  }
0x1d0: {  	s13 =	simm.s32 $0xE80;
	[sflag:s30] =	ssyncadd.s32 $0xFFFFC000  }
0x1d1: {  	[spmem:s1] =	stream.indirect.scatter.add.f32 [tilespmem:s26], [sflag:$0x3], $0x80, s13, s25, $0xb8;
	[tilespmem:$0x1D000] =	vst v63  }
0x1d2: {  	_ =	swait.ge [sflag:s23], $0x4000  }
0x1d3: {  	[sflag:s23] =	ssyncset.done $0x0  }
0x1d4: {  	[sflag:s23] =	ssyncadd.s32 $0xFFFFC000  }
0x1d5: {  	[tilespmem:s26], [sflag:$0x2] =	stream.indirect.gather [hbm4b:s4+s25], $0x80, s8, s25, $0xb8;
	[tilespmem:$0x1D000] =	vst v63  }
0x1d6: {  	_ =	swait.ge [sflag:s28], $0x4000  }
0x1d7: {  	[sflag:s28] =	ssyncset.done $0x0  }
0x1d8: {  	s14 =	simm.s32 $0xF00;
	[sflag:s28] =	ssyncadd.s32 $0xFFFFC000  }
0x1d9: {  	[spmem:s1] =	stream.indirect.scatter.add.f32 [tilespmem:s22], [sflag:$0x3], $0x80, s14, s25, $0xb8;
	[tilespmem:$0x1D000] =	vst v63  }
0x1da: {  	_ =	swait.ge [sflag:s23], $0x4000  }
0x1db: {  	[sflag:s23] =	ssyncset.done $0x0  }
0x1dc: {  	[sflag:s23] =	ssyncadd.s32 $0xFFFFC000  }
0x1dd: {  	[tilespmem:s22], [sflag:$0x1] =	stream.indirect.gather [hbm4b:s4+s25], $0x80, s8, s25, $0xb8;
	[tilespmem:$0x1D000] =	vst v63  }
0x1de: {  	_ =	swait.ge [sflag:s30], $0x4000  }
0x1df: {  	[sflag:s30] =	ssyncset.done $0x0  }
0x1e0: {  	s15 =	simm.s32 $0xF80;
	[sflag:s30] =	ssyncadd.s32 $0xFFFFC000  }
0x1e1: {  	[spmem:s1] =	stream.indirect.scatter.add.f32 [tilespmem:s26], [sflag:$0x3], $0x80, s15, s25, $0xb8;
	[tilespmem:$0x1D000] =	vst v63  }
0x1e2: {  	_ =	swait.ge [sflag:s23], $0x4000  }
0x1e3: {  	[sflag:s23] =	ssyncset.done $0x0  }
0x1e4: {  	[sflag:s23] =	ssyncadd.s32 $0xFFFFC000  }
0x1e5: {  	_ =	swait.ge [sflag:s28], $0x4000  }
0x1e6: {  	[sflag:s28] =	ssyncset.done $0x0  }
0x1e7: {  	s9 =	rddreg [dreg:$0xe];
	[sflag:s28] =	ssyncadd.s32 $0xFFFFC000  }
0x1e8: {  	[tilespmem:s3], [sflag:$0x3] =	stream.linear.gather [hbm4b:s9+s3], $0x800, $0x38;
	[tilespmem:$0x1D000] =	vst v63  }
0x1e9: {  	_ =	swait.ge [sflag:s23], $0x800  }
0x1ea: {  	[sflag:s23] =	ssyncset.done $0x0  }
0x1eb: {  	s12 =	rddreg [dreg:$0xf];
	[sflag:s23] =	ssyncadd.s32 $0xFFFFF800  }
0x1ec: {  	[tilespmem:s2], [sflag:$0x3] =	stream.linear.gather [hbm4b:s12+s3], $0x800, $0x38;
	[tilespmem:$0x1D000] =	vst v63  }
0x1ed: {  	_ =	swait.ge [sflag:s23], $0x800  }
0x1ee: {  	[sflag:s23] =	ssyncset.done $0x0  }
0x1ef: {  	[sflag:s23] =	ssyncadd.s32 $0xFFFFF800  }
0x1f0: {  	[tilespmem:s22], [sflag:$0x1] =	stream.indirect.gather [hbm4b:s4+s25], $0x80, s3, s25, $0xb8;
	[tilespmem:$0x1D000] =	vst v63  }
0x1f1: {  	_ = 	snop  }
0x1f2: {  	[tilespmem:s26], [sflag:$0x2] =	stream.indirect.gather [hbm4b:s4+s25], $0x80, s25, s25, $0xb8;
	[tilespmem:$0x1D000] =	vst v63  }
0x1f3: {  	_ =	swait.ge [sflag:s28], $0x4000  }
0x1f4: {  	[sflag:s28] =	ssyncset.done $0x0  }
0x1f5: {  	[sflag:s28] =	ssyncadd.s32 $0xFFFFC000  }
0x1f6: {  	[spmem:s1] =	stream.indirect.scatter.add.f32 [tilespmem:s22], [sflag:$0x3], $0x80, s2, s25, $0xb8;
	[tilespmem:$0x1D000] =	vst v63  }
0x1f7: {  	_ =	swait.ge [sflag:s23], $0x4000  }
0x1f8: {  	[sflag:s23] =	ssyncset.done $0x0  }
0x1f9: {  	s13 =	simm.s32 $0x100;
	[sflag:s23] =	ssyncadd.s32 $0xFFFFC000  }
0x1fa: {  	[tilespmem:s22], [sflag:$0x1] =	stream.indirect.gather [hbm4b:s4+s25], $0x80, s13, s25, $0xb8;
	[tilespmem:$0x1D000] =	vst v63  }
0x1fb: {  	_ =	swait.ge [sflag:s30], $0x4000  }
0x1fc: {  	[sflag:s30] =	ssyncset.done $0x0  }
0x1fd: {  	s14 =	simm.s32 $0x880;
	[sflag:s30] =	ssyncadd.s32 $0xFFFFC000  }
0x1fe: {  	[spmem:s1] =	stream.indirect.scatter.add.f32 [tilespmem:s26], [sflag:$0x3], $0x80, s14, s25, $0xb8;
	[tilespmem:$0x1D000] =	vst v63  }
0x1ff: {  	_ =	swait.ge [sflag:s23], $0x4000  }
0x200: {  	[sflag:s23] =	ssyncset.done $0x0  }
0x201: {  	s15 =	simm.s32 $0x180;
	[sflag:s23] =	ssyncadd.s32 $0xFFFFC000  }
0x202: {  	[tilespmem:s26], [sflag:$0x2] =	stream.indirect.gather [hbm4b:s4+s25], $0x80, s15, s25, $0xb8;
	[tilespmem:$0x1D000] =	vst v63  }
0x203: {  	_ =	swait.ge [sflag:s28], $0x4000  }
0x204: {  	[sflag:s28] =	ssyncset.done $0x0  }
0x205: {  	s6 =	simm.s32 $0x900;
	[sflag:s28] =	ssyncadd.s32 $0xFFFFC000  }
0x206: {  	[spmem:s1] =	stream.indirect.scatter.add.f32 [tilespmem:s22], [sflag:$0x3], $0x80, s6, s25, $0xb8;
	[tilespmem:$0x1D000] =	vst v63  }
0x207: {  	_ =	swait.ge [sflag:s23], $0x4000  }
0x208: {  	[sflag:s23] =	ssyncset.done $0x0  }
0x209: {  	s21 =	simm.s32 $0x200;
	[sflag:s23] =	ssyncadd.s32 $0xFFFFC000  }
0x20a: {  	[tilespmem:s22], [sflag:$0x1] =	stream.indirect.gather [hbm4b:s4+s25], $0x80, s21, s25, $0xb8;
	[tilespmem:$0x1D000] =	vst v63  }
0x20b: {  	_ =	swait.ge [sflag:s30], $0x4000  }
0x20c: {  	[sflag:s30] =	ssyncset.done $0x0  }
0x20d: {  	s29 =	simm.s32 $0x980;
	[sflag:s30] =	ssyncadd.s32 $0xFFFFC000  }
0x20e: {  	[spmem:s1] =	stream.indirect.scatter.add.f32 [tilespmem:s26], [sflag:$0x3], $0x80, s29, s25, $0xb8;
	[tilespmem:$0x1D000] =	vst v63  }
0x20f: {  	_ =	swait.ge [sflag:s23], $0x4000  }
0x210: {  	[sflag:s23] =	ssyncset.done $0x0  }
0x211: {  	s31 =	simm.s32 $0x280;
	[sflag:s23] =	ssyncadd.s32 $0xFFFFC000  }
0x212: {  	[tilespmem:s26], [sflag:$0x2] =	stream.indirect.gather [hbm4b:s4+s25], $0x80, s31, s25, $0xb8;
	[tilespmem:$0x1D000] =	vst v63  }
0x213: {  	_ =	swait.ge [sflag:s28], $0x4000  }
0x214: {  	[sflag:s28] =	ssyncset.done $0x0  }
0x215: {  	s9 =	simm.s32 $0xA00;
	[sflag:s28] =	ssyncadd.s32 $0xFFFFC000  }
0x216: {  	[spmem:s1] =	stream.indirect.scatter.add.f32 [tilespmem:s22], [sflag:$0x3], $0x80, s9, s25, $0xb8;
	[tilespmem:$0x1D000] =	vst v63  }
0x217: {  	_ =	swait.ge [sflag:s23], $0x4000  }
0x218: {  	[sflag:s23] =	ssyncset.done $0x0  }
0x219: {  	s7 =	simm.s32 $0x300;
	[sflag:s23] =	ssyncadd.s32 $0xFFFFC000  }
0x21a: {  	[tilespmem:s22], [sflag:$0x1] =	stream.indirect.gather [hbm4b:s4+s25], $0x80, s7, s25, $0xb8;
	[tilespmem:$0x1D000] =	vst v63  }
0x21b: {  	_ =	swait.ge [sflag:s30], $0x4000  }
0x21c: {  	[sflag:s30] =	ssyncset.done $0x0  }
0x21d: {  	s11 =	simm.s32 $0xA80;
	[sflag:s30] =	ssyncadd.s32 $0xFFFFC000  }
0x21e: {  	[spmem:s1] =	stream.indirect.scatter.add.f32 [tilespmem:s26], [sflag:$0x3], $0x80, s11, s25, $0xb8;
	[tilespmem:$0x1D000] =	vst v63  }
0x21f: {  	_ =	swait.ge [sflag:s23], $0x4000  }
0x220: {  	[sflag:s23] =	ssyncset.done $0x0  }
0x221: {  	s12 =	simm.s32 $0x380;
	[sflag:s23] =	ssyncadd.s32 $0xFFFFC000  }
0x222: {  	[tilespmem:s26], [sflag:$0x2] =	stream.indirect.gather [hbm4b:s4+s25], $0x80, s12, s25, $0xb8;
	[tilespmem:$0x1D000] =	vst v63  }
0x223: {  	_ =	swait.ge [sflag:s28], $0x4000  }
0x224: {  	[sflag:s28] =	ssyncset.done $0x0  }
0x225: {  	s13 =	simm.s32 $0xB00;
	[sflag:s28] =	ssyncadd.s32 $0xFFFFC000  }
0x226: {  	[spmem:s1] =	stream.indirect.scatter.add.f32 [tilespmem:s22], [sflag:$0x3], $0x80, s13, s25, $0xb8;
	[tilespmem:$0x1D000] =	vst v63  }
0x227: {  	_ =	swait.ge [sflag:s23], $0x4000  }
0x228: {  	[sflag:s23] =	ssyncset.done $0x0  }
0x229: {  	s0 =	simm.s32 $0x400;
	[sflag:s23] =	ssyncadd.s32 $0xFFFFC000  }
0x22a: {  	[tilespmem:s22], [sflag:$0x1] =	stream.indirect.gather [hbm4b:s4+s25], $0x80, s0, s25, $0xb8;
	[tilespmem:$0x1D000] =	vst v63  }
0x22b: {  	_ =	swait.ge [sflag:s30], $0x4000  }
0x22c: {  	[sflag:s30] =	ssyncset.done $0x0  }
0x22d: {  	s14 =	simm.s32 $0xB80;
	[sflag:s30] =	ssyncadd.s32 $0xFFFFC000  }
0x22e: {  	[spmem:s1] =	stream.indirect.scatter.add.f32 [tilespmem:s26], [sflag:$0x3], $0x80, s14, s25, $0xb8;
	[tilespmem:$0x1D000] =	vst v63  }
0x22f: {  	_ =	swait.ge [sflag:s23], $0x4000  }
0x230: {  	[sflag:s23] =	ssyncset.done $0x0  }
0x231: {  	s17 =	simm.s32 $0x480;
	[sflag:s23] =	ssyncadd.s32 $0xFFFFC000  }
0x232: {  	[tilespmem:s26], [sflag:$0x2] =	stream.indirect.gather [hbm4b:s4+s25], $0x80, s17, s25, $0xb8;
	[tilespmem:$0x1D000] =	vst v63  }
0x233: {  	_ =	swait.ge [sflag:s28], $0x4000  }
0x234: {  	[sflag:s28] =	ssyncset.done $0x0  }
0x235: {  	s18 =	simm.s32 $0xC00;
	[sflag:s28] =	ssyncadd.s32 $0xFFFFC000  }
0x236: {  	[spmem:s1] =	stream.indirect.scatter.add.f32 [tilespmem:s22], [sflag:$0x3], $0x80, s18, s25, $0xb8;
	[tilespmem:$0x1D000] =	vst v63  }
0x237: {  	_ =	swait.ge [sflag:s23], $0x4000  }
0x238: {  	[sflag:s23] =	ssyncset.done $0x0  }
0x239: {  	s19 =	simm.s32 $0x500;
	[sflag:s23] =	ssyncadd.s32 $0xFFFFC000  }
0x23a: {  	[tilespmem:s22], [sflag:$0x1] =	stream.indirect.gather [hbm4b:s4+s25], $0x80, s19, s25, $0xb8;
	[tilespmem:$0x1D000] =	vst v63  }
0x23b: {  	_ =	swait.ge [sflag:s30], $0x4000  }
0x23c: {  	[sflag:s30] =	ssyncset.done $0x0  }
0x23d: {  	s19 =	simm.s32 $0xC80;
	[sflag:s30] =	ssyncadd.s32 $0xFFFFC000  }
0x23e: {  	[spmem:s1] =	stream.indirect.scatter.add.f32 [tilespmem:s26], [sflag:$0x3], $0x80, s19, s25, $0xb8;
	[tilespmem:$0x1D000] =	vst v63  }
0x23f: {  	_ =	swait.ge [sflag:s23], $0x4000  }
0x240: {  	[sflag:s23] =	ssyncset.done $0x0  }
0x241: {  	s16 =	simm.s32 $0x580;
	[sflag:s23] =	ssyncadd.s32 $0xFFFFC000  }
0x242: {  	[tilespmem:s26], [sflag:$0x2] =	stream.indirect.gather [hbm4b:s4+s25], $0x80, s16, s25, $0xb8;
	[tilespmem:$0x1D000] =	vst v63  }
0x243: {  	_ =	swait.ge [sflag:s28], $0x4000  }
0x244: {  	[sflag:s28] =	ssyncset.done $0x0  }
0x245: {  	s20 =	simm.s32 $0xD00;
	[sflag:s28] =	ssyncadd.s32 $0xFFFFC000  }
0x246: {  	[spmem:s1] =	stream.indirect.scatter.add.f32 [tilespmem:s22], [sflag:$0x3], $0x80, s20, s25, $0xb8;
	[tilespmem:$0x1D000] =	vst v63  }
0x247: {  	_ =	swait.ge [sflag:s23], $0x4000  }
0x248: {  	[sflag:s23] =	ssyncset.done $0x0  }
0x249: {  	s24 =	simm.s32 $0x600;
	[sflag:s23] =	ssyncadd.s32 $0xFFFFC000  }
0x24a: {  	[tilespmem:s22], [sflag:$0x1] =	stream.indirect.gather [hbm4b:s4+s25], $0x80, s24, s25, $0xb8;
	[tilespmem:$0x1D000] =	vst v63  }
0x24b: {  	_ =	swait.ge [sflag:s30], $0x4000  }
0x24c: {  	[sflag:s30] =	ssyncset.done $0x0  }
0x24d: {  	s20 =	simm.s32 $0xD80;
	[sflag:s30] =	ssyncadd.s32 $0xFFFFC000  }
0x24e: {  	[spmem:s1] =	stream.indirect.scatter.add.f32 [tilespmem:s26], [sflag:$0x3], $0x80, s20, s25, $0xb8;
	[tilespmem:$0x1D000] =	vst v63  }
0x24f: {  	_ =	swait.ge [sflag:s23], $0x4000  }
0x250: {  	[sflag:s23] =	ssyncset.done $0x0  }
0x251: {  	s24 =	simm.s32 $0x680;
	[sflag:s23] =	ssyncadd.s32 $0xFFFFC000  }
0x252: {  	[tilespmem:s26], [sflag:$0x2] =	stream.indirect.gather [hbm4b:s4+s25], $0x80, s24, s25, $0xb8;
	[tilespmem:$0x1D000] =	vst v63  }
0x253: {  	_ =	swait.ge [sflag:s28], $0x4000  }
0x254: {  	[sflag:s28] =	ssyncset.done $0x0  }
0x255: {  	s14 =	simm.s32 $0xE00;
	[sflag:s28] =	ssyncadd.s32 $0xFFFFC000  }
0x256: {  	[spmem:s1] =	stream.indirect.scatter.add.f32 [tilespmem:s22], [sflag:$0x3], $0x80, s14, s25, $0xb8;
	[tilespmem:$0x1D000] =	vst v63  }
0x257: {  	_ =	swait.ge [sflag:s23], $0x4000  }
0x258: {  	[sflag:s23] =	ssyncset.done $0x0  }
0x259: {  	s11 =	simm.s32 $0x700;
	[sflag:s23] =	ssyncadd.s32 $0xFFFFC000  }
0x25a: {  	[tilespmem:s22], [sflag:$0x1] =	stream.indirect.gather [hbm4b:s4+s25], $0x80, s11, s25, $0xb8;
	[tilespmem:$0x1D000] =	vst v63  }
0x25b: {  	_ =	swait.ge [sflag:s30], $0x4000  }
0x25c: {  	[sflag:s30] =	ssyncset.done $0x0  }
0x25d: {  	s11 =	simm.s32 $0xE80;
	[sflag:s30] =	ssyncadd.s32 $0xFFFFC000  }
0x25e: {  	[spmem:s1] =	stream.indirect.scatter.add.f32 [tilespmem:s26], [sflag:$0x3], $0x80, s11, s25, $0xb8;
	[tilespmem:$0x1D000] =	vst v63  }
0x25f: {  	_ =	swait.ge [sflag:s23], $0x4000  }
0x260: {  	[sflag:s23] =	ssyncset.done $0x0  }
0x261: {  	[sflag:s23] =	ssyncadd.s32 $0xFFFFC000  }
0x262: {  	[tilespmem:s26], [sflag:$0x2] =	stream.indirect.gather [hbm4b:s4+s25], $0x80, s8, s25, $0xb8;
	[tilespmem:$0x1D000] =	vst v63  }
0x263: {  	_ =	swait.ge [sflag:s28], $0x4000  }
0x264: {  	[sflag:s28] =	ssyncset.done $0x0  }
0x265: {  	s11 =	simm.s32 $0xF00;
	[sflag:s28] =	ssyncadd.s32 $0xFFFFC000  }
0x266: {  	[spmem:s1] =	stream.indirect.scatter.add.f32 [tilespmem:s22], [sflag:$0x3], $0x80, s11, s25, $0xb8;
	[tilespmem:$0x1D000] =	vst v63  }
0x267: {  	_ =	swait.ge [sflag:s23], $0x4000  }
0x268: {  	[sflag:s23] =	ssyncset.done $0x0  }
0x269: {  	[sflag:s23] =	ssyncadd.s32 $0xFFFFC000  }
0x26a: {  	[tilespmem:s22], [sflag:$0x1] =	stream.indirect.gather [hbm4b:s4+s25], $0x80, s8, s25, $0xb8;
	[tilespmem:$0x1D000] =	vst v63  }
0x26b: {  	_ =	swait.ge [sflag:s30], $0x4000  }
0x26c: {  	[sflag:s30] =	ssyncset.done $0x0  }
0x26d: {  	s11 =	simm.s32 $0xF80;
	[sflag:s30] =	ssyncadd.s32 $0xFFFFC000  }
0x26e: {  	[spmem:s1] =	stream.indirect.scatter.add.f32 [tilespmem:s26], [sflag:$0x3], $0x80, s11, s25, $0xb8;
	[tilespmem:$0x1D000] =	vst v63  }
0x26f: {  	_ =	swait.ge [sflag:s23], $0x4000  }
0x270: {  	[sflag:s23] =	ssyncset.done $0x0  }
0x271: {  	[sflag:s23] =	ssyncadd.s32 $0xFFFFC000  }
0x272: {  	_ =	swait.ge [sflag:s28], $0x4000  }
0x273: {  	[sflag:s28] =	ssyncset.done $0x0  }
0x274: {  	s11 =	rddreg [dreg:$0x10];
	[sflag:s28] =	ssyncadd.s32 $0xFFFFC000  }
0x275: {  	[tilespmem:s3], [sflag:$0x3] =	stream.linear.gather [hbm4b:s11+s3], $0x800, $0x38;
	[tilespmem:$0x1D000] =	vst v63  }
0x276: {  	_ =	swait.ge [sflag:s23], $0x800  }
0x277: {  	[sflag:s23] =	ssyncset.done $0x0  }
0x278: {  	s11 =	rddreg [dreg:$0x11];
	[sflag:s23] =	ssyncadd.s32 $0xFFFFF800  }
0x279: {  	[tilespmem:s2], [sflag:$0x3] =	stream.linear.gather [hbm4b:s11+s3], $0x800, $0x38;
	[tilespmem:$0x1D000] =	vst v63  }
0x27a: {  	_ =	swait.ge [sflag:s23], $0x800  }
0x27b: {  	[sflag:s23] =	ssyncset.done $0x0  }
0x27c: {  	[sflag:s23] =	ssyncadd.s32 $0xFFFFF800  }
0x27d: {  	[tilespmem:s22], [sflag:$0x1] =	stream.indirect.gather [hbm4b:s4+s25], $0x80, s3, s25, $0xb8;
	[tilespmem:$0x1D000] =	vst v63  }
0x27e: {  	_ = 	snop  }
0x27f: {  	[tilespmem:s26], [sflag:$0x2] =	stream.indirect.gather [hbm4b:s4+s25], $0x80, s25, s25, $0xb8;
	[tilespmem:$0x1D000] =	vst v63  }
0x280: {  	_ =	swait.ge [sflag:s28], $0x4000  }
0x281: {  	[sflag:s28] =	ssyncset.done $0x0  }
0x282: {  	[sflag:s28] =	ssyncadd.s32 $0xFFFFC000  }
0x283: {  	[spmem:s1] =	stream.indirect.scatter.add.f32 [tilespmem:s22], [sflag:$0x3], $0x80, s2, s25, $0xb8;
	[tilespmem:$0x1D000] =	vst v63  }
0x284: {  	_ =	swait.ge [sflag:s23], $0x4000  }
0x285: {  	[sflag:s23] =	ssyncset.done $0x0  }
0x286: {  	s11 =	simm.s32 $0x100;
	[sflag:s23] =	ssyncadd.s32 $0xFFFFC000  }
0x287: {  	[tilespmem:s22], [sflag:$0x1] =	stream.indirect.gather [hbm4b:s4+s25], $0x80, s11, s25, $0xb8;
	[tilespmem:$0x1D000] =	vst v63  }
0x288: {  	_ =	swait.ge [sflag:s30], $0x4000  }
0x289: {  	[sflag:s30] =	ssyncset.done $0x0  }
0x28a: {  	s11 =	simm.s32 $0x880;
	[sflag:s30] =	ssyncadd.s32 $0xFFFFC000  }
0x28b: {  	[spmem:s1] =	stream.indirect.scatter.add.f32 [tilespmem:s26], [sflag:$0x3], $0x80, s11, s25, $0xb8;
	[tilespmem:$0x1D000] =	vst v63  }
0x28c: {  	_ =	swait.ge [sflag:s23], $0x4000  }
0x28d: {  	[sflag:s23] =	ssyncset.done $0x0  }
0x28e: {  	s11 =	simm.s32 $0x180;
	[sflag:s23] =	ssyncadd.s32 $0xFFFFC000  }
0x28f: {  	[tilespmem:s26], [sflag:$0x2] =	stream.indirect.gather [hbm4b:s4+s25], $0x80, s11, s25, $0xb8;
	[tilespmem:$0x1D000] =	vst v63  }
0x290: {  	_ =	swait.ge [sflag:s28], $0x4000  }
0x291: {  	[sflag:s28] =	ssyncset.done $0x0  }
0x292: {  	s11 =	simm.s32 $0x900;
	[sflag:s28] =	ssyncadd.s32 $0xFFFFC000  }
0x293: {  	[spmem:s1] =	stream.indirect.scatter.add.f32 [tilespmem:s22], [sflag:$0x3], $0x80, s11, s25, $0xb8;
	[tilespmem:$0x1D000] =	vst v63  }
0x294: {  	_ =	swait.ge [sflag:s23], $0x4000  }
0x295: {  	[sflag:s23] =	ssyncset.done $0x0  }
0x296: {  	s5 =	simm.s32 $0x200;
	[sflag:s23] =	ssyncadd.s32 $0xFFFFC000  }
0x297: {  	[tilespmem:s22], [sflag:$0x1] =	stream.indirect.gather [hbm4b:s4+s25], $0x80, s5, s25, $0xb8;
	[tilespmem:$0x1D000] =	vst v63  }
0x298: {  	_ =	swait.ge [sflag:s30], $0x4000  }
0x299: {  	[sflag:s30] =	ssyncset.done $0x0  }
0x29a: {  	s21 =	simm.s32 $0x980;
	[sflag:s30] =	ssyncadd.s32 $0xFFFFC000  }
0x29b: {  	[spmem:s1] =	stream.indirect.scatter.add.f32 [tilespmem:s26], [sflag:$0x3], $0x80, s21, s25, $0xb8;
	[tilespmem:$0x1D000] =	vst v63  }
0x29c: {  	_ =	swait.ge [sflag:s23], $0x4000  }
0x29d: {  	[sflag:s23] =	ssyncset.done $0x0  }
0x29e: {  	s29 =	simm.s32 $0x280;
	[sflag:s23] =	ssyncadd.s32 $0xFFFFC000  }
0x29f: {  	[tilespmem:s26], [sflag:$0x2] =	stream.indirect.gather [hbm4b:s4+s25], $0x80, s29, s25, $0xb8;
	[tilespmem:$0x1D000] =	vst v63  }
0x2a0: {  	_ =	swait.ge [sflag:s28], $0x4000  }
0x2a1: {  	[sflag:s28] =	ssyncset.done $0x0  }
0x2a2: {  	s31 =	simm.s32 $0xA00;
	[sflag:s28] =	ssyncadd.s32 $0xFFFFC000  }
0x2a3: {  	[spmem:s1] =	stream.indirect.scatter.add.f32 [tilespmem:s22], [sflag:$0x3], $0x80, s31, s25, $0xb8;
	[tilespmem:$0x1D000] =	vst v63  }
0x2a4: {  	_ =	swait.ge [sflag:s23], $0x4000  }
0x2a5: {  	[sflag:s23] =	ssyncset.done $0x0  }
0x2a6: {  	s6 =	simm.s32 $0x300;
	[sflag:s23] =	ssyncadd.s32 $0xFFFFC000  }
0x2a7: {  	[tilespmem:s22], [sflag:$0x1] =	stream.indirect.gather [hbm4b:s4+s25], $0x80, s6, s25, $0xb8;
	[tilespmem:$0x1D000] =	vst v63  }
0x2a8: {  	_ =	swait.ge [sflag:s30], $0x4000  }
0x2a9: {  	[sflag:s30] =	ssyncset.done $0x0  }
0x2aa: {  	s11 =	simm.s32 $0xA80;
	[sflag:s30] =	ssyncadd.s32 $0xFFFFC000  }
0x2ab: {  	[spmem:s1] =	stream.indirect.scatter.add.f32 [tilespmem:s26], [sflag:$0x3], $0x80, s11, s25, $0xb8;
	[tilespmem:$0x1D000] =	vst v63  }
0x2ac: {  	_ =	swait.ge [sflag:s23], $0x4000  }
0x2ad: {  	[sflag:s23] =	ssyncset.done $0x0  }
0x2ae: {  	s7 =	simm.s32 $0x380;
	[sflag:s23] =	ssyncadd.s32 $0xFFFFC000  }
0x2af: {  	[tilespmem:s26], [sflag:$0x2] =	stream.indirect.gather [hbm4b:s4+s25], $0x80, s7, s25, $0xb8;
	[tilespmem:$0x1D000] =	vst v63  }
0x2b0: {  	_ =	swait.ge [sflag:s28], $0x4000  }
0x2b1: {  	[sflag:s28] =	ssyncset.done $0x0  }
0x2b2: {  	s9 =	simm.s32 $0xB00;
	[sflag:s28] =	ssyncadd.s32 $0xFFFFC000  }
0x2b3: {  	[spmem:s1] =	stream.indirect.scatter.add.f32 [tilespmem:s22], [sflag:$0x3], $0x80, s9, s25, $0xb8;
	[tilespmem:$0x1D000] =	vst v63  }
0x2b4: {  	_ =	swait.ge [sflag:s23], $0x4000  }
0x2b5: {  	[sflag:s23] =	ssyncset.done $0x0  }
0x2b6: {  	s15 =	simm.s32 $0x400;
	[sflag:s23] =	ssyncadd.s32 $0xFFFFC000  }
0x2b7: {  	[tilespmem:s22], [sflag:$0x1] =	stream.indirect.gather [hbm4b:s4+s25], $0x80, s15, s25, $0xb8;
	[tilespmem:$0x1D000] =	vst v63  }
0x2b8: {  	_ =	swait.ge [sflag:s30], $0x4000  }
0x2b9: {  	[sflag:s30] =	ssyncset.done $0x0  }
0x2ba: {  	s13 =	simm.s32 $0xB80;
	[sflag:s30] =	ssyncadd.s32 $0xFFFFC000  }
0x2bb: {  	[spmem:s1] =	stream.indirect.scatter.add.f32 [tilespmem:s26], [sflag:$0x3], $0x80, s13, s25, $0xb8;
	[tilespmem:$0x1D000] =	vst v63  }
0x2bc: {  	_ =	swait.ge [sflag:s23], $0x4000  }
0x2bd: {  	[sflag:s23] =	ssyncset.done $0x0  }
0x2be: {  	s12 =	simm.s32 $0x480;
	[sflag:s23] =	ssyncadd.s32 $0xFFFFC000  }
0x2bf: {  	[tilespmem:s26], [sflag:$0x2] =	stream.indirect.gather [hbm4b:s4+s25], $0x80, s12, s25, $0xb8;
	[tilespmem:$0x1D000] =	vst v63  }
0x2c0: {  	_ =	swait.ge [sflag:s28], $0x4000  }
0x2c1: {  	[sflag:s28] =	ssyncset.done $0x0  }
0x2c2: {  	s17 =	simm.s32 $0xC00;
	[sflag:s28] =	ssyncadd.s32 $0xFFFFC000  }
0x2c3: {  	[spmem:s1] =	stream.indirect.scatter.add.f32 [tilespmem:s22], [sflag:$0x3], $0x80, s17, s25, $0xb8;
	[tilespmem:$0x1D000] =	vst v63  }
0x2c4: {  	_ =	swait.ge [sflag:s23], $0x4000  }
0x2c5: {  	[sflag:s23] =	ssyncset.done $0x0  }
0x2c6: {  	s18 =	simm.s32 $0x500;
	[sflag:s23] =	ssyncadd.s32 $0xFFFFC000  }
0x2c7: {  	[tilespmem:s22], [sflag:$0x1] =	stream.indirect.gather [hbm4b:s4+s25], $0x80, s18, s25, $0xb8;
	[tilespmem:$0x1D000] =	vst v63  }
0x2c8: {  	_ =	swait.ge [sflag:s30], $0x4000  }
0x2c9: {  	[sflag:s30] =	ssyncset.done $0x0  }
0x2ca: {  	s15 =	simm.s32 $0xC80;
	[sflag:s30] =	ssyncadd.s32 $0xFFFFC000  }
0x2cb: {  	[spmem:s1] =	stream.indirect.scatter.add.f32 [tilespmem:s26], [sflag:$0x3], $0x80, s15, s25, $0xb8;
	[tilespmem:$0x1D000] =	vst v63  }
0x2cc: {  	_ =	swait.ge [sflag:s23], $0x4000  }
0x2cd: {  	[sflag:s23] =	ssyncset.done $0x0  }
0x2ce: {  	s0 =	simm.s32 $0x580;
	[sflag:s23] =	ssyncadd.s32 $0xFFFFC000  }
0x2cf: {  	[tilespmem:s26], [sflag:$0x2] =	stream.indirect.gather [hbm4b:s4+s25], $0x80, s0, s25, $0xb8;
	[tilespmem:$0x1D000] =	vst v63  }
0x2d0: {  	_ =	swait.ge [sflag:s28], $0x4000  }
0x2d1: {  	[sflag:s28] =	ssyncset.done $0x0  }
0x2d2: {  	s16 =	simm.s32 $0xD00;
	[sflag:s28] =	ssyncadd.s32 $0xFFFFC000  }
0x2d3: {  	[spmem:s1] =	stream.indirect.scatter.add.f32 [tilespmem:s22], [sflag:$0x3], $0x80, s16, s25, $0xb8;
	[tilespmem:$0x1D000] =	vst v63  }
0x2d4: {  	_ =	swait.ge [sflag:s23], $0x4000  }
0x2d5: {  	[sflag:s23] =	ssyncset.done $0x0  }
0x2d6: {  	s19 =	simm.s32 $0x600;
	[sflag:s23] =	ssyncadd.s32 $0xFFFFC000  }
0x2d7: {  	[tilespmem:s22], [sflag:$0x1] =	stream.indirect.gather [hbm4b:s4+s25], $0x80, s19, s25, $0xb8;
	[tilespmem:$0x1D000] =	vst v63  }
0x2d8: {  	_ =	swait.ge [sflag:s30], $0x4000  }
0x2d9: {  	[sflag:s30] =	ssyncset.done $0x0  }
0x2da: {  	s20 =	simm.s32 $0xD80;
	[sflag:s30] =	ssyncadd.s32 $0xFFFFC000  }
0x2db: {  	[spmem:s1] =	stream.indirect.scatter.add.f32 [tilespmem:s26], [sflag:$0x3], $0x80, s20, s25, $0xb8;
	[tilespmem:$0x1D000] =	vst v63  }
0x2dc: {  	_ =	swait.ge [sflag:s23], $0x4000  }
0x2dd: {  	[sflag:s23] =	ssyncset.done $0x0  }
0x2de: {  	s24 =	simm.s32 $0x680;
	[sflag:s23] =	ssyncadd.s32 $0xFFFFC000  }
0x2df: {  	[tilespmem:s26], [sflag:$0x2] =	stream.indirect.gather [hbm4b:s4+s25], $0x80, s24, s25, $0xb8;
	[tilespmem:$0x1D000] =	vst v63  }
0x2e0: {  	_ =	swait.ge [sflag:s28], $0x4000  }
0x2e1: {  	[sflag:s28] =	ssyncset.done $0x0  }
0x2e2: {  	s14 =	simm.s32 $0xE00;
	[sflag:s28] =	ssyncadd.s32 $0xFFFFC000  }
0x2e3: {  	[spmem:s1] =	stream.indirect.scatter.add.f32 [tilespmem:s22], [sflag:$0x3], $0x80, s14, s25, $0xb8;
	[tilespmem:$0x1D000] =	vst v63  }
0x2e4: {  	_ =	swait.ge [sflag:s23], $0x4000  }
0x2e5: {  	[sflag:s23] =	ssyncset.done $0x0  }
0x2e6: {  	s16 =	simm.s32 $0x700;
	[sflag:s23] =	ssyncadd.s32 $0xFFFFC000  }
0x2e7: {  	[tilespmem:s22], [sflag:$0x1] =	stream.indirect.gather [hbm4b:s4+s25], $0x80, s16, s25, $0xb8;
	[tilespmem:$0x1D000] =	vst v63  }
0x2e8: {  	_ =	swait.ge [sflag:s30], $0x4000  }
0x2e9: {  	[sflag:s30] =	ssyncset.done $0x0  }
0x2ea: {  	s17 =	simm.s32 $0xE80;
	[sflag:s30] =	ssyncadd.s32 $0xFFFFC000  }
0x2eb: {  	[spmem:s1] =	stream.indirect.scatter.add.f32 [tilespmem:s26], [sflag:$0x3], $0x80, s17, s25, $0xb8;
	[tilespmem:$0x1D000] =	vst v63  }
0x2ec: {  	_ =	swait.ge [sflag:s23], $0x4000  }
0x2ed: {  	[sflag:s23] =	ssyncset.done $0x0  }
0x2ee: {  	[sflag:s23] =	ssyncadd.s32 $0xFFFFC000  }
0x2ef: {  	[tilespmem:s26], [sflag:$0x2] =	stream.indirect.gather [hbm4b:s4+s25], $0x80, s8, s25, $0xb8;
	[tilespmem:$0x1D000] =	vst v63  }
0x2f0: {  	_ =	swait.ge [sflag:s28], $0x4000  }
0x2f1: {  	[sflag:s28] =	ssyncset.done $0x0  }
0x2f2: {  	s18 =	simm.s32 $0xF00;
	[sflag:s28] =	ssyncadd.s32 $0xFFFFC000  }
0x2f3: {  	[spmem:s1] =	stream.indirect.scatter.add.f32 [tilespmem:s22], [sflag:$0x3], $0x80, s18, s25, $0xb8;
	[tilespmem:$0x1D000] =	vst v63  }
0x2f4: {  	_ =	swait.ge [sflag:s23], $0x4000  }
0x2f5: {  	[sflag:s23] =	ssyncset.done $0x0  }
0x2f6: {  	[sflag:s23] =	ssyncadd.s32 $0xFFFFC000  }
0x2f7: {  	[tilespmem:s22], [sflag:$0x1] =	stream.indirect.gather [hbm4b:s4+s25], $0x80, s8, s25, $0xb8;
	[tilespmem:$0x1D000] =	vst v63  }
0x2f8: {  	_ =	swait.ge [sflag:s30], $0x4000  }
0x2f9: {  	[sflag:s30] =	ssyncset.done $0x0  }
0x2fa: {  	s19 =	simm.s32 $0xF80;
	[sflag:s30] =	ssyncadd.s32 $0xFFFFC000  }
0x2fb: {  	[spmem:s1] =	stream.indirect.scatter.add.f32 [tilespmem:s26], [sflag:$0x3], $0x80, s19, s25, $0xb8;
	[tilespmem:$0x1D000] =	vst v63  }
0x2fc: {  	_ =	swait.ge [sflag:s23], $0x4000  }
0x2fd: {  	[sflag:s23] =	ssyncset.done $0x0  }
0x2fe: {  	[sflag:s23] =	ssyncadd.s32 $0xFFFFC000  }
0x2ff: {  	_ =	swait.ge [sflag:s28], $0x4000  }
0x300: {  	[sflag:s28] =	ssyncset.done $0x0  }
0x301: {  	[sflag:s28] =	ssyncadd.s32 $0xFFFFC000  }
0x302: {  	s20 =	stileid.u32;
	[bflag:$0x0] =	sbarrier.arrive $0xFFFF  }
0x303: {  	s11 =	sshll.u32 s20, $0x6;
	s21 =	rddreg [dreg:$0x3]  }
0x304: {  	s11 =	sor.u32 $0x1C03, s11;
	s29 =	rddreg [dreg:$0x12];
	s24 =	sshrl.u32 s21, $0x3  }
0x305: {  	[hbm:s29], [sflag:s11] =	dma.local [spmem:s24], $0x2800  }
0x306: {  	_ =	swait.ge [sflag:s23], $0x2800  }
0x307: {  	s10 =	sadd.s32 $0x1, s10;
	s31 =	rddreg [dreg:$0x13]  }
0x308: {  	p0 =	sne.s32 s10, s31  }
.Ltmp1:
0x309: {  	_ = 	snop;
	(pc) =	sbr.rel @p0 .LBB2_1-.Ltmp1, $3  }
0x30a: {  	_ =	sdelay $0x1  }
0x30b: {  	[sflag:s23] =	ssyncset.done $0x0  }
0x30c: {  	[sflag:s23] =	ssyncadd.s32 $0xFFFFD800  }
0x30d: {  	_ =	sfence.sel $0x180000  }
0x30e: {  	[bflag:$0x0] =	sbarrier.arrive $0xFFFF  }
0x30f: {  	_ =	strace $0x9000004A  }
0x310: {  	s0 =	stileid.u32;
	[bflag:$0x2] =	sbarrier.arrive $0xFFFF  }
0x311: {  	p0 =	sne.s32 s0, $0x0;
	s0 =	rddreg [dreg:$0x2]  }
0x312: {  	s0 =	sadd.s32 @!p0 $0x100000, s0  }
0x313: {  	[sflag:s0] =	ssyncadd.tile.s32 @!p0 $0x1;
	_ =	shalt  }
.Lfunc_end2:
_tile_overlayer_lowered:
.L_overlay_start_2:
0x314: {  	(tag) =	ssettag $0x2  }
0x315: {  	s0 =	rddreg [dreg:$0x0];
	s2 =	stileid.u32  }
0x316: {  	s1 =	rddreg [dreg:$0x1];
	p0 =	sne.s32 s2, $0x0  }
0x317: {  	s3 =	rddreg [dreg:$0x2];
	[bflag:$0x3] =	sbarrier.arrive $0xFFFF;
	s2 =	simm.s32 @!p0 $0x1C03  }
0x318: {  	[timem:s3], [sflag:s2] =	dma.local @!p0 [hbm:s0], s1  }
0x319: {  	s0 =	simm.s32 @!p0 $0x3  }
0x31a: {  	_ =	swait.ge @!p0 [sflag:s0], s1  }
0x31b: {  	s1 =	ssub.s32 @!p0 $0x0, s1;
	[sflag:s0] =	ssyncset.done @!p0 $0x0  }
0x31c: {  	[sflag:s0] =	ssyncadd.s32 @!p0 s1  }
0x31d: {  	[bflag:$0x3] =	sbarrier.arrive $0xFFFF  }
0x31e: {  	_ =	shalt  }

// kernel: kernel.14.cloned.1.call-start
scs
__scs_entry_jumppad:
0x0: {  	(pc) =	sbr.rel $0x88, $3  }
0x1: {  	(tag) =	ssettag $0x0;
	lr =	simm.s32 $0x1  }
0x2: {  	[smem:$0x3F98] =	sst lr;
	_ =	strace $0xD0000000  }
0x3: {  	_ = 	snop  }
0x4: {  	_ = 	snop  }
0x5: {  	_ = 	snop  }
0x6: {  	_ = 	snop  }
0x7: {  	_ = 	snop  }
__scs_overlays_trampoline_lowered:
0x8: {  	[smem:$0x3FA7] =	sst s0  }
0x9: {  	[smem:$0x3FA8] =	sst s1  }
0xa: {  	[smem:$0x3FA9] =	sst s2  }
0xb: {  	[smem:$0x3FAA] =	sst s3  }
0xc: {  	[smem:$0x3FAB] =	sst s4  }
0xd: {  	[smem:$0x3FAC] =	sst s5  }
0xe: {  	[smem:$0x3FAD] =	sst s6  }
0xf: {  	[smem:$0x3FAE] =	sst s7  }
0x10: {  	[smem:$0x3FAF] =	sst s8  }
0x11: {  	[smem:$0x3FB0] =	sst s9;
	s0 =	simm.s32 @!p0 $0x0  }
0x12: {  	s1 =	sld [smem:$0x3F96];
	s0 =	simm.s32 @p0 $0x1  }
0x13: {  	[smem:$0x3FB1] =	sst s0;
	s0 =	simm.s32 @!p1 $0x0  }
0x14: {  	s2 =	sld [smem:$0x3F95];
	s0 =	simm.s32 @p1 $0x1  }
0x15: {  	[smem:$0x3FB2] =	sst s0;
	s0 =	simm.s32 @!p2 $0x0  }
0x16: {  	s3 =	sld [smem:$0x3FDB];
	s0 =	simm.s32 @p2 $0x1  }
0x17: {  	s4 =	simm.s32 $0x1BF5;
	[smem:$0x3FB4] =	sst s0  }
0x18: {  	s0 =	sld [smem:$0x3F97];
	_ =	swait.ge [sflag:s4], $0x0  }
0x19: {  	s7 =	sld [smem:$0x3F98]  }
0x1a: {  	s8 =	sadd.s32 $0xFFFFE003, lr  }
0x1b: {  	s9 =	sadd.s32 $0xFFFFFEF7, lr;
	s5 =	simm.s32 $0xFFFFFFFF;
	p2 =	slt.u32 s8, $0xFFFFF086  }
0x1c: {  	p1 =	slt.u32 s9, $0xF7A;
	s5 =	simm.s32 @!p2 $0x0  }
0x1d: {  	s5 =	simm.s32 @p1 $0x1;
	p0 =	seq.s32 s7, s2  }
0x1e: {  	s7 =	smul.u32 @!p0 $0xF7A, s2;
	p2 =	seq.s32 @!p0 s5, $0x0  }
0x1f: {  	s9 =	smul.u32 $0xF7A, s1;
	s8 =	simm.s32 @!p0 $0x1BF5;
	p2 =	por !p2, p0  }
0x20: {  	[sflag:s8] =	ssyncset.s32 @!p0 $0xFFFFF086;
	s6 =	sadd.s32 @!p0 s3, s7;
	s7 =	simm.s32 @!p0 $0x108  }
0x21: {  	s3 =	sadd.s32 s3, s9;
	s6 =	sadd.s32 @!p0 $0x88, s6;
	s7 =	simm.s32 @p2 $0x1082  }
0x22: {  	[simem:s7], [sflag:s8] =	dma.local @!p0 [hbm:s6], $0xF7A  }
0x23: {  	s9 =	sor.u32 $0xD0000000, s2;
	s6 =	simm.s32 $0x108;
	_ =	swait.ge @!p0 [sflag:s8], $0x0  }
0x24: {  	s3 =	sadd.s32 $0x88, s3;
	s6 =	simm.s32 @!p1 $0x1082;
	[sflag:s4] =	ssyncset.s32 $0xFFFFF086  }
0x25: {  	[simem:s6], [sflag:s4] =	dma.local [hbm:s3], $0xF7A  }
0x26: {  	[smem:$0x3F98] =	sst s1;
	(tag) =	ssettag s2;
	_ =	strace s9  }
0x27: {  	s1 =	sld [smem:$0x3FA8]  }
0x28: {  	s2 =	sld [smem:$0x3FA9]  }
0x29: {  	s4 =	sld [smem:$0x3FAB]  }
0x2a: {  	p0 =	seq.s32 s5, $0x0;
	s5 =	sld [smem:$0x3FAC]  }
0x2b: {  	s6 =	sld [smem:$0x3FAD]  }
0x2c: {  	s7 =	sld [smem:$0x3FAE]  }
0x2d: {  	s3 =	simm.s32 $0x108;
	s8 =	sld [smem:$0x3FAF]  }
0x2e: {  	s3 =	simm.s32 @!p0 $0x1082;
	s9 =	sld [smem:$0x3FB0]  }
0x2f: {  	lr =	sadd.s32 s0, s3;
	s0 =	sld [smem:$0x3FA7]  }
0x30: {  	s3 =	sld [smem:$0x3FAA]  }
0x31: {  	[smem:$0x3FB3] =	sst s10  }
0x32: {  	s10 =	sld [smem:$0x3FB1];
	_ =	sdelay $0x3  }
0x33: {  	p0 =	seq.s32 s10, $0x1;
	s10 =	sld [smem:$0x3FB3];
	_ =	sdelay $0x3  }
0x34: {  	[smem:$0x3FB3] =	sst s10  }
0x35: {  	s10 =	sld [smem:$0x3FB2];
	_ =	sdelay $0x3  }
0x36: {  	p1 =	seq.s32 s10, $0x1;
	s10 =	sld [smem:$0x3FB3];
	_ =	sdelay $0x3  }
0x37: {  	[smem:$0x3FB3] =	sst s10  }
0x38: {  	s10 =	sld [smem:$0x3FB4]  }
0x39: {  	_ = 	snop;
	(pc) =	sbr.ind lr, $3  }
0x3a: {  	_ = 	snop  }
0x3b: {  	_ = 	snop  }
0x3c: {  	p2 =	seq.s32 s10, $0x1;
	s10 =	sld [smem:$0x3FB3]  }
0x3d: {  	_ =	shalt  }
0x3e: {  	_ =	shalt  }
0x3f: {  	_ =	shalt  }
0x40: {  	_ =	shalt  }
0x41: {  	_ =	shalt  }
0x42: {  	_ =	shalt  }
0x43: {  	_ =	shalt  }
0x44: {  	_ =	shalt  }
0x45: {  	_ =	shalt  }
0x46: {  	_ =	shalt  }
0x47: {  	_ =	shalt  }
0x48: {  	_ =	shalt  }
0x49: {  	_ =	shalt  }
0x4a: {  	_ =	shalt  }
0x4b: {  	_ =	shalt  }
0x4c: {  	_ =	shalt  }
0x4d: {  	_ =	shalt  }
0x4e: {  	_ =	shalt  }
0x4f: {  	_ =	shalt  }
0x50: {  	_ =	shalt  }
0x51: {  	_ =	shalt  }
0x52: {  	_ =	shalt  }
0x53: {  	_ =	shalt  }
0x54: {  	_ =	shalt  }
0x55: {  	_ =	shalt  }
0x56: {  	_ =	shalt  }
0x57: {  	_ =	shalt  }
0x58: {  	_ =	shalt  }
0x59: {  	_ =	shalt  }
0x5a: {  	_ =	shalt  }
0x5b: {  	_ =	shalt  }
0x5c: {  	_ =	shalt  }
0x5d: {  	_ =	shalt  }
0x5e: {  	_ =	shalt  }
0x5f: {  	_ =	shalt  }
0x60: {  	_ =	shalt  }
0x61: {  	_ =	shalt  }
0x62: {  	_ =	shalt  }
0x63: {  	_ =	shalt  }
0x64: {  	_ =	shalt  }
0x65: {  	_ =	shalt  }
0x66: {  	_ =	shalt  }
0x67: {  	_ =	shalt  }
0x68: {  	_ =	shalt  }
0x69: {  	_ =	shalt  }
0x6a: {  	_ =	shalt  }
0x6b: {  	_ =	shalt  }
0x6c: {  	_ =	shalt  }
0x6d: {  	_ =	shalt  }
0x6e: {  	_ =	shalt  }
0x6f: {  	_ =	shalt  }
0x70: {  	_ =	shalt  }
0x71: {  	_ =	shalt  }
0x72: {  	_ =	shalt  }
0x73: {  	_ =	shalt  }
0x74: {  	_ =	shalt  }
0x75: {  	_ =	shalt  }
0x76: {  	_ =	shalt  }
0x77: {  	_ =	shalt  }
0x78: {  	_ =	shalt  }
0x79: {  	_ =	shalt  }
0x7a: {  	_ =	shalt  }
0x7b: {  	_ =	shalt  }
0x7c: {  	_ =	shalt  }
0x7d: {  	_ =	shalt  }
0x7e: {  	_ =	shalt  }
0x7f: {  	_ =	shalt  }
0x80: {  	_ =	shalt  }
0x81: {  	_ =	shalt  }
0x82: {  	_ =	shalt  }
0x83: {  	_ =	shalt  }
0x84: {  	_ =	shalt  }
0x85: {  	_ =	shalt  }
0x86: {  	_ =	shalt  }
0x87: {  	_ =	shalt  }
.Lfunc_end0:
.L_simem_size_0:
called_computation.2_lowered:
.L_overlay_start_0:
0x88: {  	s2 =	sld [smem:$0x3FD9]  }
0x89: {  	s3 =	sld [smem:$0x3FFE];
	_ =	sdelay $0x1  }
0x8a: {  	s1 =	srdreg.scid  }
0x8b: {  	s0 =	sand.u32 $0x1, s1  }
0x8c: {  	s16 =	sshll.u32 s0, $0xA;
	s2 =	sadd.s32 s3, s2  }
0x8d: {  	s2 =	sadd.s32 s2, s16  }
0x8e: {  	[smem:$0x3FBF] =	sst s2  }
0x8f: {  	_ = 	snop  }
0x90: {  	(tm) =	ssettm $0x1  }
0x91: {  	s17 =	sld [smem:$0x3FFB];
	_ =	sdelay $0x3  }
0x92: {  	_ =	strace s17  }
0x93: {  	s2 =	sld [smem:$0x3FFC];
	_ =	sdelay $0x3  }
0x94: {  	_ =	strace s2  }
0x95: {  	s2 =	sld [smem:$0x3FFD];
	_ =	sdelay $0x3  }
0x96: {  	_ =	strace s2  }
0x97: {  	_ =	strace $0x8FFFFFFF  }
0x98: {  	s18 =	sld [smem:$0x3FDB];
	_ =	sdelay $0x1  }
0x99: {  	s19 =	simm.s32 $_scs_section_size  }
0x9a: {  	s4 =	simm.s32 $_size__tile_overlayer_lowered;
	s5 =	simm.s32 $_tile_overlayer_lowered  }
0x9b: {  	s22 =	simm.s32 $0x1BFF;
	s21 =	sshll.u32 s5, $0x1;
	s2 =	sadd.s32 s19, s18  }
0x9c: {  	s6 =	simm.s32 $0x0;
	s20 =	sshll.u32 s4, $0x1;
	s4 =	sadd.s32 s21, s2  }
0x9d: {  	[timem:s6], [sflag:s22] =	dma.local [hbm:s4], s20  }
0x9e: {  	_ =	swait.ge [sflag:s22], s20  }
0x9f: {  	s3 =	ssub.s32 $0x0, s20;
	[sflag:s22] =	ssyncset.done $0x0  }
0xa0: {  	[sflag:s22] =	ssyncadd.s32 s3;
	_ =	sdelay $0x1  }
0xa1: {  	s23 =	simm.s32 $0x1B8B  }
0xa2: {  	_ =	swait.ge [sflag:s23], $0x1  }
0xa3: {  	[sflag:s23] =	ssyncset.done $0x0  }
0xa4: {  	s25 =	simm.s32 $0x1B8E;
	s24 =	sld [smem:$0x3FFE];
	[sflag:s23] =	ssyncadd.s32 $0xFFFFFFFF  }
0xa5: {  	s26 =	simm.s32 $execute0_lowered;
	[smem:$0x3FD2] =	sst s25  }
0xa6: {  	s4 =	sshll.u32 s26, $0x1;
	_ =	strace $0x8000004C;
	[dreg:$0x1] =	wrdreg $0xFFFFFFFF  }
0xa7: {  	s28 =	simm.s32 $_size_execute0_lowered;
	s2 =	sadd.s32 s2, s4;
	[dreg:$0x0] =	wrdreg $0x0  }
0xa8: {  	s4 =	sshll.u32 s28, $0x1;
	[dreg:$0x2] =	wrdreg s2  }
0xa9: {  	[dreg:$0x3] =	wrdreg s4  }
0xaa: {  	[dreg:$0x4] =	wrdreg $0xC0  }
0xab: {  	_ =	task [dreg:s6], $0x5FFFF  }
0xac: {  	[dreg:$0x1] =	wrdreg $0xFFFFFFFF  }
0xad: {  	[dreg:$0x0] =	wrdreg $0x60  }
0xae: {  	[dreg:$0x2] =	wrdreg s24  }
0xaf: {  	[dreg:$0x3] =	wrdreg $0x90000  }
0xb0: {  	[dreg:$0x4] =	wrdreg $0x9  }
0xb1: {  	_ =	task.clear_ibuf [dreg:s6], $0x5FFFF;
	_ =	strace $0x9000004C  }
0xb2: {  	s29 =	simm.s32 $0x9;
	_ =	strace $0x8000004E  }
0xb3: {  	_ =	swait.ge [sflag:s29], $0x1  }
0xb4: {  	[sflag:s29] =	ssyncadd.s32 $0xFFFFFFFF  }
0xb5: {  	_ =	strace $0x9000004E  }
0xb6: {  	_ =	sfence  }
0xb7: {  	s30 =	sld [smem:$0x0];
	_ =	sdelay $0x2  }
0xb8: {  	s31 =	sshll.u32 s1, $0xD;
	s1 =	sshrl.u32 s1, $0x2  }
0xb9: {  	s3 =	sand.u32 $0x4000, s31;
	s1 =	sadd.s32 s1, s30  }
0xba: {  	s0 =	sor.u32 s3, s0;
	s1 =	sshll.u32 s1, $0x11  }
0xbb: {  	s0 =	sor.u32 s1, s0  }
0xbc: {  	s0 =	sadd.s32 $0x8F2B, s0  }
0xbd: {  	[sflag:s0] =	ssyncadd.remote.s32 $0x1  }
0xbe: {  	_ =	sfence.sel $0xFFFF  }
0xbf: {  	[dreg:$0x0] =	wrdreg $0xFFFFFFFF;
	(pc) =	sbr.abs _section_cstart, $3  }
0xc0: {  	[dreg:$0x1] =	wrdreg $0xFFFFFFFF  }
0xc1: {  	_ =	task.clear_ibuf [dreg:s6], $0x2FFFF;
	_ =	strace $0x9FFFFFFF  }
0xc2: {  	(tm) =	ssettm $0x7FFFFFFF  }
0xc3: {  	_ =	shalt  }
tec
execute0_lowered:
.L_overlay_start_1:
0x0: {  	(tag) =	ssettag $0x1  }
0x1: {  	s0 =	rddreg [dreg:$0x0]  }
0x2: {  	s1 =	rddreg [dreg:$0x1];
	s10 =	stileid.u32  }
0x3: {  	s2 =	srdreg.scid;
	s6 =	smul.u32 $0x14000, s10  }
0x4: {  	s3 =	simm.s32 $0x0;
	s2 =	sand.u32 $0x1, s2;
	s11 =	smul.u32 $0x50000, s10  }
0x5: {  	s28 =	simm.s32 $0x1;
	[smem:$0x7FF] =	sst s3;
	s5 =	smul.u32 $0x140000, s2  }
0x6: {  	s4 =	sadd.s32 $0x16A00, s0;
	s9 =	sshll.u32 s2, $0x4;
	s2 =	ssub.s32 $0x2, s2  }
0x7: {  	s12 =	sshrl.u32 s2, $0x1;
	s5 =	sadd.s32 s6, s5;
	s6 =	sshrl.u32 s11, $0x2  }
0x8: {  	s7 =	sadd.s32 $0x2A00, s0;
	s2 =	ssub.s32 s2, s12;
	s11 =	sadd.s32 s6, s1  }
0x9: {  	_ =	strace $0x8000004D;
	s31 =	smax.u32 s2, $0x1;
	[dreg:$0x3] =	wrdreg s11  }
0xa: {  	s9 =	sor.u32 s10, s9;
	s14 =	sadd.s32 $0x4000, s11;
	[dreg:$0x13] =	wrdreg s31  }
0xb: {  	s13 =	smul.u32 $0x2800, s9;
	s15 =	sadd.s32 $0x8000, s11;
	[dreg:$0x4] =	wrdreg s14  }
0xc: {  	s8 =	sadd.s32 $0xCA00, s0;
	s16 =	sadd.s32 $0xC000, s11;
	[dreg:$0x5] =	wrdreg s15  }
0xd: {  	s17 =	sshrl.u32 s13, $0x3;
	s18 =	sadd.s32 $0x10000, s11;
	[dreg:$0x6] =	wrdreg s16  }
0xe: {  	s5 =	sshrl.u32 s5, $0x3;
	[dreg:$0x7] =	wrdreg s18;
	s19 =	sadd.s32 s7, s17  }
0xf: {  	s0 =	sadd.s32 s5, s0;
	s21 =	sadd.s32 s8, s17;
	[dreg:$0x8] =	wrdreg s19  }
0x10: {  	s20 =	sadd.s32 $0x100, s17;
	s0 =	sadd.s32 $0x3EA00, s0;
	[dreg:$0x9] =	wrdreg s21  }
0x11: {  	s30 =	simm.s32 $0x2;
	s22 =	sadd.s32 s7, s20;
	[dreg:$0x12] =	wrdreg s0  }
0x12: {  	s23 =	sadd.s32 $0x200, s17;
	s6 =	sadd.s32 s8, s20;
	[dreg:$0xa] =	wrdreg s22  }
0x13: {  	s10 =	simm.s32 $0x0;
	s24 =	sadd.s32 s7, s23;
	[dreg:$0xb] =	wrdreg s6  }
0x14: {  	s25 =	sadd.s32 $0x300, s17;
	s9 =	sadd.s32 s8, s23;
	[dreg:$0xc] =	wrdreg s24  }
0x15: {  	s5 =	sadd.s32 $0x400, s17;
	s26 =	sadd.s32 s7, s25;
	[dreg:$0xd] =	wrdreg s9  }
0x16: {  	s29 =	sadd.s32 s7, s5;
	s5 =	sadd.s32 s8, s5;
	[dreg:$0xe] =	wrdreg s26  }
0x17: {  	s23 =	simm.s32 $0x3;
	s6 =	sadd.s32 s8, s25;
	[dreg:$0x10] =	wrdreg s29  }
0x18: {  	[dreg:$0x11] =	wrdreg s5;
	s22 =	simm.s32 $0x1000;
	s25 =	simm.s32 $0x80  }
0x19: {  	v0 =	vimm.f32 $0.0e+00;
	s26 =	simm.s32 $0x5000;
	s8 =	simm.s32 $0x780;
	[dreg:$0xf] =	wrdreg s6  }
.LBB2_1:
0x1a: {  	s11 =	simm.s32 $0x0;
	s12 =	simm.s32 $0x200  }
.LBB2_2:
0x1b: {  	p0 =	sne.s32 s12, $0xFE00;
	[tilespmem:s11+$0x1070] =	vst v0  }
0x1c: {  	[tilespmem:s11+$0x1000] =	vst v0  }
0x1d: {  	[tilespmem:s11+$0x1010] =	vst v0  }
.Ltmp0:
0x1e: {  	[tilespmem:s11+$0x1020] =	vst v0;
	(pc) =	sbr.rel @p0 .LBB2_2-.Ltmp0, $4  }
0x1f: {  	[tilespmem:s11+$0x1030] =	vst v0  }
0x20: {  	[tilespmem:s11+$0x1040] =	vst v0  }
0x21: {  	[tilespmem:s11+$0x1050] =	vst v0  }
0x22: {  	[tilespmem:s11+$0x1060] =	vst v0;
	s11 =	sshra.s32 s12, $0x2;
	s12 =	sadd.s32 $0x200, s12  }
0x23: {  	[tilespmem:s11+$0x1070] =	vst v0  }
0x24: {  	[tilespmem:s11+$0x1000] =	vst v0  }
0x25: {  	[tilespmem:s11+$0x1010] =	vst v0  }
0x26: {  	[tilespmem:s11+$0x1020] =	vst v0  }
0x27: {  	[tilespmem:s11+$0x1030] =	vst v0  }
0x28: {  	[tilespmem:s11+$0x1040] =	vst v0  }
0x29: {  	[tilespmem:s11+$0x1050] =	vst v0  }
0x2a: {  	[tilespmem:s11+$0x1060] =	vst v0;
	s0 =	rddreg [dreg:$0x3]  }
0x2b: {  	[spmem:s0] =	stream.linear.scatter [tilespmem:s22], [sflag:$0x3], $0x4000, $0x38;
	[tilespmem:$0x1D000] =	vst v63  }
0x2c: {  	_ =	swait.ge [sflag:s23], $0x4000  }
0x2d: {  	[sflag:s23] =	ssyncset.done $0x0  }
0x2e: {  	s17 =	rddreg [dreg:$0x4];
	[sflag:s23] =	ssyncadd.s32 $0xFFFFC000  }
0x2f: {  	[spmem:s17] =	stream.linear.scatter [tilespmem:s22], [sflag:$0x3], $0x4000, $0x38;
	[tilespmem:$0x1D000] =	vst v63  }
0x30: {  	_ =	swait.ge [sflag:s23], $0x4000  }
0x31: {  	[sflag:s23] =	ssyncset.done $0x0  }
0x32: {  	s18 =	rddreg [dreg:$0x5];
	[sflag:s23] =	ssyncadd.s32 $0xFFFFC000  }
0x33: {  	[spmem:s18] =	stream.linear.scatter [tilespmem:s22], [sflag:$0x3], $0x4000, $0x38;
	[tilespmem:$0x1D000] =	vst v63  }
0x34: {  	_ =	swait.ge [sflag:s23], $0x4000  }
0x35: {  	[sflag:s23] =	ssyncset.done $0x0  }
0x36: {  	s19 =	rddreg [dreg:$0x6];
	[sflag:s23] =	ssyncadd.s32 $0xFFFFC000  }
0x37: {  	[spmem:s19] =	stream.linear.scatter [tilespmem:s22], [sflag:$0x3], $0x4000, $0x38;
	[tilespmem:$0x1D000] =	vst v63  }
0x38: {  	_ =	swait.ge [sflag:s23], $0x4000  }
0x39: {  	[sflag:s23] =	ssyncset.done $0x0  }
0x3a: {  	s20 =	rddreg [dreg:$0x7];
	[sflag:s23] =	ssyncadd.s32 $0xFFFFC000  }
0x3b: {  	[spmem:s20] =	stream.linear.scatter [tilespmem:s22], [sflag:$0x3], $0x4000, $0x38;
	[tilespmem:$0x1D000] =	vst v63  }
0x3c: {  	_ =	swait.ge [sflag:s23], $0x4000  }
0x3d: {  	[sflag:s23] =	ssyncset.done $0x0  }
0x3e: {  	[sflag:s23] =	ssyncadd.s32 $0xFFFFC000  }
0x3f: {  	[bflag:$0x0] =	sbarrier.arrive $0xFFFF  }
0x40: {  	s21 =	rddreg [dreg:$0x8]  }
0x41: {  	[tilespmem:s3], [sflag:$0x3] =	stream.linear.gather [hbm4b:s21+s3], $0x800, $0x38;
	[tilespmem:$0x1D000] =	vst v63  }
0x42: {  	_ =	swait.ge [sflag:s23], $0x800  }
0x43: {  	[sflag:s23] =	ssyncset.done $0x0  }
0x44: {  	s2 =	simm.s32 $0x800;
	s24 =	rddreg [dreg:$0x9];
	[sflag:s23] =	ssyncadd.s32 $0xFFFFF800  }
0x45: {  	[tilespmem:s2], [sflag:$0x3] =	stream.linear.gather [hbm4b:s24+s3], $0x800, $0x38;
	[tilespmem:$0x1D000] =	vst v63  }
0x46: {  	_ =	swait.ge [sflag:s23], $0x800  }
0x47: {  	[sflag:s23] =	ssyncset.done $0x0  }
0x48: {  	[sflag:s23] =	ssyncadd.s32 $0xFFFFF800  }
0x49: {  	[tilespmem:s22], [sflag:$0x1] =	stream.indirect.gather [hbm4b:s4+s25], $0x80, s3, s25, $0xb8;
	[tilespmem:$0x1D000] =	vst v63  }
0x4a: {  	_ = 	snop  }
0x4b: {  	[tilespmem:s26], [sflag:$0x2] =	stream.indirect.gather [hbm4b:s4+s25], $0x80, s25, s25, $0xb8;
	[tilespmem:$0x1D000] =	vst v63  }
0x4c: {  	_ =	swait.ge [sflag:s28], $0x4000  }
0x4d: {  	[sflag:s28] =	ssyncset.done $0x0  }
0x4e: {  	[sflag:s28] =	ssyncadd.s32 $0xFFFFC000  }
0x4f: {  	[spmem:s1] =	stream.indirect.scatter.add.f32 [tilespmem:s22], [sflag:$0x3], $0x80, s2, s25, $0xb8;
	[tilespmem:$0x1D000] =	vst v63  }
0x50: {  	_ =	swait.ge [sflag:s23], $0x4000  }
0x51: {  	[sflag:s23] =	ssyncset.done $0x0  }
0x52: {  	s29 =	simm.s32 $0x100;
	[sflag:s23] =	ssyncadd.s32 $0xFFFFC000  }
0x53: {  	[tilespmem:s22], [sflag:$0x1] =	stream.indirect.gather [hbm4b:s4+s25], $0x80, s29, s25, $0xb8;
	[tilespmem:$0x1D000] =	vst v63  }
0x54: {  	_ =	swait.ge [sflag:s30], $0x4000  }
0x55: {  	[sflag:s30] =	ssyncset.done $0x0  }
0x56: {  	s31 =	simm.s32 $0x880;
	[sflag:s30] =	ssyncadd.s32 $0xFFFFC000  }
0x57: {  	[spmem:s1] =	stream.indirect.scatter.add.f32 [tilespmem:s26], [sflag:$0x3], $0x80, s31, s25, $0xb8;
	[tilespmem:$0x1D000] =	vst v63  }
0x58: {  	_ =	swait.ge [sflag:s23], $0x4000  }
0x59: {  	[sflag:s23] =	ssyncset.done $0x0  }
0x5a: {  	s5 =	simm.s32 $0x180;
	[sflag:s23] =	ssyncadd.s32 $0xFFFFC000  }
0x5b: {  	[tilespmem:s26], [sflag:$0x2] =	stream.indirect.gather [hbm4b:s4+s25], $0x80, s5, s25, $0xb8;
	[tilespmem:$0x1D000] =	vst v63  }
0x5c: {  	_ =	swait.ge [sflag:s28], $0x4000  }
0x5d: {  	[sflag:s28] =	ssyncset.done $0x0  }
0x5e: {  	s6 =	simm.s32 $0x900;
	[sflag:s28] =	ssyncadd.s32 $0xFFFFC000  }
0x5f: {  	[spmem:s1] =	stream.indirect.scatter.add.f32 [tilespmem:s22], [sflag:$0x3], $0x80, s6, s25, $0xb8;
	[tilespmem:$0x1D000] =	vst v63  }
0x60: {  	_ =	swait.ge [sflag:s23], $0x4000  }
0x61: {  	[sflag:s23] =	ssyncset.done $0x0  }
0x62: {  	s7 =	simm.s32 $0x200;
	[sflag:s23] =	ssyncadd.s32 $0xFFFFC000  }
0x63: {  	[tilespmem:s22], [sflag:$0x1] =	stream.indirect.gather [hbm4b:s4+s25], $0x80, s7, s25, $0xb8;
	[tilespmem:$0x1D000] =	vst v63  }
0x64: {  	_ =	swait.ge [sflag:s30], $0x4000  }
0x65: {  	[sflag:s30] =	ssyncset.done $0x0  }
0x66: {  	s9 =	simm.s32 $0x980;
	[sflag:s30] =	ssyncadd.s32 $0xFFFFC000  }
0x67: {  	[spmem:s1] =	stream.indirect.scatter.add.f32 [tilespmem:s26], [sflag:$0x3], $0x80, s9, s25, $0xb8;
	[tilespmem:$0x1D000] =	vst v63  }
0x68: {  	_ =	swait.ge [sflag:s23], $0x4000  }
0x69: {  	[sflag:s23] =	ssyncset.done $0x0  }
0x6a: {  	s11 =	simm.s32 $0x280;
	[sflag:s23] =	ssyncadd.s32 $0xFFFFC000  }
0x6b: {  	[tilespmem:s26], [sflag:$0x2] =	stream.indirect.gather [hbm4b:s4+s25], $0x80, s11, s25, $0xb8;
	[tilespmem:$0x1D000] =	vst v63  }
0x6c: {  	_ =	swait.ge [sflag:s28], $0x4000  }
0x6d: {  	[sflag:s28] =	ssyncset.done $0x0  }
0x6e: {  	s12 =	simm.s32 $0xA00;
	[sflag:s28] =	ssyncadd.s32 $0xFFFFC000  }
0x6f: {  	[spmem:s1] =	stream.indirect.scatter.add.f32 [tilespmem:s22], [sflag:$0x3], $0x80, s12, s25, $0xb8;
	[tilespmem:$0x1D000] =	vst v63  }
0x70: {  	_ =	swait.ge [sflag:s23], $0x4000  }
0x71: {  	[sflag:s23] =	ssyncset.done $0x0  }
0x72: {  	s13 =	simm.s32 $0x300;
	[sflag:s23] =	ssyncadd.s32 $0xFFFFC000  }
0x73: {  	[tilespmem:s22], [sflag:$0x1] =	stream.indirect.gather [hbm4b:s4+s25], $0x80, s13, s25, $0xb8;
	[tilespmem:$0x1D000] =	vst v63  }
0x74: {  	_ =	swait.ge [sflag:s30], $0x4000  }
0x75: {  	[sflag:s30] =	ssyncset.done $0x0  }
0x76: {  	s14 =	simm.s32 $0xA80;
	[sflag:s30] =	ssyncadd.s32 $0xFFFFC000  }
0x77: {  	[spmem:s1] =	stream.indirect.scatter.add.f32 [tilespmem:s26], [sflag:$0x3], $0x80, s14, s25, $0xb8;
	[tilespmem:$0x1D000] =	vst v63  }
0x78: {  	_ =	swait.ge [sflag:s23], $0x4000  }
0x79: {  	[sflag:s23] =	ssyncset.done $0x0  }
0x7a: {  	s15 =	simm.s32 $0x380;
	[sflag:s23] =	ssyncadd.s32 $0xFFFFC000  }
0x7b: {  	[tilespmem:s26], [sflag:$0x2] =	stream.indirect.gather [hbm4b:s4+s25], $0x80, s15, s25, $0xb8;
	[tilespmem:$0x1D000] =	vst v63  }
0x7c: {  	_ =	swait.ge [sflag:s28], $0x4000  }
0x7d: {  	[sflag:s28] =	ssyncset.done $0x0  }
0x7e: {  	s20 =	simm.s32 $0xB00;
	[sflag:s28] =	ssyncadd.s32 $0xFFFFC000  }
0x7f: {  	[spmem:s1] =	stream.indirect.scatter.add.f32 [tilespmem:s22], [sflag:$0x3], $0x80, s20, s25, $0xb8;
	[tilespmem:$0x1D000] =	vst v63  }
0x80: {  	_ =	swait.ge [sflag:s23], $0x4000  }
0x81: {  	[sflag:s23] =	ssyncset.done $0x0  }
0x82: {  	s21 =	simm.s32 $0x400;
	[sflag:s23] =	ssyncadd.s32 $0xFFFFC000  }
0x83: {  	[tilespmem:s22], [sflag:$0x1] =	stream.indirect.gather [hbm4b:s4+s25], $0x80, s21, s25, $0xb8;
	[tilespmem:$0x1D000] =	vst v63  }
0x84: {  	_ =	swait.ge [sflag:s30], $0x4000  }
0x85: {  	[sflag:s30] =	ssyncset.done $0x0  }
0x86: {  	s29 =	simm.s32 $0xB80;
	[sflag:s30] =	ssyncadd.s32 $0xFFFFC000  }
0x87: {  	[spmem:s1] =	stream.indirect.scatter.add.f32 [tilespmem:s26], [sflag:$0x3], $0x80, s29, s25, $0xb8;
	[tilespmem:$0x1D000] =	vst v63  }
0x88: {  	_ =	swait.ge [sflag:s23], $0x4000  }
0x89: {  	[sflag:s23] =	ssyncset.done $0x0  }
0x8a: {  	s31 =	simm.s32 $0x480;
	[sflag:s23] =	ssyncadd.s32 $0xFFFFC000  }
0x8b: {  	[tilespmem:s26], [sflag:$0x2] =	stream.indirect.gather [hbm4b:s4+s25], $0x80, s31, s25, $0xb8;
	[tilespmem:$0x1D000] =	vst v63  }
0x8c: {  	_ =	swait.ge [sflag:s28], $0x4000  }
0x8d: {  	[sflag:s28] =	ssyncset.done $0x0  }
0x8e: {  	s5 =	simm.s32 $0xC00;
	[sflag:s28] =	ssyncadd.s32 $0xFFFFC000  }
0x8f: {  	[spmem:s1] =	stream.indirect.scatter.add.f32 [tilespmem:s22], [sflag:$0x3], $0x80, s5, s25, $0xb8;
	[tilespmem:$0x1D000] =	vst v63  }
0x90: {  	_ =	swait.ge [sflag:s23], $0x4000  }
0x91: {  	[sflag:s23] =	ssyncset.done $0x0  }
0x92: {  	s6 =	simm.s32 $0x500;
	[sflag:s23] =	ssyncadd.s32 $0xFFFFC000  }
0x93: {  	[tilespmem:s22], [sflag:$0x1] =	stream.indirect.gather [hbm4b:s4+s25], $0x80, s6, s25, $0xb8;
	[tilespmem:$0x1D000] =	vst v63  }
0x94: {  	_ =	swait.ge [sflag:s30], $0x4000  }
0x95: {  	[sflag:s30] =	ssyncset.done $0x0  }
0x96: {  	s7 =	simm.s32 $0xC80;
	[sflag:s30] =	ssyncadd.s32 $0xFFFFC000  }
0x97: {  	[spmem:s1] =	stream.indirect.scatter.add.f32 [tilespmem:s26], [sflag:$0x3], $0x80, s7, s25, $0xb8;
	[tilespmem:$0x1D000] =	vst v63  }
0x98: {  	_ =	swait.ge [sflag:s23], $0x4000  }
0x99: {  	[sflag:s23] =	ssyncset.done $0x0  }
0x9a: {  	s9 =	simm.s32 $0x580;
	[sflag:s23] =	ssyncadd.s32 $0xFFFFC000  }
0x9b: {  	[tilespmem:s26], [sflag:$0x2] =	stream.indirect.gather [hbm4b:s4+s25], $0x80, s9, s25, $0xb8;
	[tilespmem:$0x1D000] =	vst v63  }
0x9c: {  	_ =	swait.ge [sflag:s28], $0x4000  }
0x9d: {  	[sflag:s28] =	ssyncset.done $0x0  }
0x9e: {  	s12 =	simm.s32 $0xD00;
	[sflag:s28] =	ssyncadd.s32 $0xFFFFC000  }
0x9f: {  	[spmem:s1] =	stream.indirect.scatter.add.f32 [tilespmem:s22], [sflag:$0x3], $0x80, s12, s25, $0xb8;
	[tilespmem:$0x1D000] =	vst v63  }
0xa0: {  	_ =	swait.ge [sflag:s23], $0x4000  }
0xa1: {  	[sflag:s23] =	ssyncset.done $0x0  }
0xa2: {  	s13 =	simm.s32 $0x600;
	[sflag:s23] =	ssyncadd.s32 $0xFFFFC000  }
0xa3: {  	[tilespmem:s22], [sflag:$0x1] =	stream.indirect.gather [hbm4b:s4+s25], $0x80, s13, s25, $0xb8;
	[tilespmem:$0x1D000] =	vst v63  }
0xa4: {  	_ =	swait.ge [sflag:s30], $0x4000  }
0xa5: {  	[sflag:s30] =	ssyncset.done $0x0  }
0xa6: {  	s14 =	simm.s32 $0xD80;
	[sflag:s30] =	ssyncadd.s32 $0xFFFFC000  }
0xa7: {  	[spmem:s1] =	stream.indirect.scatter.add.f32 [tilespmem:s26], [sflag:$0x3], $0x80, s14, s25, $0xb8;
	[tilespmem:$0x1D000] =	vst v63  }
0xa8: {  	_ =	swait.ge [sflag:s23], $0x4000  }
0xa9: {  	[sflag:s23] =	ssyncset.done $0x0  }
0xaa: {  	s15 =	simm.s32 $0x680;
	[sflag:s23] =	ssyncadd.s32 $0xFFFFC000  }
0xab: {  	[tilespmem:s26], [sflag:$0x2] =	stream.indirect.gather [hbm4b:s4+s25], $0x80, s15, s25, $0xb8;
	[tilespmem:$0x1D000] =	vst v63  }
0xac: {  	_ =	swait.ge [sflag:s28], $0x4000  }
0xad: {  	[sflag:s28] =	ssyncset.done $0x0  }
0xae: {  	s21 =	simm.s32 $0xE00;
	[sflag:s28] =	ssyncadd.s32 $0xFFFFC000  }
0xaf: {  	[spmem:s1] =	stream.indirect.scatter.add.f32 [tilespmem:s22], [sflag:$0x3], $0x80, s21, s25, $0xb8;
	[tilespmem:$0x1D000] =	vst v63  }
0xb0: {  	_ =	swait.ge [sflag:s23], $0x4000  }
0xb1: {  	[sflag:s23] =	ssyncset.done $0x0  }
0xb2: {  	s29 =	simm.s32 $0x700;
	[sflag:s23] =	ssyncadd.s32 $0xFFFFC000  }
0xb3: {  	[tilespmem:s22], [sflag:$0x1] =	stream.indirect.gather [hbm4b:s4+s25], $0x80, s29, s25, $0xb8;
	[tilespmem:$0x1D000] =	vst v63  }
0xb4: {  	_ =	swait.ge [sflag:s30], $0x4000  }
0xb5: {  	[sflag:s30] =	ssyncset.done $0x0  }
0xb6: {  	s31 =	simm.s32 $0xE80;
	[sflag:s30] =	ssyncadd.s32 $0xFFFFC000  }
0xb7: {  	[spmem:s1] =	stream.indirect.scatter.add.f32 [tilespmem:s26], [sflag:$0x3], $0x80, s31, s25, $0xb8;
	[tilespmem:$0x1D000] =	vst v63  }
0xb8: {  	_ =	swait.ge [sflag:s23], $0x4000  }
0xb9: {  	[sflag:s23] =	ssyncset.done $0x0  }
0xba: {  	[sflag:s23] =	ssyncadd.s32 $0xFFFFC000  }
0xbb: {  	[tilespmem:s26], [sflag:$0x2] =	stream.indirect.gather [hbm4b:s4+s25], $0x80, s8, s25, $0xb8;
	[tilespmem:$0x1D000] =	vst v63  }
0xbc: {  	_ =	swait.ge [sflag:s28], $0x4000  }
0xbd: {  	[sflag:s28] =	ssyncset.done $0x0  }
0xbe: {  	s0 =	simm.s32 $0xF00;
	[sflag:s28] =	ssyncadd.s32 $0xFFFFC000  }
0xbf: {  	[spmem:s1] =	stream.indirect.scatter.add.f32 [tilespmem:s22], [sflag:$0x3], $0x80, s0, s25, $0xb8;
	[tilespmem:$0x1D000] =	vst v63  }
0xc0: {  	_ =	swait.ge [sflag:s23], $0x4000  }
0xc1: {  	[sflag:s23] =	ssyncset.done $0x0  }
0xc2: {  	[sflag:s23] =	ssyncadd.s32 $0xFFFFC000  }
0xc3: {  	[tilespmem:s22], [sflag:$0x1] =	stream.indirect.gather [hbm4b:s4+s25], $0x80, s8, s25, $0xb8;
	[tilespmem:$0x1D000] =	vst v63  }
0xc4: {  	_ =	swait.ge [sflag:s30], $0x4000  }
0xc5: {  	[sflag:s30] =	ssyncset.done $0x0  }
0xc6: {  	s5 =	simm.s32 $0xF80;
	[sflag:s30] =	ssyncadd.s32 $0xFFFFC000  }
0xc7: {  	[spmem:s1] =	stream.indirect.scatter.add.f32 [tilespmem:s26], [sflag:$0x3], $0x80, s5, s25, $0xb8;
	[tilespmem:$0x1D000] =	vst v63  }
0xc8: {  	_ =	swait.ge [sflag:s23], $0x4000  }
0xc9: {  	[sflag:s23] =	ssyncset.done $0x0  }
0xca: {  	[sflag:s23] =	ssyncadd.s32 $0xFFFFC000  }
0xcb: {  	_ =	swait.ge [sflag:s28], $0x4000  }
0xcc: {  	[sflag:s28] =	ssyncset.done $0x0  }
0xcd: {  	s6 =	rddreg [dreg:$0xa];
	[sflag:s28] =	ssyncadd.s32 $0xFFFFC000  }
0xce: {  	[tilespmem:s3], [sflag:$0x3] =	stream.linear.gather [hbm4b:s6+s3], $0x800, $0x38;
	[tilespmem:$0x1D000] =	vst v63  }
0xcf: {  	_ =	swait.ge [sflag:s23], $0x800  }
0xd0: {  	[sflag:s23] =	ssyncset.done $0x0  }
0xd1: {  	s7 =	rddreg [dreg:$0xb];
	[sflag:s23] =	ssyncadd.s32 $0xFFFFF800  }
0xd2: {  	[tilespmem:s2], [sflag:$0x3] =	stream.linear.gather [hbm4b:s7+s3], $0x800, $0x38;
	[tilespmem:$0x1D000] =	vst v63  }
0xd3: {  	_ =	swait.ge [sflag:s23], $0x800  }
0xd4: {  	[sflag:s23] =	ssyncset.done $0x0  }
0xd5: {  	[sflag:s23] =	ssyncadd.s32 $0xFFFFF800  }
0xd6: {  	[tilespmem:s22], [sflag:$0x1] =	stream.indirect.gather [hbm4b:s4+s25], $0x80, s3, s25, $0xb8;
	[tilespmem:$0x1D000] =	vst v63  }
0xd7: {  	_ = 	snop  }
0xd8: {  	[tilespmem:s26], [sflag:$0x2] =	stream.indirect.gather [hbm4b:s4+s25], $0x80, s25, s25, $0xb8;
	[tilespmem:$0x1D000] =	vst v63  }
0xd9: {  	_ =	swait.ge [sflag:s28], $0x4000  }
0xda: {  	[sflag:s28] =	ssyncset.done $0x0  }
0xdb: {  	[sflag:s28] =	ssyncadd.s32 $0xFFFFC000  }
0xdc: {  	[spmem:s1] =	stream.indirect.scatter.add.f32 [tilespmem:s22], [sflag:$0x3], $0x80, s2, s25, $0xb8;
	[tilespmem:$0x1D000] =	vst v63  }
0xdd: {  	_ =	swait.ge [sflag:s23], $0x4000  }
0xde: {  	[sflag:s23] =	ssyncset.done $0x0  }
0xdf: {  	s17 =	simm.s32 $0x100;
	[sflag:s23] =	ssyncadd.s32 $0xFFFFC000  }
0xe0: {  	[tilespmem:s22], [sflag:$0x1] =	stream.indirect.gather [hbm4b:s4+s25], $0x80, s17, s25, $0xb8;
	[tilespmem:$0x1D000] =	vst v63  }
0xe1: {  	_ =	swait.ge [sflag:s30], $0x4000  }
0xe2: {  	[sflag:s30] =	ssyncset.done $0x0  }
0xe3: {  	s18 =	simm.s32 $0x880;
	[sflag:s30] =	ssyncadd.s32 $0xFFFFC000  }
0xe4: {  	[spmem:s1] =	stream.indirect.scatter.add.f32 [tilespmem:s26], [sflag:$0x3], $0x80, s18, s25, $0xb8;
	[tilespmem:$0x1D000] =	vst v63  }
0xe5: {  	_ =	swait.ge [sflag:s23], $0x4000  }
0xe6: {  	[sflag:s23] =	ssyncset.done $0x0  }
0xe7: {  	s19 =	simm.s32 $0x180;
	[sflag:s23] =	ssyncadd.s32 $0xFFFFC000  }
0xe8: {  	[tilespmem:s26], [sflag:$0x2] =	stream.indirect.gather [hbm4b:s4+s25], $0x80, s19, s25, $0xb8;
	[tilespmem:$0x1D000] =	vst v63  }
0xe9: {  	_ =	swait.ge [sflag:s28], $0x4000  }
0xea: {  	[sflag:s28] =	ssyncset.done $0x0  }
0xeb: {  	s24 =	simm.s32 $0x900;
	[sflag:s28] =	ssyncadd.s32 $0xFFFFC000  }
0xec: {  	[spmem:s1] =	stream.indirect.scatter.add.f32 [tilespmem:s22], [sflag:$0x3], $0x80, s24, s25, $0xb8;
	[tilespmem:$0x1D000] =	vst v63  }
0xed: {  	_ =	swait.ge [sflag:s23], $0x4000  }
0xee: {  	[sflag:s23] =	ssyncset.done $0x0  }
0xef: {  	s21 =	simm.s32 $0x200;
	[sflag:s23] =	ssyncadd.s32 $0xFFFFC000  }
0xf0: {  	[tilespmem:s22], [sflag:$0x1] =	stream.indirect.gather [hbm4b:s4+s25], $0x80, s21, s25, $0xb8;
	[tilespmem:$0x1D000] =	vst v63  }
0xf1: {  	_ =	swait.ge [sflag:s30], $0x4000  }
0xf2: {  	[sflag:s30] =	ssyncset.done $0x0  }
0xf3: {  	s29 =	simm.s32 $0x980;
	[sflag:s30] =	ssyncadd.s32 $0xFFFFC000  }
0xf4: {  	[spmem:s1] =	stream.indirect.scatter.add.f32 [tilespmem:s26], [sflag:$0x3], $0x80, s29, s25, $0xb8;
	[tilespmem:$0x1D000] =	vst v63  }
0xf5: {  	_ =	swait.ge [sflag:s23], $0x4000  }
0xf6: {  	[sflag:s23] =	ssyncset.done $0x0  }
0xf7: {  	s31 =	simm.s32 $0x280;
	[sflag:s23] =	ssyncadd.s32 $0xFFFFC000  }
0xf8: {  	[tilespmem:s26], [sflag:$0x2] =	stream.indirect.gather [hbm4b:s4+s25], $0x80, s31, s25, $0xb8;
	[tilespmem:$0x1D000] =	vst v63  }
0xf9: {  	_ =	swait.ge [sflag:s28], $0x4000  }
0xfa: {  	[sflag:s28] =	ssyncset.done $0x0  }
0xfb: {  	s0 =	simm.s32 $0xA00;
	[sflag:s28] =	ssyncadd.s32 $0xFFFFC000  }
0xfc: {  	[spmem:s1] =	stream.indirect.scatter.add.f32 [tilespmem:s22], [sflag:$0x3], $0x80, s0, s25, $0xb8;
	[tilespmem:$0x1D000] =	vst v63  }
0xfd: {  	_ =	swait.ge [sflag:s23], $0x4000  }
0xfe: {  	[sflag:s23] =	ssyncset.done $0x0  }
0xff: {  	s7 =	simm.s32 $0x300;
	[sflag:s23] =	ssyncadd.s32 $0xFFFFC000  }
0x100: {  	[tilespmem:s22], [sflag:$0x1] =	stream.indirect.gather [hbm4b:s4+s25], $0x80, s7, s25, $0xb8;
	[tilespmem:$0x1D000] =	vst v63  }
0x101: {  	_ =	swait.ge [sflag:s30], $0x4000  }
0x102: {  	[sflag:s30] =	ssyncset.done $0x0  }
0x103: {  	s16 =	simm.s32 $0xA80;
	[sflag:s30] =	ssyncadd.s32 $0xFFFFC000  }
0x104: {  	[spmem:s1] =	stream.indirect.scatter.add.f32 [tilespmem:s26], [sflag:$0x3], $0x80, s16, s25, $0xb8;
	[tilespmem:$0x1D000] =	vst v63  }
0x105: {  	_ =	swait.ge [sflag:s23], $0x4000  }
0x106: {  	[sflag:s23] =	ssyncset.done $0x0  }
0x107: {  	s5 =	simm.s32 $0x380;
	[sflag:s23] =	ssyncadd.s32 $0xFFFFC000  }
0x108: {  	[tilespmem:s26], [sflag:$0x2] =	stream.indirect.gather [hbm4b:s4+s25], $0x80, s5, s25, $0xb8;
	[tilespmem:$0x1D000] =	vst v63  }
0x109: {  	_ =	swait.ge [sflag:s28], $0x4000  }
0x10a: {  	[sflag:s28] =	ssyncset.done $0x0  }
0x10b: {  	s6 =	simm.s32 $0xB00;
	[sflag:s28] =	ssyncadd.s32 $0xFFFFC000  }
0x10c: {  	[spmem:s1] =	stream.indirect.scatter.add.f32 [tilespmem:s22], [sflag:$0x3], $0x80, s6, s25, $0xb8;
	[tilespmem:$0x1D000] =	vst v63  }
0x10d: {  	_ =	swait.ge [sflag:s23], $0x4000  }
0x10e: {  	[sflag:s23] =	ssyncset.done $0x0  }
0x10f: {  	s24 =	simm.s32 $0x400;
	[sflag:s23] =	ssyncadd.s32 $0xFFFFC000  }
0x110: {  	[tilespmem:s22], [sflag:$0x1] =	stream.indirect.gather [hbm4b:s4+s25], $0x80, s24, s25, $0xb8;
	[tilespmem:$0x1D000] =	vst v63  }
0x111: {  	_ =	swait.ge [sflag:s30], $0x4000  }
0x112: {  	[sflag:s30] =	ssyncset.done $0x0  }
0x113: {  	s16 =	simm.s32 $0xB80;
	[sflag:s30] =	ssyncadd.s32 $0xFFFFC000  }
0x114: {  	[spmem:s1] =	stream.indirect.scatter.add.f32 [tilespmem:s26], [sflag:$0x3], $0x80, s16, s25, $0xb8;
	[tilespmem:$0x1D000] =	vst v63  }
0x115: {  	_ =	swait.ge [sflag:s23], $0x4000  }
0x116: {  	[sflag:s23] =	ssyncset.done $0x0  }
0x117: {  	s17 =	simm.s32 $0x480;
	[sflag:s23] =	ssyncadd.s32 $0xFFFFC000  }
0x118: {  	[tilespmem:s26], [sflag:$0x2] =	stream.indirect.gather [hbm4b:s4+s25], $0x80, s17, s25, $0xb8;
	[tilespmem:$0x1D000] =	vst v63  }
0x119: {  	_ =	swait.ge [sflag:s28], $0x4000  }
0x11a: {  	[sflag:s28] =	ssyncset.done $0x0  }
0x11b: {  	s18 =	simm.s32 $0xC00;
	[sflag:s28] =	ssyncadd.s32 $0xFFFFC000  }
0x11c: {  	[spmem:s1] =	stream.indirect.scatter.add.f32 [tilespmem:s22], [sflag:$0x3], $0x80, s18, s25, $0xb8;
	[tilespmem:$0x1D000] =	vst v63  }
0x11d: {  	_ =	swait.ge [sflag:s23], $0x4000  }
0x11e: {  	[sflag:s23] =	ssyncset.done $0x0  }
0x11f: {  	s19 =	simm.s32 $0x500;
	[sflag:s23] =	ssyncadd.s32 $0xFFFFC000  }
0x120: {  	[tilespmem:s22], [sflag:$0x1] =	stream.indirect.gather [hbm4b:s4+s25], $0x80, s19, s25, $0xb8;
	[tilespmem:$0x1D000] =	vst v63  }
0x121: {  	_ =	swait.ge [sflag:s30], $0x4000  }
0x122: {  	[sflag:s30] =	ssyncset.done $0x0  }
0x123: {  	s20 =	simm.s32 $0xC80;
	[sflag:s30] =	ssyncadd.s32 $0xFFFFC000  }
0x124: {  	[spmem:s1] =	stream.indirect.scatter.add.f32 [tilespmem:s26], [sflag:$0x3], $0x80, s20, s25, $0xb8;
	[tilespmem:$0x1D000] =	vst v63  }
0x125: {  	_ =	swait.ge [sflag:s23], $0x4000  }
0x126: {  	[sflag:s23] =	ssyncset.done $0x0  }
0x127: {  	s20 =	simm.s32 $0x580;
	[sflag:s23] =	ssyncadd.s32 $0xFFFFC000  }
0x128: {  	[tilespmem:s26], [sflag:$0x2] =	stream.indirect.gather [hbm4b:s4+s25], $0x80, s20, s25, $0xb8;
	[tilespmem:$0x1D000] =	vst v63  }
0x129: {  	_ =	swait.ge [sflag:s28], $0x4000  }
0x12a: {  	[sflag:s28] =	ssyncset.done $0x0  }
0x12b: {  	s11 =	simm.s32 $0xD00;
	[sflag:s28] =	ssyncadd.s32 $0xFFFFC000  }
0x12c: {  	[spmem:s1] =	stream.indirect.scatter.add.f32 [tilespmem:s22], [sflag:$0x3], $0x80, s11, s25, $0xb8;
	[tilespmem:$0x1D000] =	vst v63  }
0x12d: {  	_ =	swait.ge [sflag:s23], $0x4000  }
0x12e: {  	[sflag:s23] =	ssyncset.done $0x0  }
0x12f: {  	s11 =	simm.s32 $0x600;
	[sflag:s23] =	ssyncadd.s32 $0xFFFFC000  }
0x130: {  	[tilespmem:s22], [sflag:$0x1] =	stream.indirect.gather [hbm4b:s4+s25], $0x80, s11, s25, $0xb8;
	[tilespmem:$0x1D000] =	vst v63  }
0x131: {  	_ =	swait.ge [sflag:s30], $0x4000  }
0x132: {  	[sflag:s30] =	ssyncset.done $0x0  }
0x133: {  	s11 =	simm.s32 $0xD80;
	[sflag:s30] =	ssyncadd.s32 $0xFFFFC000  }
0x134: {  	[spmem:s1] =	stream.indirect.scatter.add.f32 [tilespmem:s26], [sflag:$0x3], $0x80, s11, s25, $0xb8;
	[tilespmem:$0x1D000] =	vst v63  }
0x135: {  	_ =	swait.ge [sflag:s23], $0x4000  }
0x136: {  	[sflag:s23] =	ssyncset.done $0x0  }
0x137: {  	s11 =	simm.s32 $0x680;
	[sflag:s23] =	ssyncadd.s32 $0xFFFFC000  }
0x138: {  	[tilespmem:s26], [sflag:$0x2] =	stream.indirect.gather [hbm4b:s4+s25], $0x80, s11, s25, $0xb8;
	[tilespmem:$0x1D000] =	vst v63  }
0x139: {  	_ =	swait.ge [sflag:s28], $0x4000  }
0x13a: {  	[sflag:s28] =	ssyncset.done $0x0  }
0x13b: {  	s9 =	simm.s32 $0xE00;
	[sflag:s28] =	ssyncadd.s32 $0xFFFFC000  }
0x13c: {  	[spmem:s1] =	stream.indirect.scatter.add.f32 [tilespmem:s22], [sflag:$0x3], $0x80, s9, s25, $0xb8;
	[tilespmem:$0x1D000] =	vst v63  }
0x13d: {  	_ =	swait.ge [sflag:s23], $0x4000  }
0x13e: {  	[sflag:s23] =	ssyncset.done $0x0  }
0x13f: {  	s12 =	simm.s32 $0x700;
	[sflag:s23] =	ssyncadd.s32 $0xFFFFC000  }
0x140: {  	[tilespmem:s22], [sflag:$0x1] =	stream.indirect.gather [hbm4b:s4+s25], $0x80, s12, s25, $0xb8;
	[tilespmem:$0x1D000] =	vst v63  }
0x141: {  	_ =	swait.ge [sflag:s30], $0x4000  }
0x142: {  	[sflag:s30] =	ssyncset.done $0x0  }
0x143: {  	s13 =	simm.s32 $0xE80;
	[sflag:s30] =	ssyncadd.s32 $0xFFFFC000  }
0x144: {  	[spmem:s1] =	stream.indirect.scatter.add.f32 [tilespmem:s26], [sflag:$0x3], $0x80, s13, s25, $0xb8;
	[tilespmem:$0x1D000] =	vst v63  }
0x145: {  	_ =	swait.ge [sflag:s23], $0x4000  }
0x146: {  	[sflag:s23] =	ssyncset.done $0x0  }
0x147: {  	[sflag:s23] =	ssyncadd.s32 $0xFFFFC000  }
0x148: {  	[tilespmem:s26], [sflag:$0x2] =	stream.indirect.gather [hbm4b:s4+s25], $0x80, s8, s25, $0xb8;
	[tilespmem:$0x1D000] =	vst v63  }
0x149: {  	_ =	swait.ge [sflag:s28], $0x4000  }
0x14a: {  	[sflag:s28] =	ssyncset.done $0x0  }
0x14b: {  	s14 =	simm.s32 $0xF00;
	[sflag:s28] =	ssyncadd.s32 $0xFFFFC000  }
0x14c: {  	[spmem:s1] =	stream.indirect.scatter.add.f32 [tilespmem:s22], [sflag:$0x3], $0x80, s14, s25, $0xb8;
	[tilespmem:$0x1D000] =	vst v63  }
0x14d: {  	_ =	swait.ge [sflag:s23], $0x4000  }
0x14e: {  	[sflag:s23] =	ssyncset.done $0x0  }
0x14f: {  	[sflag:s23] =	ssyncadd.s32 $0xFFFFC000  }
0x150: {  	[tilespmem:s22], [sflag:$0x1] =	stream.indirect.gather [hbm4b:s4+s25], $0x80, s8, s25, $0xb8;
	[tilespmem:$0x1D000] =	vst v63  }
0x151: {  	_ =	swait.ge [sflag:s30], $0x4000  }
0x152: {  	[sflag:s30] =	ssyncset.done $0x0  }
0x153: {  	s15 =	simm.s32 $0xF80;
	[sflag:s30] =	ssyncadd.s32 $0xFFFFC000  }
0x154: {  	[spmem:s1] =	stream.indirect.scatter.add.f32 [tilespmem:s26], [sflag:$0x3], $0x80, s15, s25, $0xb8;
	[tilespmem:$0x1D000] =	vst v63  }
0x155: {  	_ =	swait.ge [sflag:s23], $0x4000  }
0x156: {  	[sflag:s23] =	ssyncset.done $0x0  }
0x157: {  	[sflag:s23] =	ssyncadd.s32 $0xFFFFC000  }
0x158: {  	_ =	swait.ge [sflag:s28], $0x4000  }
0x159: {  	[sflag:s28] =	ssyncset.done $0x0  }
0x15a: {  	s11 =	rddreg [dreg:$0xc];
	[sflag:s28] =	ssyncadd.s32 $0xFFFFC000  }
0x15b: {  	[tilespmem:s3], [sflag:$0x3] =	stream.linear.gather [hbm4b:s11+s3], $0x800, $0x38;
	[tilespmem:$0x1D000] =	vst v63  }
0x15c: {  	_ =	swait.ge [sflag:s23], $0x800  }
0x15d: {  	[sflag:s23] =	ssyncset.done $0x0  }
0x15e: {  	s11 =	rddreg [dreg:$0xd];
	[sflag:s23] =	ssyncadd.s32 $0xFFFFF800  }
0x15f: {  	[tilespmem:s2], [sflag:$0x3] =	stream.linear.gather [hbm4b:s11+s3], $0x800, $0x38;
	[tilespmem:$0x1D000] =	vst v63  }
0x160: {  	_ =	swait.ge [sflag:s23], $0x800  }
0x161: {  	[sflag:s23] =	ssyncset.done $0x0  }
0x162: {  	[sflag:s23] =	ssyncadd.s32 $0xFFFFF800  }
0x163: {  	[tilespmem:s22], [sflag:$0x1] =	stream.indirect.gather [hbm4b:s4+s25], $0x80, s3, s25, $0xb8;
	[tilespmem:$0x1D000] =	vst v63  }
0x164: {  	_ = 	snop  }
0x165: {  	[tilespmem:s26], [sflag:$0x2] =	stream.indirect.gather [hbm4b:s4+s25], $0x80, s25, s25, $0xb8;
	[tilespmem:$0x1D000] =	vst v63  }
0x166: {  	_ =	swait.ge [sflag:s28], $0x4000  }
0x167: {  	[sflag:s28] =	ssyncset.done $0x0  }
0x168: {  	[sflag:s28] =	ssyncadd.s32 $0xFFFFC000  }
0x169: {  	[spmem:s1] =	stream.indirect.scatter.add.f32 [tilespmem:s22], [sflag:$0x3], $0x80, s2, s25, $0xb8;
	[tilespmem:$0x1D000] =	vst v63  }
0x16a: {  	_ =	swait.ge [sflag:s23], $0x4000  }
0x16b: {  	[sflag:s23] =	ssyncset.done $0x0  }
0x16c: {  	s11 =	simm.s32 $0x100;
	[sflag:s23] =	ssyncadd.s32 $0xFFFFC000  }
0x16d: {  	[tilespmem:s22], [sflag:$0x1] =	stream.indirect.gather [hbm4b:s4+s25], $0x80, s11, s25, $0xb8;
	[tilespmem:$0x1D000] =	vst v63  }
0x16e: {  	_ =	swait.ge [sflag:s30], $0x4000  }
0x16f: {  	[sflag:s30] =	ssyncset.done $0x0  }
0x170: {  	s11 =	simm.s32 $0x880;
	[sflag:s30] =	ssyncadd.s32 $0xFFFFC000  }
0x171: {  	[spmem:s1] =	stream.indirect.scatter.add.f32 [tilespmem:s26], [sflag:$0x3], $0x80, s11, s25, $0xb8;
	[tilespmem:$0x1D000] =	vst v63  }
0x172: {  	_ =	swait.ge [sflag:s23], $0x4000  }
0x173: {  	[sflag:s23] =	ssyncset.done $0x0  }
0x174: {  	s11 =	simm.s32 $0x180;
	[sflag:s23] =	ssyncadd.s32 $0xFFFFC000  }
0x175: {  	[tilespmem:s26], [sflag:$0x2] =	stream.indirect.gather [hbm4b:s4+s25], $0x80, s11, s25, $0xb8;
	[tilespmem:$0x1D000] =	vst v63  }
0x176: {  	_ =	swait.ge [sflag:s28], $0x4000  }
0x177: {  	[sflag:s28] =	ssyncset.done $0x0  }
0x178: {  	s11 =	simm.s32 $0x900;
	[sflag:s28] =	ssyncadd.s32 $0xFFFFC000  }
0x179: {  	[spmem:s1] =	stream.indirect.scatter.add.f32 [tilespmem:s22], [sflag:$0x3], $0x80, s11, s25, $0xb8;
	[tilespmem:$0x1D000] =	vst v63  }
0x17a: {  	_ =	swait.ge [sflag:s23], $0x4000  }
0x17b: {  	[sflag:s23] =	ssyncset.done $0x0  }
0x17c: {  	[sflag:s23] =	ssyncadd.s32 $0xFFFFC000  }
0x17d: {  	[tilespmem:s22], [sflag:$0x1] =	stream.indirect.gather [hbm4b:s4+s25], $0x80, s21, s25, $0xb8;
	[tilespmem:$0x1D000] =	vst v63  }
0x17e: {  	_ =	swait.ge [sflag:s30], $0x4000  }
0x17f: {  	[sflag:s30] =	ssyncset.done $0x0  }
0x180: {  	[sflag:s30] =	ssyncadd.s32 $0xFFFFC000  }
0x181: {  	[spmem:s1] =	stream.indirect.scatter.add.f32 [tilespmem:s26], [sflag:$0x3], $0x80, s29, s25, $0xb8;
	[tilespmem:$0x1D000] =	vst v63  }
0x182: {  	_ =	swait.ge [sflag:s23], $0x4000  }
0x183: {  	[sflag:s23] =	ssyncset.done $0x0  }
0x184: {  	[sflag:s23] =	ssyncadd.s32 $0xFFFFC000  }
0x185: {  	[tilespmem:s26], [sflag:$0x2] =	stream.indirect.gather [hbm4b:s4+s25], $0x80, s31, s25, $0xb8;
	[tilespmem:$0x1D000] =	vst v63  }
0x186: {  	_ =	swait.ge [sflag:s28], $0x4000  }
0x187: {  	[sflag:s28] =	ssyncset.done $0x0  }
0x188: {  	[sflag:s28] =	ssyncadd.s32 $0xFFFFC000  }
0x189: {  	[spmem:s1] =	stream.indirect.scatter.add.f32 [tilespmem:s22], [sflag:$0x3], $0x80, s0, s25, $0xb8;
	[tilespmem:$0x1D000] =	vst v63  }
0x18a: {  	_ =	swait.ge [sflag:s23], $0x4000  }
0x18b: {  	[sflag:s23] =	ssyncset.done $0x0  }
0x18c: {  	[sflag:s23] =	ssyncadd.s32 $0xFFFFC000  }
0x18d: {  	[tilespmem:s22], [sflag:$0x1] =	stream.indirect.gather [hbm4b:s4+s25], $0x80, s7, s25, $0xb8;
	[tilespmem:$0x1D000] =	vst v63  }
0x18e: {  	_ =	swait.ge [sflag:s30], $0x4000  }
0x18f: {  	[sflag:s30] =	ssyncset.done $0x0  }
0x190: {  	s11 =	simm.s32 $0xA80;
	[sflag:s30] =	ssyncadd.s32 $0xFFFFC000  }
0x191: {  	[spmem:s1] =	stream.indirect.scatter.add.f32 [tilespmem:s26], [sflag:$0x3], $0x80, s11, s25, $0xb8;
	[tilespmem:$0x1D000] =	vst v63  }
0x192: {  	_ =	swait.ge [sflag:s23], $0x4000  }
0x193: {  	[sflag:s23] =	ssyncset.done $0x0  }
0x194: {  	[sflag:s23] =	ssyncadd.s32 $0xFFFFC000  }
0x195: {  	[tilespmem:s26], [sflag:$0x2] =	stream.indirect.gather [hbm4b:s4+s25], $0x80, s5, s25, $0xb8;
	[tilespmem:$0x1D000] =	vst v63  }
0x196: {  	_ =	swait.ge [sflag:s28], $0x4000  }
0x197: {  	[sflag:s28] =	ssyncset.done $0x0  }
0x198: {  	[sflag:s28] =	ssyncadd.s32 $0xFFFFC000  }
0x199: {  	[spmem:s1] =	stream.indirect.scatter.add.f32 [tilespmem:s22], [sflag:$0x3], $0x80, s6, s25, $0xb8;
	[tilespmem:$0x1D000] =	vst v63  }
0x19a: {  	_ =	swait.ge [sflag:s23], $0x4000  }
0x19b: {  	[sflag:s23] =	ssyncset.done $0x0  }
0x19c: {  	[sflag:s23] =	ssyncadd.s32 $0xFFFFC000  }
0x19d: {  	[tilespmem:s22], [sflag:$0x1] =	stream.indirect.gather [hbm4b:s4+s25], $0x80, s24, s25, $0xb8;
	[tilespmem:$0x1D000] =	vst v63  }
0x19e: {  	_ =	swait.ge [sflag:s30], $0x4000  }
0x19f: {  	[sflag:s30] =	ssyncset.done $0x0  }
0x1a0: {  	[sflag:s30] =	ssyncadd.s32 $0xFFFFC000  }
0x1a1: {  	[spmem:s1] =	stream.indirect.scatter.add.f32 [tilespmem:s26], [sflag:$0x3], $0x80, s16, s25, $0xb8;
	[tilespmem:$0x1D000] =	vst v63  }
0x1a2: {  	_ =	swait.ge [sflag:s23], $0x4000  }
0x1a3: {  	[sflag:s23] =	ssyncset.done $0x0  }
0x1a4: {  	[sflag:s23] =	ssyncadd.s32 $0xFFFFC000  }
0x1a5: {  	[tilespmem:s26], [sflag:$0x2] =	stream.indirect.gather [hbm4b:s4+s25], $0x80, s17, s25, $0xb8;
	[tilespmem:$0x1D000] =	vst v63  }
0x1a6: {  	_ =	swait.ge [sflag:s28], $0x4000  }
0x1a7: {  	[sflag:s28] =	ssyncset.done $0x0  }
0x1a8: {  	[sflag:s28] =	ssyncadd.s32 $0xFFFFC000  }
0x1a9: {  	[spmem:s1] =	stream.indirect.scatter.add.f32 [tilespmem:s22], [sflag:$0x3], $0x80, s18, s25, $0xb8;
	[tilespmem:$0x1D000] =	vst v63  }
0x1aa: {  	_ =	swait.ge [sflag:s23], $0x4000  }
0x1ab: {  	[sflag:s23] =	ssyncset.done $0x0  }
0x1ac: {  	[sflag:s23] =	ssyncadd.s32 $0xFFFFC000  }
0x1ad: {  	[tilespmem:s22], [sflag:$0x1] =	stream.indirect.gather [hbm4b:s4+s25], $0x80, s19, s25, $0xb8;
	[tilespmem:$0x1D000] =	vst v63  }
0x1ae: {  	_ =	swait.ge [sflag:s30], $0x4000  }
0x1af: {  	[sflag:s30] =	ssyncset.done $0x0  }
0x1b0: {  	s16 =	simm.s32 $0xC80;
	[sflag:s30] =	ssyncadd.s32 $0xFFFFC000  }
0x1b1: {  	[spmem:s1] =	stream.indirect.scatter.add.f32 [tilespmem:s26], [sflag:$0x3], $0x80, s16, s25, $0xb8;
	[tilespmem:$0x1D000] =	vst v63  }
0x1b2: {  	_ =	swait.ge [sflag:s23], $0x4000  }
0x1b3: {  	[sflag:s23] =	ssyncset.done $0x0  }
0x1b4: {  	s20 =	simm.s32 $0x580;
	[sflag:s23] =	ssyncadd.s32 $0xFFFFC000  }
0x1b5: {  	[tilespmem:s26], [sflag:$0x2] =	stream.indirect.gather [hbm4b:s4+s25], $0x80, s20, s25, $0xb8;
	[tilespmem:$0x1D000] =	vst v63  }
0x1b6: {  	_ =	swait.ge [sflag:s28], $0x4000  }
0x1b7: {  	[sflag:s28] =	ssyncset.done $0x0  }
0x1b8: {  	s24 =	simm.s32 $0xD00;
	[sflag:s28] =	ssyncadd.s32 $0xFFFFC000  }
0x1b9: {  	[spmem:s1] =	stream.indirect.scatter.add.f32 [tilespmem:s22], [sflag:$0x3], $0x80, s24, s25, $0xb8;
	[tilespmem:$0x1D000] =	vst v63  }
0x1ba: {  	_ =	swait.ge [sflag:s23], $0x4000  }
0x1bb: {  	[sflag:s23] =	ssyncset.done $0x0  }
0x1bc: {  	s6 =	simm.s32 $0x600;
	[sflag:s23] =	ssyncadd.s32 $0xFFFFC000  }
0x1bd: {  	[tilespmem:s22], [sflag:$0x1] =	stream.indirect.gather [hbm4b:s4+s25], $0x80, s6, s25, $0xb8;
	[tilespmem:$0x1D000] =	vst v63  }
0x1be: {  	_ =	swait.ge [sflag:s30], $0x4000  }
0x1bf: {  	[sflag:s30] =	ssyncset.done $0x0  }
0x1c0: {  	s11 =	simm.s32 $0xD80;
	[sflag:s30] =	ssyncadd.s32 $0xFFFFC000  }
0x1c1: {  	[spmem:s1] =	stream.indirect.scatter.add.f32 [tilespmem:s26], [sflag:$0x3], $0x80, s11, s25, $0xb8;
	[tilespmem:$0x1D000] =	vst v63  }
0x1c2: {  	_ =	swait.ge [sflag:s23], $0x4000  }
0x1c3: {  	[sflag:s23] =	ssyncset.done $0x0  }
0x1c4: {  	s6 =	simm.s32 $0x680;
	[sflag:s23] =	ssyncadd.s32 $0xFFFFC000  }
0x1c5: {  	[tilespmem:s26], [sflag:$0x2] =	stream.indirect.gather [hbm4b:s4+s25], $0x80, s6, s25, $0xb8;
	[tilespmem:$0x1D000] =	vst v63  }
0x1c6: {  	_ =	swait.ge [sflag:s28], $0x4000  }
0x1c7: {  	[sflag:s28] =	ssyncset.done $0x0  }
0x1c8: {  	s9 =	simm.s32 $0xE00;
	[sflag:s28] =	ssyncadd.s32 $0xFFFFC000  }
0x1c9: {  	[spmem:s1] =	stream.indirect.scatter.add.f32 [tilespmem:s22], [sflag:$0x3], $0x80, s9, s25, $0xb8;
	[tilespmem:$0x1D000] =	vst v63  }
0x1ca: {  	_ =	swait.ge [sflag:s23], $0x4000  }
0x1cb: {  	[sflag:s23] =	ssyncset.done $0x0  }
0x1cc: {  	s12 =	simm.s32 $0x700;
	[sflag:s23] =	ssyncadd.s32 $0xFFFFC000  }
0x1cd: {  	[tilespmem:s22], [sflag:$0x1] =	stream.indirect.gather [hbm4b:s4+s25], $0x80, s12, s25, $0xb8;
	[tilespmem:$0x1D000] =	vst v63  }
0x1ce: {  	_ =	swait.ge [sflag:s30], $0x4000  }
0x1cf: {  	[sflag:s30] =	ssyncset.done $0x0  }
0x1d0: {  	s13 =	simm.s32 $0xE80;
	[sflag:s30] =	ssyncadd.s32 $0xFFFFC000  }
0x1d1: {  	[spmem:s1] =	stream.indirect.scatter.add.f32 [tilespmem:s26], [sflag:$0x3], $0x80, s13, s25, $0xb8;
	[tilespmem:$0x1D000] =	vst v63  }
0x1d2: {  	_ =	swait.ge [sflag:s23], $0x4000  }
0x1d3: {  	[sflag:s23] =	ssyncset.done $0x0  }
0x1d4: {  	[sflag:s23] =	ssyncadd.s32 $0xFFFFC000  }
0x1d5: {  	[tilespmem:s26], [sflag:$0x2] =	stream.indirect.gather [hbm4b:s4+s25], $0x80, s8, s25, $0xb8;
	[tilespmem:$0x1D000] =	vst v63  }
0x1d6: {  	_ =	swait.ge [sflag:s28], $0x4000  }
0x1d7: {  	[sflag:s28] =	ssyncset.done $0x0  }
0x1d8: {  	s14 =	simm.s32 $0xF00;
	[sflag:s28] =	ssyncadd.s32 $0xFFFFC000  }
0x1d9: {  	[spmem:s1] =	stream.indirect.scatter.add.f32 [tilespmem:s22], [sflag:$0x3], $0x80, s14, s25, $0xb8;
	[tilespmem:$0x1D000] =	vst v63  }
0x1da: {  	_ =	swait.ge [sflag:s23], $0x4000  }
0x1db: {  	[sflag:s23] =	ssyncset.done $0x0  }
0x1dc: {  	[sflag:s23] =	ssyncadd.s32 $0xFFFFC000  }
0x1dd: {  	[tilespmem:s22], [sflag:$0x1] =	stream.indirect.gather [hbm4b:s4+s25], $0x80, s8, s25, $0xb8;
	[tilespmem:$0x1D000] =	vst v63  }
0x1de: {  	_ =	swait.ge [sflag:s30], $0x4000  }
0x1df: {  	[sflag:s30] =	ssyncset.done $0x0  }
0x1e0: {  	s15 =	simm.s32 $0xF80;
	[sflag:s30] =	ssyncadd.s32 $0xFFFFC000  }
0x1e1: {  	[spmem:s1] =	stream.indirect.scatter.add.f32 [tilespmem:s26], [sflag:$0x3], $0x80, s15, s25, $0xb8;
	[tilespmem:$0x1D000] =	vst v63  }
0x1e2: {  	_ =	swait.ge [sflag:s23], $0x4000  }
0x1e3: {  	[sflag:s23] =	ssyncset.done $0x0  }
0x1e4: {  	[sflag:s23] =	ssyncadd.s32 $0xFFFFC000  }
0x1e5: {  	_ =	swait.ge [sflag:s28], $0x4000  }
0x1e6: {  	[sflag:s28] =	ssyncset.done $0x0  }
0x1e7: {  	s9 =	rddreg [dreg:$0xe];
	[sflag:s28] =	ssyncadd.s32 $0xFFFFC000  }
0x1e8: {  	[tilespmem:s3], [sflag:$0x3] =	stream.linear.gather [hbm4b:s9+s3], $0x800, $0x38;
	[tilespmem:$0x1D000] =	vst v63  }
0x1e9: {  	_ =	swait.ge [sflag:s23], $0x800  }
0x1ea: {  	[sflag:s23] =	ssyncset.done $0x0  }
0x1eb: {  	s12 =	rddreg [dreg:$0xf];
	[sflag:s23] =	ssyncadd.s32 $0xFFFFF800  }
0x1ec: {  	[tilespmem:s2], [sflag:$0x3] =	stream.linear.gather [hbm4b:s12+s3], $0x800, $0x38;
	[tilespmem:$0x1D000] =	vst v63  }
0x1ed: {  	_ =	swait.ge [sflag:s23], $0x800  }
0x1ee: {  	[sflag:s23] =	ssyncset.done $0x0  }
0x1ef: {  	[sflag:s23] =	ssyncadd.s32 $0xFFFFF800  }
0x1f0: {  	[tilespmem:s22], [sflag:$0x1] =	stream.indirect.gather [hbm4b:s4+s25], $0x80, s3, s25, $0xb8;
	[tilespmem:$0x1D000] =	vst v63  }
0x1f1: {  	_ = 	snop  }
0x1f2: {  	[tilespmem:s26], [sflag:$0x2] =	stream.indirect.gather [hbm4b:s4+s25], $0x80, s25, s25, $0xb8;
	[tilespmem:$0x1D000] =	vst v63  }
0x1f3: {  	_ =	swait.ge [sflag:s28], $0x4000  }
0x1f4: {  	[sflag:s28] =	ssyncset.done $0x0  }
0x1f5: {  	[sflag:s28] =	ssyncadd.s32 $0xFFFFC000  }
0x1f6: {  	[spmem:s1] =	stream.indirect.scatter.add.f32 [tilespmem:s22], [sflag:$0x3], $0x80, s2, s25, $0xb8;
	[tilespmem:$0x1D000] =	vst v63  }
0x1f7: {  	_ =	swait.ge [sflag:s23], $0x4000  }
0x1f8: {  	[sflag:s23] =	ssyncset.done $0x0  }
0x1f9: {  	s13 =	simm.s32 $0x100;
	[sflag:s23] =	ssyncadd.s32 $0xFFFFC000  }
0x1fa: {  	[tilespmem:s22], [sflag:$0x1] =	stream.indirect.gather [hbm4b:s4+s25], $0x80, s13, s25, $0xb8;
	[tilespmem:$0x1D000] =	vst v63  }
0x1fb: {  	_ =	swait.ge [sflag:s30], $0x4000  }
0x1fc: {  	[sflag:s30] =	ssyncset.done $0x0  }
0x1fd: {  	s14 =	simm.s32 $0x880;
	[sflag:s30] =	ssyncadd.s32 $0xFFFFC000  }
0x1fe: {  	[spmem:s1] =	stream.indirect.scatter.add.f32 [tilespmem:s26], [sflag:$0x3], $0x80, s14, s25, $0xb8;
	[tilespmem:$0x1D000] =	vst v63  }
0x1ff: {  	_ =	swait.ge [sflag:s23], $0x4000  }
0x200: {  	[sflag:s23] =	ssyncset.done $0x0  }
0x201: {  	s15 =	simm.s32 $0x180;
	[sflag:s23] =	ssyncadd.s32 $0xFFFFC000  }
0x202: {  	[tilespmem:s26], [sflag:$0x2] =	stream.indirect.gather [hbm4b:s4+s25], $0x80, s15, s25, $0xb8;
	[tilespmem:$0x1D000] =	vst v63  }
0x203: {  	_ =	swait.ge [sflag:s28], $0x4000  }
0x204: {  	[sflag:s28] =	ssyncset.done $0x0  }
0x205: {  	s6 =	simm.s32 $0x900;
	[sflag:s28] =	ssyncadd.s32 $0xFFFFC000  }
0x206: {  	[spmem:s1] =	stream.indirect.scatter.add.f32 [tilespmem:s22], [sflag:$0x3], $0x80, s6, s25, $0xb8;
	[tilespmem:$0x1D000] =	vst v63  }
0x207: {  	_ =	swait.ge [sflag:s23], $0x4000  }
0x208: {  	[sflag:s23] =	ssyncset.done $0x0  }
0x209: {  	s21 =	simm.s32 $0x200;
	[sflag:s23] =	ssyncadd.s32 $0xFFFFC000  }
0x20a: {  	[tilespmem:s22], [sflag:$0x1] =	stream.indirect.gather [hbm4b:s4+s25], $0x80, s21, s25, $0xb8;
	[tilespmem:$0x1D000] =	vst v63  }
0x20b: {  	_ =	swait.ge [sflag:s30], $0x4000  }
0x20c: {  	[sflag:s30] =	ssyncset.done $0x0  }
0x20d: {  	s29 =	simm.s32 $0x980;
	[sflag:s30] =	ssyncadd.s32 $0xFFFFC000  }
0x20e: {  	[spmem:s1] =	stream.indirect.scatter.add.f32 [tilespmem:s26], [sflag:$0x3], $0x80, s29, s25, $0xb8;
	[tilespmem:$0x1D000] =	vst v63  }
0x20f: {  	_ =	swait.ge [sflag:s23], $0x4000  }
0x210: {  	[sflag:s23] =	ssyncset.done $0x0  }
0x211: {  	s31 =	simm.s32 $0x280;
	[sflag:s23] =	ssyncadd.s32 $0xFFFFC000  }
0x212: {  	[tilespmem:s26], [sflag:$0x2] =	stream.indirect.gather [hbm4b:s4+s25], $0x80, s31, s25, $0xb8;
	[tilespmem:$0x1D000] =	vst v63  }
0x213: {  	_ =	swait.ge [sflag:s28], $0x4000  }
0x214: {  	[sflag:s28] =	ssyncset.done $0x0  }
0x215: {  	s9 =	simm.s32 $0xA00;
	[sflag:s28] =	ssyncadd.s32 $0xFFFFC000  }
0x216: {  	[spmem:s1] =	stream.indirect.scatter.add.f32 [tilespmem:s22], [sflag:$0x3], $0x80, s9, s25, $0xb8;
	[tilespmem:$0x1D000] =	vst v63  }
0x217: {  	_ =	swait.ge [sflag:s23], $0x4000  }
0x218: {  	[sflag:s23] =	ssyncset.done $0x0  }
0x219: {  	s7 =	simm.s32 $0x300;
	[sflag:s23] =	ssyncadd.s32 $0xFFFFC000  }
0x21a: {  	[tilespmem:s22], [sflag:$0x1] =	stream.indirect.gather [hbm4b:s4+s25], $0x80, s7, s25, $0xb8;
	[tilespmem:$0x1D000] =	vst v63  }
0x21b: {  	_ =	swait.ge [sflag:s30], $0x4000  }
0x21c: {  	[sflag:s30] =	ssyncset.done $0x0  }
0x21d: {  	s11 =	simm.s32 $0xA80;
	[sflag:s30] =	ssyncadd.s32 $0xFFFFC000  }
0x21e: {  	[spmem:s1] =	stream.indirect.scatter.add.f32 [tilespmem:s26], [sflag:$0x3], $0x80, s11, s25, $0xb8;
	[tilespmem:$0x1D000] =	vst v63  }
0x21f: {  	_ =	swait.ge [sflag:s23], $0x4000  }
0x220: {  	[sflag:s23] =	ssyncset.done $0x0  }
0x221: {  	s12 =	simm.s32 $0x380;
	[sflag:s23] =	ssyncadd.s32 $0xFFFFC000  }
0x222: {  	[tilespmem:s26], [sflag:$0x2] =	stream.indirect.gather [hbm4b:s4+s25], $0x80, s12, s25, $0xb8;
	[tilespmem:$0x1D000] =	vst v63  }
0x223: {  	_ =	swait.ge [sflag:s28], $0x4000  }
0x224: {  	[sflag:s28] =	ssyncset.done $0x0  }
0x225: {  	s13 =	simm.s32 $0xB00;
	[sflag:s28] =	ssyncadd.s32 $0xFFFFC000  }
0x226: {  	[spmem:s1] =	stream.indirect.scatter.add.f32 [tilespmem:s22], [sflag:$0x3], $0x80, s13, s25, $0xb8;
	[tilespmem:$0x1D000] =	vst v63  }
0x227: {  	_ =	swait.ge [sflag:s23], $0x4000  }
0x228: {  	[sflag:s23] =	ssyncset.done $0x0  }
0x229: {  	s0 =	simm.s32 $0x400;
	[sflag:s23] =	ssyncadd.s32 $0xFFFFC000  }
0x22a: {  	[tilespmem:s22], [sflag:$0x1] =	stream.indirect.gather [hbm4b:s4+s25], $0x80, s0, s25, $0xb8;
	[tilespmem:$0x1D000] =	vst v63  }
0x22b: {  	_ =	swait.ge [sflag:s30], $0x4000  }
0x22c: {  	[sflag:s30] =	ssyncset.done $0x0  }
0x22d: {  	s14 =	simm.s32 $0xB80;
	[sflag:s30] =	ssyncadd.s32 $0xFFFFC000  }
0x22e: {  	[spmem:s1] =	stream.indirect.scatter.add.f32 [tilespmem:s26], [sflag:$0x3], $0x80, s14, s25, $0xb8;
	[tilespmem:$0x1D000] =	vst v63  }
0x22f: {  	_ =	swait.ge [sflag:s23], $0x4000  }
0x230: {  	[sflag:s23] =	ssyncset.done $0x0  }
0x231: {  	s17 =	simm.s32 $0x480;
	[sflag:s23] =	ssyncadd.s32 $0xFFFFC000  }
0x232: {  	[tilespmem:s26], [sflag:$0x2] =	stream.indirect.gather [hbm4b:s4+s25], $0x80, s17, s25, $0xb8;
	[tilespmem:$0x1D000] =	vst v63  }
0x233: {  	_ =	swait.ge [sflag:s28], $0x4000  }
0x234: {  	[sflag:s28] =	ssyncset.done $0x0  }
0x235: {  	s18 =	simm.s32 $0xC00;
	[sflag:s28] =	ssyncadd.s32 $0xFFFFC000  }
0x236: {  	[spmem:s1] =	stream.indirect.scatter.add.f32 [tilespmem:s22], [sflag:$0x3], $0x80, s18, s25, $0xb8;
	[tilespmem:$0x1D000] =	vst v63  }
0x237: {  	_ =	swait.ge [sflag:s23], $0x4000  }
0x238: {  	[sflag:s23] =	ssyncset.done $0x0  }
0x239: {  	s19 =	simm.s32 $0x500;
	[sflag:s23] =	ssyncadd.s32 $0xFFFFC000  }
0x23a: {  	[tilespmem:s22], [sflag:$0x1] =	stream.indirect.gather [hbm4b:s4+s25], $0x80, s19, s25, $0xb8;
	[tilespmem:$0x1D000] =	vst v63  }
0x23b: {  	_ =	swait.ge [sflag:s30], $0x4000  }
0x23c: {  	[sflag:s30] =	ssyncset.done $0x0  }
0x23d: {  	s19 =	simm.s32 $0xC80;
	[sflag:s30] =	ssyncadd.s32 $0xFFFFC000  }
0x23e: {  	[spmem:s1] =	stream.indirect.scatter.add.f32 [tilespmem:s26], [sflag:$0x3], $0x80, s19, s25, $0xb8;
	[tilespmem:$0x1D000] =	vst v63  }
0x23f: {  	_ =	swait.ge [sflag:s23], $0x4000  }
0x240: {  	[sflag:s23] =	ssyncset.done $0x0  }
0x241: {  	s16 =	simm.s32 $0x580;
	[sflag:s23] =	ssyncadd.s32 $0xFFFFC000  }
0x242: {  	[tilespmem:s26], [sflag:$0x2] =	stream.indirect.gather [hbm4b:s4+s25], $0x80, s16, s25, $0xb8;
	[tilespmem:$0x1D000] =	vst v63  }
0x243: {  	_ =	swait.ge [sflag:s28], $0x4000  }
0x244: {  	[sflag:s28] =	ssyncset.done $0x0  }
0x245: {  	s20 =	simm.s32 $0xD00;
	[sflag:s28] =	ssyncadd.s32 $0xFFFFC000  }
0x246: {  	[spmem:s1] =	stream.indirect.scatter.add.f32 [tilespmem:s22], [sflag:$0x3], $0x80, s20, s25, $0xb8;
	[tilespmem:$0x1D000] =	vst v63  }
0x247: {  	_ =	swait.ge [sflag:s23], $0x4000  }
0x248: {  	[sflag:s23] =	ssyncset.done $0x0  }
0x249: {  	s24 =	simm.s32 $0x600;
	[sflag:s23] =	ssyncadd.s32 $0xFFFFC000  }
0x24a: {  	[tilespmem:s22], [sflag:$0x1] =	stream.indirect.gather [hbm4b:s4+s25], $0x80, s24, s25, $0xb8;
	[tilespmem:$0x1D000] =	vst v63  }
0x24b: {  	_ =	swait.ge [sflag:s30], $0x4000  }
0x24c: {  	[sflag:s30] =	ssyncset.done $0x0  }
0x24d: {  	s20 =	simm.s32 $0xD80;
	[sflag:s30] =	ssyncadd.s32 $0xFFFFC000  }
0x24e: {  	[spmem:s1] =	stream.indirect.scatter.add.f32 [tilespmem:s26], [sflag:$0x3], $0x80, s20, s25, $0xb8;
	[tilespmem:$0x1D000] =	vst v63  }
0x24f: {  	_ =	swait.ge [sflag:s23], $0x4000  }
0x250: {  	[sflag:s23] =	ssyncset.done $0x0  }
0x251: {  	s24 =	simm.s32 $0x680;
	[sflag:s23] =	ssyncadd.s32 $0xFFFFC000  }
0x252: {  	[tilespmem:s26], [sflag:$0x2] =	stream.indirect.gather [hbm4b:s4+s25], $0x80, s24, s25, $0xb8;
	[tilespmem:$0x1D000] =	vst v63  }
0x253: {  	_ =	swait.ge [sflag:s28], $0x4000  }
0x254: {  	[sflag:s28] =	ssyncset.done $0x0  }
0x255: {  	s14 =	simm.s32 $0xE00;
	[sflag:s28] =	ssyncadd.s32 $0xFFFFC000  }
0x256: {  	[spmem:s1] =	stream.indirect.scatter.add.f32 [tilespmem:s22], [sflag:$0x3], $0x80, s14, s25, $0xb8;
	[tilespmem:$0x1D000] =	vst v63  }
0x257: {  	_ =	swait.ge [sflag:s23], $0x4000  }
0x258: {  	[sflag:s23] =	ssyncset.done $0x0  }
0x259: {  	s11 =	simm.s32 $0x700;
	[sflag:s23] =	ssyncadd.s32 $0xFFFFC000  }
0x25a: {  	[tilespmem:s22], [sflag:$0x1] =	stream.indirect.gather [hbm4b:s4+s25], $0x80, s11, s25, $0xb8;
	[tilespmem:$0x1D000] =	vst v63  }
0x25b: {  	_ =	swait.ge [sflag:s30], $0x4000  }
0x25c: {  	[sflag:s30] =	ssyncset.done $0x0  }
0x25d: {  	s11 =	simm.s32 $0xE80;
	[sflag:s30] =	ssyncadd.s32 $0xFFFFC000  }
0x25e: {  	[spmem:s1] =	stream.indirect.scatter.add.f32 [tilespmem:s26], [sflag:$0x3], $0x80, s11, s25, $0xb8;
	[tilespmem:$0x1D000] =	vst v63  }
0x25f: {  	_ =	swait.ge [sflag:s23], $0x4000  }
0x260: {  	[sflag:s23] =	ssyncset.done $0x0  }
0x261: {  	[sflag:s23] =	ssyncadd.s32 $0xFFFFC000  }
0x262: {  	[tilespmem:s26], [sflag:$0x2] =	stream.indirect.gather [hbm4b:s4+s25], $0x80, s8, s25, $0xb8;
	[tilespmem:$0x1D000] =	vst v63  }
0x263: {  	_ =	swait.ge [sflag:s28], $0x4000  }
0x264: {  	[sflag:s28] =	ssyncset.done $0x0  }
0x265: {  	s11 =	simm.s32 $0xF00;
	[sflag:s28] =	ssyncadd.s32 $0xFFFFC000  }
0x266: {  	[spmem:s1] =	stream.indirect.scatter.add.f32 [tilespmem:s22], [sflag:$0x3], $0x80, s11, s25, $0xb8;
	[tilespmem:$0x1D000] =	vst v63  }
0x267: {  	_ =	swait.ge [sflag:s23], $0x4000  }
0x268: {  	[sflag:s23] =	ssyncset.done $0x0  }
0x269: {  	[sflag:s23] =	ssyncadd.s32 $0xFFFFC000  }
0x26a: {  	[tilespmem:s22], [sflag:$0x1] =	stream.indirect.gather [hbm4b:s4+s25], $0x80, s8, s25, $0xb8;
	[tilespmem:$0x1D000] =	vst v63  }
0x26b: {  	_ =	swait.ge [sflag:s30], $0x4000  }
0x26c: {  	[sflag:s30] =	ssyncset.done $0x0  }
0x26d: {  	s11 =	simm.s32 $0xF80;
	[sflag:s30] =	ssyncadd.s32 $0xFFFFC000  }
0x26e: {  	[spmem:s1] =	stream.indirect.scatter.add.f32 [tilespmem:s26], [sflag:$0x3], $0x80, s11, s25, $0xb8;
	[tilespmem:$0x1D000] =	vst v63  }
0x26f: {  	_ =	swait.ge [sflag:s23], $0x4000  }
0x270: {  	[sflag:s23] =	ssyncset.done $0x0  }
0x271: {  	[sflag:s23] =	ssyncadd.s32 $0xFFFFC000  }
0x272: {  	_ =	swait.ge [sflag:s28], $0x4000  }
0x273: {  	[sflag:s28] =	ssyncset.done $0x0  }
0x274: {  	s11 =	rddreg [dreg:$0x10];
	[sflag:s28] =	ssyncadd.s32 $0xFFFFC000  }
0x275: {  	[tilespmem:s3], [sflag:$0x3] =	stream.linear.gather [hbm4b:s11+s3], $0x800, $0x38;
	[tilespmem:$0x1D000] =	vst v63  }
0x276: {  	_ =	swait.ge [sflag:s23], $0x800  }
0x277: {  	[sflag:s23] =	ssyncset.done $0x0  }
0x278: {  	s11 =	rddreg [dreg:$0x11];
	[sflag:s23] =	ssyncadd.s32 $0xFFFFF800  }
0x279: {  	[tilespmem:s2], [sflag:$0x3] =	stream.linear.gather [hbm4b:s11+s3], $0x800, $0x38;
	[tilespmem:$0x1D000] =	vst v63  }
0x27a: {  	_ =	swait.ge [sflag:s23], $0x800  }
0x27b: {  	[sflag:s23] =	ssyncset.done $0x0  }
0x27c: {  	[sflag:s23] =	ssyncadd.s32 $0xFFFFF800  }
0x27d: {  	[tilespmem:s22], [sflag:$0x1] =	stream.indirect.gather [hbm4b:s4+s25], $0x80, s3, s25, $0xb8;
	[tilespmem:$0x1D000] =	vst v63  }
0x27e: {  	_ = 	snop  }
0x27f: {  	[tilespmem:s26], [sflag:$0x2] =	stream.indirect.gather [hbm4b:s4+s25], $0x80, s25, s25, $0xb8;
	[tilespmem:$0x1D000] =	vst v63  }
0x280: {  	_ =	swait.ge [sflag:s28], $0x4000  }
0x281: {  	[sflag:s28] =	ssyncset.done $0x0  }
0x282: {  	[sflag:s28] =	ssyncadd.s32 $0xFFFFC000  }
0x283: {  	[spmem:s1] =	stream.indirect.scatter.add.f32 [tilespmem:s22], [sflag:$0x3], $0x80, s2, s25, $0xb8;
	[tilespmem:$0x1D000] =	vst v63  }
0x284: {  	_ =	swait.ge [sflag:s23], $0x4000  }
0x285: {  	[sflag:s23] =	ssyncset.done $0x0  }
0x286: {  	s11 =	simm.s32 $0x100;
	[sflag:s23] =	ssyncadd.s32 $0xFFFFC000  }
0x287: {  	[tilespmem:s22], [sflag:$0x1] =	stream.indirect.gather [hbm4b:s4+s25], $0x80, s11, s25, $0xb8;
	[tilespmem:$0x1D000] =	vst v63  }
0x288: {  	_ =	swait.ge [sflag:s30], $0x4000  }
0x289: {  	[sflag:s30] =	ssyncset.done $0x0  }
0x28a: {  	s11 =	simm.s32 $0x880;
	[sflag:s30] =	ssyncadd.s32 $0xFFFFC000  }
0x28b: {  	[spmem:s1] =	stream.indirect.scatter.add.f32 [tilespmem:s26], [sflag:$0x3], $0x80, s11, s25, $0xb8;
	[tilespmem:$0x1D000] =	vst v63  }
0x28c: {  	_ =	swait.ge [sflag:s23], $0x4000  }
0x28d: {  	[sflag:s23] =	ssyncset.done $0x0  }
0x28e: {  	s11 =	simm.s32 $0x180;
	[sflag:s23] =	ssyncadd.s32 $0xFFFFC000  }
0x28f: {  	[tilespmem:s26], [sflag:$0x2] =	stream.indirect.gather [hbm4b:s4+s25], $0x80, s11, s25, $0xb8;
	[tilespmem:$0x1D000] =	vst v63  }
0x290: {  	_ =	swait.ge [sflag:s28], $0x4000  }
0x291: {  	[sflag:s28] =	ssyncset.done $0x0  }
0x292: {  	s11 =	simm.s32 $0x900;
	[sflag:s28] =	ssyncadd.s32 $0xFFFFC000  }
0x293: {  	[spmem:s1] =	stream.indirect.scatter.add.f32 [tilespmem:s22], [sflag:$0x3], $0x80, s11, s25, $0xb8;
	[tilespmem:$0x1D000] =	vst v63  }
0x294: {  	_ =	swait.ge [sflag:s23], $0x4000  }
0x295: {  	[sflag:s23] =	ssyncset.done $0x0  }
0x296: {  	s5 =	simm.s32 $0x200;
	[sflag:s23] =	ssyncadd.s32 $0xFFFFC000  }
0x297: {  	[tilespmem:s22], [sflag:$0x1] =	stream.indirect.gather [hbm4b:s4+s25], $0x80, s5, s25, $0xb8;
	[tilespmem:$0x1D000] =	vst v63  }
0x298: {  	_ =	swait.ge [sflag:s30], $0x4000  }
0x299: {  	[sflag:s30] =	ssyncset.done $0x0  }
0x29a: {  	s21 =	simm.s32 $0x980;
	[sflag:s30] =	ssyncadd.s32 $0xFFFFC000  }
0x29b: {  	[spmem:s1] =	stream.indirect.scatter.add.f32 [tilespmem:s26], [sflag:$0x3], $0x80, s21, s25, $0xb8;
	[tilespmem:$0x1D000] =	vst v63  }
0x29c: {  	_ =	swait.ge [sflag:s23], $0x4000  }
0x29d: {  	[sflag:s23] =	ssyncset.done $0x0  }
0x29e: {  	s29 =	simm.s32 $0x280;
	[sflag:s23] =	ssyncadd.s32 $0xFFFFC000  }
0x29f: {  	[tilespmem:s26], [sflag:$0x2] =	stream.indirect.gather [hbm4b:s4+s25], $0x80, s29, s25, $0xb8;
	[tilespmem:$0x1D000] =	vst v63  }
0x2a0: {  	_ =	swait.ge [sflag:s28], $0x4000  }
0x2a1: {  	[sflag:s28] =	ssyncset.done $0x0  }
0x2a2: {  	s31 =	simm.s32 $0xA00;
	[sflag:s28] =	ssyncadd.s32 $0xFFFFC000  }
0x2a3: {  	[spmem:s1] =	stream.indirect.scatter.add.f32 [tilespmem:s22], [sflag:$0x3], $0x80, s31, s25, $0xb8;
	[tilespmem:$0x1D000] =	vst v63  }
0x2a4: {  	_ =	swait.ge [sflag:s23], $0x4000  }
0x2a5: {  	[sflag:s23] =	ssyncset.done $0x0  }
0x2a6: {  	s6 =	simm.s32 $0x300;
	[sflag:s23] =	ssyncadd.s32 $0xFFFFC000  }
0x2a7: {  	[tilespmem:s22], [sflag:$0x1] =	stream.indirect.gather [hbm4b:s4+s25], $0x80, s6, s25, $0xb8;
	[tilespmem:$0x1D000] =	vst v63  }
0x2a8: {  	_ =	swait.ge [sflag:s30], $0x4000  }
0x2a9: {  	[sflag:s30] =	ssyncset.done $0x0  }
0x2aa: {  	s11 =	simm.s32 $0xA80;
	[sflag:s30] =	ssyncadd.s32 $0xFFFFC000  }
0x2ab: {  	[spmem:s1] =	stream.indirect.scatter.add.f32 [tilespmem:s26], [sflag:$0x3], $0x80, s11, s25, $0xb8;
	[tilespmem:$0x1D000] =	vst v63  }
0x2ac: {  	_ =	swait.ge [sflag:s23], $0x4000  }
0x2ad: {  	[sflag:s23] =	ssyncset.done $0x0  }
0x2ae: {  	s7 =	simm.s32 $0x380;
	[sflag:s23] =	ssyncadd.s32 $0xFFFFC000  }
0x2af: {  	[tilespmem:s26], [sflag:$0x2] =	stream.indirect.gather [hbm4b:s4+s25], $0x80, s7, s25, $0xb8;
	[tilespmem:$0x1D000] =	vst v63  }
0x2b0: {  	_ =	swait.ge [sflag:s28], $0x4000  }
0x2b1: {  	[sflag:s28] =	ssyncset.done $0x0  }
0x2b2: {  	s9 =	simm.s32 $0xB00;
	[sflag:s28] =	ssyncadd.s32 $0xFFFFC000  }
0x2b3: {  	[spmem:s1] =	stream.indirect.scatter.add.f32 [tilespmem:s22], [sflag:$0x3], $0x80, s9, s25, $0xb8;
	[tilespmem:$0x1D000] =	vst v63  }
0x2b4: {  	_ =	swait.ge [sflag:s23], $0x4000  }
0x2b5: {  	[sflag:s23] =	ssyncset.done $0x0  }
0x2b6: {  	s15 =	simm.s32 $0x400;
	[sflag:s23] =	ssyncadd.s32 $0xFFFFC000  }
0x2b7: {  	[tilespmem:s22], [sflag:$0x1] =	stream.indirect.gather [hbm4b:s4+s25], $0x80, s15, s25, $0xb8;
	[tilespmem:$0x1D000] =	vst v63  }
0x2b8: {  	_ =	swait.ge [sflag:s30], $0x4000  }
0x2b9: {  	[sflag:s30] =	ssyncset.done $0x0  }
0x2ba: {  	s13 =	simm.s32 $0xB80;
	[sflag:s30] =	ssyncadd.s32 $0xFFFFC000  }
0x2bb: {  	[spmem:s1] =	stream.indirect.scatter.add.f32 [tilespmem:s26], [sflag:$0x3], $0x80, s13, s25, $0xb8;
	[tilespmem:$0x1D000] =	vst v63  }
0x2bc: {  	_ =	swait.ge [sflag:s23], $0x4000  }
0x2bd: {  	[sflag:s23] =	ssyncset.done $0x0  }
0x2be: {  	s12 =	simm.s32 $0x480;
	[sflag:s23] =	ssyncadd.s32 $0xFFFFC000  }
0x2bf: {  	[tilespmem:s26], [sflag:$0x2] =	stream.indirect.gather [hbm4b:s4+s25], $0x80, s12, s25, $0xb8;
	[tilespmem:$0x1D000] =	vst v63  }
0x2c0: {  	_ =	swait.ge [sflag:s28], $0x4000  }
0x2c1: {  	[sflag:s28] =	ssyncset.done $0x0  }
0x2c2: {  	s17 =	simm.s32 $0xC00;
	[sflag:s28] =	ssyncadd.s32 $0xFFFFC000  }
0x2c3: {  	[spmem:s1] =	stream.indirect.scatter.add.f32 [tilespmem:s22], [sflag:$0x3], $0x80, s17, s25, $0xb8;
	[tilespmem:$0x1D000] =	vst v63  }
0x2c4: {  	_ =	swait.ge [sflag:s23], $0x4000  }
0x2c5: {  	[sflag:s23] =	ssyncset.done $0x0  }
0x2c6: {  	s18 =	simm.s32 $0x500;
	[sflag:s23] =	ssyncadd.s32 $0xFFFFC000  }
0x2c7: {  	[tilespmem:s22], [sflag:$0x1] =	stream.indirect.gather [hbm4b:s4+s25], $0x80, s18, s25, $0xb8;
	[tilespmem:$0x1D000] =	vst v63  }
0x2c8: {  	_ =	swait.ge [sflag:s30], $0x4000  }
0x2c9: {  	[sflag:s30] =	ssyncset.done $0x0  }
0x2ca: {  	s15 =	simm.s32 $0xC80;
	[sflag:s30] =	ssyncadd.s32 $0xFFFFC000  }
0x2cb: {  	[spmem:s1] =	stream.indirect.scatter.add.f32 [tilespmem:s26], [sflag:$0x3], $0x80, s15, s25, $0xb8;
	[tilespmem:$0x1D000] =	vst v63  }
0x2cc: {  	_ =	swait.ge [sflag:s23], $0x4000  }
0x2cd: {  	[sflag:s23] =	ssyncset.done $0x0  }
0x2ce: {  	s0 =	simm.s32 $0x580;
	[sflag:s23] =	ssyncadd.s32 $0xFFFFC000  }
0x2cf: {  	[tilespmem:s26], [sflag:$0x2] =	stream.indirect.gather [hbm4b:s4+s25], $0x80, s0, s25, $0xb8;
	[tilespmem:$0x1D000] =	vst v63  }
0x2d0: {  	_ =	swait.ge [sflag:s28], $0x4000  }
0x2d1: {  	[sflag:s28] =	ssyncset.done $0x0  }
0x2d2: {  	s16 =	simm.s32 $0xD00;
	[sflag:s28] =	ssyncadd.s32 $0xFFFFC000  }
0x2d3: {  	[spmem:s1] =	stream.indirect.scatter.add.f32 [tilespmem:s22], [sflag:$0x3], $0x80, s16, s25, $0xb8;
	[tilespmem:$0x1D000] =	vst v63  }
0x2d4: {  	_ =	swait.ge [sflag:s23], $0x4000  }
0x2d5: {  	[sflag:s23] =	ssyncset.done $0x0  }
0x2d6: {  	s19 =	simm.s32 $0x600;
	[sflag:s23] =	ssyncadd.s32 $0xFFFFC000  }
0x2d7: {  	[tilespmem:s22], [sflag:$0x1] =	stream.indirect.gather [hbm4b:s4+s25], $0x80, s19, s25, $0xb8;
	[tilespmem:$0x1D000] =	vst v63  }
0x2d8: {  	_ =	swait.ge [sflag:s30], $0x4000  }
0x2d9: {  	[sflag:s30] =	ssyncset.done $0x0  }
0x2da: {  	s20 =	simm.s32 $0xD80;
	[sflag:s30] =	ssyncadd.s32 $0xFFFFC000  }
0x2db: {  	[spmem:s1] =	stream.indirect.scatter.add.f32 [tilespmem:s26], [sflag:$0x3], $0x80, s20, s25, $0xb8;
	[tilespmem:$0x1D000] =	vst v63  }
0x2dc: {  	_ =	swait.ge [sflag:s23], $0x4000  }
0x2dd: {  	[sflag:s23] =	ssyncset.done $0x0  }
0x2de: {  	s24 =	simm.s32 $0x680;
	[sflag:s23] =	ssyncadd.s32 $0xFFFFC000  }
0x2df: {  	[tilespmem:s26], [sflag:$0x2] =	stream.indirect.gather [hbm4b:s4+s25], $0x80, s24, s25, $0xb8;
	[tilespmem:$0x1D000] =	vst v63  }
0x2e0: {  	_ =	swait.ge [sflag:s28], $0x4000  }
0x2e1: {  	[sflag:s28] =	ssyncset.done $0x0  }
0x2e2: {  	s14 =	simm.s32 $0xE00;
	[sflag:s28] =	ssyncadd.s32 $0xFFFFC000  }
0x2e3: {  	[spmem:s1] =	stream.indirect.scatter.add.f32 [tilespmem:s22], [sflag:$0x3], $0x80, s14, s25, $0xb8;
	[tilespmem:$0x1D000] =	vst v63  }
0x2e4: {  	_ =	swait.ge [sflag:s23], $0x4000  }
0x2e5: {  	[sflag:s23] =	ssyncset.done $0x0  }
0x2e6: {  	s16 =	simm.s32 $0x700;
	[sflag:s23] =	ssyncadd.s32 $0xFFFFC000  }
0x2e7: {  	[tilespmem:s22], [sflag:$0x1] =	stream.indirect.gather [hbm4b:s4+s25], $0x80, s16, s25, $0xb8;
	[tilespmem:$0x1D000] =	vst v63  }
0x2e8: {  	_ =	swait.ge [sflag:s30], $0x4000  }
0x2e9: {  	[sflag:s30] =	ssyncset.done $0x0  }
0x2ea: {  	s17 =	simm.s32 $0xE80;
	[sflag:s30] =	ssyncadd.s32 $0xFFFFC000  }
0x2eb: {  	[spmem:s1] =	stream.indirect.scatter.add.f32 [tilespmem:s26], [sflag:$0x3], $0x80, s17, s25, $0xb8;
	[tilespmem:$0x1D000] =	vst v63  }
0x2ec: {  	_ =	swait.ge [sflag:s23], $0x4000  }
0x2ed: {  	[sflag:s23] =	ssyncset.done $0x0  }
0x2ee: {  	[sflag:s23] =	ssyncadd.s32 $0xFFFFC000  }
0x2ef: {  	[tilespmem:s26], [sflag:$0x2] =	stream.indirect.gather [hbm4b:s4+s25], $0x80, s8, s25, $0xb8;
	[tilespmem:$0x1D000] =	vst v63  }
0x2f0: {  	_ =	swait.ge [sflag:s28], $0x4000  }
0x2f1: {  	[sflag:s28] =	ssyncset.done $0x0  }
0x2f2: {  	s18 =	simm.s32 $0xF00;
	[sflag:s28] =	ssyncadd.s32 $0xFFFFC000  }
0x2f3: {  	[spmem:s1] =	stream.indirect.scatter.add.f32 [tilespmem:s22], [sflag:$0x3], $0x80, s18, s25, $0xb8;
	[tilespmem:$0x1D000] =	vst v63  }
0x2f4: {  	_ =	swait.ge [sflag:s23], $0x4000  }
0x2f5: {  	[sflag:s23] =	ssyncset.done $0x0  }
0x2f6: {  	[sflag:s23] =	ssyncadd.s32 $0xFFFFC000  }
0x2f7: {  	[tilespmem:s22], [sflag:$0x1] =	stream.indirect.gather [hbm4b:s4+s25], $0x80, s8, s25, $0xb8;
	[tilespmem:$0x1D000] =	vst v63  }
0x2f8: {  	_ =	swait.ge [sflag:s30], $0x4000  }
0x2f9: {  	[sflag:s30] =	ssyncset.done $0x0  }
0x2fa: {  	s19 =	simm.s32 $0xF80;
	[sflag:s30] =	ssyncadd.s32 $0xFFFFC000  }
0x2fb: {  	[spmem:s1] =	stream.indirect.scatter.add.f32 [tilespmem:s26], [sflag:$0x3], $0x80, s19, s25, $0xb8;
	[tilespmem:$0x1D000] =	vst v63  }
0x2fc: {  	_ =	swait.ge [sflag:s23], $0x4000  }
0x2fd: {  	[sflag:s23] =	ssyncset.done $0x0  }
0x2fe: {  	[sflag:s23] =	ssyncadd.s32 $0xFFFFC000  }
0x2ff: {  	_ =	swait.ge [sflag:s28], $0x4000  }
0x300: {  	[sflag:s28] =	ssyncset.done $0x0  }
0x301: {  	[sflag:s28] =	ssyncadd.s32 $0xFFFFC000  }
0x302: {  	s20 =	stileid.u32;
	[bflag:$0x0] =	sbarrier.arrive $0xFFFF  }
0x303: {  	s11 =	sshll.u32 s20, $0x6;
	s21 =	rddreg [dreg:$0x3]  }
0x304: {  	s11 =	sor.u32 $0x1C03, s11;
	s29 =	rddreg [dreg:$0x12];
	s24 =	sshrl.u32 s21, $0x3  }
0x305: {  	[hbm:s29], [sflag:s11] =	dma.local [spmem:s24], $0x2800  }
0x306: {  	_ =	swait.ge [sflag:s23], $0x2800  }
0x307: {  	s10 =	sadd.s32 $0x1, s10;
	s31 =	rddreg [dreg:$0x13]  }
0x308: {  	p0 =	sne.s32 s10, s31  }
.Ltmp1:
0x309: {  	_ = 	snop;
	(pc) =	sbr.rel @p0 .LBB2_1-.Ltmp1, $3  }
0x30a: {  	_ =	sdelay $0x1  }
0x30b: {  	[sflag:s23] =	ssyncset.done $0x0  }
0x30c: {  	[sflag:s23] =	ssyncadd.s32 $0xFFFFD800  }
0x30d: {  	_ =	sfence.sel $0x180000  }
0x30e: {  	[bflag:$0x0] =	sbarrier.arrive $0xFFFF  }
0x30f: {  	_ =	strace $0x9000004D  }
0x310: {  	s0 =	stileid.u32;
	[bflag:$0x2] =	sbarrier.arrive $0xFFFF  }
0x311: {  	p0 =	sne.s32 s0, $0x0;
	s0 =	rddreg [dreg:$0x2]  }
0x312: {  	s0 =	sadd.s32 @!p0 $0x100000, s0  }
0x313: {  	[sflag:s0] =	ssyncadd.tile.s32 @!p0 $0x1;
	_ =	shalt  }
.Lfunc_end2:
_tile_overlayer_lowered:
.L_overlay_start_2:
0x314: {  	(tag) =	ssettag $0x2  }
0x315: {  	s0 =	rddreg [dreg:$0x0];
	s2 =	stileid.u32  }
0x316: {  	s1 =	rddreg [dreg:$0x1];
	p0 =	sne.s32 s2, $0x0  }
0x317: {  	s3 =	rddreg [dreg:$0x2];
	[bflag:$0x3] =	sbarrier.arrive $0xFFFF;
	s2 =	simm.s32 @!p0 $0x1C03  }
0x318: {  	[timem:s3], [sflag:s2] =	dma.local @!p0 [hbm:s0], s1  }
0x319: {  	s0 =	simm.s32 @!p0 $0x3  }
0x31a: {  	_ =	swait.ge @!p0 [sflag:s0], s1  }
0x31b: {  	s1 =	ssub.s32 @!p0 $0x0, s1;
	[sflag:s0] =	ssyncset.done @!p0 $0x0  }
0x31c: {  	[sflag:s0] =	ssyncadd.s32 @!p0 s1  }
0x31d: {  	[bflag:$0x3] =	sbarrier.arrive $0xFFFF  }
0x31e: {  	_ =	shalt  }

// kernel: kernel.8.cloned.1.call-start
scs
__scs_entry_jumppad:
0x0: {  	(pc) =	sbr.rel $0x88, $3  }
0x1: {  	(tag) =	ssettag $0x0;
	lr =	simm.s32 $0x1  }
0x2: {  	[smem:$0x3F98] =	sst lr;
	_ =	strace $0xD0000000  }
0x3: {  	_ = 	snop  }
0x4: {  	_ = 	snop  }
0x5: {  	_ = 	snop  }
0x6: {  	_ = 	snop  }
0x7: {  	_ = 	snop  }
__scs_overlays_trampoline_lowered:
0x8: {  	[smem:$0x3FA7] =	sst s0  }
0x9: {  	[smem:$0x3FA8] =	sst s1  }
0xa: {  	[smem:$0x3FA9] =	sst s2  }
0xb: {  	[smem:$0x3FAA] =	sst s3  }
0xc: {  	[smem:$0x3FAB] =	sst s4  }
0xd: {  	[smem:$0x3FAC] =	sst s5  }
0xe: {  	[smem:$0x3FAD] =	sst s6  }
0xf: {  	[smem:$0x3FAE] =	sst s7  }
0x10: {  	[smem:$0x3FAF] =	sst s8  }
0x11: {  	[smem:$0x3FB0] =	sst s9;
	s0 =	simm.s32 @!p0 $0x0  }
0x12: {  	s1 =	sld [smem:$0x3F96];
	s0 =	simm.s32 @p0 $0x1  }
0x13: {  	[smem:$0x3FB1] =	sst s0;
	s0 =	simm.s32 @!p1 $0x0  }
0x14: {  	s2 =	sld [smem:$0x3F95];
	s0 =	simm.s32 @p1 $0x1  }
0x15: {  	[smem:$0x3FB2] =	sst s0;
	s0 =	simm.s32 @!p2 $0x0  }
0x16: {  	s3 =	sld [smem:$0x3FDB];
	s0 =	simm.s32 @p2 $0x1  }
0x17: {  	s4 =	simm.s32 $0x1BF5;
	[smem:$0x3FB4] =	sst s0  }
0x18: {  	s0 =	sld [smem:$0x3F97];
	_ =	swait.ge [sflag:s4], $0x0  }
0x19: {  	s7 =	sld [smem:$0x3F98]  }
0x1a: {  	s8 =	sadd.s32 $0xFFFFE003, lr  }
0x1b: {  	s9 =	sadd.s32 $0xFFFFFEF7, lr;
	s5 =	simm.s32 $0xFFFFFFFF;
	p2 =	slt.u32 s8, $0xFFFFF086  }
0x1c: {  	p1 =	slt.u32 s9, $0xF7A;
	s5 =	simm.s32 @!p2 $0x0  }
0x1d: {  	s5 =	simm.s32 @p1 $0x1;
	p0 =	seq.s32 s7, s2  }
0x1e: {  	s7 =	smul.u32 @!p0 $0xF7A, s2;
	p2 =	seq.s32 @!p0 s5, $0x0  }
0x1f: {  	s9 =	smul.u32 $0xF7A, s1;
	s8 =	simm.s32 @!p0 $0x1BF5;
	p2 =	por !p2, p0  }
0x20: {  	[sflag:s8] =	ssyncset.s32 @!p0 $0xFFFFF086;
	s6 =	sadd.s32 @!p0 s3, s7;
	s7 =	simm.s32 @!p0 $0x108  }
0x21: {  	s3 =	sadd.s32 s3, s9;
	s6 =	sadd.s32 @!p0 $0x88, s6;
	s7 =	simm.s32 @p2 $0x1082  }
0x22: {  	[simem:s7], [sflag:s8] =	dma.local @!p0 [hbm:s6], $0xF7A  }
0x23: {  	s9 =	sor.u32 $0xD0000000, s2;
	s6 =	simm.s32 $0x108;
	_ =	swait.ge @!p0 [sflag:s8], $0x0  }
0x24: {  	s3 =	sadd.s32 $0x88, s3;
	s6 =	simm.s32 @!p1 $0x1082;
	[sflag:s4] =	ssyncset.s32 $0xFFFFF086  }
0x25: {  	[simem:s6], [sflag:s4] =	dma.local [hbm:s3], $0xF7A  }
0x26: {  	[smem:$0x3F98] =	sst s1;
	(tag) =	ssettag s2;
	_ =	strace s9  }
0x27: {  	s1 =	sld [smem:$0x3FA8]  }
0x28: {  	s2 =	sld [smem:$0x3FA9]  }
0x29: {  	s4 =	sld [smem:$0x3FAB]  }
0x2a: {  	p0 =	seq.s32 s5, $0x0;
	s5 =	sld [smem:$0x3FAC]  }
0x2b: {  	s6 =	sld [smem:$0x3FAD]  }
0x2c: {  	s7 =	sld [smem:$0x3FAE]  }
0x2d: {  	s3 =	simm.s32 $0x108;
	s8 =	sld [smem:$0x3FAF]  }
0x2e: {  	s3 =	simm.s32 @!p0 $0x1082;
	s9 =	sld [smem:$0x3FB0]  }
0x2f: {  	lr =	sadd.s32 s0, s3;
	s0 =	sld [smem:$0x3FA7]  }
0x30: {  	s3 =	sld [smem:$0x3FAA]  }
0x31: {  	[smem:$0x3FB3] =	sst s10  }
0x32: {  	s10 =	sld [smem:$0x3FB1];
	_ =	sdelay $0x3  }
0x33: {  	p0 =	seq.s32 s10, $0x1;
	s10 =	sld [smem:$0x3FB3];
	_ =	sdelay $0x3  }
0x34: {  	[smem:$0x3FB3] =	sst s10  }
0x35: {  	s10 =	sld [smem:$0x3FB2];
	_ =	sdelay $0x3  }
0x36: {  	p1 =	seq.s32 s10, $0x1;
	s10 =	sld [smem:$0x3FB3];
	_ =	sdelay $0x3  }
0x37: {  	[smem:$0x3FB3] =	sst s10  }
0x38: {  	s10 =	sld [smem:$0x3FB4]  }
0x39: {  	_ = 	snop;
	(pc) =	sbr.ind lr, $3  }
0x3a: {  	_ = 	snop  }
0x3b: {  	_ = 	snop  }
0x3c: {  	p2 =	seq.s32 s10, $0x1;
	s10 =	sld [smem:$0x3FB3]  }
0x3d: {  	_ =	shalt  }
0x3e: {  	_ =	shalt  }
0x3f: {  	_ =	shalt  }
0x40: {  	_ =	shalt  }
0x41: {  	_ =	shalt  }
0x42: {  	_ =	shalt  }
0x43: {  	_ =	shalt  }
0x44: {  	_ =	shalt  }
0x45: {  	_ =	shalt  }
0x46: {  	_ =	shalt  }
0x47: {  	_ =	shalt  }
0x48: {  	_ =	shalt  }
0x49: {  	_ =	shalt  }
0x4a: {  	_ =	shalt  }
0x4b: {  	_ =	shalt  }
0x4c: {  	_ =	shalt  }
0x4d: {  	_ =	shalt  }
0x4e: {  	_ =	shalt  }
0x4f: {  	_ =	shalt  }
0x50: {  	_ =	shalt  }
0x51: {  	_ =	shalt  }
0x52: {  	_ =	shalt  }
0x53: {  	_ =	shalt  }
0x54: {  	_ =	shalt  }
0x55: {  	_ =	shalt  }
0x56: {  	_ =	shalt  }
0x57: {  	_ =	shalt  }
0x58: {  	_ =	shalt  }
0x59: {  	_ =	shalt  }
0x5a: {  	_ =	shalt  }
0x5b: {  	_ =	shalt  }
0x5c: {  	_ =	shalt  }
0x5d: {  	_ =	shalt  }
0x5e: {  	_ =	shalt  }
0x5f: {  	_ =	shalt  }
0x60: {  	_ =	shalt  }
0x61: {  	_ =	shalt  }
0x62: {  	_ =	shalt  }
0x63: {  	_ =	shalt  }
0x64: {  	_ =	shalt  }
0x65: {  	_ =	shalt  }
0x66: {  	_ =	shalt  }
0x67: {  	_ =	shalt  }
0x68: {  	_ =	shalt  }
0x69: {  	_ =	shalt  }
0x6a: {  	_ =	shalt  }
0x6b: {  	_ =	shalt  }
0x6c: {  	_ =	shalt  }
0x6d: {  	_ =	shalt  }
0x6e: {  	_ =	shalt  }
0x6f: {  	_ =	shalt  }
0x70: {  	_ =	shalt  }
0x71: {  	_ =	shalt  }
0x72: {  	_ =	shalt  }
0x73: {  	_ =	shalt  }
0x74: {  	_ =	shalt  }
0x75: {  	_ =	shalt  }
0x76: {  	_ =	shalt  }
0x77: {  	_ =	shalt  }
0x78: {  	_ =	shalt  }
0x79: {  	_ =	shalt  }
0x7a: {  	_ =	shalt  }
0x7b: {  	_ =	shalt  }
0x7c: {  	_ =	shalt  }
0x7d: {  	_ =	shalt  }
0x7e: {  	_ =	shalt  }
0x7f: {  	_ =	shalt  }
0x80: {  	_ =	shalt  }
0x81: {  	_ =	shalt  }
0x82: {  	_ =	shalt  }
0x83: {  	_ =	shalt  }
0x84: {  	_ =	shalt  }
0x85: {  	_ =	shalt  }
0x86: {  	_ =	shalt  }
0x87: {  	_ =	shalt  }
.Lfunc_end0:
.L_simem_size_0:
called_computation_lowered:
.L_overlay_start_0:
0x88: {  	s2 =	sld [smem:$0x3FD9]  }
0x89: {  	s3 =	sld [smem:$0x3FFE];
	_ =	sdelay $0x1  }
0x8a: {  	s1 =	srdreg.scid  }
0x8b: {  	s0 =	sand.u32 $0x1, s1  }
0x8c: {  	s16 =	sshll.u32 s0, $0xA;
	s2 =	sadd.s32 s3, s2  }
0x8d: {  	s2 =	sadd.s32 s2, s16  }
0x8e: {  	[smem:$0x3FBF] =	sst s2  }
0x8f: {  	_ = 	snop  }
0x90: {  	(tm) =	ssettm $0x1  }
0x91: {  	s17 =	sld [smem:$0x3FFB];
	_ =	sdelay $0x3  }
0x92: {  	_ =	strace s17  }
0x93: {  	s2 =	sld [smem:$0x3FFC];
	_ =	sdelay $0x3  }
0x94: {  	_ =	strace s2  }
0x95: {  	s2 =	sld [smem:$0x3FFD];
	_ =	sdelay $0x3  }
0x96: {  	_ =	strace s2  }
0x97: {  	_ =	strace $0x8FFFFFFF  }
0x98: {  	s18 =	sld [smem:$0x3FDB];
	_ =	sdelay $0x1  }
0x99: {  	s19 =	simm.s32 $_scs_section_size  }
0x9a: {  	s4 =	simm.s32 $_size__tile_overlayer_lowered;
	s5 =	simm.s32 $_tile_overlayer_lowered  }
0x9b: {  	s22 =	simm.s32 $0x1BFF;
	s21 =	sshll.u32 s5, $0x1;
	s2 =	sadd.s32 s19, s18  }
0x9c: {  	s6 =	simm.s32 $0x0;
	s20 =	sshll.u32 s4, $0x1;
	s4 =	sadd.s32 s21, s2  }
0x9d: {  	[timem:s6], [sflag:s22] =	dma.local [hbm:s4], s20  }
0x9e: {  	_ =	swait.ge [sflag:s22], s20  }
0x9f: {  	s3 =	ssub.s32 $0x0, s20;
	[sflag:s22] =	ssyncset.done $0x0  }
0xa0: {  	[sflag:s22] =	ssyncadd.s32 s3;
	_ =	sdelay $0x1  }
0xa1: {  	s23 =	simm.s32 $0x1B8B  }
0xa2: {  	_ =	swait.ge [sflag:s23], $0x1  }
0xa3: {  	[sflag:s23] =	ssyncset.done $0x0  }
0xa4: {  	s25 =	simm.s32 $0x1B8E;
	s24 =	sld [smem:$0x3FFE];
	[sflag:s23] =	ssyncadd.s32 $0xFFFFFFFF  }
0xa5: {  	s26 =	simm.s32 $execute0_lowered;
	[smem:$0x3FD2] =	sst s25  }
0xa6: {  	s4 =	sshll.u32 s26, $0x1;
	_ =	strace $0x80000046;
	[dreg:$0x1] =	wrdreg $0xFFFFFFFF  }
0xa7: {  	s28 =	simm.s32 $_size_execute0_lowered;
	s2 =	sadd.s32 s2, s4;
	[dreg:$0x0] =	wrdreg $0x0  }
0xa8: {  	s4 =	sshll.u32 s28, $0x1;
	[dreg:$0x2] =	wrdreg s2  }
0xa9: {  	[dreg:$0x3] =	wrdreg s4  }
0xaa: {  	[dreg:$0x4] =	wrdreg $0xC0  }
0xab: {  	_ =	task [dreg:s6], $0x5FFFF  }
0xac: {  	[dreg:$0x1] =	wrdreg $0xFFFFFFFF  }
0xad: {  	[dreg:$0x0] =	wrdreg $0x60  }
0xae: {  	[dreg:$0x2] =	wrdreg s24  }
0xaf: {  	[dreg:$0x3] =	wrdreg $0x2B000  }
0xb0: {  	[dreg:$0x4] =	wrdreg $0x9  }
0xb1: {  	_ =	task.clear_ibuf [dreg:s6], $0x5FFFF;
	_ =	strace $0x90000046  }
0xb2: {  	s29 =	simm.s32 $0x9;
	_ =	strace $0x80000048  }
0xb3: {  	_ =	swait.ge [sflag:s29], $0x1  }
0xb4: {  	[sflag:s29] =	ssyncadd.s32 $0xFFFFFFFF  }
0xb5: {  	_ =	strace $0x90000048  }
0xb6: {  	_ =	sfence  }
0xb7: {  	s30 =	sld [smem:$0x0];
	_ =	sdelay $0x2  }
0xb8: {  	s31 =	sshll.u32 s1, $0xD;
	s1 =	sshrl.u32 s1, $0x2  }
0xb9: {  	s3 =	sand.u32 $0x4000, s31;
	s1 =	sadd.s32 s1, s30  }
0xba: {  	s0 =	sor.u32 s3, s0;
	s1 =	sshll.u32 s1, $0x11  }
0xbb: {  	s0 =	sor.u32 s1, s0  }
0xbc: {  	s0 =	sadd.s32 $0x8F2B, s0  }
0xbd: {  	[sflag:s0] =	ssyncadd.remote.s32 $0x1  }
0xbe: {  	_ =	sfence.sel $0xFFFF  }
0xbf: {  	[dreg:$0x0] =	wrdreg $0xFFFFFFFF;
	(pc) =	sbr.abs _section_cstart, $3  }
0xc0: {  	[dreg:$0x1] =	wrdreg $0xFFFFFFFF  }
0xc1: {  	_ =	task.clear_ibuf [dreg:s6], $0x2FFFF;
	_ =	strace $0x9FFFFFFF  }
0xc2: {  	(tm) =	ssettm $0x7FFFFFFF  }
0xc3: {  	_ =	shalt  }
tec
execute0_lowered:
.L_overlay_start_1:
0x0: {  	(tag) =	ssettag $0x1  }
0x1: {  	s4 =	rddreg [dreg:$0x0];
	s0 =	srdreg.scid  }
0x2: {  	s2 =	rddreg [dreg:$0x1];
	s1 =	stileid.u32  }
0x3: {  	s3 =	simm.s32 $0x0;
	s10 =	simm.s32 $0x80;
	s11 =	simm.s32 $0x2800  }
0x4: {  	s14 =	simm.s32 $0x20;
	s15 =	simm.s32 $0x10;
	s16 =	simm.s32 $0x0  }
0x5: {  	s5 =	sand.u32 $0x1, s0;
	s0 =	rddreg [dreg:$0x2];
	s7 =	smul.u32 $0x500, s1  }
0x6: {  	[smem:$0x7FF] =	sst s3;
	s30 =	smul.u32 $0xA00, s1;
	s12 =	sshll.u32 s1, $0x6  }
0x7: {  	s6 =	sshll.u32 s5, $0x4;
	s8 =	sshll.u32 s5, $0x7;
	_ =	strace $0x80000047  }
0x8: {  	s5 =	ssub.s32 $0x2, s5;
	s12 =	sor.u32 $0x1C01, s12;
	s6 =	sor.u32 s1, s6  }
0x9: {  	s7 =	sor.u32 s8, s7;
	s31 =	sshrl.u32 s5, $0x1;
	s6 =	smul.u32 $0x500, s6  }
0xa: {  	s8 =	sshrl.u32 s30, $0x2;
	s7 =	sshrl.u32 s7, $0x3;
	s9 =	ssub.s32 s5, s31  }
0xb: {  	s7 =	sadd.s32 s7, s4;
	s6 =	sadd.s32 s6, s4;
	s4 =	sadd.s32 s8, s2  }
0xc: {  	s8 =	simm.s32 $0x2880;
	s5 =	sadd.s32 $0xCA00, s6;
	s6 =	sadd.s32 $0x16A00, s7  }
0xd: {  	v0 =	vimm.f32 $1.000000000e+00;
	v1 =	vimm.f32 $0.0e+00;
	s7 =	smax.u32 s9, $0x1;
	s9 =	simm.s32 $0x1;
	s13 =	sshrl.u32 s4, $0x3  }
.LBB2_1:
0xe: {  	[tilespmem:$0x2800] =	vst v0  }
0xf: {  	[tilespmem:$0x2880] =	vst v1  }
0x10: {  	[tilespmem:$0x2900] =	vst v1  }
0x11: {  	[tilespmem:$0x2980] =	vst v1  }
0x12: {  	[tilespmem:$0x2A00] =	vst v1  }
0x13: {  	[tilespmem:$0x2A80] =	vst v1  }
0x14: {  	[tilespmem:$0x2810] =	vst v0  }
0x15: {  	[tilespmem:$0x2890] =	vst v1  }
0x16: {  	[tilespmem:$0x2910] =	vst v1  }
0x17: {  	[tilespmem:$0x2990] =	vst v1  }
0x18: {  	[tilespmem:$0x2A10] =	vst v1  }
0x19: {  	[tilespmem:$0x2A90] =	vst v1  }
0x1a: {  	[tilespmem:$0x2820] =	vst v0  }
0x1b: {  	[tilespmem:$0x28A0] =	vst v1  }
0x1c: {  	[tilespmem:$0x2920] =	vst v1  }
0x1d: {  	[tilespmem:$0x29A0] =	vst v1  }
0x1e: {  	[tilespmem:$0x2A20] =	vst v1  }
0x1f: {  	[tilespmem:$0x2AA0] =	vst v1  }
0x20: {  	[tilespmem:$0x2830] =	vst v0  }
0x21: {  	[tilespmem:$0x28B0] =	vst v1  }
0x22: {  	[tilespmem:$0x2930] =	vst v1  }
0x23: {  	[tilespmem:$0x29B0] =	vst v1  }
0x24: {  	[tilespmem:$0x2A30] =	vst v1  }
0x25: {  	[tilespmem:$0x2AB0] =	vst v1  }
0x26: {  	[tilespmem:$0x2840] =	vst v0  }
0x27: {  	[tilespmem:$0x28C0] =	vst v1  }
0x28: {  	[tilespmem:$0x2940] =	vst v1  }
0x29: {  	[tilespmem:$0x29C0] =	vst v1  }
0x2a: {  	[tilespmem:$0x2A40] =	vst v1  }
0x2b: {  	[tilespmem:$0x2AC0] =	vst v1  }
0x2c: {  	[tilespmem:$0x2850] =	vst v0  }
0x2d: {  	[tilespmem:$0x28D0] =	vst v1  }
0x2e: {  	[tilespmem:$0x2950] =	vst v1  }
0x2f: {  	[tilespmem:$0x29D0] =	vst v1  }
0x30: {  	[tilespmem:$0x2A50] =	vst v1  }
0x31: {  	[tilespmem:$0x2AD0] =	vst v1  }
0x32: {  	[tilespmem:$0x2860] =	vst v0  }
0x33: {  	[tilespmem:$0x28E0] =	vst v1  }
0x34: {  	[tilespmem:$0x2960] =	vst v1  }
0x35: {  	[tilespmem:$0x29E0] =	vst v1  }
0x36: {  	[tilespmem:$0x2A60] =	vst v1  }
0x37: {  	[tilespmem:$0x2AE0] =	vst v1  }
0x38: {  	[tilespmem:$0x2870] =	vst v0  }
0x39: {  	[tilespmem:$0x28F0] =	vst v1  }
0x3a: {  	[tilespmem:$0x2970] =	vst v1  }
0x3b: {  	[tilespmem:$0x29F0] =	vst v1  }
0x3c: {  	[tilespmem:$0x2A70] =	vst v1  }
0x3d: {  	[tilespmem:$0x2AF0] =	vst v1  }
0x3e: {  	[spmem:s4] =	stream.linear.scatter [tilespmem:s8], [sflag:$0x1], $0x280, $0x38;
	[tilespmem:$0x2D80] =	vst v63  }
0x3f: {  	_ =	swait.ge [sflag:s9], $0x280  }
0x40: {  	[sflag:s9] =	ssyncset.done $0x0  }
0x41: {  	[sflag:s9] =	ssyncadd.s32 $0xFFFFFD80  }
0x42: {  	[bflag:$0x0] =	sbarrier.arrive $0xFFFF  }
0x43: {  	[tilespmem:s3], [sflag:$0x1] =	stream.linear.gather [hbm4b:s5+s3], $0x2800, $0x38;
	[tilespmem:$0x2D80] =	vst v63  }
0x44: {  	_ =	swait.ge [sflag:s9], $0x2800  }
0x45: {  	[sflag:s9] =	ssyncset.done $0x0  }
0x46: {  	s17 =	simm.s32 $0x0;
	[sflag:s9] =	ssyncadd.s32 $0xFFFFD800  }
0x47: {  	[spmem:s2] =	stream.indirect.scatter.add.f32 [tilespmem:s11], [sflag:$0x1], $0x1, s17, s10, $0xb8;
	[tilespmem:$0x2D80] =	vst v63  }
0x48: {  	_ =	swait.ge [sflag:s9], $0x80  }
0x49: {  	s17 =	simm.s32 $0x200;
	[sflag:s9] =	ssyncset.done $0x0  }
.LBB2_2:
0x4a: {  	s18 =	sshra.s32 s17, $0x2;
	[sflag:s9] =	ssyncadd.s32 $0xFFFFFF80;
	p0 =	sne.s32 s17, $0x9E00  }
0x4b: {  	[spmem:s2] =	stream.indirect.scatter.add.f32 [tilespmem:s11], [sflag:$0x1], $0x1, s18, s10, $0xb8;
	[tilespmem:$0x2D80] =	vst v63  }
.Ltmp0:
0x4c: {  	_ = 	snop;
	(pc) =	sbr.rel @p0 .LBB2_2-.Ltmp0, $4  }
0x4d: {  	_ = 	snop  }
0x4e: {  	s17 =	sadd.s32 $0x200, s17  }
0x4f: {  	_ =	swait.ge [sflag:s9], $0x80  }
0x50: {  	[sflag:s9] =	ssyncset.done $0x0  }
0x51: {  	s16 =	sadd.s32 $0x1, s16  }
0x52: {  	[sflag:s9] =	ssyncadd.s32 $0xFFFFFF80;
	p0 =	sne.s32 s16, s7  }
.Ltmp1:
0x53: {  	[bflag:$0x0] =	sbarrier.arrive $0xFFFF;
	(pc) =	sbr.rel @p0 .LBB2_1-.Ltmp1, $4  }
0x54: {  	[hbm:s6@s14], [sflag:s12] =	dma.strided [spmem:s13@s15], $0x50, s9, $0x10   }
0x55: {  	_ =	swait.ge [sflag:s9], $0x50  }
0x56: {  	[sflag:s9] =	ssyncset.done $0x0  }
0x57: {  	[sflag:s9] =	ssyncadd.s32 $0xFFFFFFB0  }
0x58: {  	_ =	sfence.sel $0x180000  }
0x59: {  	[bflag:$0x0] =	sbarrier.arrive $0xFFFF  }
0x5a: {  	p0 =	sne.s32 s1, $0x0;
	_ =	strace $0x90000047  }
0x5b: {  	s0 =	sadd.s32 @!p0 $0x100000, s0;
	[bflag:$0x2] =	sbarrier.arrive $0xFFFF  }
0x5c: {  	[sflag:s0] =	ssyncadd.tile.s32 @!p0 $0x1;
	_ =	shalt  }
.Lfunc_end2:
_tile_overlayer_lowered:
.L_overlay_start_2:
0x5d: {  	(tag) =	ssettag $0x2  }
0x5e: {  	s0 =	rddreg [dreg:$0x0];
	s2 =	stileid.u32  }
0x5f: {  	s1 =	rddreg [dreg:$0x1];
	p0 =	sne.s32 s2, $0x0  }
0x60: {  	s3 =	rddreg [dreg:$0x2];
	[bflag:$0x3] =	sbarrier.arrive $0xFFFF;
	s2 =	simm.s32 @!p0 $0x1C01  }
0x61: {  	[timem:s3], [sflag:s2] =	dma.local @!p0 [hbm:s0], s1  }
0x62: {  	s0 =	simm.s32 @!p0 $0x1  }
0x63: {  	_ =	swait.ge @!p0 [sflag:s0], s1  }
0x64: {  	s1 =	ssub.s32 @!p0 $0x0, s1;
	[sflag:s0] =	ssyncset.done @!p0 $0x0  }
0x65: {  	[sflag:s0] =	ssyncadd.s32 @!p0 s1  }
0x66: {  	[bflag:$0x3] =	sbarrier.arrive $0xFFFF  }
0x67: {  	_ =	shalt  }

</sc_bundles>
